<compile_context>
chip_gen: v7x
topology: tpu7x:2x2x1
jax: 0.10.2.dev20260603
libtpu: 0.0.44.dev20260713+nightly
codegen_flags: <defaults>
</compile_context>

<pallas_src>
import functools

import jax
import jax.numpy as jnp
from jax import lax
from jax.experimental import pallas as pl
from jax.experimental.pallas import tpu as pltpu
from jax.experimental.pallas import tpu_sc as plsc

N = 10000
E = 320000
D = 128
G = 64
NCLS = 10

N_PAD = 10240
TRASH = N
NC, NS, L = 2, 16, 16
NW = NC * NS
N_ACC = 10112
RPA = N_ACC // NS
NBUF = 2

CH = 128
NCH = 80
SBC = 8
NSB = NCH // SBC
EPW = CH * NCH
E_PAD = EPW * NW

BN = 1024
GRID = N_PAD // BN

_mesh = plsc.VectorSubcoreMesh(
    core_axis_name="c", subcore_axis_name="s", num_cores=NC, num_subcores=NS)



def _fill_rows(buf, nrows, val):
    def body(i, _):
        for j in range(D // L):
            buf[i, pl.ds(j * L, L)] = jnp.full((L,), val, jnp.float32)
        return _
    lax.fori_loop(0, nrows, body, 0)


def _zero_stripe(acc_sh, zbuf, zrows, sid):
    full, rem = RPA // zrows, RPA % zrows
    for k in range(full):
        pltpu.sync_copy(zbuf, acc_sh.at[pl.ds(sid * RPA + k * zrows, zrows)])
    if rem:
        pltpu.sync_copy(zbuf.at[pl.ds(0, rem)],
                        acc_sh.at[pl.ds(sid * RPA + full * zrows, rem)])


def _writeback(acc_sh, out_hbm, cid, sid):
    pltpu.sync_copy(acc_sh.at[pl.ds(sid * RPA, RPA)],
                    out_hbm.at[pl.ds(cid * N_PAD + sid * RPA, RPA)])


@functools.partial(
    pl.kernel,
    out_type=jax.ShapeDtypeStruct((NC * N_PAD, D), jnp.float32),
    mesh=_mesh,
    scratch_types=[
        pltpu.VMEM((NCH, CH), jnp.int32),
        pltpu.VMEM((CH, D), jnp.float32),
        pltpu.VMEM_SHARED((N_ACC, D), jnp.float32),
    ] + [pltpu.SemaphoreType.DMA] * NBUF,
)
def _sc_degree(dst_hbm, out_hbm, dst_v, buf_v, acc_sh, *ss):
    cid = lax.axis_index("c")
    sid = lax.axis_index("s")
    wid = sid * NC + cid

    pltpu.sync_copy(dst_hbm.at[wid], dst_v)
    _fill_rows(buf_v, CH, 0.0)
    _zero_stripe(acc_sh, buf_v, CH, sid)
    plsc.subcore_barrier()
    _fill_rows(buf_v, CH, 1.0)

    for b in range(NBUF):
        pltpu.async_copy(buf_v, acc_sh.at[dst_v.at[b]], ss[b], add=True)

    @pl.loop(NBUF, NCH, step=NBUF)
    def _(j0):
        for b in range(NBUF):
            j = j0 + b
            pltpu.make_async_copy(buf_v, acc_sh.at[dst_v.at[j - NBUF]],
                                  ss[b]).wait()
            pltpu.async_copy(buf_v, acc_sh.at[dst_v.at[j]], ss[b], add=True)

    for b in range(NBUF):
        pltpu.make_async_copy(buf_v, acc_sh.at[dst_v.at[NCH - NBUF + b]],
                              ss[b]).wait()
    plsc.subcore_barrier()
    _writeback(acc_sh, out_hbm, cid, sid)


@functools.partial(
    pl.kernel,
    out_type=jax.ShapeDtypeStruct((NC * N_PAD, D), jnp.float32),
    mesh=_mesh,
    scratch_types=[
        pltpu.VMEM((2, SBC, CH), jnp.int32),
        pltpu.VMEM((2, SBC, CH), jnp.int32),
        pltpu.VMEM((CH, D), jnp.float32),
        pltpu.VMEM((CH, D), jnp.float32),
        pltpu.VMEM_SHARED((N_ACC, D), jnp.float32),
    ] + [pltpu.SemaphoreType.DMA] * 5,
)
def _sc_segsum(g_hbm, src_hbm, dst_hbm, out_hbm, src_v, dst_v,
               buf0, buf1, acc_sh, sg0, sg1, ss0, ss1, si):
    cid = lax.axis_index("c")
    sid = lax.axis_index("s")
    wid = sid * NC + cid
    bufs = (buf0, buf1)
    sg = (sg0, sg1)
    ss = (ss0, ss1)

    pltpu.sync_copy(src_hbm.at[wid, 0], src_v.at[0])
    pltpu.sync_copy(dst_hbm.at[wid, 0], dst_v.at[0])
    pltpu.async_copy(src_hbm.at[wid, 1], src_v.at[1], si)
    pltpu.async_copy(dst_hbm.at[wid, 1], dst_v.at[1], si)
    pltpu.async_copy(g_hbm.at[src_v.at[0, 0]], buf0, sg0)
    _fill_rows(buf1, CH, 0.0)
    _zero_stripe(acc_sh, buf1, CH, sid)
    plsc.subcore_barrier()
    pltpu.async_copy(g_hbm.at[src_v.at[0, 1]], buf1, sg1)
    for b in range(NBUF):
        pltpu.make_async_copy(g_hbm.at[src_v.at[0, b]], bufs[b], sg[b]).wait()
        pltpu.async_copy(bufs[b], acc_sh.at[dst_v.at[0, b]], ss[b], add=True)

    @pl.loop(NBUF, NCH, step=NBUF)
    def _(j0):
        sb = j0 // SBC
        jj = j0 % SBC
        p = sb % 2

        @pl.when(jj == 0)
        def _():
            pltpu.make_async_copy(src_hbm.at[wid, 0], src_v.at[0], si).wait()
            pltpu.make_async_copy(dst_hbm.at[wid, 0], dst_v.at[0], si).wait()

        @pl.when((jj == 0) & (sb < NSB - 1))
        def _():
            pltpu.async_copy(src_hbm.at[wid, sb + 1], src_v.at[1 - p], si)
            pltpu.async_copy(dst_hbm.at[wid, sb + 1], dst_v.at[1 - p], si)

        for b in range(NBUF):
            pltpu.make_async_copy(bufs[b], acc_sh.at[dst_v.at[0, 0]],
                                  ss[b]).wait()
            pltpu.async_copy(g_hbm.at[src_v.at[p, jj + b]], bufs[b], sg[b])
        for b in range(NBUF):
            pltpu.make_async_copy(g_hbm.at[src_v.at[p, jj + b]], bufs[b],
                                  sg[b]).wait()
            pltpu.async_copy(bufs[b], acc_sh.at[dst_v.at[p, jj + b]], ss[b],
                             add=True)

    for b in range(NBUF):
        pltpu.make_async_copy(bufs[b], acc_sh.at[dst_v.at[0, 0]], ss[b]).wait()
    plsc.subcore_barrier()
    _writeback(acc_sh, out_hbm, cid, sid)



def _tc_mm(x_ref, w_ref, o_ref):
    o_ref[...] = jnp.dot(x_ref[...], w_ref[...],
                         preferred_element_type=jnp.float32)


def _tc_scale(xw_ref, d0_ref, d1_ref, g_ref, dis_ref):
    deg = d0_ref[:, :1] + d1_ref[:, :1] + 1.0
    dis = lax.rsqrt(deg)
    dis_ref[...] = dis
    g_ref[...] = dis * xw_ref[...]


def _edge_sum(a0_ref, a1_ref, g_ref):
    return a0_ref[...] + a1_ref[...] + g_ref[...]


def _tc_layer(a0_ref, a1_ref, g_ref, dis_ref, b_ref, w_ref, bt_ref,
              gn_ref, pool_ref, psum):
    i = pl.program_id(0)
    dis = dis_ref[...]
    h = jnp.maximum(
        dis * _edge_sum(a0_ref, a1_ref, g_ref) + b_ref[...], 0.0)
    gn_ref[...] = dis * jnp.dot(h, w_ref[...],
                                preferred_element_type=jnp.float32)
    oh = (lax.broadcasted_iota(jnp.int32, (G, BN), 0)
          == bt_ref[...]).astype(jnp.float32)
    p_c = jnp.dot(oh, h, preferred_element_type=jnp.float32)

    @pl.when(i == 0)
    def _():
        psum[...] = p_c

    @pl.when(i > 0)
    def _():
        psum[...] += p_c

    @pl.when(i == GRID - 1)
    def _():
        pool_ref[...] = psum[...]


def _tc_layer_nox(a0_ref, a1_ref, g_ref, dis_ref, b_ref, w_ref, gn_ref):
    dis = dis_ref[...]
    h = jnp.maximum(
        dis * _edge_sum(a0_ref, a1_ref, g_ref) + b_ref[...], 0.0)
    gn_ref[...] = dis * jnp.dot(h, w_ref[...],
                                preferred_element_type=jnp.float32)


def _tc_pool(a0_ref, a1_ref, g_ref, dis_ref, b_ref, p1_ref, p2_ref, bt_ref,
             lw_ref, lb_ref, out_ref, sums, cnts):
    i = pl.program_id(0)
    x3 = jnp.maximum(
        dis_ref[...] * _edge_sum(a0_ref, a1_ref, g_ref) + b_ref[...], 0.0)
    oh = (lax.broadcasted_iota(jnp.int32, (G, BN), 0)
          == bt_ref[...]).astype(jnp.float32)
    s_c = jnp.dot(oh, x3, preferred_element_type=jnp.float32)
    c_c = jnp.sum(oh, axis=1, keepdims=True)

    @pl.when(i == 0)
    def _():
        sums[...] = s_c
        cnts[...] = c_c

    @pl.when(i > 0)
    def _():
        sums[...] += s_c
        cnts[...] += c_c

    @pl.when(i == GRID - 1)
    def _():
        pooled = (jnp.concatenate([p1_ref[...], p2_ref[...], sums[...]],
                                  axis=1)
                  / jnp.maximum(cnts[...], 1.0))
        logits = jnp.dot(pooled, lw_ref[...],
                         preferred_element_type=jnp.float32) + lb_ref[...]
        m = jnp.max(logits, axis=1, keepdims=True)
        lse = jnp.log(jnp.sum(jnp.exp(logits - m), axis=1, keepdims=True)) + m
        out_ref[...] = logits - lse


def _row_spec(off):
    return pl.BlockSpec((BN, D), lambda i, o=off: (i + o, 0))


def _full_spec(shape):
    return pl.BlockSpec(shape, lambda i: (0, 0))


def kernel(x, edge_index, batch, W1, b1, W2, b2, W3, b3, W4, b4, lin_W, lin_b):
    f32 = jnp.float32
    x_pad = jnp.pad(x, ((0, N_PAD - N), (0, 0)))
    pad_i = jnp.arange(E_PAD - E, dtype=jnp.int32)
    src_pad = jnp.concatenate(
        [edge_index[0], pad_i % CH]
    ).reshape(NW, NSB, SBC, CH)
    dst_flat = jnp.concatenate(
        [edge_index[1], TRASH + pad_i % (N_ACC - N)])
    dst_seg = dst_flat.reshape(NW, NSB, SBC, CH)
    dst_deg = dst_flat.reshape(NW, NCH, CH)
    bt2 = jnp.pad(batch, (0, N_PAD - N), constant_values=G)[None, :]
    b1r, b2r, b3r, b4r = (b[None, :] for b in (b1, b2, b3, b4))
    lbr = lin_b[None, :]

    xw = pl.pallas_call(
        _tc_mm,
        grid=(GRID,),
        in_specs=[_row_spec(0), _full_spec((D, D))],
        out_specs=_row_spec(0),
        out_shape=jax.ShapeDtypeStruct((N_PAD, D), f32),
    )(x_pad, W1)
    degp = _sc_degree(dst_deg)

    g0, dis = pl.pallas_call(
        _tc_scale,
        grid=(GRID,),
        in_specs=[_row_spec(0), _row_spec(0), _row_spec(GRID)],
        out_specs=[_row_spec(0), pl.BlockSpec((BN, 1), lambda i: (i, 0))],
        out_shape=[jax.ShapeDtypeStruct((N_PAD, D), f32),
                   jax.ShapeDtypeStruct((N_PAD, 1), f32)],
    )(xw, degp, degp)

    def seg_call(g):
        return _sc_segsum(g, src_pad, dst_seg)

    def layer_call(acc, g, b, w):
        return pl.pallas_call(
            _tc_layer,
            grid=(GRID,),
            in_specs=[
                _row_spec(0), _row_spec(GRID), _row_spec(0),
                pl.BlockSpec((BN, 1), lambda i: (i, 0)),
                _full_spec((1, D)), _full_spec((D, D)),
                pl.BlockSpec((1, BN), lambda i: (0, i)),
            ],
            out_specs=[_row_spec(0), pl.BlockSpec((G, D), lambda i: (0, 0))],
            out_shape=[jax.ShapeDtypeStruct((N_PAD, D), f32),
                       jax.ShapeDtypeStruct((G, D), f32)],
            scratch_shapes=[pltpu.VMEM((G, D), f32)],
        )(acc, acc, g, dis, b, w, bt2)

    acc0 = seg_call(g0)
    g1, pool1 = layer_call(acc0, g0, b1r, W2)
    acc1 = seg_call(g1)
    g2, pool2 = layer_call(acc1, g1, b2r, W3)
    acc2 = seg_call(g2)
    g3 = pl.pallas_call(
        _tc_layer_nox,
        grid=(GRID,),
        in_specs=[
            _row_spec(0), _row_spec(GRID), _row_spec(0),
            pl.BlockSpec((BN, 1), lambda i: (i, 0)),
            _full_spec((1, D)), _full_spec((D, D)),
        ],
        out_specs=_row_spec(0),
        out_shape=jax.ShapeDtypeStruct((N_PAD, D), f32),
    )(acc2, acc2, g2, dis, b3r, W4)
    acc3 = seg_call(g3)

    out = pl.pallas_call(
        _tc_pool,
        grid=(GRID,),
        in_specs=[
            _row_spec(0), _row_spec(GRID), _row_spec(0),
            pl.BlockSpec((BN, 1), lambda i: (i, 0)),
            _full_spec((1, D)),
            _full_spec((G, D)), _full_spec((G, D)),
            pl.BlockSpec((1, BN), lambda i: (0, i)),
            _full_spec((3 * D, NCLS)), _full_spec((1, NCLS)),
        ],
        out_specs=pl.BlockSpec((G, NCLS), lambda i: (0, 0)),
        out_shape=jax.ShapeDtypeStruct((G, NCLS), f32),
        scratch_shapes=[pltpu.VMEM((G, D), f32), pltpu.VMEM((G, 1), f32)],
    )(acc3, acc3, g3, dis, b4r, pool1, pool2, bt2, lin_W, lbr)

    return out

# --- scband reference (transcript-rebuilt; emitter-appended) ---
"""Pipeline reference for scband-graph-neural-network-12541304505018 (READ-ONLY COPY).

The authoritative reference and input builder live on the scoring server;
editing this copy changes nothing except your own understanding.
"""

import jax, jax.numpy as jnp
import numpy as np

N = 10000
E = 320000
D = 128
H = 128
NUM_GRAPHS = 64
NUM_CLASSES = 10


def setup_inputs(seed: int = 0) -> dict:
    key = jax.random.key(seed)
    ks = jax.random.split(key, 16)
    x = jax.random.normal(ks[0], (N, D), dtype=jnp.float32)
    edge_index = jax.random.randint(ks[1], (2, E), 0, N, dtype=jnp.int32)
    batch = jnp.sort(jax.random.randint(ks[2], (N,), 0, NUM_GRAPHS, dtype=jnp.int32))
    def glorot(k, fan_in, shape):
        return (jax.random.normal(k, shape, dtype=jnp.float32) / np.sqrt(fan_in)).astype(jnp.float32)
    W1 = glorot(ks[3], D, (D, H)); b1 = jnp.zeros((H,), jnp.float32)
    W2 = glorot(ks[4], H, (H, H)); b2 = jnp.zeros((H,), jnp.float32)
    W3 = glorot(ks[5], H, (H, H)); b3 = jnp.zeros((H,), jnp.float32)
    W4 = glorot(ks[6], H, (H, H)); b4 = jnp.zeros((H,), jnp.float32)
    lin_W = glorot(ks[7], 3 * H, (3 * H, NUM_CLASSES)); lin_b = jnp.zeros((NUM_CLASSES,), jnp.float32)
    return {"x": x, "edge_index": edge_index, "batch": batch,
            "W1": W1, "b1": b1, "W2": W2, "b2": b2,
            "W3": W3, "b3": b3, "W4": W4, "b4": b4,
            "lin_W": lin_W, "lin_b": lin_b}


def reference(x, edge_index, batch, W1, b1, W2, b2, W3, b3, W4, b4, lin_W, lin_b):
    # GCN normalization with self-loops (PyG GCNConv semantics)
    loop = jnp.arange(N, dtype=edge_index.dtype)
    src = jnp.concatenate([edge_index[0], loop])
    dst = jnp.concatenate([edge_index[1], loop])
    deg = jnp.zeros((N,), jnp.float32).at[dst].add(1.0)
    dis = jnp.where(deg > 0, 1.0 / jnp.sqrt(deg), 0.0)
    norm = dis[src] * dis[dst]

    def gcn(h, W, b):
        hw = h @ W
        msg = hw[src] * norm[:, None]
        out = jnp.zeros((N, hw.shape[1]), jnp.float32).at[dst].add(msg)
        return out + b

    # dropout layers are identity in eval mode
    x1 = jax.nn.relu(gcn(x, W1, b1))
    x2 = jax.nn.relu(gcn(x1, W2, b2))
    x3 = jax.nn.relu(gcn(x2, W3, b3))
    x3 = jax.nn.relu(gcn(x3, W4, b4))
    xs = jnp.concatenate([x1, x2, x3], axis=1)  # JumpingKnowledge 'cat'
    sums = jnp.zeros((NUM_GRAPHS, 3 * H), jnp.float32).at[batch].add(xs)
    counts = jnp.zeros((NUM_GRAPHS,), jnp.float32).at[batch].add(1.0)
    pooled = sums / jnp.clip(counts, 1.0)[:, None]  # global_mean_pool
    logits = pooled @ lin_W + lin_b
    return jax.nn.log_softmax(logits, axis=1)

if __name__ == "__main__":
    import jax
    _d = setup_inputs()
    print(jax.jit(kernel)(*tuple(_d.values())))

</pallas_src>

<mosaic_0001>
#map = affine_map<(d0, d1) -> (0, 0)>
#map1 = affine_map<(d0, d1) -> (0, 0, 0, 0)>
module attributes {stable_mosaic.version = 14 : i64} {
  func.func @_sc_segsum(%arg0: i32, %arg1: i32, %arg2: memref<10240x128xf32, #tpu.memory_space<hbm>>, %arg3: memref<32x10x8x128xi32, #tpu.memory_space<hbm>>, %arg4: memref<32x10x8x128xi32, #tpu.memory_space<hbm>>, %arg5: memref<20480x128xf32, #tpu.memory_space<hbm>>, %arg6: memref<2x8x128xi32, #tpu.memory_space<vmem>>, %arg7: memref<2x8x128xi32, #tpu.memory_space<vmem>>, %arg8: memref<128x128xf32, #tpu.memory_space<vmem>>, %arg9: memref<128x128xf32, #tpu.memory_space<vmem>>, %arg10: memref<10112x128xf32, #tpu.memory_space<vmem_shared>>, %arg11: memref<!tpu.dma_semaphore, #tpu.memory_space<semaphore_mem>>, %arg12: memref<!tpu.dma_semaphore, #tpu.memory_space<semaphore_mem>>, %arg13: memref<!tpu.dma_semaphore, #tpu.memory_space<semaphore_mem>>, %arg14: memref<!tpu.dma_semaphore, #tpu.memory_space<semaphore_mem>>, %arg15: memref<!tpu.dma_semaphore, #tpu.memory_space<semaphore_mem>>) attributes {dimension_semantics = [#tpu.dimension_semantics<core_parallel>, #tpu.dimension_semantics<subcore_parallel>], iteration_bounds = array<i64: 2, 16>, scalar_prefetch = 0 : i64, scratch_operands = 10 : i64, tpu.core_type = #tpu.core_type<sc_vector_subcore>, window_params = [{transform_indices = #map}, {transform_indices = #map1}, {transform_indices = #map1}, {transform_indices = #map}]} {
    %mul3A = arith.constant 2 : i32
    %mul3A_0 = arith.muli %arg1, %mul3A : i32
    %add3A = arith.addi %mul3A_0, %arg0 : i32
    %run_scoped3A = arith.constant 0 : i32
    %run_scoped3A_1 = arith.constant 0 : i32
    "tpu.region"() ({
      %run_scoped3A_140 = tpu.sem_alloc : memref<!tpu.dma_semaphore, #tpu.memory_space<semaphore_mem>>
      %dma_start3A_141 = arith.constant 0 : i32
      %dma_start3A_142 = arith.constant 0 : i32
      %dma_start3A_143 = tpu.memref_slice %arg6[%run_scoped3A_1, %dma_start3A_141, %dma_start3A_142] : memref<2x8x128xi32, #tpu.memory_space<vmem>> -> memref<1x8x128xi32, #tpu.memory_space<vmem>>
      %dma_start3A_144 = tpu.memref_squeeze %dma_start3A_143 : memref<1x8x128xi32, #tpu.memory_space<vmem>> -> memref<8x128xi32, #tpu.memory_space<vmem>>
      %dma_start3A_145 = arith.constant 0 : i32
      %dma_start3A_146 = arith.constant 0 : i32
      %dma_start3A_147 = tpu.memref_slice %arg3[%add3A, %run_scoped3A, %dma_start3A_145, %dma_start3A_146] : memref<32x10x8x128xi32, #tpu.memory_space<hbm>> -> memref<1x1x8x128xi32, #tpu.memory_space<hbm>>
      %dma_start3A_148 = tpu.memref_squeeze %dma_start3A_147 : memref<1x1x8x128xi32, #tpu.memory_space<hbm>> -> memref<8x128xi32, #tpu.memory_space<hbm>>
      %dma_start3A_149 = arith.constant 0 : i32
      %dma_start3A_150 = arith.constant 0 : i32
      %dma_start3A_151 = tpu.memref_slice %arg6[%run_scoped3A_1, %dma_start3A_149, %dma_start3A_150] : memref<2x8x128xi32, #tpu.memory_space<vmem>> -> memref<1x8x128xi32, #tpu.memory_space<vmem>>
      %dma_start3A_152 = tpu.memref_squeeze %dma_start3A_151 : memref<1x8x128xi32, #tpu.memory_space<vmem>> -> memref<8x128xi32, #tpu.memory_space<vmem>>
      %dma_start3A_153 = arith.constant 0 : i32
      %dma_start3A_154 = arith.constant 0 : i32
      %dma_start3A_155 = tpu.memref_slice %arg3[%add3A, %run_scoped3A, %dma_start3A_153, %dma_start3A_154] : memref<32x10x8x128xi32, #tpu.memory_space<hbm>> -> memref<1x1x8x128xi32, #tpu.memory_space<hbm>>
      %dma_start3A_156 = tpu.memref_squeeze %dma_start3A_155 : memref<1x1x8x128xi32, #tpu.memory_space<hbm>> -> memref<8x128xi32, #tpu.memory_space<hbm>>
      tpu.enqueue_dma source(%dma_start3A_156 : memref<8x128xi32, #tpu.memory_space<hbm>>) target(%dma_start3A_152 : memref<8x128xi32, #tpu.memory_space<vmem>>) target_semaphore(%run_scoped3A_140 : memref<!tpu.dma_semaphore, #tpu.memory_space<semaphore_mem>>)
      %dma_wait3A_157 = arith.constant 0 : i32
      %dma_wait3A_158 = arith.constant 0 : i32
      %dma_wait3A_159 = tpu.memref_slice %arg6[%run_scoped3A_1, %dma_wait3A_157, %dma_wait3A_158] : memref<2x8x128xi32, #tpu.memory_space<vmem>> -> memref<1x8x128xi32, #tpu.memory_space<vmem>>
      %dma_wait3A_160 = tpu.memref_squeeze %dma_wait3A_159 : memref<1x8x128xi32, #tpu.memory_space<vmem>> -> memref<8x128xi32, #tpu.memory_space<vmem>>
      %dma_wait3A_161 = arith.constant 0 : i32
      %dma_wait3A_162 = arith.constant 0 : i32
      %dma_wait3A_163 = tpu.memref_slice %arg3[%add3A, %run_scoped3A, %dma_wait3A_161, %dma_wait3A_162] : memref<32x10x8x128xi32, #tpu.memory_space<hbm>> -> memref<1x1x8x128xi32, #tpu.memory_space<hbm>>
      %dma_wait3A_164 = tpu.memref_squeeze %dma_wait3A_163 : memref<1x1x8x128xi32, #tpu.memory_space<hbm>> -> memref<8x128xi32, #tpu.memory_space<hbm>>
      %dma_wait3A_165 = arith.constant 0 : i32
      %dma_wait3A_166 = arith.constant 0 : i32
      %dma_wait3A_167 = tpu.memref_slice %arg6[%run_scoped3A_1, %dma_wait3A_165, %dma_wait3A_166] : memref<2x8x128xi32, #tpu.memory_space<vmem>> -> memref<1x8x128xi32, #tpu.memory_space<vmem>>
      %dma_wait3A_168 = tpu.memref_squeeze %dma_wait3A_167 : memref<1x8x128xi32, #tpu.memory_space<vmem>> -> memref<8x128xi32, #tpu.memory_space<vmem>>
      %dma_wait3A_169 = arith.constant 0 : i32
      %dma_wait3A_170 = arith.constant 0 : i32
      %dma_wait3A_171 = tpu.memref_slice %arg3[%add3A, %run_scoped3A, %dma_wait3A_169, %dma_wait3A_170] : memref<32x10x8x128xi32, #tpu.memory_space<hbm>> -> memref<1x1x8x128xi32, #tpu.memory_space<hbm>>
      %dma_wait3A_172 = tpu.memref_squeeze %dma_wait3A_171 : memref<1x1x8x128xi32, #tpu.memory_space<hbm>> -> memref<8x128xi32, #tpu.memory_space<hbm>>
      tpu.wait_dma2 semaphore(%run_scoped3A_140 : memref<!tpu.dma_semaphore, #tpu.memory_space<semaphore_mem>>) src(%dma_wait3A_172 : memref<8x128xi32, #tpu.memory_space<hbm>>) dst(%dma_wait3A_168 : memref<8x128xi32, #tpu.memory_space<vmem>>)
      tpu.yield
    }) : () -> ()
    %run_scoped3A_2 = arith.constant 0 : i32
    %run_scoped3A_3 = arith.constant 0 : i32
    "tpu.region"() ({
      %run_scoped3A_140 = tpu.sem_alloc : memref<!tpu.dma_semaphore, #tpu.memory_space<semaphore_mem>>
      %dma_start3A_141 = arith.constant 0 : i32
      %dma_start3A_142 = arith.constant 0 : i32
      %dma_start3A_143 = tpu.memref_slice %arg7[%run_scoped3A_3, %dma_start3A_141, %dma_start3A_142] : memref<2x8x128xi32, #tpu.memory_space<vmem>> -> memref<1x8x128xi32, #tpu.memory_space<vmem>>
      %dma_start3A_144 = tpu.memref_squeeze %dma_start3A_143 : memref<1x8x128xi32, #tpu.memory_space<vmem>> -> memref<8x128xi32, #tpu.memory_space<vmem>>
      %dma_start3A_145 = arith.constant 0 : i32
      %dma_start3A_146 = arith.constant 0 : i32
      %dma_start3A_147 = tpu.memref_slice %arg4[%add3A, %run_scoped3A_2, %dma_start3A_145, %dma_start3A_146] : memref<32x10x8x128xi32, #tpu.memory_space<hbm>> -> memref<1x1x8x128xi32, #tpu.memory_space<hbm>>
      %dma_start3A_148 = tpu.memref_squeeze %dma_start3A_147 : memref<1x1x8x128xi32, #tpu.memory_space<hbm>> -> memref<8x128xi32, #tpu.memory_space<hbm>>
      %dma_start3A_149 = arith.constant 0 : i32
      %dma_start3A_150 = arith.constant 0 : i32
      %dma_start3A_151 = tpu.memref_slice %arg7[%run_scoped3A_3, %dma_start3A_149, %dma_start3A_150] : memref<2x8x128xi32, #tpu.memory_space<vmem>> -> memref<1x8x128xi32, #tpu.memory_space<vmem>>
      %dma_start3A_152 = tpu.memref_squeeze %dma_start3A_151 : memref<1x8x128xi32, #tpu.memory_space<vmem>> -> memref<8x128xi32, #tpu.memory_space<vmem>>
      %dma_start3A_153 = arith.constant 0 : i32
      %dma_start3A_154 = arith.constant 0 : i32
      %dma_start3A_155 = tpu.memref_slice %arg4[%add3A, %run_scoped3A_2, %dma_start3A_153, %dma_start3A_154] : memref<32x10x8x128xi32, #tpu.memory_space<hbm>> -> memref<1x1x8x128xi32, #tpu.memory_space<hbm>>
      %dma_start3A_156 = tpu.memref_squeeze %dma_start3A_155 : memref<1x1x8x128xi32, #tpu.memory_space<hbm>> -> memref<8x128xi32, #tpu.memory_space<hbm>>
      tpu.enqueue_dma source(%dma_start3A_156 : memref<8x128xi32, #tpu.memory_space<hbm>>) target(%dma_start3A_152 : memref<8x128xi32, #tpu.memory_space<vmem>>) target_semaphore(%run_scoped3A_140 : memref<!tpu.dma_semaphore, #tpu.memory_space<semaphore_mem>>)
      %dma_wait3A_157 = arith.constant 0 : i32
      %dma_wait3A_158 = arith.constant 0 : i32
      %dma_wait3A_159 = tpu.memref_slice %arg7[%run_scoped3A_3, %dma_wait3A_157, %dma_wait3A_158] : memref<2x8x128xi32, #tpu.memory_space<vmem>> -> memref<1x8x128xi32, #tpu.memory_space<vmem>>
      %dma_wait3A_160 = tpu.memref_squeeze %dma_wait3A_159 : memref<1x8x128xi32, #tpu.memory_space<vmem>> -> memref<8x128xi32, #tpu.memory_space<vmem>>
      %dma_wait3A_161 = arith.constant 0 : i32
      %dma_wait3A_162 = arith.constant 0 : i32
      %dma_wait3A_163 = tpu.memref_slice %arg4[%add3A, %run_scoped3A_2, %dma_wait3A_161, %dma_wait3A_162] : memref<32x10x8x128xi32, #tpu.memory_space<hbm>> -> memref<1x1x8x128xi32, #tpu.memory_space<hbm>>
      %dma_wait3A_164 = tpu.memref_squeeze %dma_wait3A_163 : memref<1x1x8x128xi32, #tpu.memory_space<hbm>> -> memref<8x128xi32, #tpu.memory_space<hbm>>
      %dma_wait3A_165 = arith.constant 0 : i32
      %dma_wait3A_166 = arith.constant 0 : i32
      %dma_wait3A_167 = tpu.memref_slice %arg7[%run_scoped3A_3, %dma_wait3A_165, %dma_wait3A_166] : memref<2x8x128xi32, #tpu.memory_space<vmem>> -> memref<1x8x128xi32, #tpu.memory_space<vmem>>
      %dma_wait3A_168 = tpu.memref_squeeze %dma_wait3A_167 : memref<1x8x128xi32, #tpu.memory_space<vmem>> -> memref<8x128xi32, #tpu.memory_space<vmem>>
      %dma_wait3A_169 = arith.constant 0 : i32
      %dma_wait3A_170 = arith.constant 0 : i32
      %dma_wait3A_171 = tpu.memref_slice %arg4[%add3A, %run_scoped3A_2, %dma_wait3A_169, %dma_wait3A_170] : memref<32x10x8x128xi32, #tpu.memory_space<hbm>> -> memref<1x1x8x128xi32, #tpu.memory_space<hbm>>
      %dma_wait3A_172 = tpu.memref_squeeze %dma_wait3A_171 : memref<1x1x8x128xi32, #tpu.memory_space<hbm>> -> memref<8x128xi32, #tpu.memory_space<hbm>>
      tpu.wait_dma2 semaphore(%run_scoped3A_140 : memref<!tpu.dma_semaphore, #tpu.memory_space<semaphore_mem>>) src(%dma_wait3A_172 : memref<8x128xi32, #tpu.memory_space<hbm>>) dst(%dma_wait3A_168 : memref<8x128xi32, #tpu.memory_space<vmem>>)
      tpu.yield
    }) : () -> ()
    %dma_start3A = arith.constant 1 : i32
    %dma_start3A_4 = arith.constant 1 : i32
    %dma_start3A_5 = arith.constant 0 : i32
    %dma_start3A_6 = arith.constant 0 : i32
    %dma_start3A_7 = tpu.memref_slice %arg6[%dma_start3A_4, %dma_start3A_5, %dma_start3A_6] : memref<2x8x128xi32, #tpu.memory_space<vmem>> -> memref<1x8x128xi32, #tpu.memory_space<vmem>>
    %dma_start3A_8 = tpu.memref_squeeze %dma_start3A_7 : memref<1x8x128xi32, #tpu.memory_space<vmem>> -> memref<8x128xi32, #tpu.memory_space<vmem>>
    %dma_start3A_9 = arith.constant 0 : i32
    %dma_start3A_10 = arith.constant 0 : i32
    %dma_start3A_11 = tpu.memref_slice %arg3[%add3A, %dma_start3A, %dma_start3A_9, %dma_start3A_10] : memref<32x10x8x128xi32, #tpu.memory_space<hbm>> -> memref<1x1x8x128xi32, #tpu.memory_space<hbm>>
    %dma_start3A_12 = tpu.memref_squeeze %dma_start3A_11 : memref<1x1x8x128xi32, #tpu.memory_space<hbm>> -> memref<8x128xi32, #tpu.memory_space<hbm>>
    %dma_start3A_13 = arith.constant 0 : i32
    %dma_start3A_14 = arith.constant 0 : i32
    %dma_start3A_15 = tpu.memref_slice %arg6[%dma_start3A_4, %dma_start3A_13, %dma_start3A_14] : memref<2x8x128xi32, #tpu.memory_space<vmem>> -> memref<1x8x128xi32, #tpu.memory_space<vmem>>
    %dma_start3A_16 = tpu.memref_squeeze %dma_start3A_15 : memref<1x8x128xi32, #tpu.memory_space<vmem>> -> memref<8x128xi32, #tpu.memory_space<vmem>>
    %dma_start3A_17 = arith.constant 0 : i32
    %dma_start3A_18 = arith.constant 0 : i32
    %dma_start3A_19 = tpu.memref_slice %arg3[%add3A, %dma_start3A, %dma_start3A_17, %dma_start3A_18] : memref<32x10x8x128xi32, #tpu.memory_space<hbm>> -> memref<1x1x8x128xi32, #tpu.memory_space<hbm>>
    %dma_start3A_20 = tpu.memref_squeeze %dma_start3A_19 : memref<1x1x8x128xi32, #tpu.memory_space<hbm>> -> memref<8x128xi32, #tpu.memory_space<hbm>>
    tpu.enqueue_dma source(%dma_start3A_20 : memref<8x128xi32, #tpu.memory_space<hbm>>) target(%dma_start3A_16 : memref<8x128xi32, #tpu.memory_space<vmem>>) target_semaphore(%arg15 : memref<!tpu.dma_semaphore, #tpu.memory_space<semaphore_mem>>)
    %dma_start3A_21 = arith.constant 1 : i32
    %dma_start3A_22 = arith.constant 1 : i32
    %dma_start3A_23 = arith.constant 0 : i32
    %dma_start3A_24 = arith.constant 0 : i32
    %dma_start3A_25 = tpu.memref_slice %arg7[%dma_start3A_22, %dma_start3A_23, %dma_start3A_24] : memref<2x8x128xi32, #tpu.memory_space<vmem>> -> memref<1x8x128xi32, #tpu.memory_space<vmem>>
    %dma_start3A_26 = tpu.memref_squeeze %dma_start3A_25 : memref<1x8x128xi32, #tpu.memory_space<vmem>> -> memref<8x128xi32, #tpu.memory_space<vmem>>
    %dma_start3A_27 = arith.constant 0 : i32
    %dma_start3A_28 = arith.constant 0 : i32
    %dma_start3A_29 = tpu.memref_slice %arg4[%add3A, %dma_start3A_21, %dma_start3A_27, %dma_start3A_28] : memref<32x10x8x128xi32, #tpu.memory_space<hbm>> -> memref<1x1x8x128xi32, #tpu.memory_space<hbm>>
    %dma_start3A_30 = tpu.memref_squeeze %dma_start3A_29 : memref<1x1x8x128xi32, #tpu.memory_space<hbm>> -> memref<8x128xi32, #tpu.memory_space<hbm>>
    %dma_start3A_31 = arith.constant 0 : i32
    %dma_start3A_32 = arith.constant 0 : i32
    %dma_start3A_33 = tpu.memref_slice %arg7[%dma_start3A_22, %dma_start3A_31, %dma_start3A_32] : memref<2x8x128xi32, #tpu.memory_space<vmem>> -> memref<1x8x128xi32, #tpu.memory_space<vmem>>
    %dma_start3A_34 = tpu.memref_squeeze %dma_start3A_33 : memref<1x8x128xi32, #tpu.memory_space<vmem>> -> memref<8x128xi32, #tpu.memory_space<vmem>>
    %dma_start3A_35 = arith.constant 0 : i32
    %dma_start3A_36 = arith.constant 0 : i32
    %dma_start3A_37 = tpu.memref_slice %arg4[%add3A, %dma_start3A_21, %dma_start3A_35, %dma_start3A_36] : memref<32x10x8x128xi32, #tpu.memory_space<hbm>> -> memref<1x1x8x128xi32, #tpu.memory_space<hbm>>
    %dma_start3A_38 = tpu.memref_squeeze %dma_start3A_37 : memref<1x1x8x128xi32, #tpu.memory_space<hbm>> -> memref<8x128xi32, #tpu.memory_space<hbm>>
    tpu.enqueue_dma source(%dma_start3A_38 : memref<8x128xi32, #tpu.memory_space<hbm>>) target(%dma_start3A_34 : memref<8x128xi32, #tpu.memory_space<vmem>>) target_semaphore(%arg15 : memref<!tpu.dma_semaphore, #tpu.memory_space<semaphore_mem>>)
    %dma_start3A_39 = arith.constant 0 : i32
    %dma_start3A_40 = arith.constant 0 : i32
    %dma_start3A_41 = arith.constant 0 : i32
    %dma_start3A_42 = tpu.memref_slice %arg6[%dma_start3A_39, %dma_start3A_40, %dma_start3A_41] : memref<2x8x128xi32, #tpu.memory_space<vmem>> -> memref<1x1x128xi32, #tpu.memory_space<vmem>>
    %dma_start3A_43 = tpu.memref_squeeze %dma_start3A_42 : memref<1x1x128xi32, #tpu.memory_space<vmem>> -> memref<128xi32, #tpu.memory_space<vmem>>
    %dma_start3A_44 = arith.constant 0 : i32
    %dma_start3A_45 = arith.constant 0 : i32
    %dma_start3A_46 = tpu.memref_slice %arg2[%dma_start3A_44, %dma_start3A_45] : memref<10240x128xf32, #tpu.memory_space<hbm>> -> memref<10240x128xf32, #tpu.memory_space<hbm>>
    tpu.enqueue_indirect_dma source(%dma_start3A_46 : memref<10240x128xf32, #tpu.memory_space<hbm>>) target(%arg8 : memref<128x128xf32, #tpu.memory_space<vmem>>) offsets(%dma_start3A_43 : memref<128xi32, #tpu.memory_space<vmem>>) semaphore(%arg11 : memref<!tpu.dma_semaphore, #tpu.memory_space<semaphore_mem>>)
    %scan3A = arith.constant 0 : i32
    %scan3A_47 = arith.constant 0 : i32
    %scan3A_48 = arith.constant 128 : i32
    %scan3A_49 = arith.addi %scan3A_47, %scan3A_48 : i32
    %scan3A_50 = arith.constant 1 : i32
    scf.for %scan3A_140 = %scan3A_47 to %scan3A_49 step %scan3A_50  : i32 {
      %broadcast_in_dim3A = arith.constant 0.000000e+00 : f32
      %broadcast_in_dim3A_141 = vector.broadcast %broadcast_in_dim3A : f32 to vector<16xf32>
      %swap3A = arith.index_cast %scan3A_140 : i32 to index
      %swap3A_142 = arith.constant 0 : index
      %swap3A_143 = tpu.vector_load %arg9[%swap3A, %swap3A_142] {strides = array<i32>} : memref<128x128xf32, #tpu.memory_space<vmem>>, vector<1x16xf32>,
      %swap3A_144 = vector.shape_cast %swap3A_143 : vector<1x16xf32> to vector<16xf32>
      %swap3A_145 = vector.shape_cast %broadcast_in_dim3A_141 : vector<16xf32> to vector<1x16xf32>
      tpu.vector_store %arg9[%swap3A, %swap3A_142], %swap3A_145 {strides = array<i32>} : memref<128x128xf32, #tpu.memory_space<vmem>>, vector<1x16xf32>,
      %broadcast_in_dim3A_146 = arith.constant 0.000000e+00 : f32
      %broadcast_in_dim3A_147 = vector.broadcast %broadcast_in_dim3A_146 : f32 to vector<16xf32>
      %swap3A_148 = arith.index_cast %scan3A_140 : i32 to index
      %swap3A_149 = arith.constant 16 : index
      %swap3A_150 = tpu.vector_load %arg9[%swap3A_148, %swap3A_149] {strides = array<i32>} : memref<128x128xf32, #tpu.memory_space<vmem>>, vector<1x16xf32>,
      %swap3A_151 = vector.shape_cast %swap3A_150 : vector<1x16xf32> to vector<16xf32>
      %swap3A_152 = vector.shape_cast %broadcast_in_dim3A_147 : vector<16xf32> to vector<1x16xf32>
      tpu.vector_store %arg9[%swap3A_148, %swap3A_149], %swap3A_152 {strides = array<i32>} : memref<128x128xf32, #tpu.memory_space<vmem>>, vector<1x16xf32>,
      %broadcast_in_dim3A_153 = arith.constant 0.000000e+00 : f32
      %broadcast_in_dim3A_154 = vector.broadcast %broadcast_in_dim3A_153 : f32 to vector<16xf32>
      %swap3A_155 = arith.index_cast %scan3A_140 : i32 to index
      %swap3A_156 = arith.constant 32 : index
      %swap3A_157 = tpu.vector_load %arg9[%swap3A_155, %swap3A_156] {strides = array<i32>} : memref<128x128xf32, #tpu.memory_space<vmem>>, vector<1x16xf32>,
      %swap3A_158 = vector.shape_cast %swap3A_157 : vector<1x16xf32> to vector<16xf32>
      %swap3A_159 = vector.shape_cast %broadcast_in_dim3A_154 : vector<16xf32> to vector<1x16xf32>
      tpu.vector_store %arg9[%swap3A_155, %swap3A_156], %swap3A_159 {strides = array<i32>} : memref<128x128xf32, #tpu.memory_space<vmem>>, vector<1x16xf32>,
      %broadcast_in_dim3A_160 = arith.constant 0.000000e+00 : f32
      %broadcast_in_dim3A_161 = vector.broadcast %broadcast_in_dim3A_160 : f32 to vector<16xf32>
      %swap3A_162 = arith.index_cast %scan3A_140 : i32 to index
      %swap3A_163 = arith.constant 48 : index
      %swap3A_164 = tpu.vector_load %arg9[%swap3A_162, %swap3A_163] {strides = array<i32>} : memref<128x128xf32, #tpu.memory_space<vmem>>, vector<1x16xf32>,
      %swap3A_165 = vector.shape_cast %swap3A_164 : vector<1x16xf32> to vector<16xf32>
      %swap3A_166 = vector.shape_cast %broadcast_in_dim3A_161 : vector<16xf32> to vector<1x16xf32>
      tpu.vector_store %arg9[%swap3A_162, %swap3A_163], %swap3A_166 {strides = array<i32>} : memref<128x128xf32, #tpu.memory_space<vmem>>, vector<1x16xf32>,
      %broadcast_in_dim3A_167 = arith.constant 0.000000e+00 : f32
      %broadcast_in_dim3A_168 = vector.broadcast %broadcast_in_dim3A_167 : f32 to vector<16xf32>
      %swap3A_169 = arith.index_cast %scan3A_140 : i32 to index
      %swap3A_170 = arith.constant 64 : index
      %swap3A_171 = tpu.vector_load %arg9[%swap3A_169, %swap3A_170] {strides = array<i32>} : memref<128x128xf32, #tpu.memory_space<vmem>>, vector<1x16xf32>,
      %swap3A_172 = vector.shape_cast %swap3A_171 : vector<1x16xf32> to vector<16xf32>
      %swap3A_173 = vector.shape_cast %broadcast_in_dim3A_168 : vector<16xf32> to vector<1x16xf32>
      tpu.vector_store %arg9[%swap3A_169, %swap3A_170], %swap3A_173 {strides = array<i32>} : memref<128x128xf32, #tpu.memory_space<vmem>>, vector<1x16xf32>,
      %broadcast_in_dim3A_174 = arith.constant 0.000000e+00 : f32
      %broadcast_in_dim3A_175 = vector.broadcast %broadcast_in_dim3A_174 : f32 to vector<16xf32>
      %swap3A_176 = arith.index_cast %scan3A_140 : i32 to index
      %swap3A_177 = arith.constant 80 : index
      %swap3A_178 = tpu.vector_load %arg9[%swap3A_176, %swap3A_177] {strides = array<i32>} : memref<128x128xf32, #tpu.memory_space<vmem>>, vector<1x16xf32>,
      %swap3A_179 = vector.shape_cast %swap3A_178 : vector<1x16xf32> to vector<16xf32>
      %swap3A_180 = vector.shape_cast %broadcast_in_dim3A_175 : vector<16xf32> to vector<1x16xf32>
      tpu.vector_store %arg9[%swap3A_176, %swap3A_177], %swap3A_180 {strides = array<i32>} : memref<128x128xf32, #tpu.memory_space<vmem>>, vector<1x16xf32>,
      %broadcast_in_dim3A_181 = arith.constant 0.000000e+00 : f32
      %broadcast_in_dim3A_182 = vector.broadcast %broadcast_in_dim3A_181 : f32 to vector<16xf32>
      %swap3A_183 = arith.index_cast %scan3A_140 : i32 to index
      %swap3A_184 = arith.constant 96 : index
      %swap3A_185 = tpu.vector_load %arg9[%swap3A_183, %swap3A_184] {strides = array<i32>} : memref<128x128xf32, #tpu.memory_space<vmem>>, vector<1x16xf32>,
      %swap3A_186 = vector.shape_cast %swap3A_185 : vector<1x16xf32> to vector<16xf32>
      %swap3A_187 = vector.shape_cast %broadcast_in_dim3A_182 : vector<16xf32> to vector<1x16xf32>
      tpu.vector_store %arg9[%swap3A_183, %swap3A_184], %swap3A_187 {strides = array<i32>} : memref<128x128xf32, #tpu.memory_space<vmem>>, vector<1x16xf32>,
      %broadcast_in_dim3A_188 = arith.constant 0.000000e+00 : f32
      %broadcast_in_dim3A_189 = vector.broadcast %broadcast_in_dim3A_188 : f32 to vector<16xf32>
      %swap3A_190 = arith.index_cast %scan3A_140 : i32 to index
      %swap3A_191 = arith.constant 112 : index
      %swap3A_192 = tpu.vector_load %arg9[%swap3A_190, %swap3A_191] {strides = array<i32>} : memref<128x128xf32, #tpu.memory_space<vmem>>, vector<1x16xf32>,
      %swap3A_193 = vector.shape_cast %swap3A_192 : vector<1x16xf32> to vector<16xf32>
      %swap3A_194 = vector.shape_cast %broadcast_in_dim3A_189 : vector<16xf32> to vector<1x16xf32>
      tpu.vector_store %arg9[%swap3A_190, %swap3A_191], %swap3A_194 {strides = array<i32>} : memref<128x128xf32, #tpu.memory_space<vmem>>, vector<1x16xf32>,
    }
    %scan3A_51 = arith.constant 128 : i32
    %mul3A_52 = arith.constant 632 : i32
    %mul3A_53 = arith.muli %arg1, %mul3A_52 : i32
    %add3A_54 = arith.constant 0 : i32
    %add3A_55 = arith.addi %mul3A_53, %add3A_54 : i32
    "tpu.region"() ({
      %run_scoped3A_140 = tpu.sem_alloc : memref<!tpu.dma_semaphore, #tpu.memory_space<semaphore_mem>>
      %dma_start3A_141 = arith.constant 0 : i32
      %dma_start3A_142 = tpu.memref_slice %arg10[%add3A_55, %dma_start3A_141] : memref<10112x128xf32, #tpu.memory_space<vmem_shared>> -> memref<128x128xf32, #tpu.memory_space<vmem_shared>>
      %dma_start3A_143 = arith.constant 0 : i32
      %dma_start3A_144 = tpu.memref_slice %arg10[%add3A_55, %dma_start3A_143] : memref<10112x128xf32, #tpu.memory_space<vmem_shared>> -> memref<128x128xf32, #tpu.memory_space<vmem_shared>>
      tpu.enqueue_dma source(%arg9 : memref<128x128xf32, #tpu.memory_space<vmem>>) target(%dma_start3A_144 : memref<128x128xf32, #tpu.memory_space<vmem_shared>>) target_semaphore(%run_scoped3A_140 : memref<!tpu.dma_semaphore, #tpu.memory_space<semaphore_mem>>)
      %dma_wait3A_145 = arith.constant 0 : i32
      %dma_wait3A_146 = tpu.memref_slice %arg10[%add3A_55, %dma_wait3A_145] : memref<10112x128xf32, #tpu.memory_space<vmem_shared>> -> memref<128x128xf32, #tpu.memory_space<vmem_shared>>
      %dma_wait3A_147 = arith.constant 0 : i32
      %dma_wait3A_148 = tpu.memref_slice %arg10[%add3A_55, %dma_wait3A_147] : memref<10112x128xf32, #tpu.memory_space<vmem_shared>> -> memref<128x128xf32, #tpu.memory_space<vmem_shared>>
      tpu.wait_dma2 semaphore(%run_scoped3A_140 : memref<!tpu.dma_semaphore, #tpu.memory_space<semaphore_mem>>) src(%arg9 : memref<128x128xf32, #tpu.memory_space<vmem>>) dst(%dma_wait3A_148 : memref<128x128xf32, #tpu.memory_space<vmem_shared>>)
      tpu.yield
    }) : () -> ()
    %mul3A_56 = arith.constant 632 : i32
    %mul3A_57 = arith.muli %arg1, %mul3A_56 : i32
    %add3A_58 = arith.constant 128 : i32
    %add3A_59 = arith.addi %mul3A_57, %add3A_58 : i32
    "tpu.region"() ({
      %run_scoped3A_140 = tpu.sem_alloc : memref<!tpu.dma_semaphore, #tpu.memory_space<semaphore_mem>>
      %dma_start3A_141 = arith.constant 0 : i32
      %dma_start3A_142 = tpu.memref_slice %arg10[%add3A_59, %dma_start3A_141] : memref<10112x128xf32, #tpu.memory_space<vmem_shared>> -> memref<128x128xf32, #tpu.memory_space<vmem_shared>>
      %dma_start3A_143 = arith.constant 0 : i32
      %dma_start3A_144 = tpu.memref_slice %arg10[%add3A_59, %dma_start3A_143] : memref<10112x128xf32, #tpu.memory_space<vmem_shared>> -> memref<128x128xf32, #tpu.memory_space<vmem_shared>>
      tpu.enqueue_dma source(%arg9 : memref<128x128xf32, #tpu.memory_space<vmem>>) target(%dma_start3A_144 : memref<128x128xf32, #tpu.memory_space<vmem_shared>>) target_semaphore(%run_scoped3A_140 : memref<!tpu.dma_semaphore, #tpu.memory_space<semaphore_mem>>)
      %dma_wait3A_145 = arith.constant 0 : i32
      %dma_wait3A_146 = tpu.memref_slice %arg10[%add3A_59, %dma_wait3A_145] : memref<10112x128xf32, #tpu.memory_space<vmem_shared>> -> memref<128x128xf32, #tpu.memory_space<vmem_shared>>
      %dma_wait3A_147 = arith.constant 0 : i32
      %dma_wait3A_148 = tpu.memref_slice %arg10[%add3A_59, %dma_wait3A_147] : memref<10112x128xf32, #tpu.memory_space<vmem_shared>> -> memref<128x128xf32, #tpu.memory_space<vmem_shared>>
      tpu.wait_dma2 semaphore(%run_scoped3A_140 : memref<!tpu.dma_semaphore, #tpu.memory_space<semaphore_mem>>) src(%arg9 : memref<128x128xf32, #tpu.memory_space<vmem>>) dst(%dma_wait3A_148 : memref<128x128xf32, #tpu.memory_space<vmem_shared>>)
      tpu.yield
    }) : () -> ()
    %mul3A_60 = arith.constant 632 : i32
    %mul3A_61 = arith.muli %arg1, %mul3A_60 : i32
    %add3A_62 = arith.constant 256 : i32
    %add3A_63 = arith.addi %mul3A_61, %add3A_62 : i32
    "tpu.region"() ({
      %run_scoped3A_140 = tpu.sem_alloc : memref<!tpu.dma_semaphore, #tpu.memory_space<semaphore_mem>>
      %dma_start3A_141 = arith.constant 0 : i32
      %dma_start3A_142 = tpu.memref_slice %arg10[%add3A_63, %dma_start3A_141] : memref<10112x128xf32, #tpu.memory_space<vmem_shared>> -> memref<128x128xf32, #tpu.memory_space<vmem_shared>>
      %dma_start3A_143 = arith.constant 0 : i32
      %dma_start3A_144 = tpu.memref_slice %arg10[%add3A_63, %dma_start3A_143] : memref<10112x128xf32, #tpu.memory_space<vmem_shared>> -> memref<128x128xf32, #tpu.memory_space<vmem_shared>>
      tpu.enqueue_dma source(%arg9 : memref<128x128xf32, #tpu.memory_space<vmem>>) target(%dma_start3A_144 : memref<128x128xf32, #tpu.memory_space<vmem_shared>>) target_semaphore(%run_scoped3A_140 : memref<!tpu.dma_semaphore, #tpu.memory_space<semaphore_mem>>)
      %dma_wait3A_145 = arith.constant 0 : i32
      %dma_wait3A_146 = tpu.memref_slice %arg10[%add3A_63, %dma_wait3A_145] : memref<10112x128xf32, #tpu.memory_space<vmem_shared>> -> memref<128x128xf32, #tpu.memory_space<vmem_shared>>
      %dma_wait3A_147 = arith.constant 0 : i32
      %dma_wait3A_148 = tpu.memref_slice %arg10[%add3A_63, %dma_wait3A_147] : memref<10112x128xf32, #tpu.memory_space<vmem_shared>> -> memref<128x128xf32, #tpu.memory_space<vmem_shared>>
      tpu.wait_dma2 semaphore(%run_scoped3A_140 : memref<!tpu.dma_semaphore, #tpu.memory_space<semaphore_mem>>) src(%arg9 : memref<128x128xf32, #tpu.memory_space<vmem>>) dst(%dma_wait3A_148 : memref<128x128xf32, #tpu.memory_space<vmem_shared>>)
      tpu.yield
    }) : () -> ()
    %mul3A_64 = arith.constant 632 : i32
    %mul3A_65 = arith.muli %arg1, %mul3A_64 : i32
    %add3A_66 = arith.constant 384 : i32
    %add3A_67 = arith.addi %mul3A_65, %add3A_66 : i32
    "tpu.region"() ({
      %run_scoped3A_140 = tpu.sem_alloc : memref<!tpu.dma_semaphore, #tpu.memory_space<semaphore_mem>>
      %dma_start3A_141 = arith.constant 0 : i32
      %dma_start3A_142 = tpu.memref_slice %arg10[%add3A_67, %dma_start3A_141] : memref<10112x128xf32, #tpu.memory_space<vmem_shared>> -> memref<128x128xf32, #tpu.memory_space<vmem_shared>>
      %dma_start3A_143 = arith.constant 0 : i32
      %dma_start3A_144 = tpu.memref_slice %arg10[%add3A_67, %dma_start3A_143] : memref<10112x128xf32, #tpu.memory_space<vmem_shared>> -> memref<128x128xf32, #tpu.memory_space<vmem_shared>>
      tpu.enqueue_dma source(%arg9 : memref<128x128xf32, #tpu.memory_space<vmem>>) target(%dma_start3A_144 : memref<128x128xf32, #tpu.memory_space<vmem_shared>>) target_semaphore(%run_scoped3A_140 : memref<!tpu.dma_semaphore, #tpu.memory_space<semaphore_mem>>)
      %dma_wait3A_145 = arith.constant 0 : i32
      %dma_wait3A_146 = tpu.memref_slice %arg10[%add3A_67, %dma_wait3A_145] : memref<10112x128xf32, #tpu.memory_space<vmem_shared>> -> memref<128x128xf32, #tpu.memory_space<vmem_shared>>
      %dma_wait3A_147 = arith.constant 0 : i32
      %dma_wait3A_148 = tpu.memref_slice %arg10[%add3A_67, %dma_wait3A_147] : memref<10112x128xf32, #tpu.memory_space<vmem_shared>> -> memref<128x128xf32, #tpu.memory_space<vmem_shared>>
      tpu.wait_dma2 semaphore(%run_scoped3A_140 : memref<!tpu.dma_semaphore, #tpu.memory_space<semaphore_mem>>) src(%arg9 : memref<128x128xf32, #tpu.memory_space<vmem>>) dst(%dma_wait3A_148 : memref<128x128xf32, #tpu.memory_space<vmem_shared>>)
      tpu.yield
    }) : () -> ()
    %mul3A_68 = arith.constant 632 : i32
    %mul3A_69 = arith.muli %arg1, %mul3A_68 : i32
    %add3A_70 = arith.constant 512 : i32
    %add3A_71 = arith.addi %mul3A_69, %add3A_70 : i32
    "tpu.region"() ({
      %run_scoped3A_140 = tpu.sem_alloc : memref<!tpu.dma_semaphore, #tpu.memory_space<semaphore_mem>>
      %dma_start3A_141 = arith.constant 0 : i32
      %dma_start3A_142 = arith.constant 0 : i32
      %dma_start3A_143 = tpu.memref_slice %arg9[%dma_start3A_141, %dma_start3A_142] : memref<128x128xf32, #tpu.memory_space<vmem>> -> memref<120x128xf32, #tpu.memory_space<vmem>>
      %dma_start3A_144 = arith.constant 0 : i32
      %dma_start3A_145 = tpu.memref_slice %arg10[%add3A_71, %dma_start3A_144] : memref<10112x128xf32, #tpu.memory_space<vmem_shared>> -> memref<120x128xf32, #tpu.memory_space<vmem_shared>>
      %dma_start3A_146 = arith.constant 0 : i32
      %dma_start3A_147 = tpu.memref_slice %arg10[%add3A_71, %dma_start3A_146] : memref<10112x128xf32, #tpu.memory_space<vmem_shared>> -> memref<120x128xf32, #tpu.memory_space<vmem_shared>>
      %dma_start3A_148 = arith.constant 0 : i32
      %dma_start3A_149 = arith.constant 0 : i32
      %dma_start3A_150 = tpu.memref_slice %arg9[%dma_start3A_148, %dma_start3A_149] : memref<128x128xf32, #tpu.memory_space<vmem>> -> memref<120x128xf32, #tpu.memory_space<vmem>>
      tpu.enqueue_dma source(%dma_start3A_150 : memref<120x128xf32, #tpu.memory_space<vmem>>) target(%dma_start3A_147 : memref<120x128xf32, #tpu.memory_space<vmem_shared>>) target_semaphore(%run_scoped3A_140 : memref<!tpu.dma_semaphore, #tpu.memory_space<semaphore_mem>>)
      %dma_wait3A_151 = arith.constant 0 : i32
      %dma_wait3A_152 = arith.constant 0 : i32
      %dma_wait3A_153 = tpu.memref_slice %arg9[%dma_wait3A_151, %dma_wait3A_152] : memref<128x128xf32, #tpu.memory_space<vmem>> -> memref<120x128xf32, #tpu.memory_space<vmem>>
      %dma_wait3A_154 = arith.constant 0 : i32
      %dma_wait3A_155 = tpu.memref_slice %arg10[%add3A_71, %dma_wait3A_154] : memref<10112x128xf32, #tpu.memory_space<vmem_shared>> -> memref<120x128xf32, #tpu.memory_space<vmem_shared>>
      %dma_wait3A_156 = arith.constant 0 : i32
      %dma_wait3A_157 = tpu.memref_slice %arg10[%add3A_71, %dma_wait3A_156] : memref<10112x128xf32, #tpu.memory_space<vmem_shared>> -> memref<120x128xf32, #tpu.memory_space<vmem_shared>>
      %dma_wait3A_158 = arith.constant 0 : i32
      %dma_wait3A_159 = arith.constant 0 : i32
      %dma_wait3A_160 = tpu.memref_slice %arg9[%dma_wait3A_158, %dma_wait3A_159] : memref<128x128xf32, #tpu.memory_space<vmem>> -> memref<120x128xf32, #tpu.memory_space<vmem>>
      tpu.wait_dma2 semaphore(%run_scoped3A_140 : memref<!tpu.dma_semaphore, #tpu.memory_space<semaphore_mem>>) src(%dma_wait3A_160 : memref<120x128xf32, #tpu.memory_space<vmem>>) dst(%dma_wait3A_157 : memref<120x128xf32, #tpu.memory_space<vmem_shared>>)
      tpu.yield
    }) : () -> ()
    %barrier3A = arith.constant 0 : index
    tpu.barrier barrier_id(%barrier3A)
    %dma_start3A_72 = arith.constant 0 : i32
    %dma_start3A_73 = arith.constant 1 : i32
    %dma_start3A_74 = arith.constant 0 : i32
    %dma_start3A_75 = tpu.memref_slice %arg6[%dma_start3A_72, %dma_start3A_73, %dma_start3A_74] : memref<2x8x128xi32, #tpu.memory_space<vmem>> -> memref<1x1x128xi32, #tpu.memory_space<vmem>>
    %dma_start3A_76 = tpu.memref_squeeze %dma_start3A_75 : memref<1x1x128xi32, #tpu.memory_space<vmem>> -> memref<128xi32, #tpu.memory_space<vmem>>
    %dma_start3A_77 = arith.constant 0 : i32
    %dma_start3A_78 = arith.constant 0 : i32
    %dma_start3A_79 = tpu.memref_slice %arg2[%dma_start3A_77, %dma_start3A_78] : memref<10240x128xf32, #tpu.memory_space<hbm>> -> memref<10240x128xf32, #tpu.memory_space<hbm>>
    tpu.enqueue_indirect_dma source(%dma_start3A_79 : memref<10240x128xf32, #tpu.memory_space<hbm>>) target(%arg9 : memref<128x128xf32, #tpu.memory_space<vmem>>) offsets(%dma_start3A_76 : memref<128xi32, #tpu.memory_space<vmem>>) semaphore(%arg12 : memref<!tpu.dma_semaphore, #tpu.memory_space<semaphore_mem>>)
    %dma_wait3A = arith.constant 0 : i32
    %dma_wait3A_80 = arith.constant 0 : i32
    %dma_wait3A_81 = arith.constant 0 : i32
    %dma_wait3A_82 = tpu.memref_slice %arg6[%dma_wait3A, %dma_wait3A_80, %dma_wait3A_81] : memref<2x8x128xi32, #tpu.memory_space<vmem>> -> memref<1x1x128xi32, #tpu.memory_space<vmem>>
    %dma_wait3A_83 = tpu.memref_squeeze %dma_wait3A_82 : memref<1x1x128xi32, #tpu.memory_space<vmem>> -> memref<128xi32, #tpu.memory_space<vmem>>
    %dma_wait3A_84 = arith.constant 0 : i32
    %dma_wait3A_85 = arith.constant 0 : i32
    %dma_wait3A_86 = tpu.memref_slice %arg2[%dma_wait3A_84, %dma_wait3A_85] : memref<10240x128xf32, #tpu.memory_space<hbm>> -> memref<10240x128xf32, #tpu.memory_space<hbm>>
    tpu.wait_indirect_dma semaphore(%arg11 : memref<!tpu.dma_semaphore, #tpu.memory_space<semaphore_mem>>) src(%dma_wait3A_86 : memref<10240x128xf32, #tpu.memory_space<hbm>>) dst(%arg8 : memref<128x128xf32, #tpu.memory_space<vmem>>)
    %dma_start3A_87 = arith.constant 0 : i32
    %dma_start3A_88 = arith.constant 0 : i32
    %dma_start3A_89 = arith.constant 0 : i32
    %dma_start3A_90 = tpu.memref_slice %arg7[%dma_start3A_87, %dma_start3A_88, %dma_start3A_89] : memref<2x8x128xi32, #tpu.memory_space<vmem>> -> memref<1x1x128xi32, #tpu.memory_space<vmem>>
    %dma_start3A_91 = tpu.memref_squeeze %dma_start3A_90 : memref<1x1x128xi32, #tpu.memory_space<vmem>> -> memref<128xi32, #tpu.memory_space<vmem>>
    %dma_start3A_92 = arith.constant 0 : i32
    %dma_start3A_93 = arith.constant 0 : i32
    %dma_start3A_94 = tpu.memref_slice %arg10[%dma_start3A_92, %dma_start3A_93] : memref<10112x128xf32, #tpu.memory_space<vmem_shared>> -> memref<10112x128xf32, #tpu.memory_space<vmem_shared>>
    tpu.enqueue_indirect_dma source(%arg8 : memref<128x128xf32, #tpu.memory_space<vmem>>) target(%dma_start3A_94 : memref<10112x128xf32, #tpu.memory_space<vmem_shared>>) offsets(%dma_start3A_91 : memref<128xi32, #tpu.memory_space<vmem>>) semaphore(%arg13 : memref<!tpu.dma_semaphore, #tpu.memory_space<semaphore_mem>>) {add = true}
    %dma_wait3A_95 = arith.constant 0 : i32
    %dma_wait3A_96 = arith.constant 1 : i32
    %dma_wait3A_97 = arith.constant 0 : i32
    %dma_wait3A_98 = tpu.memref_slice %arg6[%dma_wait3A_95, %dma_wait3A_96, %dma_wait3A_97] : memref<2x8x128xi32, #tpu.memory_space<vmem>> -> memref<1x1x128xi32, #tpu.memory_space<vmem>>
    %dma_wait3A_99 = tpu.memref_squeeze %dma_wait3A_98 : memref<1x1x128xi32, #tpu.memory_space<vmem>> -> memref<128xi32, #tpu.memory_space<vmem>>
    %dma_wait3A_100 = arith.constant 0 : i32
    %dma_wait3A_101 = arith.constant 0 : i32
    %dma_wait3A_102 = tpu.memref_slice %arg2[%dma_wait3A_100, %dma_wait3A_101] : memref<10240x128xf32, #tpu.memory_space<hbm>> -> memref<10240x128xf32, #tpu.memory_space<hbm>>
    tpu.wait_indirect_dma semaphore(%arg12 : memref<!tpu.dma_semaphore, #tpu.memory_space<semaphore_mem>>) src(%dma_wait3A_102 : memref<10240x128xf32, #tpu.memory_space<hbm>>) dst(%arg9 : memref<128x128xf32, #tpu.memory_space<vmem>>)
    %dma_start3A_103 = arith.constant 0 : i32
    %dma_start3A_104 = arith.constant 1 : i32
    %dma_start3A_105 = arith.constant 0 : i32
    %dma_start3A_106 = tpu.memref_slice %arg7[%dma_start3A_103, %dma_start3A_104, %dma_start3A_105] : memref<2x8x128xi32, #tpu.memory_space<vmem>> -> memref<1x1x128xi32, #tpu.memory_space<vmem>>
    %dma_start3A_107 = tpu.memref_squeeze %dma_start3A_106 : memref<1x1x128xi32, #tpu.memory_space<vmem>> -> memref<128xi32, #tpu.memory_space<vmem>>
    %dma_start3A_108 = arith.constant 0 : i32
    %dma_start3A_109 = arith.constant 0 : i32
    %dma_start3A_110 = tpu.memref_slice %arg10[%dma_start3A_108, %dma_start3A_109] : memref<10112x128xf32, #tpu.memory_space<vmem_shared>> -> memref<10112x128xf32, #tpu.memory_space<vmem_shared>>
    tpu.enqueue_indirect_dma source(%arg9 : memref<128x128xf32, #tpu.memory_space<vmem>>) target(%dma_start3A_110 : memref<10112x128xf32, #tpu.memory_space<vmem_shared>>) offsets(%dma_start3A_107 : memref<128xi32, #tpu.memory_space<vmem>>) semaphore(%arg14 : memref<!tpu.dma_semaphore, #tpu.memory_space<semaphore_mem>>) {add = true}
    %scan3A_111 = arith.constant 0 : i32
    %scan3A_112 = arith.constant 39 : i32
    %scan3A_113 = arith.addi %scan3A_111, %scan3A_112 : i32
    %scan3A_114 = arith.constant 1 : i32
    scf.for %scan3A_140 = %scan3A_111 to %scan3A_113 step %scan3A_114  : i32 {
      %mul3A_141 = arith.constant 2 : i32
      %mul3A_142 = arith.muli %scan3A_140, %mul3A_141 : i32
      %add3A_143 = arith.constant 2 : i32
      %add3A_144 = arith.addi %add3A_143, %mul3A_142 : i32
      %jit3A = arith.constant 8 : i32
      %div3A = arith.divsi %add3A_144, %jit3A : i32
      %sign3A = arith.constant 0 : i32
      %sign3A_145 = arith.cmpi sgt, %add3A_144, %sign3A : i32
      %sign3A_146 = arith.extui %sign3A_145 : i1 to i32
      %sign3A_147 = arith.constant 0 : i32
      %sign3A_148 = arith.cmpi slt, %add3A_144, %sign3A_147 : i32
      %sign3A_149 = arith.extui %sign3A_148 : i1 to i32
      %sign3A_150 = arith.subi %sign3A_146, %sign3A_149 : i32
      %sign3A_151 = arith.constant 0 : i32
      %sign3A_152 = arith.cmpi sgt, %jit3A, %sign3A_151 : i32
      %sign3A_153 = arith.extui %sign3A_152 : i1 to i32
      %sign3A_154 = arith.constant 0 : i32
      %sign3A_155 = arith.cmpi slt, %jit3A, %sign3A_154 : i32
      %sign3A_156 = arith.extui %sign3A_155 : i1 to i32
      %sign3A_157 = arith.subi %sign3A_153, %sign3A_156 : i32
      %ne3A = arith.cmpi ne, %sign3A_150, %sign3A_157 : i32
      %rem3A = arith.remsi %add3A_144, %jit3A : i32
      %ne3A_158 = arith.constant 0 : i32
      %ne3A_159 = arith.cmpi ne, %rem3A, %ne3A_158 : i32
      %and3A = arith.andi %ne3A, %ne3A_159 : i1
      %sub3A = arith.constant 1 : i32
      %sub3A_160 = arith.subi %div3A, %sub3A : i32
      %select_n3A = arith.select %and3A, %sub3A_160, %div3A : i32
      %jit3A_161 = arith.constant 8 : i32
      %eq3A = arith.constant 0 : i32
      %eq3A_162 = arith.cmpi eq, %jit3A_161, %eq3A : i32
      %jit3A_163 = arith.constant 1 : i32
      %select_n3A_164 = arith.select %eq3A_162, %jit3A_163, %jit3A_161 : i32
      %rem3A_165 = arith.remsi %add3A_144, %select_n3A_164 : i32
      %ne3A_166 = arith.constant 0 : i32
      %ne3A_167 = arith.cmpi ne, %rem3A_165, %ne3A_166 : i32
      %lt3A = arith.constant 0 : i32
      %lt3A_168 = arith.cmpi slt, %rem3A_165, %lt3A : i32
      %lt3A_169 = arith.constant 0 : i32
      %lt3A_170 = arith.cmpi slt, %select_n3A_164, %lt3A_169 : i32
      %ne3A_171 = arith.xori %lt3A_168, %lt3A_170 : i1
      %and3A_172 = arith.andi %ne3A_171, %ne3A_167 : i1
      %add3A_173 = arith.addi %rem3A_165, %select_n3A_164 : i32
      %select_n3A_174 = arith.select %and3A_172, %add3A_173, %rem3A_165 : i32
      %jit3A_175 = arith.constant 2 : i32
      %eq3A_176 = arith.constant 0 : i32
      %eq3A_177 = arith.cmpi eq, %jit3A_175, %eq3A_176 : i32
      %jit3A_178 = arith.constant 1 : i32
      %select_n3A_179 = arith.select %eq3A_177, %jit3A_178, %jit3A_175 : i32
      %rem3A_180 = arith.remsi %select_n3A, %select_n3A_179 : i32
      %ne3A_181 = arith.constant 0 : i32
      %ne3A_182 = arith.cmpi ne, %rem3A_180, %ne3A_181 : i32
      %lt3A_183 = arith.constant 0 : i32
      %lt3A_184 = arith.cmpi slt, %rem3A_180, %lt3A_183 : i32
      %lt3A_185 = arith.constant 0 : i32
      %lt3A_186 = arith.cmpi slt, %select_n3A_179, %lt3A_185 : i32
      %ne3A_187 = arith.xori %lt3A_184, %lt3A_186 : i1
      %and3A_188 = arith.andi %ne3A_187, %ne3A_182 : i1
      %add3A_189 = arith.addi %rem3A_180, %select_n3A_179 : i32
      %select_n3A_190 = arith.select %and3A_188, %add3A_189, %rem3A_180 : i32
      %eq3A_191 = arith.constant 0 : i32
      %eq3A_192 = arith.cmpi eq, %select_n3A_174, %eq3A_191 : i32
      %convert_element_type3A = arith.extui %eq3A_192 : i1 to i32
      %cond3A = arith.constant 0 : i32
      %cond3A_193 = arith.cmpi ne, %convert_element_type3A, %cond3A : i32
      scf.if %cond3A_193 {
        %dma_wait3A_266 = arith.constant 0 : i32
        %dma_wait3A_267 = arith.constant 0 : i32
        %dma_wait3A_268 = arith.constant 0 : i32
        %dma_wait3A_269 = arith.constant 0 : i32
        %dma_wait3A_270 = tpu.memref_slice %arg6[%dma_wait3A_267, %dma_wait3A_268, %dma_wait3A_269] : memref<2x8x128xi32, #tpu.memory_space<vmem>> -> memref<1x8x128xi32, #tpu.memory_space<vmem>>
        %dma_wait3A_271 = tpu.memref_squeeze %dma_wait3A_270 : memref<1x8x128xi32, #tpu.memory_space<vmem>> -> memref<8x128xi32, #tpu.memory_space<vmem>>
        %dma_wait3A_272 = arith.constant 0 : i32
        %dma_wait3A_273 = arith.constant 0 : i32
        %dma_wait3A_274 = tpu.memref_slice %arg3[%add3A, %dma_wait3A_266, %dma_wait3A_272, %dma_wait3A_273] : memref<32x10x8x128xi32, #tpu.memory_space<hbm>> -> memref<1x1x8x128xi32, #tpu.memory_space<hbm>>
        %dma_wait3A_275 = tpu.memref_squeeze %dma_wait3A_274 : memref<1x1x8x128xi32, #tpu.memory_space<hbm>> -> memref<8x128xi32, #tpu.memory_space<hbm>>
        %dma_wait3A_276 = arith.constant 0 : i32
        %dma_wait3A_277 = arith.constant 0 : i32
        %dma_wait3A_278 = tpu.memref_slice %arg6[%dma_wait3A_267, %dma_wait3A_276, %dma_wait3A_277] : memref<2x8x128xi32, #tpu.memory_space<vmem>> -> memref<1x8x128xi32, #tpu.memory_space<vmem>>
        %dma_wait3A_279 = tpu.memref_squeeze %dma_wait3A_278 : memref<1x8x128xi32, #tpu.memory_space<vmem>> -> memref<8x128xi32, #tpu.memory_space<vmem>>
        %dma_wait3A_280 = arith.constant 0 : i32
        %dma_wait3A_281 = arith.constant 0 : i32
        %dma_wait3A_282 = tpu.memref_slice %arg3[%add3A, %dma_wait3A_266, %dma_wait3A_280, %dma_wait3A_281] : memref<32x10x8x128xi32, #tpu.memory_space<hbm>> -> memref<1x1x8x128xi32, #tpu.memory_space<hbm>>
        %dma_wait3A_283 = tpu.memref_squeeze %dma_wait3A_282 : memref<1x1x8x128xi32, #tpu.memory_space<hbm>> -> memref<8x128xi32, #tpu.memory_space<hbm>>
        tpu.wait_dma2 semaphore(%arg15 : memref<!tpu.dma_semaphore, #tpu.memory_space<semaphore_mem>>) src(%dma_wait3A_283 : memref<8x128xi32, #tpu.memory_space<hbm>>) dst(%dma_wait3A_279 : memref<8x128xi32, #tpu.memory_space<vmem>>)
        %dma_wait3A_284 = arith.constant 0 : i32
        %dma_wait3A_285 = arith.constant 0 : i32
        %dma_wait3A_286 = arith.constant 0 : i32
        %dma_wait3A_287 = arith.constant 0 : i32
        %dma_wait3A_288 = tpu.memref_slice %arg7[%dma_wait3A_285, %dma_wait3A_286, %dma_wait3A_287] : memref<2x8x128xi32, #tpu.memory_space<vmem>> -> memref<1x8x128xi32, #tpu.memory_space<vmem>>
        %dma_wait3A_289 = tpu.memref_squeeze %dma_wait3A_288 : memref<1x8x128xi32, #tpu.memory_space<vmem>> -> memref<8x128xi32, #tpu.memory_space<vmem>>
        %dma_wait3A_290 = arith.constant 0 : i32
        %dma_wait3A_291 = arith.constant 0 : i32
        %dma_wait3A_292 = tpu.memref_slice %arg4[%add3A, %dma_wait3A_284, %dma_wait3A_290, %dma_wait3A_291] : memref<32x10x8x128xi32, #tpu.memory_space<hbm>> -> memref<1x1x8x128xi32, #tpu.memory_space<hbm>>
        %dma_wait3A_293 = tpu.memref_squeeze %dma_wait3A_292 : memref<1x1x8x128xi32, #tpu.memory_space<hbm>> -> memref<8x128xi32, #tpu.memory_space<hbm>>
        %dma_wait3A_294 = arith.constant 0 : i32
        %dma_wait3A_295 = arith.constant 0 : i32
        %dma_wait3A_296 = tpu.memref_slice %arg7[%dma_wait3A_285, %dma_wait3A_294, %dma_wait3A_295] : memref<2x8x128xi32, #tpu.memory_space<vmem>> -> memref<1x8x128xi32, #tpu.memory_space<vmem>>
        %dma_wait3A_297 = tpu.memref_squeeze %dma_wait3A_296 : memref<1x8x128xi32, #tpu.memory_space<vmem>> -> memref<8x128xi32, #tpu.memory_space<vmem>>
        %dma_wait3A_298 = arith.constant 0 : i32
        %dma_wait3A_299 = arith.constant 0 : i32
        %dma_wait3A_300 = tpu.memref_slice %arg4[%add3A, %dma_wait3A_284, %dma_wait3A_298, %dma_wait3A_299] : memref<32x10x8x128xi32, #tpu.memory_space<hbm>> -> memref<1x1x8x128xi32, #tpu.memory_space<hbm>>
        %dma_wait3A_301 = tpu.memref_squeeze %dma_wait3A_300 : memref<1x1x8x128xi32, #tpu.memory_space<hbm>> -> memref<8x128xi32, #tpu.memory_space<hbm>>
        tpu.wait_dma2 semaphore(%arg15 : memref<!tpu.dma_semaphore, #tpu.memory_space<semaphore_mem>>) src(%dma_wait3A_301 : memref<8x128xi32, #tpu.memory_space<hbm>>) dst(%dma_wait3A_297 : memref<8x128xi32, #tpu.memory_space<vmem>>)
      } else {
      }
      %eq3A_194 = arith.constant 0 : i32
      %eq3A_195 = arith.cmpi eq, %select_n3A_174, %eq3A_194 : i32
      %lt3A_196 = arith.constant 9 : i32
      %lt3A_197 = arith.cmpi slt, %select_n3A, %lt3A_196 : i32
      %and3A_198 = arith.andi %eq3A_195, %lt3A_197 : i1
      %convert_element_type3A_199 = arith.extui %and3A_198 : i1 to i32
      %cond3A_200 = arith.constant 0 : i32
      %cond3A_201 = arith.cmpi ne, %convert_element_type3A_199, %cond3A_200 : i32
      scf.if %cond3A_201 {
        %add3A_266 = arith.constant 1 : i32
        %add3A_267 = arith.addi %select_n3A, %add3A_266 : i32
        %sub3A_268 = arith.constant 1 : i32
        %sub3A_269 = arith.subi %sub3A_268, %select_n3A_190 : i32
        %dma_start3A_270 = arith.constant 0 : i32
        %dma_start3A_271 = arith.constant 0 : i32
        %dma_start3A_272 = tpu.memref_slice %arg6[%sub3A_269, %dma_start3A_270, %dma_start3A_271] : memref<2x8x128xi32, #tpu.memory_space<vmem>> -> memref<1x8x128xi32, #tpu.memory_space<vmem>>
        %dma_start3A_273 = tpu.memref_squeeze %dma_start3A_272 : memref<1x8x128xi32, #tpu.memory_space<vmem>> -> memref<8x128xi32, #tpu.memory_space<vmem>>
        %dma_start3A_274 = arith.constant 0 : i32
        %dma_start3A_275 = arith.constant 0 : i32
        %dma_start3A_276 = tpu.memref_slice %arg3[%add3A, %add3A_267, %dma_start3A_274, %dma_start3A_275] : memref<32x10x8x128xi32, #tpu.memory_space<hbm>> -> memref<1x1x8x128xi32, #tpu.memory_space<hbm>>
        %dma_start3A_277 = tpu.memref_squeeze %dma_start3A_276 : memref<1x1x8x128xi32, #tpu.memory_space<hbm>> -> memref<8x128xi32, #tpu.memory_space<hbm>>
        %dma_start3A_278 = arith.constant 0 : i32
        %dma_start3A_279 = arith.constant 0 : i32
        %dma_start3A_280 = tpu.memref_slice %arg6[%sub3A_269, %dma_start3A_278, %dma_start3A_279] : memref<2x8x128xi32, #tpu.memory_space<vmem>> -> memref<1x8x128xi32, #tpu.memory_space<vmem>>
        %dma_start3A_281 = tpu.memref_squeeze %dma_start3A_280 : memref<1x8x128xi32, #tpu.memory_space<vmem>> -> memref<8x128xi32, #tpu.memory_space<vmem>>
        %dma_start3A_282 = arith.constant 0 : i32
        %dma_start3A_283 = arith.constant 0 : i32
        %dma_start3A_284 = tpu.memref_slice %arg3[%add3A, %add3A_267, %dma_start3A_282, %dma_start3A_283] : memref<32x10x8x128xi32, #tpu.memory_space<hbm>> -> memref<1x1x8x128xi32, #tpu.memory_space<hbm>>
        %dma_start3A_285 = tpu.memref_squeeze %dma_start3A_284 : memref<1x1x8x128xi32, #tpu.memory_space<hbm>> -> memref<8x128xi32, #tpu.memory_space<hbm>>
        tpu.enqueue_dma source(%dma_start3A_285 : memref<8x128xi32, #tpu.memory_space<hbm>>) target(%dma_start3A_281 : memref<8x128xi32, #tpu.memory_space<vmem>>) target_semaphore(%arg15 : memref<!tpu.dma_semaphore, #tpu.memory_space<semaphore_mem>>)
        %add3A_286 = arith.constant 1 : i32
        %add3A_287 = arith.addi %select_n3A, %add3A_286 : i32
        %sub3A_288 = arith.constant 1 : i32
        %sub3A_289 = arith.subi %sub3A_288, %select_n3A_190 : i32
        %dma_start3A_290 = arith.constant 0 : i32
        %dma_start3A_291 = arith.constant 0 : i32
        %dma_start3A_292 = tpu.memref_slice %arg7[%sub3A_289, %dma_start3A_290, %dma_start3A_291] : memref<2x8x128xi32, #tpu.memory_space<vmem>> -> memref<1x8x128xi32, #tpu.memory_space<vmem>>
        %dma_start3A_293 = tpu.memref_squeeze %dma_start3A_292 : memref<1x8x128xi32, #tpu.memory_space<vmem>> -> memref<8x128xi32, #tpu.memory_space<vmem>>
        %dma_start3A_294 = arith.constant 0 : i32
        %dma_start3A_295 = arith.constant 0 : i32
        %dma_start3A_296 = tpu.memref_slice %arg4[%add3A, %add3A_287, %dma_start3A_294, %dma_start3A_295] : memref<32x10x8x128xi32, #tpu.memory_space<hbm>> -> memref<1x1x8x128xi32, #tpu.memory_space<hbm>>
        %dma_start3A_297 = tpu.memref_squeeze %dma_start3A_296 : memref<1x1x8x128xi32, #tpu.memory_space<hbm>> -> memref<8x128xi32, #tpu.memory_space<hbm>>
        %dma_start3A_298 = arith.constant 0 : i32
        %dma_start3A_299 = arith.constant 0 : i32
        %dma_start3A_300 = tpu.memref_slice %arg7[%sub3A_289, %dma_start3A_298, %dma_start3A_299] : memref<2x8x128xi32, #tpu.memory_space<vmem>> -> memref<1x8x128xi32, #tpu.memory_space<vmem>>
        %dma_start3A_301 = tpu.memref_squeeze %dma_start3A_300 : memref<1x8x128xi32, #tpu.memory_space<vmem>> -> memref<8x128xi32, #tpu.memory_space<vmem>>
        %dma_start3A_302 = arith.constant 0 : i32
        %dma_start3A_303 = arith.constant 0 : i32
        %dma_start3A_304 = tpu.memref_slice %arg4[%add3A, %add3A_287, %dma_start3A_302, %dma_start3A_303] : memref<32x10x8x128xi32, #tpu.memory_space<hbm>> -> memref<1x1x8x128xi32, #tpu.memory_space<hbm>>
        %dma_start3A_305 = tpu.memref_squeeze %dma_start3A_304 : memref<1x1x8x128xi32, #tpu.memory_space<hbm>> -> memref<8x128xi32, #tpu.memory_space<hbm>>
        tpu.enqueue_dma source(%dma_start3A_305 : memref<8x128xi32, #tpu.memory_space<hbm>>) target(%dma_start3A_301 : memref<8x128xi32, #tpu.memory_space<vmem>>) target_semaphore(%arg15 : memref<!tpu.dma_semaphore, #tpu.memory_space<semaphore_mem>>)
      } else {
      }
      %dma_wait3A_202 = arith.constant 0 : i32
      %dma_wait3A_203 = arith.constant 0 : i32
      %dma_wait3A_204 = arith.constant 0 : i32
      %dma_wait3A_205 = tpu.memref_slice %arg7[%dma_wait3A_202, %dma_wait3A_203, %dma_wait3A_204] : memref<2x8x128xi32, #tpu.memory_space<vmem>> -> memref<1x1x128xi32, #tpu.memory_space<vmem>>
      %dma_wait3A_206 = tpu.memref_squeeze %dma_wait3A_205 : memref<1x1x128xi32, #tpu.memory_space<vmem>> -> memref<128xi32, #tpu.memory_space<vmem>>
      %dma_wait3A_207 = arith.constant 0 : i32
      %dma_wait3A_208 = arith.constant 0 : i32
      %dma_wait3A_209 = tpu.memref_slice %arg10[%dma_wait3A_207, %dma_wait3A_208] : memref<10112x128xf32, #tpu.memory_space<vmem_shared>> -> memref<10112x128xf32, #tpu.memory_space<vmem_shared>>
      tpu.wait_indirect_dma semaphore(%arg13 : memref<!tpu.dma_semaphore, #tpu.memory_space<semaphore_mem>>) src(%arg8 : memref<128x128xf32, #tpu.memory_space<vmem>>) dst(%dma_wait3A_209 : memref<10112x128xf32, #tpu.memory_space<vmem_shared>>)
      %add3A_210 = arith.constant 0 : i32
      %add3A_211 = arith.addi %select_n3A_174, %add3A_210 : i32
      %dma_start3A_212 = arith.constant 0 : i32
      %dma_start3A_213 = tpu.memref_slice %arg6[%select_n3A_190, %add3A_211, %dma_start3A_212] : memref<2x8x128xi32, #tpu.memory_space<vmem>> -> memref<1x1x128xi32, #tpu.memory_space<vmem>>
      %dma_start3A_214 = tpu.memref_squeeze %dma_start3A_213 : memref<1x1x128xi32, #tpu.memory_space<vmem>> -> memref<128xi32, #tpu.memory_space<vmem>>
      %dma_start3A_215 = arith.constant 0 : i32
      %dma_start3A_216 = arith.constant 0 : i32
      %dma_start3A_217 = tpu.memref_slice %arg2[%dma_start3A_215, %dma_start3A_216] : memref<10240x128xf32, #tpu.memory_space<hbm>> -> memref<10240x128xf32, #tpu.memory_space<hbm>>
      tpu.enqueue_indirect_dma source(%dma_start3A_217 : memref<10240x128xf32, #tpu.memory_space<hbm>>) target(%arg8 : memref<128x128xf32, #tpu.memory_space<vmem>>) offsets(%dma_start3A_214 : memref<128xi32, #tpu.memory_space<vmem>>) semaphore(%arg11 : memref<!tpu.dma_semaphore, #tpu.memory_space<semaphore_mem>>)
      %dma_wait3A_218 = arith.constant 0 : i32
      %dma_wait3A_219 = arith.constant 0 : i32
      %dma_wait3A_220 = arith.constant 0 : i32
      %dma_wait3A_221 = tpu.memref_slice %arg7[%dma_wait3A_218, %dma_wait3A_219, %dma_wait3A_220] : memref<2x8x128xi32, #tpu.memory_space<vmem>> -> memref<1x1x128xi32, #tpu.memory_space<vmem>>
      %dma_wait3A_222 = tpu.memref_squeeze %dma_wait3A_221 : memref<1x1x128xi32, #tpu.memory_space<vmem>> -> memref<128xi32, #tpu.memory_space<vmem>>
      %dma_wait3A_223 = arith.constant 0 : i32
      %dma_wait3A_224 = arith.constant 0 : i32
      %dma_wait3A_225 = tpu.memref_slice %arg10[%dma_wait3A_223, %dma_wait3A_224] : memref<10112x128xf32, #tpu.memory_space<vmem_shared>> -> memref<10112x128xf32, #tpu.memory_space<vmem_shared>>
      tpu.wait_indirect_dma semaphore(%arg14 : memref<!tpu.dma_semaphore, #tpu.memory_space<semaphore_mem>>) src(%arg9 : memref<128x128xf32, #tpu.memory_space<vmem>>) dst(%dma_wait3A_225 : memref<10112x128xf32, #tpu.memory_space<vmem_shared>>)
      %add3A_226 = arith.constant 1 : i32
      %add3A_227 = arith.addi %select_n3A_174, %add3A_226 : i32
      %dma_start3A_228 = arith.constant 0 : i32
      %dma_start3A_229 = tpu.memref_slice %arg6[%select_n3A_190, %add3A_227, %dma_start3A_228] : memref<2x8x128xi32, #tpu.memory_space<vmem>> -> memref<1x1x128xi32, #tpu.memory_space<vmem>>
      %dma_start3A_230 = tpu.memref_squeeze %dma_start3A_229 : memref<1x1x128xi32, #tpu.memory_space<vmem>> -> memref<128xi32, #tpu.memory_space<vmem>>
      %dma_start3A_231 = arith.constant 0 : i32
      %dma_start3A_232 = arith.constant 0 : i32
      %dma_start3A_233 = tpu.memref_slice %arg2[%dma_start3A_231, %dma_start3A_232] : memref<10240x128xf32, #tpu.memory_space<hbm>> -> memref<10240x128xf32, #tpu.memory_space<hbm>>
      tpu.enqueue_indirect_dma source(%dma_start3A_233 : memref<10240x128xf32, #tpu.memory_space<hbm>>) target(%arg9 : memref<128x128xf32, #tpu.memory_space<vmem>>) offsets(%dma_start3A_230 : memref<128xi32, #tpu.memory_space<vmem>>) semaphore(%arg12 : memref<!tpu.dma_semaphore, #tpu.memory_space<semaphore_mem>>)
      %add3A_234 = arith.constant 0 : i32
      %add3A_235 = arith.addi %select_n3A_174, %add3A_234 : i32
      %dma_wait3A_236 = arith.constant 0 : i32
      %dma_wait3A_237 = tpu.memref_slice %arg6[%select_n3A_190, %add3A_235, %dma_wait3A_236] : memref<2x8x128xi32, #tpu.memory_space<vmem>> -> memref<1x1x128xi32, #tpu.memory_space<vmem>>
      %dma_wait3A_238 = tpu.memref_squeeze %dma_wait3A_237 : memref<1x1x128xi32, #tpu.memory_space<vmem>> -> memref<128xi32, #tpu.memory_space<vmem>>
      %dma_wait3A_239 = arith.constant 0 : i32
      %dma_wait3A_240 = arith.constant 0 : i32
      %dma_wait3A_241 = tpu.memref_slice %arg2[%dma_wait3A_239, %dma_wait3A_240] : memref<10240x128xf32, #tpu.memory_space<hbm>> -> memref<10240x128xf32, #tpu.memory_space<hbm>>
      tpu.wait_indirect_dma semaphore(%arg11 : memref<!tpu.dma_semaphore, #tpu.memory_space<semaphore_mem>>) src(%dma_wait3A_241 : memref<10240x128xf32, #tpu.memory_space<hbm>>) dst(%arg8 : memref<128x128xf32, #tpu.memory_space<vmem>>)
      %add3A_242 = arith.constant 0 : i32
      %add3A_243 = arith.addi %select_n3A_174, %add3A_242 : i32
      %dma_start3A_244 = arith.constant 0 : i32
      %dma_start3A_245 = tpu.memref_slice %arg7[%select_n3A_190, %add3A_243, %dma_start3A_244] : memref<2x8x128xi32, #tpu.memory_space<vmem>> -> memref<1x1x128xi32, #tpu.memory_space<vmem>>
      %dma_start3A_246 = tpu.memref_squeeze %dma_start3A_245 : memref<1x1x128xi32, #tpu.memory_space<vmem>> -> memref<128xi32, #tpu.memory_space<vmem>>
      %dma_start3A_247 = arith.constant 0 : i32
      %dma_start3A_248 = arith.constant 0 : i32
      %dma_start3A_249 = tpu.memref_slice %arg10[%dma_start3A_247, %dma_start3A_248] : memref<10112x128xf32, #tpu.memory_space<vmem_shared>> -> memref<10112x128xf32, #tpu.memory_space<vmem_shared>>
      tpu.enqueue_indirect_dma source(%arg8 : memref<128x128xf32, #tpu.memory_space<vmem>>) target(%dma_start3A_249 : memref<10112x128xf32, #tpu.memory_space<vmem_shared>>) offsets(%dma_start3A_246 : memref<128xi32, #tpu.memory_space<vmem>>) semaphore(%arg13 : memref<!tpu.dma_semaphore, #tpu.memory_space<semaphore_mem>>) {add = true}
      %add3A_250 = arith.constant 1 : i32
      %add3A_251 = arith.addi %select_n3A_174, %add3A_250 : i32
      %dma_wait3A_252 = arith.constant 0 : i32
      %dma_wait3A_253 = tpu.memref_slice %arg6[%select_n3A_190, %add3A_251, %dma_wait3A_252] : memref<2x8x128xi32, #tpu.memory_space<vmem>> -> memref<1x1x128xi32, #tpu.memory_space<vmem>>
      %dma_wait3A_254 = tpu.memref_squeeze %dma_wait3A_253 : memref<1x1x128xi32, #tpu.memory_space<vmem>> -> memref<128xi32, #tpu.memory_space<vmem>>
      %dma_wait3A_255 = arith.constant 0 : i32
      %dma_wait3A_256 = arith.constant 0 : i32
      %dma_wait3A_257 = tpu.memref_slice %arg2[%dma_wait3A_255, %dma_wait3A_256] : memref<10240x128xf32, #tpu.memory_space<hbm>> -> memref<10240x128xf32, #tpu.memory_space<hbm>>
      tpu.wait_indirect_dma semaphore(%arg12 : memref<!tpu.dma_semaphore, #tpu.memory_space<semaphore_mem>>) src(%dma_wait3A_257 : memref<10240x128xf32, #tpu.memory_space<hbm>>) dst(%arg9 : memref<128x128xf32, #tpu.memory_space<vmem>>)
      %add3A_258 = arith.constant 1 : i32
      %add3A_259 = arith.addi %select_n3A_174, %add3A_258 : i32
      %dma_start3A_260 = arith.constant 0 : i32
      %dma_start3A_261 = tpu.memref_slice %arg7[%select_n3A_190, %add3A_259, %dma_start3A_260] : memref<2x8x128xi32, #tpu.memory_space<vmem>> -> memref<1x1x128xi32, #tpu.memory_space<vmem>>
      %dma_start3A_262 = tpu.memref_squeeze %dma_start3A_261 : memref<1x1x128xi32, #tpu.memory_space<vmem>> -> memref<128xi32, #tpu.memory_space<vmem>>
      %dma_start3A_263 = arith.constant 0 : i32
      %dma_start3A_264 = arith.constant 0 : i32
      %dma_start3A_265 = tpu.memref_slice %arg10[%dma_start3A_263, %dma_start3A_264] : memref<10112x128xf32, #tpu.memory_space<vmem_shared>> -> memref<10112x128xf32, #tpu.memory_space<vmem_shared>>
      tpu.enqueue_indirect_dma source(%arg9 : memref<128x128xf32, #tpu.memory_space<vmem>>) target(%dma_start3A_265 : memref<10112x128xf32, #tpu.memory_space<vmem_shared>>) offsets(%dma_start3A_262 : memref<128xi32, #tpu.memory_space<vmem>>) semaphore(%arg14 : memref<!tpu.dma_semaphore, #tpu.memory_space<semaphore_mem>>) {add = true}
    }
    %scan3A_115 = arith.constant 39 : i32
    %dma_wait3A_116 = arith.constant 0 : i32
    %dma_wait3A_117 = arith.constant 0 : i32
    %dma_wait3A_118 = arith.constant 0 : i32
    %dma_wait3A_119 = tpu.memref_slice %arg7[%dma_wait3A_116, %dma_wait3A_117, %dma_wait3A_118] : memref<2x8x128xi32, #tpu.memory_space<vmem>> -> memref<1x1x128xi32, #tpu.memory_space<vmem>>
    %dma_wait3A_120 = tpu.memref_squeeze %dma_wait3A_119 : memref<1x1x128xi32, #tpu.memory_space<vmem>> -> memref<128xi32, #tpu.memory_space<vmem>>
    %dma_wait3A_121 = arith.constant 0 : i32
    %dma_wait3A_122 = arith.constant 0 : i32
    %dma_wait3A_123 = tpu.memref_slice %arg10[%dma_wait3A_121, %dma_wait3A_122] : memref<10112x128xf32, #tpu.memory_space<vmem_shared>> -> memref<10112x128xf32, #tpu.memory_space<vmem_shared>>
    tpu.wait_indirect_dma semaphore(%arg13 : memref<!tpu.dma_semaphore, #tpu.memory_space<semaphore_mem>>) src(%arg8 : memref<128x128xf32, #tpu.memory_space<vmem>>) dst(%dma_wait3A_123 : memref<10112x128xf32, #tpu.memory_space<vmem_shared>>)
    %dma_wait3A_124 = arith.constant 0 : i32
    %dma_wait3A_125 = arith.constant 0 : i32
    %dma_wait3A_126 = arith.constant 0 : i32
    %dma_wait3A_127 = tpu.memref_slice %arg7[%dma_wait3A_124, %dma_wait3A_125, %dma_wait3A_126] : memref<2x8x128xi32, #tpu.memory_space<vmem>> -> memref<1x1x128xi32, #tpu.memory_space<vmem>>
    %dma_wait3A_128 = tpu.memref_squeeze %dma_wait3A_127 : memref<1x1x128xi32, #tpu.memory_space<vmem>> -> memref<128xi32, #tpu.memory_space<vmem>>
    %dma_wait3A_129 = arith.constant 0 : i32
    %dma_wait3A_130 = arith.constant 0 : i32
    %dma_wait3A_131 = tpu.memref_slice %arg10[%dma_wait3A_129, %dma_wait3A_130] : memref<10112x128xf32, #tpu.memory_space<vmem_shared>> -> memref<10112x128xf32, #tpu.memory_space<vmem_shared>>
    tpu.wait_indirect_dma semaphore(%arg14 : memref<!tpu.dma_semaphore, #tpu.memory_space<semaphore_mem>>) src(%arg9 : memref<128x128xf32, #tpu.memory_space<vmem>>) dst(%dma_wait3A_131 : memref<10112x128xf32, #tpu.memory_space<vmem_shared>>)
    %barrier3A_132 = arith.constant 0 : index
    tpu.barrier barrier_id(%barrier3A_132)
    %mul3A_133 = arith.constant 632 : i32
    %mul3A_134 = arith.muli %arg1, %mul3A_133 : i32
    %mul3A_135 = arith.constant 10240 : i32
    %mul3A_136 = arith.muli %arg0, %mul3A_135 : i32
    %mul3A_137 = arith.constant 632 : i32
    %mul3A_138 = arith.muli %arg1, %mul3A_137 : i32
    %add3A_139 = arith.addi %mul3A_136, %mul3A_138 : i32
    "tpu.region"() ({
      %run_scoped3A_140 = tpu.sem_alloc : memref<!tpu.dma_semaphore, #tpu.memory_space<semaphore_mem>>
      %dma_start3A_141 = arith.constant 0 : i32
      %dma_start3A_142 = tpu.memref_slice %arg5[%add3A_139, %dma_start3A_141] : memref<20480x128xf32, #tpu.memory_space<hbm>> -> memref<632x128xf32, #tpu.memory_space<hbm>>
      %dma_start3A_143 = arith.constant 0 : i32
      %dma_start3A_144 = tpu.memref_slice %arg10[%mul3A_134, %dma_start3A_143] : memref<10112x128xf32, #tpu.memory_space<vmem_shared>> -> memref<632x128xf32, #tpu.memory_space<vmem_shared>>
      tpu.enqueue_dma source(%dma_start3A_144 : memref<632x128xf32, #tpu.memory_space<vmem_shared>>) target(%dma_start3A_142 : memref<632x128xf32, #tpu.memory_space<hbm>>) target_semaphore(%run_scoped3A_140 : memref<!tpu.dma_semaphore, #tpu.memory_space<semaphore_mem>>)
      %dma_wait3A_145 = arith.constant 0 : i32
      %dma_wait3A_146 = tpu.memref_slice %arg5[%add3A_139, %dma_wait3A_145] : memref<20480x128xf32, #tpu.memory_space<hbm>> -> memref<632x128xf32, #tpu.memory_space<hbm>>
      %dma_wait3A_147 = arith.constant 0 : i32
      %dma_wait3A_148 = tpu.memref_slice %arg10[%mul3A_134, %dma_wait3A_147] : memref<10112x128xf32, #tpu.memory_space<vmem_shared>> -> memref<632x128xf32, #tpu.memory_space<vmem_shared>>
      tpu.wait_dma2 semaphore(%run_scoped3A_140 : memref<!tpu.dma_semaphore, #tpu.memory_space<semaphore_mem>>) src(%dma_wait3A_148 : memref<632x128xf32, #tpu.memory_space<vmem_shared>>) dst(%dma_wait3A_146 : memref<632x128xf32, #tpu.memory_space<hbm>>)
      tpu.yield
    }) : () -> ()
    return
  }
}

#map = affine_map<(d0, d1) -> (0, 0, 0)>
#map1 = affine_map<(d0, d1) -> (0, 0)>
module attributes {stable_mosaic.version = 14 : i64} {
  func.func @_sc_degree(%arg0: i32, %arg1: i32, %arg2: memref<32x80x128xi32, #tpu.memory_space<hbm>>, %arg3: memref<20480x128xf32, #tpu.memory_space<hbm>>, %arg4: memref<80x128xi32, #tpu.memory_space<vmem>>, %arg5: memref<128x128xf32, #tpu.memory_space<vmem>>, %arg6: memref<10112x128xf32, #tpu.memory_space<vmem_shared>>, %arg7: memref<!tpu.dma_semaphore, #tpu.memory_space<semaphore_mem>>, %arg8: memref<!tpu.dma_semaphore, #tpu.memory_space<semaphore_mem>>) attributes {dimension_semantics = [#tpu.dimension_semantics<core_parallel>, #tpu.dimension_semantics<subcore_parallel>], iteration_bounds = array<i64: 2, 16>, scalar_prefetch = 0 : i64, scratch_operands = 5 : i64, tpu.core_type = #tpu.core_type<sc_vector_subcore>, window_params = [{transform_indices = #map}, {transform_indices = #map1}]} {
    %mul3A = arith.constant 2 : i32
    %mul3A_0 = arith.muli %arg1, %mul3A : i32
    %add3A = arith.addi %mul3A_0, %arg0 : i32
    "tpu.region"() ({
      %run_scoped3A = tpu.sem_alloc : memref<!tpu.dma_semaphore, #tpu.memory_space<semaphore_mem>>
      %dma_start3A_71 = arith.constant 0 : i32
      %dma_start3A_72 = arith.constant 0 : i32
      %dma_start3A_73 = tpu.memref_slice %arg2[%add3A, %dma_start3A_71, %dma_start3A_72] : memref<32x80x128xi32, #tpu.memory_space<hbm>> -> memref<1x80x128xi32, #tpu.memory_space<hbm>>
      %dma_start3A_74 = tpu.memref_squeeze %dma_start3A_73 : memref<1x80x128xi32, #tpu.memory_space<hbm>> -> memref<80x128xi32, #tpu.memory_space<hbm>>
      %dma_start3A_75 = arith.constant 0 : i32
      %dma_start3A_76 = arith.constant 0 : i32
      %dma_start3A_77 = tpu.memref_slice %arg2[%add3A, %dma_start3A_75, %dma_start3A_76] : memref<32x80x128xi32, #tpu.memory_space<hbm>> -> memref<1x80x128xi32, #tpu.memory_space<hbm>>
      %dma_start3A_78 = tpu.memref_squeeze %dma_start3A_77 : memref<1x80x128xi32, #tpu.memory_space<hbm>> -> memref<80x128xi32, #tpu.memory_space<hbm>>
      tpu.enqueue_dma source(%dma_start3A_78 : memref<80x128xi32, #tpu.memory_space<hbm>>) target(%arg4 : memref<80x128xi32, #tpu.memory_space<vmem>>) target_semaphore(%run_scoped3A : memref<!tpu.dma_semaphore, #tpu.memory_space<semaphore_mem>>)
      %dma_wait3A_79 = arith.constant 0 : i32
      %dma_wait3A_80 = arith.constant 0 : i32
      %dma_wait3A_81 = tpu.memref_slice %arg2[%add3A, %dma_wait3A_79, %dma_wait3A_80] : memref<32x80x128xi32, #tpu.memory_space<hbm>> -> memref<1x80x128xi32, #tpu.memory_space<hbm>>
      %dma_wait3A_82 = tpu.memref_squeeze %dma_wait3A_81 : memref<1x80x128xi32, #tpu.memory_space<hbm>> -> memref<80x128xi32, #tpu.memory_space<hbm>>
      %dma_wait3A_83 = arith.constant 0 : i32
      %dma_wait3A_84 = arith.constant 0 : i32
      %dma_wait3A_85 = tpu.memref_slice %arg2[%add3A, %dma_wait3A_83, %dma_wait3A_84] : memref<32x80x128xi32, #tpu.memory_space<hbm>> -> memref<1x80x128xi32, #tpu.memory_space<hbm>>
      %dma_wait3A_86 = tpu.memref_squeeze %dma_wait3A_85 : memref<1x80x128xi32, #tpu.memory_space<hbm>> -> memref<80x128xi32, #tpu.memory_space<hbm>>
      tpu.wait_dma2 semaphore(%run_scoped3A : memref<!tpu.dma_semaphore, #tpu.memory_space<semaphore_mem>>) src(%dma_wait3A_86 : memref<80x128xi32, #tpu.memory_space<hbm>>) dst(%arg4 : memref<80x128xi32, #tpu.memory_space<vmem>>)
      tpu.yield
    }) : () -> ()
    %scan3A = arith.constant 0 : i32
    %scan3A_1 = arith.constant 0 : i32
    %scan3A_2 = arith.constant 128 : i32
    %scan3A_3 = arith.addi %scan3A_1, %scan3A_2 : i32
    %scan3A_4 = arith.constant 1 : i32
    scf.for %scan3A_71 = %scan3A_1 to %scan3A_3 step %scan3A_4  : i32 {
      %broadcast_in_dim3A = arith.constant 0.000000e+00 : f32
      %broadcast_in_dim3A_72 = vector.broadcast %broadcast_in_dim3A : f32 to vector<16xf32>
      %swap3A = arith.index_cast %scan3A_71 : i32 to index
      %swap3A_73 = arith.constant 0 : index
      %swap3A_74 = tpu.vector_load %arg5[%swap3A, %swap3A_73] {strides = array<i32>} : memref<128x128xf32, #tpu.memory_space<vmem>>, vector<1x16xf32>,
      %swap3A_75 = vector.shape_cast %swap3A_74 : vector<1x16xf32> to vector<16xf32>
      %swap3A_76 = vector.shape_cast %broadcast_in_dim3A_72 : vector<16xf32> to vector<1x16xf32>
      tpu.vector_store %arg5[%swap3A, %swap3A_73], %swap3A_76 {strides = array<i32>} : memref<128x128xf32, #tpu.memory_space<vmem>>, vector<1x16xf32>,
      %broadcast_in_dim3A_77 = arith.constant 0.000000e+00 : f32
      %broadcast_in_dim3A_78 = vector.broadcast %broadcast_in_dim3A_77 : f32 to vector<16xf32>
      %swap3A_79 = arith.index_cast %scan3A_71 : i32 to index
      %swap3A_80 = arith.constant 16 : index
      %swap3A_81 = tpu.vector_load %arg5[%swap3A_79, %swap3A_80] {strides = array<i32>} : memref<128x128xf32, #tpu.memory_space<vmem>>, vector<1x16xf32>,
      %swap3A_82 = vector.shape_cast %swap3A_81 : vector<1x16xf32> to vector<16xf32>
      %swap3A_83 = vector.shape_cast %broadcast_in_dim3A_78 : vector<16xf32> to vector<1x16xf32>
      tpu.vector_store %arg5[%swap3A_79, %swap3A_80], %swap3A_83 {strides = array<i32>} : memref<128x128xf32, #tpu.memory_space<vmem>>, vector<1x16xf32>,
      %broadcast_in_dim3A_84 = arith.constant 0.000000e+00 : f32
      %broadcast_in_dim3A_85 = vector.broadcast %broadcast_in_dim3A_84 : f32 to vector<16xf32>
      %swap3A_86 = arith.index_cast %scan3A_71 : i32 to index
      %swap3A_87 = arith.constant 32 : index
      %swap3A_88 = tpu.vector_load %arg5[%swap3A_86, %swap3A_87] {strides = array<i32>} : memref<128x128xf32, #tpu.memory_space<vmem>>, vector<1x16xf32>,
      %swap3A_89 = vector.shape_cast %swap3A_88 : vector<1x16xf32> to vector<16xf32>
      %swap3A_90 = vector.shape_cast %broadcast_in_dim3A_85 : vector<16xf32> to vector<1x16xf32>
      tpu.vector_store %arg5[%swap3A_86, %swap3A_87], %swap3A_90 {strides = array<i32>} : memref<128x128xf32, #tpu.memory_space<vmem>>, vector<1x16xf32>,
      %broadcast_in_dim3A_91 = arith.constant 0.000000e+00 : f32
      %broadcast_in_dim3A_92 = vector.broadcast %broadcast_in_dim3A_91 : f32 to vector<16xf32>
      %swap3A_93 = arith.index_cast %scan3A_71 : i32 to index
      %swap3A_94 = arith.constant 48 : index
      %swap3A_95 = tpu.vector_load %arg5[%swap3A_93, %swap3A_94] {strides = array<i32>} : memref<128x128xf32, #tpu.memory_space<vmem>>, vector<1x16xf32>,
      %swap3A_96 = vector.shape_cast %swap3A_95 : vector<1x16xf32> to vector<16xf32>
      %swap3A_97 = vector.shape_cast %broadcast_in_dim3A_92 : vector<16xf32> to vector<1x16xf32>
      tpu.vector_store %arg5[%swap3A_93, %swap3A_94], %swap3A_97 {strides = array<i32>} : memref<128x128xf32, #tpu.memory_space<vmem>>, vector<1x16xf32>,
      %broadcast_in_dim3A_98 = arith.constant 0.000000e+00 : f32
      %broadcast_in_dim3A_99 = vector.broadcast %broadcast_in_dim3A_98 : f32 to vector<16xf32>
      %swap3A_100 = arith.index_cast %scan3A_71 : i32 to index
      %swap3A_101 = arith.constant 64 : index
      %swap3A_102 = tpu.vector_load %arg5[%swap3A_100, %swap3A_101] {strides = array<i32>} : memref<128x128xf32, #tpu.memory_space<vmem>>, vector<1x16xf32>,
      %swap3A_103 = vector.shape_cast %swap3A_102 : vector<1x16xf32> to vector<16xf32>
      %swap3A_104 = vector.shape_cast %broadcast_in_dim3A_99 : vector<16xf32> to vector<1x16xf32>
      tpu.vector_store %arg5[%swap3A_100, %swap3A_101], %swap3A_104 {strides = array<i32>} : memref<128x128xf32, #tpu.memory_space<vmem>>, vector<1x16xf32>,
      %broadcast_in_dim3A_105 = arith.constant 0.000000e+00 : f32
      %broadcast_in_dim3A_106 = vector.broadcast %broadcast_in_dim3A_105 : f32 to vector<16xf32>
      %swap3A_107 = arith.index_cast %scan3A_71 : i32 to index
      %swap3A_108 = arith.constant 80 : index
      %swap3A_109 = tpu.vector_load %arg5[%swap3A_107, %swap3A_108] {strides = array<i32>} : memref<128x128xf32, #tpu.memory_space<vmem>>, vector<1x16xf32>,
      %swap3A_110 = vector.shape_cast %swap3A_109 : vector<1x16xf32> to vector<16xf32>
      %swap3A_111 = vector.shape_cast %broadcast_in_dim3A_106 : vector<16xf32> to vector<1x16xf32>
      tpu.vector_store %arg5[%swap3A_107, %swap3A_108], %swap3A_111 {strides = array<i32>} : memref<128x128xf32, #tpu.memory_space<vmem>>, vector<1x16xf32>,
      %broadcast_in_dim3A_112 = arith.constant 0.000000e+00 : f32
      %broadcast_in_dim3A_113 = vector.broadcast %broadcast_in_dim3A_112 : f32 to vector<16xf32>
      %swap3A_114 = arith.index_cast %scan3A_71 : i32 to index
      %swap3A_115 = arith.constant 96 : index
      %swap3A_116 = tpu.vector_load %arg5[%swap3A_114, %swap3A_115] {strides = array<i32>} : memref<128x128xf32, #tpu.memory_space<vmem>>, vector<1x16xf32>,
      %swap3A_117 = vector.shape_cast %swap3A_116 : vector<1x16xf32> to vector<16xf32>
      %swap3A_118 = vector.shape_cast %broadcast_in_dim3A_113 : vector<16xf32> to vector<1x16xf32>
      tpu.vector_store %arg5[%swap3A_114, %swap3A_115], %swap3A_118 {strides = array<i32>} : memref<128x128xf32, #tpu.memory_space<vmem>>, vector<1x16xf32>,
      %broadcast_in_dim3A_119 = arith.constant 0.000000e+00 : f32
      %broadcast_in_dim3A_120 = vector.broadcast %broadcast_in_dim3A_119 : f32 to vector<16xf32>
      %swap3A_121 = arith.index_cast %scan3A_71 : i32 to index
      %swap3A_122 = arith.constant 112 : index
      %swap3A_123 = tpu.vector_load %arg5[%swap3A_121, %swap3A_122] {strides = array<i32>} : memref<128x128xf32, #tpu.memory_space<vmem>>, vector<1x16xf32>,
      %swap3A_124 = vector.shape_cast %swap3A_123 : vector<1x16xf32> to vector<16xf32>
      %swap3A_125 = vector.shape_cast %broadcast_in_dim3A_120 : vector<16xf32> to vector<1x16xf32>
      tpu.vector_store %arg5[%swap3A_121, %swap3A_122], %swap3A_125 {strides = array<i32>} : memref<128x128xf32, #tpu.memory_space<vmem>>, vector<1x16xf32>,
    }
    %scan3A_5 = arith.constant 128 : i32
    %mul3A_6 = arith.constant 632 : i32
    %mul3A_7 = arith.muli %arg1, %mul3A_6 : i32
    %add3A_8 = arith.constant 0 : i32
    %add3A_9 = arith.addi %mul3A_7, %add3A_8 : i32
    "tpu.region"() ({
      %run_scoped3A = tpu.sem_alloc : memref<!tpu.dma_semaphore, #tpu.memory_space<semaphore_mem>>
      %dma_start3A_71 = arith.constant 0 : i32
      %dma_start3A_72 = tpu.memref_slice %arg6[%add3A_9, %dma_start3A_71] : memref<10112x128xf32, #tpu.memory_space<vmem_shared>> -> memref<128x128xf32, #tpu.memory_space<vmem_shared>>
      %dma_start3A_73 = arith.constant 0 : i32
      %dma_start3A_74 = tpu.memref_slice %arg6[%add3A_9, %dma_start3A_73] : memref<10112x128xf32, #tpu.memory_space<vmem_shared>> -> memref<128x128xf32, #tpu.memory_space<vmem_shared>>
      tpu.enqueue_dma source(%arg5 : memref<128x128xf32, #tpu.memory_space<vmem>>) target(%dma_start3A_74 : memref<128x128xf32, #tpu.memory_space<vmem_shared>>) target_semaphore(%run_scoped3A : memref<!tpu.dma_semaphore, #tpu.memory_space<semaphore_mem>>)
      %dma_wait3A_75 = arith.constant 0 : i32
      %dma_wait3A_76 = tpu.memref_slice %arg6[%add3A_9, %dma_wait3A_75] : memref<10112x128xf32, #tpu.memory_space<vmem_shared>> -> memref<128x128xf32, #tpu.memory_space<vmem_shared>>
      %dma_wait3A_77 = arith.constant 0 : i32
      %dma_wait3A_78 = tpu.memref_slice %arg6[%add3A_9, %dma_wait3A_77] : memref<10112x128xf32, #tpu.memory_space<vmem_shared>> -> memref<128x128xf32, #tpu.memory_space<vmem_shared>>
      tpu.wait_dma2 semaphore(%run_scoped3A : memref<!tpu.dma_semaphore, #tpu.memory_space<semaphore_mem>>) src(%arg5 : memref<128x128xf32, #tpu.memory_space<vmem>>) dst(%dma_wait3A_78 : memref<128x128xf32, #tpu.memory_space<vmem_shared>>)
      tpu.yield
    }) : () -> ()
    %mul3A_10 = arith.constant 632 : i32
    %mul3A_11 = arith.muli %arg1, %mul3A_10 : i32
    %add3A_12 = arith.constant 128 : i32
    %add3A_13 = arith.addi %mul3A_11, %add3A_12 : i32
    "tpu.region"() ({
      %run_scoped3A = tpu.sem_alloc : memref<!tpu.dma_semaphore, #tpu.memory_space<semaphore_mem>>
      %dma_start3A_71 = arith.constant 0 : i32
      %dma_start3A_72 = tpu.memref_slice %arg6[%add3A_13, %dma_start3A_71] : memref<10112x128xf32, #tpu.memory_space<vmem_shared>> -> memref<128x128xf32, #tpu.memory_space<vmem_shared>>
      %dma_start3A_73 = arith.constant 0 : i32
      %dma_start3A_74 = tpu.memref_slice %arg6[%add3A_13, %dma_start3A_73] : memref<10112x128xf32, #tpu.memory_space<vmem_shared>> -> memref<128x128xf32, #tpu.memory_space<vmem_shared>>
      tpu.enqueue_dma source(%arg5 : memref<128x128xf32, #tpu.memory_space<vmem>>) target(%dma_start3A_74 : memref<128x128xf32, #tpu.memory_space<vmem_shared>>) target_semaphore(%run_scoped3A : memref<!tpu.dma_semaphore, #tpu.memory_space<semaphore_mem>>)
      %dma_wait3A_75 = arith.constant 0 : i32
      %dma_wait3A_76 = tpu.memref_slice %arg6[%add3A_13, %dma_wait3A_75] : memref<10112x128xf32, #tpu.memory_space<vmem_shared>> -> memref<128x128xf32, #tpu.memory_space<vmem_shared>>
      %dma_wait3A_77 = arith.constant 0 : i32
      %dma_wait3A_78 = tpu.memref_slice %arg6[%add3A_13, %dma_wait3A_77] : memref<10112x128xf32, #tpu.memory_space<vmem_shared>> -> memref<128x128xf32, #tpu.memory_space<vmem_shared>>
      tpu.wait_dma2 semaphore(%run_scoped3A : memref<!tpu.dma_semaphore, #tpu.memory_space<semaphore_mem>>) src(%arg5 : memref<128x128xf32, #tpu.memory_space<vmem>>) dst(%dma_wait3A_78 : memref<128x128xf32, #tpu.memory_space<vmem_shared>>)
      tpu.yield
    }) : () -> ()
    %mul3A_14 = arith.constant 632 : i32
    %mul3A_15 = arith.muli %arg1, %mul3A_14 : i32
    %add3A_16 = arith.constant 256 : i32
    %add3A_17 = arith.addi %mul3A_15, %add3A_16 : i32
    "tpu.region"() ({
      %run_scoped3A = tpu.sem_alloc : memref<!tpu.dma_semaphore, #tpu.memory_space<semaphore_mem>>
      %dma_start3A_71 = arith.constant 0 : i32
      %dma_start3A_72 = tpu.memref_slice %arg6[%add3A_17, %dma_start3A_71] : memref<10112x128xf32, #tpu.memory_space<vmem_shared>> -> memref<128x128xf32, #tpu.memory_space<vmem_shared>>
      %dma_start3A_73 = arith.constant 0 : i32
      %dma_start3A_74 = tpu.memref_slice %arg6[%add3A_17, %dma_start3A_73] : memref<10112x128xf32, #tpu.memory_space<vmem_shared>> -> memref<128x128xf32, #tpu.memory_space<vmem_shared>>
      tpu.enqueue_dma source(%arg5 : memref<128x128xf32, #tpu.memory_space<vmem>>) target(%dma_start3A_74 : memref<128x128xf32, #tpu.memory_space<vmem_shared>>) target_semaphore(%run_scoped3A : memref<!tpu.dma_semaphore, #tpu.memory_space<semaphore_mem>>)
      %dma_wait3A_75 = arith.constant 0 : i32
      %dma_wait3A_76 = tpu.memref_slice %arg6[%add3A_17, %dma_wait3A_75] : memref<10112x128xf32, #tpu.memory_space<vmem_shared>> -> memref<128x128xf32, #tpu.memory_space<vmem_shared>>
      %dma_wait3A_77 = arith.constant 0 : i32
      %dma_wait3A_78 = tpu.memref_slice %arg6[%add3A_17, %dma_wait3A_77] : memref<10112x128xf32, #tpu.memory_space<vmem_shared>> -> memref<128x128xf32, #tpu.memory_space<vmem_shared>>
      tpu.wait_dma2 semaphore(%run_scoped3A : memref<!tpu.dma_semaphore, #tpu.memory_space<semaphore_mem>>) src(%arg5 : memref<128x128xf32, #tpu.memory_space<vmem>>) dst(%dma_wait3A_78 : memref<128x128xf32, #tpu.memory_space<vmem_shared>>)
      tpu.yield
    }) : () -> ()
    %mul3A_18 = arith.constant 632 : i32
    %mul3A_19 = arith.muli %arg1, %mul3A_18 : i32
    %add3A_20 = arith.constant 384 : i32
    %add3A_21 = arith.addi %mul3A_19, %add3A_20 : i32
    "tpu.region"() ({
      %run_scoped3A = tpu.sem_alloc : memref<!tpu.dma_semaphore, #tpu.memory_space<semaphore_mem>>
      %dma_start3A_71 = arith.constant 0 : i32
      %dma_start3A_72 = tpu.memref_slice %arg6[%add3A_21, %dma_start3A_71] : memref<10112x128xf32, #tpu.memory_space<vmem_shared>> -> memref<128x128xf32, #tpu.memory_space<vmem_shared>>
      %dma_start3A_73 = arith.constant 0 : i32
      %dma_start3A_74 = tpu.memref_slice %arg6[%add3A_21, %dma_start3A_73] : memref<10112x128xf32, #tpu.memory_space<vmem_shared>> -> memref<128x128xf32, #tpu.memory_space<vmem_shared>>
      tpu.enqueue_dma source(%arg5 : memref<128x128xf32, #tpu.memory_space<vmem>>) target(%dma_start3A_74 : memref<128x128xf32, #tpu.memory_space<vmem_shared>>) target_semaphore(%run_scoped3A : memref<!tpu.dma_semaphore, #tpu.memory_space<semaphore_mem>>)
      %dma_wait3A_75 = arith.constant 0 : i32
      %dma_wait3A_76 = tpu.memref_slice %arg6[%add3A_21, %dma_wait3A_75] : memref<10112x128xf32, #tpu.memory_space<vmem_shared>> -> memref<128x128xf32, #tpu.memory_space<vmem_shared>>
      %dma_wait3A_77 = arith.constant 0 : i32
      %dma_wait3A_78 = tpu.memref_slice %arg6[%add3A_21, %dma_wait3A_77] : memref<10112x128xf32, #tpu.memory_space<vmem_shared>> -> memref<128x128xf32, #tpu.memory_space<vmem_shared>>
      tpu.wait_dma2 semaphore(%run_scoped3A : memref<!tpu.dma_semaphore, #tpu.memory_space<semaphore_mem>>) src(%arg5 : memref<128x128xf32, #tpu.memory_space<vmem>>) dst(%dma_wait3A_78 : memref<128x128xf32, #tpu.memory_space<vmem_shared>>)
      tpu.yield
    }) : () -> ()
    %mul3A_22 = arith.constant 632 : i32
    %mul3A_23 = arith.muli %arg1, %mul3A_22 : i32
    %add3A_24 = arith.constant 512 : i32
    %add3A_25 = arith.addi %mul3A_23, %add3A_24 : i32
    "tpu.region"() ({
      %run_scoped3A = tpu.sem_alloc : memref<!tpu.dma_semaphore, #tpu.memory_space<semaphore_mem>>
      %dma_start3A_71 = arith.constant 0 : i32
      %dma_start3A_72 = arith.constant 0 : i32
      %dma_start3A_73 = tpu.memref_slice %arg5[%dma_start3A_71, %dma_start3A_72] : memref<128x128xf32, #tpu.memory_space<vmem>> -> memref<120x128xf32, #tpu.memory_space<vmem>>
      %dma_start3A_74 = arith.constant 0 : i32
      %dma_start3A_75 = tpu.memref_slice %arg6[%add3A_25, %dma_start3A_74] : memref<10112x128xf32, #tpu.memory_space<vmem_shared>> -> memref<120x128xf32, #tpu.memory_space<vmem_shared>>
      %dma_start3A_76 = arith.constant 0 : i32
      %dma_start3A_77 = tpu.memref_slice %arg6[%add3A_25, %dma_start3A_76] : memref<10112x128xf32, #tpu.memory_space<vmem_shared>> -> memref<120x128xf32, #tpu.memory_space<vmem_shared>>
      %dma_start3A_78 = arith.constant 0 : i32
      %dma_start3A_79 = arith.constant 0 : i32
      %dma_start3A_80 = tpu.memref_slice %arg5[%dma_start3A_78, %dma_start3A_79] : memref<128x128xf32, #tpu.memory_space<vmem>> -> memref<120x128xf32, #tpu.memory_space<vmem>>
      tpu.enqueue_dma source(%dma_start3A_80 : memref<120x128xf32, #tpu.memory_space<vmem>>) target(%dma_start3A_77 : memref<120x128xf32, #tpu.memory_space<vmem_shared>>) target_semaphore(%run_scoped3A : memref<!tpu.dma_semaphore, #tpu.memory_space<semaphore_mem>>)
      %dma_wait3A_81 = arith.constant 0 : i32
      %dma_wait3A_82 = arith.constant 0 : i32
      %dma_wait3A_83 = tpu.memref_slice %arg5[%dma_wait3A_81, %dma_wait3A_82] : memref<128x128xf32, #tpu.memory_space<vmem>> -> memref<120x128xf32, #tpu.memory_space<vmem>>
      %dma_wait3A_84 = arith.constant 0 : i32
      %dma_wait3A_85 = tpu.memref_slice %arg6[%add3A_25, %dma_wait3A_84] : memref<10112x128xf32, #tpu.memory_space<vmem_shared>> -> memref<120x128xf32, #tpu.memory_space<vmem_shared>>
      %dma_wait3A_86 = arith.constant 0 : i32
      %dma_wait3A_87 = tpu.memref_slice %arg6[%add3A_25, %dma_wait3A_86] : memref<10112x128xf32, #tpu.memory_space<vmem_shared>> -> memref<120x128xf32, #tpu.memory_space<vmem_shared>>
      %dma_wait3A_88 = arith.constant 0 : i32
      %dma_wait3A_89 = arith.constant 0 : i32
      %dma_wait3A_90 = tpu.memref_slice %arg5[%dma_wait3A_88, %dma_wait3A_89] : memref<128x128xf32, #tpu.memory_space<vmem>> -> memref<120x128xf32, #tpu.memory_space<vmem>>
      tpu.wait_dma2 semaphore(%run_scoped3A : memref<!tpu.dma_semaphore, #tpu.memory_space<semaphore_mem>>) src(%dma_wait3A_90 : memref<120x128xf32, #tpu.memory_space<vmem>>) dst(%dma_wait3A_87 : memref<120x128xf32, #tpu.memory_space<vmem_shared>>)
      tpu.yield
    }) : () -> ()
    %barrier3A = arith.constant 0 : index
    tpu.barrier barrier_id(%barrier3A)
    %scan3A_26 = arith.constant 0 : i32
    %scan3A_27 = arith.constant 0 : i32
    %scan3A_28 = arith.constant 128 : i32
    %scan3A_29 = arith.addi %scan3A_27, %scan3A_28 : i32
    %scan3A_30 = arith.constant 1 : i32
    scf.for %scan3A_71 = %scan3A_27 to %scan3A_29 step %scan3A_30  : i32 {
      %broadcast_in_dim3A = arith.constant 1.000000e+00 : f32
      %broadcast_in_dim3A_72 = vector.broadcast %broadcast_in_dim3A : f32 to vector<16xf32>
      %swap3A = arith.index_cast %scan3A_71 : i32 to index
      %swap3A_73 = arith.constant 0 : index
      %swap3A_74 = tpu.vector_load %arg5[%swap3A, %swap3A_73] {strides = array<i32>} : memref<128x128xf32, #tpu.memory_space<vmem>>, vector<1x16xf32>,
      %swap3A_75 = vector.shape_cast %swap3A_74 : vector<1x16xf32> to vector<16xf32>
      %swap3A_76 = vector.shape_cast %broadcast_in_dim3A_72 : vector<16xf32> to vector<1x16xf32>
      tpu.vector_store %arg5[%swap3A, %swap3A_73], %swap3A_76 {strides = array<i32>} : memref<128x128xf32, #tpu.memory_space<vmem>>, vector<1x16xf32>,
      %broadcast_in_dim3A_77 = arith.constant 1.000000e+00 : f32
      %broadcast_in_dim3A_78 = vector.broadcast %broadcast_in_dim3A_77 : f32 to vector<16xf32>
      %swap3A_79 = arith.index_cast %scan3A_71 : i32 to index
      %swap3A_80 = arith.constant 16 : index
      %swap3A_81 = tpu.vector_load %arg5[%swap3A_79, %swap3A_80] {strides = array<i32>} : memref<128x128xf32, #tpu.memory_space<vmem>>, vector<1x16xf32>,
      %swap3A_82 = vector.shape_cast %swap3A_81 : vector<1x16xf32> to vector<16xf32>
      %swap3A_83 = vector.shape_cast %broadcast_in_dim3A_78 : vector<16xf32> to vector<1x16xf32>
      tpu.vector_store %arg5[%swap3A_79, %swap3A_80], %swap3A_83 {strides = array<i32>} : memref<128x128xf32, #tpu.memory_space<vmem>>, vector<1x16xf32>,
      %broadcast_in_dim3A_84 = arith.constant 1.000000e+00 : f32
      %broadcast_in_dim3A_85 = vector.broadcast %broadcast_in_dim3A_84 : f32 to vector<16xf32>
      %swap3A_86 = arith.index_cast %scan3A_71 : i32 to index
      %swap3A_87 = arith.constant 32 : index
      %swap3A_88 = tpu.vector_load %arg5[%swap3A_86, %swap3A_87] {strides = array<i32>} : memref<128x128xf32, #tpu.memory_space<vmem>>, vector<1x16xf32>,
      %swap3A_89 = vector.shape_cast %swap3A_88 : vector<1x16xf32> to vector<16xf32>
      %swap3A_90 = vector.shape_cast %broadcast_in_dim3A_85 : vector<16xf32> to vector<1x16xf32>
      tpu.vector_store %arg5[%swap3A_86, %swap3A_87], %swap3A_90 {strides = array<i32>} : memref<128x128xf32, #tpu.memory_space<vmem>>, vector<1x16xf32>,
      %broadcast_in_dim3A_91 = arith.constant 1.000000e+00 : f32
      %broadcast_in_dim3A_92 = vector.broadcast %broadcast_in_dim3A_91 : f32 to vector<16xf32>
      %swap3A_93 = arith.index_cast %scan3A_71 : i32 to index
      %swap3A_94 = arith.constant 48 : index
      %swap3A_95 = tpu.vector_load %arg5[%swap3A_93, %swap3A_94] {strides = array<i32>} : memref<128x128xf32, #tpu.memory_space<vmem>>, vector<1x16xf32>,
      %swap3A_96 = vector.shape_cast %swap3A_95 : vector<1x16xf32> to vector<16xf32>
      %swap3A_97 = vector.shape_cast %broadcast_in_dim3A_92 : vector<16xf32> to vector<1x16xf32>
      tpu.vector_store %arg5[%swap3A_93, %swap3A_94], %swap3A_97 {strides = array<i32>} : memref<128x128xf32, #tpu.memory_space<vmem>>, vector<1x16xf32>,
      %broadcast_in_dim3A_98 = arith.constant 1.000000e+00 : f32
      %broadcast_in_dim3A_99 = vector.broadcast %broadcast_in_dim3A_98 : f32 to vector<16xf32>
      %swap3A_100 = arith.index_cast %scan3A_71 : i32 to index
      %swap3A_101 = arith.constant 64 : index
      %swap3A_102 = tpu.vector_load %arg5[%swap3A_100, %swap3A_101] {strides = array<i32>} : memref<128x128xf32, #tpu.memory_space<vmem>>, vector<1x16xf32>,
      %swap3A_103 = vector.shape_cast %swap3A_102 : vector<1x16xf32> to vector<16xf32>
      %swap3A_104 = vector.shape_cast %broadcast_in_dim3A_99 : vector<16xf32> to vector<1x16xf32>
      tpu.vector_store %arg5[%swap3A_100, %swap3A_101], %swap3A_104 {strides = array<i32>} : memref<128x128xf32, #tpu.memory_space<vmem>>, vector<1x16xf32>,
      %broadcast_in_dim3A_105 = arith.constant 1.000000e+00 : f32
      %broadcast_in_dim3A_106 = vector.broadcast %broadcast_in_dim3A_105 : f32 to vector<16xf32>
      %swap3A_107 = arith.index_cast %scan3A_71 : i32 to index
      %swap3A_108 = arith.constant 80 : index
      %swap3A_109 = tpu.vector_load %arg5[%swap3A_107, %swap3A_108] {strides = array<i32>} : memref<128x128xf32, #tpu.memory_space<vmem>>, vector<1x16xf32>,
      %swap3A_110 = vector.shape_cast %swap3A_109 : vector<1x16xf32> to vector<16xf32>
      %swap3A_111 = vector.shape_cast %broadcast_in_dim3A_106 : vector<16xf32> to vector<1x16xf32>
      tpu.vector_store %arg5[%swap3A_107, %swap3A_108], %swap3A_111 {strides = array<i32>} : memref<128x128xf32, #tpu.memory_space<vmem>>, vector<1x16xf32>,
      %broadcast_in_dim3A_112 = arith.constant 1.000000e+00 : f32
      %broadcast_in_dim3A_113 = vector.broadcast %broadcast_in_dim3A_112 : f32 to vector<16xf32>
      %swap3A_114 = arith.index_cast %scan3A_71 : i32 to index
      %swap3A_115 = arith.constant 96 : index
      %swap3A_116 = tpu.vector_load %arg5[%swap3A_114, %swap3A_115] {strides = array<i32>} : memref<128x128xf32, #tpu.memory_space<vmem>>, vector<1x16xf32>,
      %swap3A_117 = vector.shape_cast %swap3A_116 : vector<1x16xf32> to vector<16xf32>
      %swap3A_118 = vector.shape_cast %broadcast_in_dim3A_113 : vector<16xf32> to vector<1x16xf32>
      tpu.vector_store %arg5[%swap3A_114, %swap3A_115], %swap3A_118 {strides = array<i32>} : memref<128x128xf32, #tpu.memory_space<vmem>>, vector<1x16xf32>,
      %broadcast_in_dim3A_119 = arith.constant 1.000000e+00 : f32
      %broadcast_in_dim3A_120 = vector.broadcast %broadcast_in_dim3A_119 : f32 to vector<16xf32>
      %swap3A_121 = arith.index_cast %scan3A_71 : i32 to index
      %swap3A_122 = arith.constant 112 : index
      %swap3A_123 = tpu.vector_load %arg5[%swap3A_121, %swap3A_122] {strides = array<i32>} : memref<128x128xf32, #tpu.memory_space<vmem>>, vector<1x16xf32>,
      %swap3A_124 = vector.shape_cast %swap3A_123 : vector<1x16xf32> to vector<16xf32>
      %swap3A_125 = vector.shape_cast %broadcast_in_dim3A_120 : vector<16xf32> to vector<1x16xf32>
      tpu.vector_store %arg5[%swap3A_121, %swap3A_122], %swap3A_125 {strides = array<i32>} : memref<128x128xf32, #tpu.memory_space<vmem>>, vector<1x16xf32>,
    }
    %scan3A_31 = arith.constant 128 : i32
    %dma_start3A = arith.constant 0 : i32
    %dma_start3A_32 = arith.constant 0 : i32
    %dma_start3A_33 = tpu.memref_slice %arg4[%dma_start3A, %dma_start3A_32] : memref<80x128xi32, #tpu.memory_space<vmem>> -> memref<1x128xi32, #tpu.memory_space<vmem>>
    %dma_start3A_34 = tpu.memref_squeeze %dma_start3A_33 : memref<1x128xi32, #tpu.memory_space<vmem>> -> memref<128xi32, #tpu.memory_space<vmem>>
    %dma_start3A_35 = arith.constant 0 : i32
    %dma_start3A_36 = arith.constant 0 : i32
    %dma_start3A_37 = tpu.memref_slice %arg6[%dma_start3A_35, %dma_start3A_36] : memref<10112x128xf32, #tpu.memory_space<vmem_shared>> -> memref<10112x128xf32, #tpu.memory_space<vmem_shared>>
    tpu.enqueue_indirect_dma source(%arg5 : memref<128x128xf32, #tpu.memory_space<vmem>>) target(%dma_start3A_37 : memref<10112x128xf32, #tpu.memory_space<vmem_shared>>) offsets(%dma_start3A_34 : memref<128xi32, #tpu.memory_space<vmem>>) semaphore(%arg7 : memref<!tpu.dma_semaphore, #tpu.memory_space<semaphore_mem>>) {add = true}
    %dma_start3A_38 = arith.constant 1 : i32
    %dma_start3A_39 = arith.constant 0 : i32
    %dma_start3A_40 = tpu.memref_slice %arg4[%dma_start3A_38, %dma_start3A_39] : memref<80x128xi32, #tpu.memory_space<vmem>> -> memref<1x128xi32, #tpu.memory_space<vmem>>
    %dma_start3A_41 = tpu.memref_squeeze %dma_start3A_40 : memref<1x128xi32, #tpu.memory_space<vmem>> -> memref<128xi32, #tpu.memory_space<vmem>>
    %dma_start3A_42 = arith.constant 0 : i32
    %dma_start3A_43 = arith.constant 0 : i32
    %dma_start3A_44 = tpu.memref_slice %arg6[%dma_start3A_42, %dma_start3A_43] : memref<10112x128xf32, #tpu.memory_space<vmem_shared>> -> memref<10112x128xf32, #tpu.memory_space<vmem_shared>>
    tpu.enqueue_indirect_dma source(%arg5 : memref<128x128xf32, #tpu.memory_space<vmem>>) target(%dma_start3A_44 : memref<10112x128xf32, #tpu.memory_space<vmem_shared>>) offsets(%dma_start3A_41 : memref<128xi32, #tpu.memory_space<vmem>>) semaphore(%arg8 : memref<!tpu.dma_semaphore, #tpu.memory_space<semaphore_mem>>) {add = true}
    %scan3A_45 = arith.constant 0 : i32
    %scan3A_46 = arith.constant 39 : i32
    %scan3A_47 = arith.addi %scan3A_45, %scan3A_46 : i32
    %scan3A_48 = arith.constant 1 : i32
    scf.for %scan3A_71 = %scan3A_45 to %scan3A_47 step %scan3A_48  : i32 {
      %mul3A_72 = arith.constant 2 : i32
      %mul3A_73 = arith.muli %scan3A_71, %mul3A_72 : i32
      %add3A_74 = arith.constant 2 : i32
      %add3A_75 = arith.addi %add3A_74, %mul3A_73 : i32
      %add3A_76 = arith.constant 0 : i32
      %add3A_77 = arith.addi %add3A_75, %add3A_76 : i32
      %sub3A = arith.constant 2 : i32
      %sub3A_78 = arith.subi %add3A_77, %sub3A : i32
      %dma_wait3A_79 = arith.constant 0 : i32
      %dma_wait3A_80 = tpu.memref_slice %arg4[%sub3A_78, %dma_wait3A_79] : memref<80x128xi32, #tpu.memory_space<vmem>> -> memref<1x128xi32, #tpu.memory_space<vmem>>
      %dma_wait3A_81 = tpu.memref_squeeze %dma_wait3A_80 : memref<1x128xi32, #tpu.memory_space<vmem>> -> memref<128xi32, #tpu.memory_space<vmem>>
      %dma_wait3A_82 = arith.constant 0 : i32
      %dma_wait3A_83 = arith.constant 0 : i32
      %dma_wait3A_84 = tpu.memref_slice %arg6[%dma_wait3A_82, %dma_wait3A_83] : memref<10112x128xf32, #tpu.memory_space<vmem_shared>> -> memref<10112x128xf32, #tpu.memory_space<vmem_shared>>
      tpu.wait_indirect_dma semaphore(%arg7 : memref<!tpu.dma_semaphore, #tpu.memory_space<semaphore_mem>>) src(%arg5 : memref<128x128xf32, #tpu.memory_space<vmem>>) dst(%dma_wait3A_84 : memref<10112x128xf32, #tpu.memory_space<vmem_shared>>)
      %dma_start3A_85 = arith.constant 0 : i32
      %dma_start3A_86 = tpu.memref_slice %arg4[%add3A_77, %dma_start3A_85] : memref<80x128xi32, #tpu.memory_space<vmem>> -> memref<1x128xi32, #tpu.memory_space<vmem>>
      %dma_start3A_87 = tpu.memref_squeeze %dma_start3A_86 : memref<1x128xi32, #tpu.memory_space<vmem>> -> memref<128xi32, #tpu.memory_space<vmem>>
      %dma_start3A_88 = arith.constant 0 : i32
      %dma_start3A_89 = arith.constant 0 : i32
      %dma_start3A_90 = tpu.memref_slice %arg6[%dma_start3A_88, %dma_start3A_89] : memref<10112x128xf32, #tpu.memory_space<vmem_shared>> -> memref<10112x128xf32, #tpu.memory_space<vmem_shared>>
      tpu.enqueue_indirect_dma source(%arg5 : memref<128x128xf32, #tpu.memory_space<vmem>>) target(%dma_start3A_90 : memref<10112x128xf32, #tpu.memory_space<vmem_shared>>) offsets(%dma_start3A_87 : memref<128xi32, #tpu.memory_space<vmem>>) semaphore(%arg7 : memref<!tpu.dma_semaphore, #tpu.memory_space<semaphore_mem>>) {add = true}
      %add3A_91 = arith.constant 1 : i32
      %add3A_92 = arith.addi %add3A_75, %add3A_91 : i32
      %sub3A_93 = arith.constant 2 : i32
      %sub3A_94 = arith.subi %add3A_92, %sub3A_93 : i32
      %dma_wait3A_95 = arith.constant 0 : i32
      %dma_wait3A_96 = tpu.memref_slice %arg4[%sub3A_94, %dma_wait3A_95] : memref<80x128xi32, #tpu.memory_space<vmem>> -> memref<1x128xi32, #tpu.memory_space<vmem>>
      %dma_wait3A_97 = tpu.memref_squeeze %dma_wait3A_96 : memref<1x128xi32, #tpu.memory_space<vmem>> -> memref<128xi32, #tpu.memory_space<vmem>>
      %dma_wait3A_98 = arith.constant 0 : i32
      %dma_wait3A_99 = arith.constant 0 : i32
      %dma_wait3A_100 = tpu.memref_slice %arg6[%dma_wait3A_98, %dma_wait3A_99] : memref<10112x128xf32, #tpu.memory_space<vmem_shared>> -> memref<10112x128xf32, #tpu.memory_space<vmem_shared>>
      tpu.wait_indirect_dma semaphore(%arg8 : memref<!tpu.dma_semaphore, #tpu.memory_space<semaphore_mem>>) src(%arg5 : memref<128x128xf32, #tpu.memory_space<vmem>>) dst(%dma_wait3A_100 : memref<10112x128xf32, #tpu.memory_space<vmem_shared>>)
      %dma_start3A_101 = arith.constant 0 : i32
      %dma_start3A_102 = tpu.memref_slice %arg4[%add3A_92, %dma_start3A_101] : memref<80x128xi32, #tpu.memory_space<vmem>> -> memref<1x128xi32, #tpu.memory_space<vmem>>
      %dma_start3A_103 = tpu.memref_squeeze %dma_start3A_102 : memref<1x128xi32, #tpu.memory_space<vmem>> -> memref<128xi32, #tpu.memory_space<vmem>>
      %dma_start3A_104 = arith.constant 0 : i32
      %dma_start3A_105 = arith.constant 0 : i32
      %dma_start3A_106 = tpu.memref_slice %arg6[%dma_start3A_104, %dma_start3A_105] : memref<10112x128xf32, #tpu.memory_space<vmem_shared>> -> memref<10112x128xf32, #tpu.memory_space<vmem_shared>>
      tpu.enqueue_indirect_dma source(%arg5 : memref<128x128xf32, #tpu.memory_space<vmem>>) target(%dma_start3A_106 : memref<10112x128xf32, #tpu.memory_space<vmem_shared>>) offsets(%dma_start3A_103 : memref<128xi32, #tpu.memory_space<vmem>>) semaphore(%arg8 : memref<!tpu.dma_semaphore, #tpu.memory_space<semaphore_mem>>) {add = true}
    }
    %scan3A_49 = arith.constant 39 : i32
    %dma_wait3A = arith.constant 78 : i32
    %dma_wait3A_50 = arith.constant 0 : i32
    %dma_wait3A_51 = tpu.memref_slice %arg4[%dma_wait3A, %dma_wait3A_50] : memref<80x128xi32, #tpu.memory_space<vmem>> -> memref<1x128xi32, #tpu.memory_space<vmem>>
    %dma_wait3A_52 = tpu.memref_squeeze %dma_wait3A_51 : memref<1x128xi32, #tpu.memory_space<vmem>> -> memref<128xi32, #tpu.memory_space<vmem>>
    %dma_wait3A_53 = arith.constant 0 : i32
    %dma_wait3A_54 = arith.constant 0 : i32
    %dma_wait3A_55 = tpu.memref_slice %arg6[%dma_wait3A_53, %dma_wait3A_54] : memref<10112x128xf32, #tpu.memory_space<vmem_shared>> -> memref<10112x128xf32, #tpu.memory_space<vmem_shared>>
    tpu.wait_indirect_dma semaphore(%arg7 : memref<!tpu.dma_semaphore, #tpu.memory_space<semaphore_mem>>) src(%arg5 : memref<128x128xf32, #tpu.memory_space<vmem>>) dst(%dma_wait3A_55 : memref<10112x128xf32, #tpu.memory_space<vmem_shared>>)
    %dma_wait3A_56 = arith.constant 79 : i32
    %dma_wait3A_57 = arith.constant 0 : i32
    %dma_wait3A_58 = tpu.memref_slice %arg4[%dma_wait3A_56, %dma_wait3A_57] : memref<80x128xi32, #tpu.memory_space<vmem>> -> memref<1x128xi32, #tpu.memory_space<vmem>>
    %dma_wait3A_59 = tpu.memref_squeeze %dma_wait3A_58 : memref<1x128xi32, #tpu.memory_space<vmem>> -> memref<128xi32, #tpu.memory_space<vmem>>
    %dma_wait3A_60 = arith.constant 0 : i32
    %dma_wait3A_61 = arith.constant 0 : i32
    %dma_wait3A_62 = tpu.memref_slice %arg6[%dma_wait3A_60, %dma_wait3A_61] : memref<10112x128xf32, #tpu.memory_space<vmem_shared>> -> memref<10112x128xf32, #tpu.memory_space<vmem_shared>>
    tpu.wait_indirect_dma semaphore(%arg8 : memref<!tpu.dma_semaphore, #tpu.memory_space<semaphore_mem>>) src(%arg5 : memref<128x128xf32, #tpu.memory_space<vmem>>) dst(%dma_wait3A_62 : memref<10112x128xf32, #tpu.memory_space<vmem_shared>>)
    %barrier3A_63 = arith.constant 0 : index
    tpu.barrier barrier_id(%barrier3A_63)
    %mul3A_64 = arith.constant 632 : i32
    %mul3A_65 = arith.muli %arg1, %mul3A_64 : i32
    %mul3A_66 = arith.constant 10240 : i32
    %mul3A_67 = arith.muli %arg0, %mul3A_66 : i32
    %mul3A_68 = arith.constant 632 : i32
    %mul3A_69 = arith.muli %arg1, %mul3A_68 : i32
    %add3A_70 = arith.addi %mul3A_67, %mul3A_69 : i32
    "tpu.region"() ({
      %run_scoped3A = tpu.sem_alloc : memref<!tpu.dma_semaphore, #tpu.memory_space<semaphore_mem>>
      %dma_start3A_71 = arith.constant 0 : i32
      %dma_start3A_72 = tpu.memref_slice %arg3[%add3A_70, %dma_start3A_71] : memref<20480x128xf32, #tpu.memory_space<hbm>> -> memref<632x128xf32, #tpu.memory_space<hbm>>
      %dma_start3A_73 = arith.constant 0 : i32
      %dma_start3A_74 = tpu.memref_slice %arg6[%mul3A_65, %dma_start3A_73] : memref<10112x128xf32, #tpu.memory_space<vmem_shared>> -> memref<632x128xf32, #tpu.memory_space<vmem_shared>>
      tpu.enqueue_dma source(%dma_start3A_74 : memref<632x128xf32, #tpu.memory_space<vmem_shared>>) target(%dma_start3A_72 : memref<632x128xf32, #tpu.memory_space<hbm>>) target_semaphore(%run_scoped3A : memref<!tpu.dma_semaphore, #tpu.memory_space<semaphore_mem>>)
      %dma_wait3A_75 = arith.constant 0 : i32
      %dma_wait3A_76 = tpu.memref_slice %arg3[%add3A_70, %dma_wait3A_75] : memref<20480x128xf32, #tpu.memory_space<hbm>> -> memref<632x128xf32, #tpu.memory_space<hbm>>
      %dma_wait3A_77 = arith.constant 0 : i32
      %dma_wait3A_78 = tpu.memref_slice %arg6[%mul3A_65, %dma_wait3A_77] : memref<10112x128xf32, #tpu.memory_space<vmem_shared>> -> memref<632x128xf32, #tpu.memory_space<vmem_shared>>
      tpu.wait_dma2 semaphore(%run_scoped3A : memref<!tpu.dma_semaphore, #tpu.memory_space<semaphore_mem>>) src(%dma_wait3A_78 : memref<632x128xf32, #tpu.memory_space<vmem_shared>>) dst(%dma_wait3A_76 : memref<632x128xf32, #tpu.memory_space<hbm>>)
      tpu.yield
    }) : () -> ()
    return
  }
}

#map = affine_map<(d0, d1) -> (0, 0)>
#map1 = affine_map<(d0, d1) -> (0, 0, 0, 0)>
module attributes {stable_mosaic.version = 14 : i64} {
  func.func @_sc_segsum(%arg0: i32, %arg1: i32, %arg2: memref<10240x128xf32, #tpu.memory_space<hbm>>, %arg3: memref<32x10x8x128xi32, #tpu.memory_space<hbm>>, %arg4: memref<32x10x8x128xi32, #tpu.memory_space<hbm>>, %arg5: memref<20480x128xf32, #tpu.memory_space<hbm>>, %arg6: memref<2x8x128xi32, #tpu.memory_space<vmem>>, %arg7: memref<2x8x128xi32, #tpu.memory_space<vmem>>, %arg8: memref<128x128xf32, #tpu.memory_space<vmem>>, %arg9: memref<128x128xf32, #tpu.memory_space<vmem>>, %arg10: memref<10112x128xf32, #tpu.memory_space<vmem_shared>>, %arg11: memref<!tpu.dma_semaphore, #tpu.memory_space<semaphore_mem>>, %arg12: memref<!tpu.dma_semaphore, #tpu.memory_space<semaphore_mem>>, %arg13: memref<!tpu.dma_semaphore, #tpu.memory_space<semaphore_mem>>, %arg14: memref<!tpu.dma_semaphore, #tpu.memory_space<semaphore_mem>>, %arg15: memref<!tpu.dma_semaphore, #tpu.memory_space<semaphore_mem>>) attributes {dimension_semantics = [#tpu.dimension_semantics<core_parallel>, #tpu.dimension_semantics<subcore_parallel>], iteration_bounds = array<i64: 2, 16>, scalar_prefetch = 0 : i64, scratch_operands = 10 : i64, tpu.core_type = #tpu.core_type<sc_vector_subcore>, window_params = [{transform_indices = #map}, {transform_indices = #map1}, {transform_indices = #map1}, {transform_indices = #map}]} {
    %mul3A = arith.constant 2 : i32
    %mul3A_0 = arith.muli %arg1, %mul3A : i32
    %add3A = arith.addi %mul3A_0, %arg0 : i32
    %run_scoped3A = arith.constant 0 : i32
    %run_scoped3A_1 = arith.constant 0 : i32
    "tpu.region"() ({
      %run_scoped3A_140 = tpu.sem_alloc : memref<!tpu.dma_semaphore, #tpu.memory_space<semaphore_mem>>
      %dma_start3A_141 = arith.constant 0 : i32
      %dma_start3A_142 = arith.constant 0 : i32
      %dma_start3A_143 = tpu.memref_slice %arg6[%run_scoped3A_1, %dma_start3A_141, %dma_start3A_142] : memref<2x8x128xi32, #tpu.memory_space<vmem>> -> memref<1x8x128xi32, #tpu.memory_space<vmem>>
      %dma_start3A_144 = tpu.memref_squeeze %dma_start3A_143 : memref<1x8x128xi32, #tpu.memory_space<vmem>> -> memref<8x128xi32, #tpu.memory_space<vmem>>
      %dma_start3A_145 = arith.constant 0 : i32
      %dma_start3A_146 = arith.constant 0 : i32
      %dma_start3A_147 = tpu.memref_slice %arg3[%add3A, %run_scoped3A, %dma_start3A_145, %dma_start3A_146] : memref<32x10x8x128xi32, #tpu.memory_space<hbm>> -> memref<1x1x8x128xi32, #tpu.memory_space<hbm>>
      %dma_start3A_148 = tpu.memref_squeeze %dma_start3A_147 : memref<1x1x8x128xi32, #tpu.memory_space<hbm>> -> memref<8x128xi32, #tpu.memory_space<hbm>>
      %dma_start3A_149 = arith.constant 0 : i32
      %dma_start3A_150 = arith.constant 0 : i32
      %dma_start3A_151 = tpu.memref_slice %arg6[%run_scoped3A_1, %dma_start3A_149, %dma_start3A_150] : memref<2x8x128xi32, #tpu.memory_space<vmem>> -> memref<1x8x128xi32, #tpu.memory_space<vmem>>
      %dma_start3A_152 = tpu.memref_squeeze %dma_start3A_151 : memref<1x8x128xi32, #tpu.memory_space<vmem>> -> memref<8x128xi32, #tpu.memory_space<vmem>>
      %dma_start3A_153 = arith.constant 0 : i32
      %dma_start3A_154 = arith.constant 0 : i32
      %dma_start3A_155 = tpu.memref_slice %arg3[%add3A, %run_scoped3A, %dma_start3A_153, %dma_start3A_154] : memref<32x10x8x128xi32, #tpu.memory_space<hbm>> -> memref<1x1x8x128xi32, #tpu.memory_space<hbm>>
      %dma_start3A_156 = tpu.memref_squeeze %dma_start3A_155 : memref<1x1x8x128xi32, #tpu.memory_space<hbm>> -> memref<8x128xi32, #tpu.memory_space<hbm>>
      tpu.enqueue_dma source(%dma_start3A_156 : memref<8x128xi32, #tpu.memory_space<hbm>>) target(%dma_start3A_152 : memref<8x128xi32, #tpu.memory_space<vmem>>) target_semaphore(%run_scoped3A_140 : memref<!tpu.dma_semaphore, #tpu.memory_space<semaphore_mem>>)
      %dma_wait3A_157 = arith.constant 0 : i32
      %dma_wait3A_158 = arith.constant 0 : i32
      %dma_wait3A_159 = tpu.memref_slice %arg6[%run_scoped3A_1, %dma_wait3A_157, %dma_wait3A_158] : memref<2x8x128xi32, #tpu.memory_space<vmem>> -> memref<1x8x128xi32, #tpu.memory_space<vmem>>
      %dma_wait3A_160 = tpu.memref_squeeze %dma_wait3A_159 : memref<1x8x128xi32, #tpu.memory_space<vmem>> -> memref<8x128xi32, #tpu.memory_space<vmem>>
      %dma_wait3A_161 = arith.constant 0 : i32
      %dma_wait3A_162 = arith.constant 0 : i32
      %dma_wait3A_163 = tpu.memref_slice %arg3[%add3A, %run_scoped3A, %dma_wait3A_161, %dma_wait3A_162] : memref<32x10x8x128xi32, #tpu.memory_space<hbm>> -> memref<1x1x8x128xi32, #tpu.memory_space<hbm>>
      %dma_wait3A_164 = tpu.memref_squeeze %dma_wait3A_163 : memref<1x1x8x128xi32, #tpu.memory_space<hbm>> -> memref<8x128xi32, #tpu.memory_space<hbm>>
      %dma_wait3A_165 = arith.constant 0 : i32
      %dma_wait3A_166 = arith.constant 0 : i32
      %dma_wait3A_167 = tpu.memref_slice %arg6[%run_scoped3A_1, %dma_wait3A_165, %dma_wait3A_166] : memref<2x8x128xi32, #tpu.memory_space<vmem>> -> memref<1x8x128xi32, #tpu.memory_space<vmem>>
      %dma_wait3A_168 = tpu.memref_squeeze %dma_wait3A_167 : memref<1x8x128xi32, #tpu.memory_space<vmem>> -> memref<8x128xi32, #tpu.memory_space<vmem>>
      %dma_wait3A_169 = arith.constant 0 : i32
      %dma_wait3A_170 = arith.constant 0 : i32
      %dma_wait3A_171 = tpu.memref_slice %arg3[%add3A, %run_scoped3A, %dma_wait3A_169, %dma_wait3A_170] : memref<32x10x8x128xi32, #tpu.memory_space<hbm>> -> memref<1x1x8x128xi32, #tpu.memory_space<hbm>>
      %dma_wait3A_172 = tpu.memref_squeeze %dma_wait3A_171 : memref<1x1x8x128xi32, #tpu.memory_space<hbm>> -> memref<8x128xi32, #tpu.memory_space<hbm>>
      tpu.wait_dma2 semaphore(%run_scoped3A_140 : memref<!tpu.dma_semaphore, #tpu.memory_space<semaphore_mem>>) src(%dma_wait3A_172 : memref<8x128xi32, #tpu.memory_space<hbm>>) dst(%dma_wait3A_168 : memref<8x128xi32, #tpu.memory_space<vmem>>)
      tpu.yield
    }) : () -> ()
    %run_scoped3A_2 = arith.constant 0 : i32
    %run_scoped3A_3 = arith.constant 0 : i32
    "tpu.region"() ({
      %run_scoped3A_140 = tpu.sem_alloc : memref<!tpu.dma_semaphore, #tpu.memory_space<semaphore_mem>>
      %dma_start3A_141 = arith.constant 0 : i32
      %dma_start3A_142 = arith.constant 0 : i32
      %dma_start3A_143 = tpu.memref_slice %arg7[%run_scoped3A_3, %dma_start3A_141, %dma_start3A_142] : memref<2x8x128xi32, #tpu.memory_space<vmem>> -> memref<1x8x128xi32, #tpu.memory_space<vmem>>
      %dma_start3A_144 = tpu.memref_squeeze %dma_start3A_143 : memref<1x8x128xi32, #tpu.memory_space<vmem>> -> memref<8x128xi32, #tpu.memory_space<vmem>>
      %dma_start3A_145 = arith.constant 0 : i32
      %dma_start3A_146 = arith.constant 0 : i32
      %dma_start3A_147 = tpu.memref_slice %arg4[%add3A, %run_scoped3A_2, %dma_start3A_145, %dma_start3A_146] : memref<32x10x8x128xi32, #tpu.memory_space<hbm>> -> memref<1x1x8x128xi32, #tpu.memory_space<hbm>>
      %dma_start3A_148 = tpu.memref_squeeze %dma_start3A_147 : memref<1x1x8x128xi32, #tpu.memory_space<hbm>> -> memref<8x128xi32, #tpu.memory_space<hbm>>
      %dma_start3A_149 = arith.constant 0 : i32
      %dma_start3A_150 = arith.constant 0 : i32
      %dma_start3A_151 = tpu.memref_slice %arg7[%run_scoped3A_3, %dma_start3A_149, %dma_start3A_150] : memref<2x8x128xi32, #tpu.memory_space<vmem>> -> memref<1x8x128xi32, #tpu.memory_space<vmem>>
      %dma_start3A_152 = tpu.memref_squeeze %dma_start3A_151 : memref<1x8x128xi32, #tpu.memory_space<vmem>> -> memref<8x128xi32, #tpu.memory_space<vmem>>
      %dma_start3A_153 = arith.constant 0 : i32
      %dma_start3A_154 = arith.constant 0 : i32
      %dma_start3A_155 = tpu.memref_slice %arg4[%add3A, %run_scoped3A_2, %dma_start3A_153, %dma_start3A_154] : memref<32x10x8x128xi32, #tpu.memory_space<hbm>> -> memref<1x1x8x128xi32, #tpu.memory_space<hbm>>
      %dma_start3A_156 = tpu.memref_squeeze %dma_start3A_155 : memref<1x1x8x128xi32, #tpu.memory_space<hbm>> -> memref<8x128xi32, #tpu.memory_space<hbm>>
      tpu.enqueue_dma source(%dma_start3A_156 : memref<8x128xi32, #tpu.memory_space<hbm>>) target(%dma_start3A_152 : memref<8x128xi32, #tpu.memory_space<vmem>>) target_semaphore(%run_scoped3A_140 : memref<!tpu.dma_semaphore, #tpu.memory_space<semaphore_mem>>)
      %dma_wait3A_157 = arith.constant 0 : i32
      %dma_wait3A_158 = arith.constant 0 : i32
      %dma_wait3A_159 = tpu.memref_slice %arg7[%run_scoped3A_3, %dma_wait3A_157, %dma_wait3A_158] : memref<2x8x128xi32, #tpu.memory_space<vmem>> -> memref<1x8x128xi32, #tpu.memory_space<vmem>>
      %dma_wait3A_160 = tpu.memref_squeeze %dma_wait3A_159 : memref<1x8x128xi32, #tpu.memory_space<vmem>> -> memref<8x128xi32, #tpu.memory_space<vmem>>
      %dma_wait3A_161 = arith.constant 0 : i32
      %dma_wait3A_162 = arith.constant 0 : i32
      %dma_wait3A_163 = tpu.memref_slice %arg4[%add3A, %run_scoped3A_2, %dma_wait3A_161, %dma_wait3A_162] : memref<32x10x8x128xi32, #tpu.memory_space<hbm>> -> memref<1x1x8x128xi32, #tpu.memory_space<hbm>>
      %dma_wait3A_164 = tpu.memref_squeeze %dma_wait3A_163 : memref<1x1x8x128xi32, #tpu.memory_space<hbm>> -> memref<8x128xi32, #tpu.memory_space<hbm>>
      %dma_wait3A_165 = arith.constant 0 : i32
      %dma_wait3A_166 = arith.constant 0 : i32
      %dma_wait3A_167 = tpu.memref_slice %arg7[%run_scoped3A_3, %dma_wait3A_165, %dma_wait3A_166] : memref<2x8x128xi32, #tpu.memory_space<vmem>> -> memref<1x8x128xi32, #tpu.memory_space<vmem>>
      %dma_wait3A_168 = tpu.memref_squeeze %dma_wait3A_167 : memref<1x8x128xi32, #tpu.memory_space<vmem>> -> memref<8x128xi32, #tpu.memory_space<vmem>>
      %dma_wait3A_169 = arith.constant 0 : i32
      %dma_wait3A_170 = arith.constant 0 : i32
      %dma_wait3A_171 = tpu.memref_slice %arg4[%add3A, %run_scoped3A_2, %dma_wait3A_169, %dma_wait3A_170] : memref<32x10x8x128xi32, #tpu.memory_space<hbm>> -> memref<1x1x8x128xi32, #tpu.memory_space<hbm>>
      %dma_wait3A_172 = tpu.memref_squeeze %dma_wait3A_171 : memref<1x1x8x128xi32, #tpu.memory_space<hbm>> -> memref<8x128xi32, #tpu.memory_space<hbm>>
      tpu.wait_dma2 semaphore(%run_scoped3A_140 : memref<!tpu.dma_semaphore, #tpu.memory_space<semaphore_mem>>) src(%dma_wait3A_172 : memref<8x128xi32, #tpu.memory_space<hbm>>) dst(%dma_wait3A_168 : memref<8x128xi32, #tpu.memory_space<vmem>>)
      tpu.yield
    }) : () -> ()
    %dma_start3A = arith.constant 1 : i32
    %dma_start3A_4 = arith.constant 1 : i32
    %dma_start3A_5 = arith.constant 0 : i32
    %dma_start3A_6 = arith.constant 0 : i32
    %dma_start3A_7 = tpu.memref_slice %arg6[%dma_start3A_4, %dma_start3A_5, %dma_start3A_6] : memref<2x8x128xi32, #tpu.memory_space<vmem>> -> memref<1x8x128xi32, #tpu.memory_space<vmem>>
    %dma_start3A_8 = tpu.memref_squeeze %dma_start3A_7 : memref<1x8x128xi32, #tpu.memory_space<vmem>> -> memref<8x128xi32, #tpu.memory_space<vmem>>
    %dma_start3A_9 = arith.constant 0 : i32
    %dma_start3A_10 = arith.constant 0 : i32
    %dma_start3A_11 = tpu.memref_slice %arg3[%add3A, %dma_start3A, %dma_start3A_9, %dma_start3A_10] : memref<32x10x8x128xi32, #tpu.memory_space<hbm>> -> memref<1x1x8x128xi32, #tpu.memory_space<hbm>>
    %dma_start3A_12 = tpu.memref_squeeze %dma_start3A_11 : memref<1x1x8x128xi32, #tpu.memory_space<hbm>> -> memref<8x128xi32, #tpu.memory_space<hbm>>
    %dma_start3A_13 = arith.constant 0 : i32
    %dma_start3A_14 = arith.constant 0 : i32
    %dma_start3A_15 = tpu.memref_slice %arg6[%dma_start3A_4, %dma_start3A_13, %dma_start3A_14] : memref<2x8x128xi32, #tpu.memory_space<vmem>> -> memref<1x8x128xi32, #tpu.memory_space<vmem>>
    %dma_start3A_16 = tpu.memref_squeeze %dma_start3A_15 : memref<1x8x128xi32, #tpu.memory_space<vmem>> -> memref<8x128xi32, #tpu.memory_space<vmem>>
    %dma_start3A_17 = arith.constant 0 : i32
    %dma_start3A_18 = arith.constant 0 : i32
    %dma_start3A_19 = tpu.memref_slice %arg3[%add3A, %dma_start3A, %dma_start3A_17, %dma_start3A_18] : memref<32x10x8x128xi32, #tpu.memory_space<hbm>> -> memref<1x1x8x128xi32, #tpu.memory_space<hbm>>
    %dma_start3A_20 = tpu.memref_squeeze %dma_start3A_19 : memref<1x1x8x128xi32, #tpu.memory_space<hbm>> -> memref<8x128xi32, #tpu.memory_space<hbm>>
    tpu.enqueue_dma source(%dma_start3A_20 : memref<8x128xi32, #tpu.memory_space<hbm>>) target(%dma_start3A_16 : memref<8x128xi32, #tpu.memory_space<vmem>>) target_semaphore(%arg15 : memref<!tpu.dma_semaphore, #tpu.memory_space<semaphore_mem>>)
    %dma_start3A_21 = arith.constant 1 : i32
    %dma_start3A_22 = arith.constant 1 : i32
    %dma_start3A_23 = arith.constant 0 : i32
    %dma_start3A_24 = arith.constant 0 : i32
    %dma_start3A_25 = tpu.memref_slice %arg7[%dma_start3A_22, %dma_start3A_23, %dma_start3A_24] : memref<2x8x128xi32, #tpu.memory_space<vmem>> -> memref<1x8x128xi32, #tpu.memory_space<vmem>>
    %dma_start3A_26 = tpu.memref_squeeze %dma_start3A_25 : memref<1x8x128xi32, #tpu.memory_space<vmem>> -> memref<8x128xi32, #tpu.memory_space<vmem>>
    %dma_start3A_27 = arith.constant 0 : i32
    %dma_start3A_28 = arith.constant 0 : i32
    %dma_start3A_29 = tpu.memref_slice %arg4[%add3A, %dma_start3A_21, %dma_start3A_27, %dma_start3A_28] : memref<32x10x8x128xi32, #tpu.memory_space<hbm>> -> memref<1x1x8x128xi32, #tpu.memory_space<hbm>>
    %dma_start3A_30 = tpu.memref_squeeze %dma_start3A_29 : memref<1x1x8x128xi32, #tpu.memory_space<hbm>> -> memref<8x128xi32, #tpu.memory_space<hbm>>
    %dma_start3A_31 = arith.constant 0 : i32
    %dma_start3A_32 = arith.constant 0 : i32
    %dma_start3A_33 = tpu.memref_slice %arg7[%dma_start3A_22, %dma_start3A_31, %dma_start3A_32] : memref<2x8x128xi32, #tpu.memory_space<vmem>> -> memref<1x8x128xi32, #tpu.memory_space<vmem>>
    %dma_start3A_34 = tpu.memref_squeeze %dma_start3A_33 : memref<1x8x128xi32, #tpu.memory_space<vmem>> -> memref<8x128xi32, #tpu.memory_space<vmem>>
    %dma_start3A_35 = arith.constant 0 : i32
    %dma_start3A_36 = arith.constant 0 : i32
    %dma_start3A_37 = tpu.memref_slice %arg4[%add3A, %dma_start3A_21, %dma_start3A_35, %dma_start3A_36] : memref<32x10x8x128xi32, #tpu.memory_space<hbm>> -> memref<1x1x8x128xi32, #tpu.memory_space<hbm>>
    %dma_start3A_38 = tpu.memref_squeeze %dma_start3A_37 : memref<1x1x8x128xi32, #tpu.memory_space<hbm>> -> memref<8x128xi32, #tpu.memory_space<hbm>>
    tpu.enqueue_dma source(%dma_start3A_38 : memref<8x128xi32, #tpu.memory_space<hbm>>) target(%dma_start3A_34 : memref<8x128xi32, #tpu.memory_space<vmem>>) target_semaphore(%arg15 : memref<!tpu.dma_semaphore, #tpu.memory_space<semaphore_mem>>)
    %dma_start3A_39 = arith.constant 0 : i32
    %dma_start3A_40 = arith.constant 0 : i32
    %dma_start3A_41 = arith.constant 0 : i32
    %dma_start3A_42 = tpu.memref_slice %arg6[%dma_start3A_39, %dma_start3A_40, %dma_start3A_41] : memref<2x8x128xi32, #tpu.memory_space<vmem>> -> memref<1x1x128xi32, #tpu.memory_space<vmem>>
    %dma_start3A_43 = tpu.memref_squeeze %dma_start3A_42 : memref<1x1x128xi32, #tpu.memory_space<vmem>> -> memref<128xi32, #tpu.memory_space<vmem>>
    %dma_start3A_44 = arith.constant 0 : i32
    %dma_start3A_45 = arith.constant 0 : i32
    %dma_start3A_46 = tpu.memref_slice %arg2[%dma_start3A_44, %dma_start3A_45] : memref<10240x128xf32, #tpu.memory_space<hbm>> -> memref<10240x128xf32, #tpu.memory_space<hbm>>
    tpu.enqueue_indirect_dma source(%dma_start3A_46 : memref<10240x128xf32, #tpu.memory_space<hbm>>) target(%arg8 : memref<128x128xf32, #tpu.memory_space<vmem>>) offsets(%dma_start3A_43 : memref<128xi32, #tpu.memory_space<vmem>>) semaphore(%arg11 : memref<!tpu.dma_semaphore, #tpu.memory_space<semaphore_mem>>)
    %scan3A = arith.constant 0 : i32
    %scan3A_47 = arith.constant 0 : i32
    %scan3A_48 = arith.constant 128 : i32
    %scan3A_49 = arith.addi %scan3A_47, %scan3A_48 : i32
    %scan3A_50 = arith.constant 1 : i32
    scf.for %scan3A_140 = %scan3A_47 to %scan3A_49 step %scan3A_50  : i32 {
      %broadcast_in_dim3A = arith.constant 0.000000e+00 : f32
      %broadcast_in_dim3A_141 = vector.broadcast %broadcast_in_dim3A : f32 to vector<16xf32>
      %swap3A = arith.index_cast %scan3A_140 : i32 to index
      %swap3A_142 = arith.constant 0 : index
      %swap3A_143 = tpu.vector_load %arg9[%swap3A, %swap3A_142] {strides = array<i32>} : memref<128x128xf32, #tpu.memory_space<vmem>>, vector<1x16xf32>,
      %swap3A_144 = vector.shape_cast %swap3A_143 : vector<1x16xf32> to vector<16xf32>
      %swap3A_145 = vector.shape_cast %broadcast_in_dim3A_141 : vector<16xf32> to vector<1x16xf32>
      tpu.vector_store %arg9[%swap3A, %swap3A_142], %swap3A_145 {strides = array<i32>} : memref<128x128xf32, #tpu.memory_space<vmem>>, vector<1x16xf32>,
      %broadcast_in_dim3A_146 = arith.constant 0.000000e+00 : f32
      %broadcast_in_dim3A_147 = vector.broadcast %broadcast_in_dim3A_146 : f32 to vector<16xf32>
      %swap3A_148 = arith.index_cast %scan3A_140 : i32 to index
      %swap3A_149 = arith.constant 16 : index
      %swap3A_150 = tpu.vector_load %arg9[%swap3A_148, %swap3A_149] {strides = array<i32>} : memref<128x128xf32, #tpu.memory_space<vmem>>, vector<1x16xf32>,
      %swap3A_151 = vector.shape_cast %swap3A_150 : vector<1x16xf32> to vector<16xf32>
      %swap3A_152 = vector.shape_cast %broadcast_in_dim3A_147 : vector<16xf32> to vector<1x16xf32>
      tpu.vector_store %arg9[%swap3A_148, %swap3A_149], %swap3A_152 {strides = array<i32>} : memref<128x128xf32, #tpu.memory_space<vmem>>, vector<1x16xf32>,
      %broadcast_in_dim3A_153 = arith.constant 0.000000e+00 : f32
      %broadcast_in_dim3A_154 = vector.broadcast %broadcast_in_dim3A_153 : f32 to vector<16xf32>
      %swap3A_155 = arith.index_cast %scan3A_140 : i32 to index
      %swap3A_156 = arith.constant 32 : index
      %swap3A_157 = tpu.vector_load %arg9[%swap3A_155, %swap3A_156] {strides = array<i32>} : memref<128x128xf32, #tpu.memory_space<vmem>>, vector<1x16xf32>,
      %swap3A_158 = vector.shape_cast %swap3A_157 : vector<1x16xf32> to vector<16xf32>
      %swap3A_159 = vector.shape_cast %broadcast_in_dim3A_154 : vector<16xf32> to vector<1x16xf32>
      tpu.vector_store %arg9[%swap3A_155, %swap3A_156], %swap3A_159 {strides = array<i32>} : memref<128x128xf32, #tpu.memory_space<vmem>>, vector<1x16xf32>,
      %broadcast_in_dim3A_160 = arith.constant 0.000000e+00 : f32
      %broadcast_in_dim3A_161 = vector.broadcast %broadcast_in_dim3A_160 : f32 to vector<16xf32>
      %swap3A_162 = arith.index_cast %scan3A_140 : i32 to index
      %swap3A_163 = arith.constant 48 : index
      %swap3A_164 = tpu.vector_load %arg9[%swap3A_162, %swap3A_163] {strides = array<i32>} : memref<128x128xf32, #tpu.memory_space<vmem>>, vector<1x16xf32>,
      %swap3A_165 = vector.shape_cast %swap3A_164 : vector<1x16xf32> to vector<16xf32>
      %swap3A_166 = vector.shape_cast %broadcast_in_dim3A_161 : vector<16xf32> to vector<1x16xf32>
      tpu.vector_store %arg9[%swap3A_162, %swap3A_163], %swap3A_166 {strides = array<i32>} : memref<128x128xf32, #tpu.memory_space<vmem>>, vector<1x16xf32>,
      %broadcast_in_dim3A_167 = arith.constant 0.000000e+00 : f32
      %broadcast_in_dim3A_168 = vector.broadcast %broadcast_in_dim3A_167 : f32 to vector<16xf32>
      %swap3A_169 = arith.index_cast %scan3A_140 : i32 to index
      %swap3A_170 = arith.constant 64 : index
      %swap3A_171 = tpu.vector_load %arg9[%swap3A_169, %swap3A_170] {strides = array<i32>} : memref<128x128xf32, #tpu.memory_space<vmem>>, vector<1x16xf32>,
      %swap3A_172 = vector.shape_cast %swap3A_171 : vector<1x16xf32> to vector<16xf32>
      %swap3A_173 = vector.shape_cast %broadcast_in_dim3A_168 : vector<16xf32> to vector<1x16xf32>
      tpu.vector_store %arg9[%swap3A_169, %swap3A_170], %swap3A_173 {strides = array<i32>} : memref<128x128xf32, #tpu.memory_space<vmem>>, vector<1x16xf32>,
      %broadcast_in_dim3A_174 = arith.constant 0.000000e+00 : f32
      %broadcast_in_dim3A_175 = vector.broadcast %broadcast_in_dim3A_174 : f32 to vector<16xf32>
      %swap3A_176 = arith.index_cast %scan3A_140 : i32 to index
      %swap3A_177 = arith.constant 80 : index
      %swap3A_178 = tpu.vector_load %arg9[%swap3A_176, %swap3A_177] {strides = array<i32>} : memref<128x128xf32, #tpu.memory_space<vmem>>, vector<1x16xf32>,
      %swap3A_179 = vector.shape_cast %swap3A_178 : vector<1x16xf32> to vector<16xf32>
      %swap3A_180 = vector.shape_cast %broadcast_in_dim3A_175 : vector<16xf32> to vector<1x16xf32>
      tpu.vector_store %arg9[%swap3A_176, %swap3A_177], %swap3A_180 {strides = array<i32>} : memref<128x128xf32, #tpu.memory_space<vmem>>, vector<1x16xf32>,
      %broadcast_in_dim3A_181 = arith.constant 0.000000e+00 : f32
      %broadcast_in_dim3A_182 = vector.broadcast %broadcast_in_dim3A_181 : f32 to vector<16xf32>
      %swap3A_183 = arith.index_cast %scan3A_140 : i32 to index
      %swap3A_184 = arith.constant 96 : index
      %swap3A_185 = tpu.vector_load %arg9[%swap3A_183, %swap3A_184] {strides = array<i32>} : memref<128x128xf32, #tpu.memory_space<vmem>>, vector<1x16xf32>,
      %swap3A_186 = vector.shape_cast %swap3A_185 : vector<1x16xf32> to vector<16xf32>
      %swap3A_187 = vector.shape_cast %broadcast_in_dim3A_182 : vector<16xf32> to vector<1x16xf32>
      tpu.vector_store %arg9[%swap3A_183, %swap3A_184], %swap3A_187 {strides = array<i32>} : memref<128x128xf32, #tpu.memory_space<vmem>>, vector<1x16xf32>,
      %broadcast_in_dim3A_188 = arith.constant 0.000000e+00 : f32
      %broadcast_in_dim3A_189 = vector.broadcast %broadcast_in_dim3A_188 : f32 to vector<16xf32>
      %swap3A_190 = arith.index_cast %scan3A_140 : i32 to index
      %swap3A_191 = arith.constant 112 : index
      %swap3A_192 = tpu.vector_load %arg9[%swap3A_190, %swap3A_191] {strides = array<i32>} : memref<128x128xf32, #tpu.memory_space<vmem>>, vector<1x16xf32>,
      %swap3A_193 = vector.shape_cast %swap3A_192 : vector<1x16xf32> to vector<16xf32>
      %swap3A_194 = vector.shape_cast %broadcast_in_dim3A_189 : vector<16xf32> to vector<1x16xf32>
      tpu.vector_store %arg9[%swap3A_190, %swap3A_191], %swap3A_194 {strides = array<i32>} : memref<128x128xf32, #tpu.memory_space<vmem>>, vector<1x16xf32>,
    }
    %scan3A_51 = arith.constant 128 : i32
    %mul3A_52 = arith.constant 632 : i32
    %mul3A_53 = arith.muli %arg1, %mul3A_52 : i32
    %add3A_54 = arith.constant 0 : i32
    %add3A_55 = arith.addi %mul3A_53, %add3A_54 : i32
    "tpu.region"() ({
      %run_scoped3A_140 = tpu.sem_alloc : memref<!tpu.dma_semaphore, #tpu.memory_space<semaphore_mem>>
      %dma_start3A_141 = arith.constant 0 : i32
      %dma_start3A_142 = tpu.memref_slice %arg10[%add3A_55, %dma_start3A_141] : memref<10112x128xf32, #tpu.memory_space<vmem_shared>> -> memref<128x128xf32, #tpu.memory_space<vmem_shared>>
      %dma_start3A_143 = arith.constant 0 : i32
      %dma_start3A_144 = tpu.memref_slice %arg10[%add3A_55, %dma_start3A_143] : memref<10112x128xf32, #tpu.memory_space<vmem_shared>> -> memref<128x128xf32, #tpu.memory_space<vmem_shared>>
      tpu.enqueue_dma source(%arg9 : memref<128x128xf32, #tpu.memory_space<vmem>>) target(%dma_start3A_144 : memref<128x128xf32, #tpu.memory_space<vmem_shared>>) target_semaphore(%run_scoped3A_140 : memref<!tpu.dma_semaphore, #tpu.memory_space<semaphore_mem>>)
      %dma_wait3A_145 = arith.constant 0 : i32
      %dma_wait3A_146 = tpu.memref_slice %arg10[%add3A_55, %dma_wait3A_145] : memref<10112x128xf32, #tpu.memory_space<vmem_shared>> -> memref<128x128xf32, #tpu.memory_space<vmem_shared>>
      %dma_wait3A_147 = arith.constant 0 : i32
      %dma_wait3A_148 = tpu.memref_slice %arg10[%add3A_55, %dma_wait3A_147] : memref<10112x128xf32, #tpu.memory_space<vmem_shared>> -> memref<128x128xf32, #tpu.memory_space<vmem_shared>>
      tpu.wait_dma2 semaphore(%run_scoped3A_140 : memref<!tpu.dma_semaphore, #tpu.memory_space<semaphore_mem>>) src(%arg9 : memref<128x128xf32, #tpu.memory_space<vmem>>) dst(%dma_wait3A_148 : memref<128x128xf32, #tpu.memory_space<vmem_shared>>)
      tpu.yield
    }) : () -> ()
    %mul3A_56 = arith.constant 632 : i32
    %mul3A_57 = arith.muli %arg1, %mul3A_56 : i32
    %add3A_58 = arith.constant 128 : i32
    %add3A_59 = arith.addi %mul3A_57, %add3A_58 : i32
    "tpu.region"() ({
      %run_scoped3A_140 = tpu.sem_alloc : memref<!tpu.dma_semaphore, #tpu.memory_space<semaphore_mem>>
      %dma_start3A_141 = arith.constant 0 : i32
      %dma_start3A_142 = tpu.memref_slice %arg10[%add3A_59, %dma_start3A_141] : memref<10112x128xf32, #tpu.memory_space<vmem_shared>> -> memref<128x128xf32, #tpu.memory_space<vmem_shared>>
      %dma_start3A_143 = arith.constant 0 : i32
      %dma_start3A_144 = tpu.memref_slice %arg10[%add3A_59, %dma_start3A_143] : memref<10112x128xf32, #tpu.memory_space<vmem_shared>> -> memref<128x128xf32, #tpu.memory_space<vmem_shared>>
      tpu.enqueue_dma source(%arg9 : memref<128x128xf32, #tpu.memory_space<vmem>>) target(%dma_start3A_144 : memref<128x128xf32, #tpu.memory_space<vmem_shared>>) target_semaphore(%run_scoped3A_140 : memref<!tpu.dma_semaphore, #tpu.memory_space<semaphore_mem>>)
      %dma_wait3A_145 = arith.constant 0 : i32
      %dma_wait3A_146 = tpu.memref_slice %arg10[%add3A_59, %dma_wait3A_145] : memref<10112x128xf32, #tpu.memory_space<vmem_shared>> -> memref<128x128xf32, #tpu.memory_space<vmem_shared>>
      %dma_wait3A_147 = arith.constant 0 : i32
      %dma_wait3A_148 = tpu.memref_slice %arg10[%add3A_59, %dma_wait3A_147] : memref<10112x128xf32, #tpu.memory_space<vmem_shared>> -> memref<128x128xf32, #tpu.memory_space<vmem_shared>>
      tpu.wait_dma2 semaphore(%run_scoped3A_140 : memref<!tpu.dma_semaphore, #tpu.memory_space<semaphore_mem>>) src(%arg9 : memref<128x128xf32, #tpu.memory_space<vmem>>) dst(%dma_wait3A_148 : memref<128x128xf32, #tpu.memory_space<vmem_shared>>)
      tpu.yield
    }) : () -> ()
    %mul3A_60 = arith.constant 632 : i32
    %mul3A_61 = arith.muli %arg1, %mul3A_60 : i32
    %add3A_62 = arith.constant 256 : i32
    %add3A_63 = arith.addi %mul3A_61, %add3A_62 : i32
    "tpu.region"() ({
      %run_scoped3A_140 = tpu.sem_alloc : memref<!tpu.dma_semaphore, #tpu.memory_space<semaphore_mem>>
      %dma_start3A_141 = arith.constant 0 : i32
      %dma_start3A_142 = tpu.memref_slice %arg10[%add3A_63, %dma_start3A_141] : memref<10112x128xf32, #tpu.memory_space<vmem_shared>> -> memref<128x128xf32, #tpu.memory_space<vmem_shared>>
      %dma_start3A_143 = arith.constant 0 : i32
      %dma_start3A_144 = tpu.memref_slice %arg10[%add3A_63, %dma_start3A_143] : memref<10112x128xf32, #tpu.memory_space<vmem_shared>> -> memref<128x128xf32, #tpu.memory_space<vmem_shared>>
      tpu.enqueue_dma source(%arg9 : memref<128x128xf32, #tpu.memory_space<vmem>>) target(%dma_start3A_144 : memref<128x128xf32, #tpu.memory_space<vmem_shared>>) target_semaphore(%run_scoped3A_140 : memref<!tpu.dma_semaphore, #tpu.memory_space<semaphore_mem>>)
      %dma_wait3A_145 = arith.constant 0 : i32
      %dma_wait3A_146 = tpu.memref_slice %arg10[%add3A_63, %dma_wait3A_145] : memref<10112x128xf32, #tpu.memory_space<vmem_shared>> -> memref<128x128xf32, #tpu.memory_space<vmem_shared>>
      %dma_wait3A_147 = arith.constant 0 : i32
      %dma_wait3A_148 = tpu.memref_slice %arg10[%add3A_63, %dma_wait3A_147] : memref<10112x128xf32, #tpu.memory_space<vmem_shared>> -> memref<128x128xf32, #tpu.memory_space<vmem_shared>>
      tpu.wait_dma2 semaphore(%run_scoped3A_140 : memref<!tpu.dma_semaphore, #tpu.memory_space<semaphore_mem>>) src(%arg9 : memref<128x128xf32, #tpu.memory_space<vmem>>) dst(%dma_wait3A_148 : memref<128x128xf32, #tpu.memory_space<vmem_shared>>)
      tpu.yield
    }) : () -> ()
    %mul3A_64 = arith.constant 632 : i32
    %mul3A_65 = arith.muli %arg1, %mul3A_64 : i32
    %add3A_66 = arith.constant 384 : i32
    %add3A_67 = arith.addi %mul3A_65, %add3A_66 : i32
    "tpu.region"() ({
      %run_scoped3A_140 = tpu.sem_alloc : memref<!tpu.dma_semaphore, #tpu.memory_space<semaphore_mem>>
      %dma_start3A_141 = arith.constant 0 : i32
      %dma_start3A_142 = tpu.memref_slice %arg10[%add3A_67, %dma_start3A_141] : memref<10112x128xf32, #tpu.memory_space<vmem_shared>> -> memref<128x128xf32, #tpu.memory_space<vmem_shared>>
      %dma_start3A_143 = arith.constant 0 : i32
      %dma_start3A_144 = tpu.memref_slice %arg10[%add3A_67, %dma_start3A_143] : memref<10112x128xf32, #tpu.memory_space<vmem_shared>> -> memref<128x128xf32, #tpu.memory_space<vmem_shared>>
      tpu.enqueue_dma source(%arg9 : memref<128x128xf32, #tpu.memory_space<vmem>>) target(%dma_start3A_144 : memref<128x128xf32, #tpu.memory_space<vmem_shared>>) target_semaphore(%run_scoped3A_140 : memref<!tpu.dma_semaphore, #tpu.memory_space<semaphore_mem>>)
      %dma_wait3A_145 = arith.constant 0 : i32
      %dma_wait3A_146 = tpu.memref_slice %arg10[%add3A_67, %dma_wait3A_145] : memref<10112x128xf32, #tpu.memory_space<vmem_shared>> -> memref<128x128xf32, #tpu.memory_space<vmem_shared>>
      %dma_wait3A_147 = arith.constant 0 : i32
      %dma_wait3A_148 = tpu.memref_slice %arg10[%add3A_67, %dma_wait3A_147] : memref<10112x128xf32, #tpu.memory_space<vmem_shared>> -> memref<128x128xf32, #tpu.memory_space<vmem_shared>>
      tpu.wait_dma2 semaphore(%run_scoped3A_140 : memref<!tpu.dma_semaphore, #tpu.memory_space<semaphore_mem>>) src(%arg9 : memref<128x128xf32, #tpu.memory_space<vmem>>) dst(%dma_wait3A_148 : memref<128x128xf32, #tpu.memory_space<vmem_shared>>)
      tpu.yield
    }) : () -> ()
    %mul3A_68 = arith.constant 632 : i32
    %mul3A_69 = arith.muli %arg1, %mul3A_68 : i32
    %add3A_70 = arith.constant 512 : i32
    %add3A_71 = arith.addi %mul3A_69, %add3A_70 : i32
    "tpu.region"() ({
      %run_scoped3A_140 = tpu.sem_alloc : memref<!tpu.dma_semaphore, #tpu.memory_space<semaphore_mem>>
      %dma_start3A_141 = arith.constant 0 : i32
      %dma_start3A_142 = arith.constant 0 : i32
      %dma_start3A_143 = tpu.memref_slice %arg9[%dma_start3A_141, %dma_start3A_142] : memref<128x128xf32, #tpu.memory_space<vmem>> -> memref<120x128xf32, #tpu.memory_space<vmem>>
      %dma_start3A_144 = arith.constant 0 : i32
      %dma_start3A_145 = tpu.memref_slice %arg10[%add3A_71, %dma_start3A_144] : memref<10112x128xf32, #tpu.memory_space<vmem_shared>> -> memref<120x128xf32, #tpu.memory_space<vmem_shared>>
      %dma_start3A_146 = arith.constant 0 : i32
      %dma_start3A_147 = tpu.memref_slice %arg10[%add3A_71, %dma_start3A_146] : memref<10112x128xf32, #tpu.memory_space<vmem_shared>> -> memref<120x128xf32, #tpu.memory_space<vmem_shared>>
      %dma_start3A_148 = arith.constant 0 : i32
      %dma_start3A_149 = arith.constant 0 : i32
      %dma_start3A_150 = tpu.memref_slice %arg9[%dma_start3A_148, %dma_start3A_149] : memref<128x128xf32, #tpu.memory_space<vmem>> -> memref<120x128xf32, #tpu.memory_space<vmem>>
      tpu.enqueue_dma source(%dma_start3A_150 : memref<120x128xf32, #tpu.memory_space<vmem>>) target(%dma_start3A_147 : memref<120x128xf32, #tpu.memory_space<vmem_shared>>) target_semaphore(%run_scoped3A_140 : memref<!tpu.dma_semaphore, #tpu.memory_space<semaphore_mem>>)
      %dma_wait3A_151 = arith.constant 0 : i32
      %dma_wait3A_152 = arith.constant 0 : i32
      %dma_wait3A_153 = tpu.memref_slice %arg9[%dma_wait3A_151, %dma_wait3A_152] : memref<128x128xf32, #tpu.memory_space<vmem>> -> memref<120x128xf32, #tpu.memory_space<vmem>>
      %dma_wait3A_154 = arith.constant 0 : i32
      %dma_wait3A_155 = tpu.memref_slice %arg10[%add3A_71, %dma_wait3A_154] : memref<10112x128xf32, #tpu.memory_space<vmem_shared>> -> memref<120x128xf32, #tpu.memory_space<vmem_shared>>
      %dma_wait3A_156 = arith.constant 0 : i32
      %dma_wait3A_157 = tpu.memref_slice %arg10[%add3A_71, %dma_wait3A_156] : memref<10112x128xf32, #tpu.memory_space<vmem_shared>> -> memref<120x128xf32, #tpu.memory_space<vmem_shared>>
      %dma_wait3A_158 = arith.constant 0 : i32
      %dma_wait3A_159 = arith.constant 0 : i32
      %dma_wait3A_160 = tpu.memref_slice %arg9[%dma_wait3A_158, %dma_wait3A_159] : memref<128x128xf32, #tpu.memory_space<vmem>> -> memref<120x128xf32, #tpu.memory_space<vmem>>
      tpu.wait_dma2 semaphore(%run_scoped3A_140 : memref<!tpu.dma_semaphore, #tpu.memory_space<semaphore_mem>>) src(%dma_wait3A_160 : memref<120x128xf32, #tpu.memory_space<vmem>>) dst(%dma_wait3A_157 : memref<120x128xf32, #tpu.memory_space<vmem_shared>>)
      tpu.yield
    }) : () -> ()
    %barrier3A = arith.constant 0 : index
    tpu.barrier barrier_id(%barrier3A)
    %dma_start3A_72 = arith.constant 0 : i32
    %dma_start3A_73 = arith.constant 1 : i32
    %dma_start3A_74 = arith.constant 0 : i32
    %dma_start3A_75 = tpu.memref_slice %arg6[%dma_start3A_72, %dma_start3A_73, %dma_start3A_74] : memref<2x8x128xi32, #tpu.memory_space<vmem>> -> memref<1x1x128xi32, #tpu.memory_space<vmem>>
    %dma_start3A_76 = tpu.memref_squeeze %dma_start3A_75 : memref<1x1x128xi32, #tpu.memory_space<vmem>> -> memref<128xi32, #tpu.memory_space<vmem>>
    %dma_start3A_77 = arith.constant 0 : i32
    %dma_start3A_78 = arith.constant 0 : i32
    %dma_start3A_79 = tpu.memref_slice %arg2[%dma_start3A_77, %dma_start3A_78] : memref<10240x128xf32, #tpu.memory_space<hbm>> -> memref<10240x128xf32, #tpu.memory_space<hbm>>
    tpu.enqueue_indirect_dma source(%dma_start3A_79 : memref<10240x128xf32, #tpu.memory_space<hbm>>) target(%arg9 : memref<128x128xf32, #tpu.memory_space<vmem>>) offsets(%dma_start3A_76 : memref<128xi32, #tpu.memory_space<vmem>>) semaphore(%arg12 : memref<!tpu.dma_semaphore, #tpu.memory_space<semaphore_mem>>)
    %dma_wait3A = arith.constant 0 : i32
    %dma_wait3A_80 = arith.constant 0 : i32
    %dma_wait3A_81 = arith.constant 0 : i32
    %dma_wait3A_82 = tpu.memref_slice %arg6[%dma_wait3A, %dma_wait3A_80, %dma_wait3A_81] : memref<2x8x128xi32, #tpu.memory_space<vmem>> -> memref<1x1x128xi32, #tpu.memory_space<vmem>>
    %dma_wait3A_83 = tpu.memref_squeeze %dma_wait3A_82 : memref<1x1x128xi32, #tpu.memory_space<vmem>> -> memref<128xi32, #tpu.memory_space<vmem>>
    %dma_wait3A_84 = arith.constant 0 : i32
    %dma_wait3A_85 = arith.constant 0 : i32
    %dma_wait3A_86 = tpu.memref_slice %arg2[%dma_wait3A_84, %dma_wait3A_85] : memref<10240x128xf32, #tpu.memory_space<hbm>> -> memref<10240x128xf32, #tpu.memory_space<hbm>>
    tpu.wait_indirect_dma semaphore(%arg11 : memref<!tpu.dma_semaphore, #tpu.memory_space<semaphore_mem>>) src(%dma_wait3A_86 : memref<10240x128xf32, #tpu.memory_space<hbm>>) dst(%arg8 : memref<128x128xf32, #tpu.memory_space<vmem>>)
    %dma_start3A_87 = arith.constant 0 : i32
    %dma_start3A_88 = arith.constant 0 : i32
    %dma_start3A_89 = arith.constant 0 : i32
    %dma_start3A_90 = tpu.memref_slice %arg7[%dma_start3A_87, %dma_start3A_88, %dma_start3A_89] : memref<2x8x128xi32, #tpu.memory_space<vmem>> -> memref<1x1x128xi32, #tpu.memory_space<vmem>>
    %dma_start3A_91 = tpu.memref_squeeze %dma_start3A_90 : memref<1x1x128xi32, #tpu.memory_space<vmem>> -> memref<128xi32, #tpu.memory_space<vmem>>
    %dma_start3A_92 = arith.constant 0 : i32
    %dma_start3A_93 = arith.constant 0 : i32
    %dma_start3A_94 = tpu.memref_slice %arg10[%dma_start3A_92, %dma_start3A_93] : memref<10112x128xf32, #tpu.memory_space<vmem_shared>> -> memref<10112x128xf32, #tpu.memory_space<vmem_shared>>
    tpu.enqueue_indirect_dma source(%arg8 : memref<128x128xf32, #tpu.memory_space<vmem>>) target(%dma_start3A_94 : memref<10112x128xf32, #tpu.memory_space<vmem_shared>>) offsets(%dma_start3A_91 : memref<128xi32, #tpu.memory_space<vmem>>) semaphore(%arg13 : memref<!tpu.dma_semaphore, #tpu.memory_space<semaphore_mem>>) {add = true}
    %dma_wait3A_95 = arith.constant 0 : i32
    %dma_wait3A_96 = arith.constant 1 : i32
    %dma_wait3A_97 = arith.constant 0 : i32
    %dma_wait3A_98 = tpu.memref_slice %arg6[%dma_wait3A_95, %dma_wait3A_96, %dma_wait3A_97] : memref<2x8x128xi32, #tpu.memory_space<vmem>> -> memref<1x1x128xi32, #tpu.memory_space<vmem>>
    %dma_wait3A_99 = tpu.memref_squeeze %dma_wait3A_98 : memref<1x1x128xi32, #tpu.memory_space<vmem>> -> memref<128xi32, #tpu.memory_space<vmem>>
    %dma_wait3A_100 = arith.constant 0 : i32
    %dma_wait3A_101 = arith.constant 0 : i32
    %dma_wait3A_102 = tpu.memref_slice %arg2[%dma_wait3A_100, %dma_wait3A_101] : memref<10240x128xf32, #tpu.memory_space<hbm>> -> memref<10240x128xf32, #tpu.memory_space<hbm>>
    tpu.wait_indirect_dma semaphore(%arg12 : memref<!tpu.dma_semaphore, #tpu.memory_space<semaphore_mem>>) src(%dma_wait3A_102 : memref<10240x128xf32, #tpu.memory_space<hbm>>) dst(%arg9 : memref<128x128xf32, #tpu.memory_space<vmem>>)
    %dma_start3A_103 = arith.constant 0 : i32
    %dma_start3A_104 = arith.constant 1 : i32
    %dma_start3A_105 = arith.constant 0 : i32
    %dma_start3A_106 = tpu.memref_slice %arg7[%dma_start3A_103, %dma_start3A_104, %dma_start3A_105] : memref<2x8x128xi32, #tpu.memory_space<vmem>> -> memref<1x1x128xi32, #tpu.memory_space<vmem>>
    %dma_start3A_107 = tpu.memref_squeeze %dma_start3A_106 : memref<1x1x128xi32, #tpu.memory_space<vmem>> -> memref<128xi32, #tpu.memory_space<vmem>>
    %dma_start3A_108 = arith.constant 0 : i32
    %dma_start3A_109 = arith.constant 0 : i32
    %dma_start3A_110 = tpu.memref_slice %arg10[%dma_start3A_108, %dma_start3A_109] : memref<10112x128xf32, #tpu.memory_space<vmem_shared>> -> memref<10112x128xf32, #tpu.memory_space<vmem_shared>>
    tpu.enqueue_indirect_dma source(%arg9 : memref<128x128xf32, #tpu.memory_space<vmem>>) target(%dma_start3A_110 : memref<10112x128xf32, #tpu.memory_space<vmem_shared>>) offsets(%dma_start3A_107 : memref<128xi32, #tpu.memory_space<vmem>>) semaphore(%arg14 : memref<!tpu.dma_semaphore, #tpu.memory_space<semaphore_mem>>) {add = true}
    %scan3A_111 = arith.constant 0 : i32
    %scan3A_112 = arith.constant 39 : i32
    %scan3A_113 = arith.addi %scan3A_111, %scan3A_112 : i32
    %scan3A_114 = arith.constant 1 : i32
    scf.for %scan3A_140 = %scan3A_111 to %scan3A_113 step %scan3A_114  : i32 {
      %mul3A_141 = arith.constant 2 : i32
      %mul3A_142 = arith.muli %scan3A_140, %mul3A_141 : i32
      %add3A_143 = arith.constant 2 : i32
      %add3A_144 = arith.addi %add3A_143, %mul3A_142 : i32
      %jit3A = arith.constant 8 : i32
      %div3A = arith.divsi %add3A_144, %jit3A : i32
      %sign3A = arith.constant 0 : i32
      %sign3A_145 = arith.cmpi sgt, %add3A_144, %sign3A : i32
      %sign3A_146 = arith.extui %sign3A_145 : i1 to i32
      %sign3A_147 = arith.constant 0 : i32
      %sign3A_148 = arith.cmpi slt, %add3A_144, %sign3A_147 : i32
      %sign3A_149 = arith.extui %sign3A_148 : i1 to i32
      %sign3A_150 = arith.subi %sign3A_146, %sign3A_149 : i32
      %sign3A_151 = arith.constant 0 : i32
      %sign3A_152 = arith.cmpi sgt, %jit3A, %sign3A_151 : i32
      %sign3A_153 = arith.extui %sign3A_152 : i1 to i32
      %sign3A_154 = arith.constant 0 : i32
      %sign3A_155 = arith.cmpi slt, %jit3A, %sign3A_154 : i32
      %sign3A_156 = arith.extui %sign3A_155 : i1 to i32
      %sign3A_157 = arith.subi %sign3A_153, %sign3A_156 : i32
      %ne3A = arith.cmpi ne, %sign3A_150, %sign3A_157 : i32
      %rem3A = arith.remsi %add3A_144, %jit3A : i32
      %ne3A_158 = arith.constant 0 : i32
      %ne3A_159 = arith.cmpi ne, %rem3A, %ne3A_158 : i32
      %and3A = arith.andi %ne3A, %ne3A_159 : i1
      %sub3A = arith.constant 1 : i32
      %sub3A_160 = arith.subi %div3A, %sub3A : i32
      %select_n3A = arith.select %and3A, %sub3A_160, %div3A : i32
      %jit3A_161 = arith.constant 8 : i32
      %eq3A = arith.constant 0 : i32
      %eq3A_162 = arith.cmpi eq, %jit3A_161, %eq3A : i32
      %jit3A_163 = arith.constant 1 : i32
      %select_n3A_164 = arith.select %eq3A_162, %jit3A_163, %jit3A_161 : i32
      %rem3A_165 = arith.remsi %add3A_144, %select_n3A_164 : i32
      %ne3A_166 = arith.constant 0 : i32
      %ne3A_167 = arith.cmpi ne, %rem3A_165, %ne3A_166 : i32
      %lt3A = arith.constant 0 : i32
      %lt3A_168 = arith.cmpi slt, %rem3A_165, %lt3A : i32
      %lt3A_169 = arith.constant 0 : i32
      %lt3A_170 = arith.cmpi slt, %select_n3A_164, %lt3A_169 : i32
      %ne3A_171 = arith.xori %lt3A_168, %lt3A_170 : i1
      %and3A_172 = arith.andi %ne3A_171, %ne3A_167 : i1
      %add3A_173 = arith.addi %rem3A_165, %select_n3A_164 : i32
      %select_n3A_174 = arith.select %and3A_172, %add3A_173, %rem3A_165 : i32
      %jit3A_175 = arith.constant 2 : i32
      %eq3A_176 = arith.constant 0 : i32
      %eq3A_177 = arith.cmpi eq, %jit3A_175, %eq3A_176 : i32
      %jit3A_178 = arith.constant 1 : i32
      %select_n3A_179 = arith.select %eq3A_177, %jit3A_178, %jit3A_175 : i32
      %rem3A_180 = arith.remsi %select_n3A, %select_n3A_179 : i32
      %ne3A_181 = arith.constant 0 : i32
      %ne3A_182 = arith.cmpi ne, %rem3A_180, %ne3A_181 : i32
      %lt3A_183 = arith.constant 0 : i32
      %lt3A_184 = arith.cmpi slt, %rem3A_180, %lt3A_183 : i32
      %lt3A_185 = arith.constant 0 : i32
      %lt3A_186 = arith.cmpi slt, %select_n3A_179, %lt3A_185 : i32
      %ne3A_187 = arith.xori %lt3A_184, %lt3A_186 : i1
      %and3A_188 = arith.andi %ne3A_187, %ne3A_182 : i1
      %add3A_189 = arith.addi %rem3A_180, %select_n3A_179 : i32
      %select_n3A_190 = arith.select %and3A_188, %add3A_189, %rem3A_180 : i32
      %eq3A_191 = arith.constant 0 : i32
      %eq3A_192 = arith.cmpi eq, %select_n3A_174, %eq3A_191 : i32
      %convert_element_type3A = arith.extui %eq3A_192 : i1 to i32
      %cond3A = arith.constant 0 : i32
      %cond3A_193 = arith.cmpi ne, %convert_element_type3A, %cond3A : i32
      scf.if %cond3A_193 {
        %dma_wait3A_266 = arith.constant 0 : i32
        %dma_wait3A_267 = arith.constant 0 : i32
        %dma_wait3A_268 = arith.constant 0 : i32
        %dma_wait3A_269 = arith.constant 0 : i32
        %dma_wait3A_270 = tpu.memref_slice %arg6[%dma_wait3A_267, %dma_wait3A_268, %dma_wait3A_269] : memref<2x8x128xi32, #tpu.memory_space<vmem>> -> memref<1x8x128xi32, #tpu.memory_space<vmem>>
        %dma_wait3A_271 = tpu.memref_squeeze %dma_wait3A_270 : memref<1x8x128xi32, #tpu.memory_space<vmem>> -> memref<8x128xi32, #tpu.memory_space<vmem>>
        %dma_wait3A_272 = arith.constant 0 : i32
        %dma_wait3A_273 = arith.constant 0 : i32
        %dma_wait3A_274 = tpu.memref_slice %arg3[%add3A, %dma_wait3A_266, %dma_wait3A_272, %dma_wait3A_273] : memref<32x10x8x128xi32, #tpu.memory_space<hbm>> -> memref<1x1x8x128xi32, #tpu.memory_space<hbm>>
        %dma_wait3A_275 = tpu.memref_squeeze %dma_wait3A_274 : memref<1x1x8x128xi32, #tpu.memory_space<hbm>> -> memref<8x128xi32, #tpu.memory_space<hbm>>
        %dma_wait3A_276 = arith.constant 0 : i32
        %dma_wait3A_277 = arith.constant 0 : i32
        %dma_wait3A_278 = tpu.memref_slice %arg6[%dma_wait3A_267, %dma_wait3A_276, %dma_wait3A_277] : memref<2x8x128xi32, #tpu.memory_space<vmem>> -> memref<1x8x128xi32, #tpu.memory_space<vmem>>
        %dma_wait3A_279 = tpu.memref_squeeze %dma_wait3A_278 : memref<1x8x128xi32, #tpu.memory_space<vmem>> -> memref<8x128xi32, #tpu.memory_space<vmem>>
        %dma_wait3A_280 = arith.constant 0 : i32
        %dma_wait3A_281 = arith.constant 0 : i32
        %dma_wait3A_282 = tpu.memref_slice %arg3[%add3A, %dma_wait3A_266, %dma_wait3A_280, %dma_wait3A_281] : memref<32x10x8x128xi32, #tpu.memory_space<hbm>> -> memref<1x1x8x128xi32, #tpu.memory_space<hbm>>
        %dma_wait3A_283 = tpu.memref_squeeze %dma_wait3A_282 : memref<1x1x8x128xi32, #tpu.memory_space<hbm>> -> memref<8x128xi32, #tpu.memory_space<hbm>>
        tpu.wait_dma2 semaphore(%arg15 : memref<!tpu.dma_semaphore, #tpu.memory_space<semaphore_mem>>) src(%dma_wait3A_283 : memref<8x128xi32, #tpu.memory_space<hbm>>) dst(%dma_wait3A_279 : memref<8x128xi32, #tpu.memory_space<vmem>>)
        %dma_wait3A_284 = arith.constant 0 : i32
        %dma_wait3A_285 = arith.constant 0 : i32
        %dma_wait3A_286 = arith.constant 0 : i32
        %dma_wait3A_287 = arith.constant 0 : i32
        %dma_wait3A_288 = tpu.memref_slice %arg7[%dma_wait3A_285, %dma_wait3A_286, %dma_wait3A_287] : memref<2x8x128xi32, #tpu.memory_space<vmem>> -> memref<1x8x128xi32, #tpu.memory_space<vmem>>
        %dma_wait3A_289 = tpu.memref_squeeze %dma_wait3A_288 : memref<1x8x128xi32, #tpu.memory_space<vmem>> -> memref<8x128xi32, #tpu.memory_space<vmem>>
        %dma_wait3A_290 = arith.constant 0 : i32
        %dma_wait3A_291 = arith.constant 0 : i32
        %dma_wait3A_292 = tpu.memref_slice %arg4[%add3A, %dma_wait3A_284, %dma_wait3A_290, %dma_wait3A_291] : memref<32x10x8x128xi32, #tpu.memory_space<hbm>> -> memref<1x1x8x128xi32, #tpu.memory_space<hbm>>
        %dma_wait3A_293 = tpu.memref_squeeze %dma_wait3A_292 : memref<1x1x8x128xi32, #tpu.memory_space<hbm>> -> memref<8x128xi32, #tpu.memory_space<hbm>>
        %dma_wait3A_294 = arith.constant 0 : i32
        %dma_wait3A_295 = arith.constant 0 : i32
        %dma_wait3A_296 = tpu.memref_slice %arg7[%dma_wait3A_285, %dma_wait3A_294, %dma_wait3A_295] : memref<2x8x128xi32, #tpu.memory_space<vmem>> -> memref<1x8x128xi32, #tpu.memory_space<vmem>>
        %dma_wait3A_297 = tpu.memref_squeeze %dma_wait3A_296 : memref<1x8x128xi32, #tpu.memory_space<vmem>> -> memref<8x128xi32, #tpu.memory_space<vmem>>
        %dma_wait3A_298 = arith.constant 0 : i32
        %dma_wait3A_299 = arith.constant 0 : i32
        %dma_wait3A_300 = tpu.memref_slice %arg4[%add3A, %dma_wait3A_284, %dma_wait3A_298, %dma_wait3A_299] : memref<32x10x8x128xi32, #tpu.memory_space<hbm>> -> memref<1x1x8x128xi32, #tpu.memory_space<hbm>>
        %dma_wait3A_301 = tpu.memref_squeeze %dma_wait3A_300 : memref<1x1x8x128xi32, #tpu.memory_space<hbm>> -> memref<8x128xi32, #tpu.memory_space<hbm>>
        tpu.wait_dma2 semaphore(%arg15 : memref<!tpu.dma_semaphore, #tpu.memory_space<semaphore_mem>>) src(%dma_wait3A_301 : memref<8x128xi32, #tpu.memory_space<hbm>>) dst(%dma_wait3A_297 : memref<8x128xi32, #tpu.memory_space<vmem>>)
      } else {
      }
      %eq3A_194 = arith.constant 0 : i32
      %eq3A_195 = arith.cmpi eq, %select_n3A_174, %eq3A_194 : i32
      %lt3A_196 = arith.constant 9 : i32
      %lt3A_197 = arith.cmpi slt, %select_n3A, %lt3A_196 : i32
      %and3A_198 = arith.andi %eq3A_195, %lt3A_197 : i1
      %convert_element_type3A_199 = arith.extui %and3A_198 : i1 to i32
      %cond3A_200 = arith.constant 0 : i32
      %cond3A_201 = arith.cmpi ne, %convert_element_type3A_199, %cond3A_200 : i32
      scf.if %cond3A_201 {
        %add3A_266 = arith.constant 1 : i32
        %add3A_267 = arith.addi %select_n3A, %add3A_266 : i32
        %sub3A_268 = arith.constant 1 : i32
        %sub3A_269 = arith.subi %sub3A_268, %select_n3A_190 : i32
        %dma_start3A_270 = arith.constant 0 : i32
        %dma_start3A_271 = arith.constant 0 : i32
        %dma_start3A_272 = tpu.memref_slice %arg6[%sub3A_269, %dma_start3A_270, %dma_start3A_271] : memref<2x8x128xi32, #tpu.memory_space<vmem>> -> memref<1x8x128xi32, #tpu.memory_space<vmem>>
        %dma_start3A_273 = tpu.memref_squeeze %dma_start3A_272 : memref<1x8x128xi32, #tpu.memory_space<vmem>> -> memref<8x128xi32, #tpu.memory_space<vmem>>
        %dma_start3A_274 = arith.constant 0 : i32
        %dma_start3A_275 = arith.constant 0 : i32
        %dma_start3A_276 = tpu.memref_slice %arg3[%add3A, %add3A_267, %dma_start3A_274, %dma_start3A_275] : memref<32x10x8x128xi32, #tpu.memory_space<hbm>> -> memref<1x1x8x128xi32, #tpu.memory_space<hbm>>
        %dma_start3A_277 = tpu.memref_squeeze %dma_start3A_276 : memref<1x1x8x128xi32, #tpu.memory_space<hbm>> -> memref<8x128xi32, #tpu.memory_space<hbm>>
        %dma_start3A_278 = arith.constant 0 : i32
        %dma_start3A_279 = arith.constant 0 : i32
        %dma_start3A_280 = tpu.memref_slice %arg6[%sub3A_269, %dma_start3A_278, %dma_start3A_279] : memref<2x8x128xi32, #tpu.memory_space<vmem>> -> memref<1x8x128xi32, #tpu.memory_space<vmem>>
        %dma_start3A_281 = tpu.memref_squeeze %dma_start3A_280 : memref<1x8x128xi32, #tpu.memory_space<vmem>> -> memref<8x128xi32, #tpu.memory_space<vmem>>
        %dma_start3A_282 = arith.constant 0 : i32
        %dma_start3A_283 = arith.constant 0 : i32
        %dma_start3A_284 = tpu.memref_slice %arg3[%add3A, %add3A_267, %dma_start3A_282, %dma_start3A_283] : memref<32x10x8x128xi32, #tpu.memory_space<hbm>> -> memref<1x1x8x128xi32, #tpu.memory_space<hbm>>
        %dma_start3A_285 = tpu.memref_squeeze %dma_start3A_284 : memref<1x1x8x128xi32, #tpu.memory_space<hbm>> -> memref<8x128xi32, #tpu.memory_space<hbm>>
        tpu.enqueue_dma source(%dma_start3A_285 : memref<8x128xi32, #tpu.memory_space<hbm>>) target(%dma_start3A_281 : memref<8x128xi32, #tpu.memory_space<vmem>>) target_semaphore(%arg15 : memref<!tpu.dma_semaphore, #tpu.memory_space<semaphore_mem>>)
        %add3A_286 = arith.constant 1 : i32
        %add3A_287 = arith.addi %select_n3A, %add3A_286 : i32
        %sub3A_288 = arith.constant 1 : i32
        %sub3A_289 = arith.subi %sub3A_288, %select_n3A_190 : i32
        %dma_start3A_290 = arith.constant 0 : i32
        %dma_start3A_291 = arith.constant 0 : i32
        %dma_start3A_292 = tpu.memref_slice %arg7[%sub3A_289, %dma_start3A_290, %dma_start3A_291] : memref<2x8x128xi32, #tpu.memory_space<vmem>> -> memref<1x8x128xi32, #tpu.memory_space<vmem>>
        %dma_start3A_293 = tpu.memref_squeeze %dma_start3A_292 : memref<1x8x128xi32, #tpu.memory_space<vmem>> -> memref<8x128xi32, #tpu.memory_space<vmem>>
        %dma_start3A_294 = arith.constant 0 : i32
        %dma_start3A_295 = arith.constant 0 : i32
        %dma_start3A_296 = tpu.memref_slice %arg4[%add3A, %add3A_287, %dma_start3A_294, %dma_start3A_295] : memref<32x10x8x128xi32, #tpu.memory_space<hbm>> -> memref<1x1x8x128xi32, #tpu.memory_space<hbm>>
        %dma_start3A_297 = tpu.memref_squeeze %dma_start3A_296 : memref<1x1x8x128xi32, #tpu.memory_space<hbm>> -> memref<8x128xi32, #tpu.memory_space<hbm>>
        %dma_start3A_298 = arith.constant 0 : i32
        %dma_start3A_299 = arith.constant 0 : i32
        %dma_start3A_300 = tpu.memref_slice %arg7[%sub3A_289, %dma_start3A_298, %dma_start3A_299] : memref<2x8x128xi32, #tpu.memory_space<vmem>> -> memref<1x8x128xi32, #tpu.memory_space<vmem>>
        %dma_start3A_301 = tpu.memref_squeeze %dma_start3A_300 : memref<1x8x128xi32, #tpu.memory_space<vmem>> -> memref<8x128xi32, #tpu.memory_space<vmem>>
        %dma_start3A_302 = arith.constant 0 : i32
        %dma_start3A_303 = arith.constant 0 : i32
        %dma_start3A_304 = tpu.memref_slice %arg4[%add3A, %add3A_287, %dma_start3A_302, %dma_start3A_303] : memref<32x10x8x128xi32, #tpu.memory_space<hbm>> -> memref<1x1x8x128xi32, #tpu.memory_space<hbm>>
        %dma_start3A_305 = tpu.memref_squeeze %dma_start3A_304 : memref<1x1x8x128xi32, #tpu.memory_space<hbm>> -> memref<8x128xi32, #tpu.memory_space<hbm>>
        tpu.enqueue_dma source(%dma_start3A_305 : memref<8x128xi32, #tpu.memory_space<hbm>>) target(%dma_start3A_301 : memref<8x128xi32, #tpu.memory_space<vmem>>) target_semaphore(%arg15 : memref<!tpu.dma_semaphore, #tpu.memory_space<semaphore_mem>>)
      } else {
      }
      %dma_wait3A_202 = arith.constant 0 : i32
      %dma_wait3A_203 = arith.constant 0 : i32
      %dma_wait3A_204 = arith.constant 0 : i32
      %dma_wait3A_205 = tpu.memref_slice %arg7[%dma_wait3A_202, %dma_wait3A_203, %dma_wait3A_204] : memref<2x8x128xi32, #tpu.memory_space<vmem>> -> memref<1x1x128xi32, #tpu.memory_space<vmem>>
      %dma_wait3A_206 = tpu.memref_squeeze %dma_wait3A_205 : memref<1x1x128xi32, #tpu.memory_space<vmem>> -> memref<128xi32, #tpu.memory_space<vmem>>
      %dma_wait3A_207 = arith.constant 0 : i32
      %dma_wait3A_208 = arith.constant 0 : i32
      %dma_wait3A_209 = tpu.memref_slice %arg10[%dma_wait3A_207, %dma_wait3A_208] : memref<10112x128xf32, #tpu.memory_space<vmem_shared>> -> memref<10112x128xf32, #tpu.memory_space<vmem_shared>>
      tpu.wait_indirect_dma semaphore(%arg13 : memref<!tpu.dma_semaphore, #tpu.memory_space<semaphore_mem>>) src(%arg8 : memref<128x128xf32, #tpu.memory_space<vmem>>) dst(%dma_wait3A_209 : memref<10112x128xf32, #tpu.memory_space<vmem_shared>>)
      %add3A_210 = arith.constant 0 : i32
      %add3A_211 = arith.addi %select_n3A_174, %add3A_210 : i32
      %dma_start3A_212 = arith.constant 0 : i32
      %dma_start3A_213 = tpu.memref_slice %arg6[%select_n3A_190, %add3A_211, %dma_start3A_212] : memref<2x8x128xi32, #tpu.memory_space<vmem>> -> memref<1x1x128xi32, #tpu.memory_space<vmem>>
      %dma_start3A_214 = tpu.memref_squeeze %dma_start3A_213 : memref<1x1x128xi32, #tpu.memory_space<vmem>> -> memref<128xi32, #tpu.memory_space<vmem>>
      %dma_start3A_215 = arith.constant 0 : i32
      %dma_start3A_216 = arith.constant 0 : i32
      %dma_start3A_217 = tpu.memref_slice %arg2[%dma_start3A_215, %dma_start3A_216] : memref<10240x128xf32, #tpu.memory_space<hbm>> -> memref<10240x128xf32, #tpu.memory_space<hbm>>
      tpu.enqueue_indirect_dma source(%dma_start3A_217 : memref<10240x128xf32, #tpu.memory_space<hbm>>) target(%arg8 : memref<128x128xf32, #tpu.memory_space<vmem>>) offsets(%dma_start3A_214 : memref<128xi32, #tpu.memory_space<vmem>>) semaphore(%arg11 : memref<!tpu.dma_semaphore, #tpu.memory_space<semaphore_mem>>)
      %dma_wait3A_218 = arith.constant 0 : i32
      %dma_wait3A_219 = arith.constant 0 : i32
      %dma_wait3A_220 = arith.constant 0 : i32
      %dma_wait3A_221 = tpu.memref_slice %arg7[%dma_wait3A_218, %dma_wait3A_219, %dma_wait3A_220] : memref<2x8x128xi32, #tpu.memory_space<vmem>> -> memref<1x1x128xi32, #tpu.memory_space<vmem>>
      %dma_wait3A_222 = tpu.memref_squeeze %dma_wait3A_221 : memref<1x1x128xi32, #tpu.memory_space<vmem>> -> memref<128xi32, #tpu.memory_space<vmem>>
      %dma_wait3A_223 = arith.constant 0 : i32
      %dma_wait3A_224 = arith.constant 0 : i32
      %dma_wait3A_225 = tpu.memref_slice %arg10[%dma_wait3A_223, %dma_wait3A_224] : memref<10112x128xf32, #tpu.memory_space<vmem_shared>> -> memref<10112x128xf32, #tpu.memory_space<vmem_shared>>
      tpu.wait_indirect_dma semaphore(%arg14 : memref<!tpu.dma_semaphore, #tpu.memory_space<semaphore_mem>>) src(%arg9 : memref<128x128xf32, #tpu.memory_space<vmem>>) dst(%dma_wait3A_225 : memref<10112x128xf32, #tpu.memory_space<vmem_shared>>)
      %add3A_226 = arith.constant 1 : i32
      %add3A_227 = arith.addi %select_n3A_174, %add3A_226 : i32
      %dma_start3A_228 = arith.constant 0 : i32
      %dma_start3A_229 = tpu.memref_slice %arg6[%select_n3A_190, %add3A_227, %dma_start3A_228] : memref<2x8x128xi32, #tpu.memory_space<vmem>> -> memref<1x1x128xi32, #tpu.memory_space<vmem>>
      %dma_start3A_230 = tpu.memref_squeeze %dma_start3A_229 : memref<1x1x128xi32, #tpu.memory_space<vmem>> -> memref<128xi32, #tpu.memory_space<vmem>>
      %dma_start3A_231 = arith.constant 0 : i32
      %dma_start3A_232 = arith.constant 0 : i32
      %dma_start3A_233 = tpu.memref_slice %arg2[%dma_start3A_231, %dma_start3A_232] : memref<10240x128xf32, #tpu.memory_space<hbm>> -> memref<10240x128xf32, #tpu.memory_space<hbm>>
      tpu.enqueue_indirect_dma source(%dma_start3A_233 : memref<10240x128xf32, #tpu.memory_space<hbm>>) target(%arg9 : memref<128x128xf32, #tpu.memory_space<vmem>>) offsets(%dma_start3A_230 : memref<128xi32, #tpu.memory_space<vmem>>) semaphore(%arg12 : memref<!tpu.dma_semaphore, #tpu.memory_space<semaphore_mem>>)
      %add3A_234 = arith.constant 0 : i32
      %add3A_235 = arith.addi %select_n3A_174, %add3A_234 : i32
      %dma_wait3A_236 = arith.constant 0 : i32
      %dma_wait3A_237 = tpu.memref_slice %arg6[%select_n3A_190, %add3A_235, %dma_wait3A_236] : memref<2x8x128xi32, #tpu.memory_space<vmem>> -> memref<1x1x128xi32, #tpu.memory_space<vmem>>
      %dma_wait3A_238 = tpu.memref_squeeze %dma_wait3A_237 : memref<1x1x128xi32, #tpu.memory_space<vmem>> -> memref<128xi32, #tpu.memory_space<vmem>>
      %dma_wait3A_239 = arith.constant 0 : i32
      %dma_wait3A_240 = arith.constant 0 : i32
      %dma_wait3A_241 = tpu.memref_slice %arg2[%dma_wait3A_239, %dma_wait3A_240] : memref<10240x128xf32, #tpu.memory_space<hbm>> -> memref<10240x128xf32, #tpu.memory_space<hbm>>
      tpu.wait_indirect_dma semaphore(%arg11 : memref<!tpu.dma_semaphore, #tpu.memory_space<semaphore_mem>>) src(%dma_wait3A_241 : memref<10240x128xf32, #tpu.memory_space<hbm>>) dst(%arg8 : memref<128x128xf32, #tpu.memory_space<vmem>>)
      %add3A_242 = arith.constant 0 : i32
      %add3A_243 = arith.addi %select_n3A_174, %add3A_242 : i32
      %dma_start3A_244 = arith.constant 0 : i32
      %dma_start3A_245 = tpu.memref_slice %arg7[%select_n3A_190, %add3A_243, %dma_start3A_244] : memref<2x8x128xi32, #tpu.memory_space<vmem>> -> memref<1x1x128xi32, #tpu.memory_space<vmem>>
      %dma_start3A_246 = tpu.memref_squeeze %dma_start3A_245 : memref<1x1x128xi32, #tpu.memory_space<vmem>> -> memref<128xi32, #tpu.memory_space<vmem>>
      %dma_start3A_247 = arith.constant 0 : i32
      %dma_start3A_248 = arith.constant 0 : i32
      %dma_start3A_249 = tpu.memref_slice %arg10[%dma_start3A_247, %dma_start3A_248] : memref<10112x128xf32, #tpu.memory_space<vmem_shared>> -> memref<10112x128xf32, #tpu.memory_space<vmem_shared>>
      tpu.enqueue_indirect_dma source(%arg8 : memref<128x128xf32, #tpu.memory_space<vmem>>) target(%dma_start3A_249 : memref<10112x128xf32, #tpu.memory_space<vmem_shared>>) offsets(%dma_start3A_246 : memref<128xi32, #tpu.memory_space<vmem>>) semaphore(%arg13 : memref<!tpu.dma_semaphore, #tpu.memory_space<semaphore_mem>>) {add = true}
      %add3A_250 = arith.constant 1 : i32
      %add3A_251 = arith.addi %select_n3A_174, %add3A_250 : i32
      %dma_wait3A_252 = arith.constant 0 : i32
      %dma_wait3A_253 = tpu.memref_slice %arg6[%select_n3A_190, %add3A_251, %dma_wait3A_252] : memref<2x8x128xi32, #tpu.memory_space<vmem>> -> memref<1x1x128xi32, #tpu.memory_space<vmem>>
      %dma_wait3A_254 = tpu.memref_squeeze %dma_wait3A_253 : memref<1x1x128xi32, #tpu.memory_space<vmem>> -> memref<128xi32, #tpu.memory_space<vmem>>
      %dma_wait3A_255 = arith.constant 0 : i32
      %dma_wait3A_256 = arith.constant 0 : i32
      %dma_wait3A_257 = tpu.memref_slice %arg2[%dma_wait3A_255, %dma_wait3A_256] : memref<10240x128xf32, #tpu.memory_space<hbm>> -> memref<10240x128xf32, #tpu.memory_space<hbm>>
      tpu.wait_indirect_dma semaphore(%arg12 : memref<!tpu.dma_semaphore, #tpu.memory_space<semaphore_mem>>) src(%dma_wait3A_257 : memref<10240x128xf32, #tpu.memory_space<hbm>>) dst(%arg9 : memref<128x128xf32, #tpu.memory_space<vmem>>)
      %add3A_258 = arith.constant 1 : i32
      %add3A_259 = arith.addi %select_n3A_174, %add3A_258 : i32
      %dma_start3A_260 = arith.constant 0 : i32
      %dma_start3A_261 = tpu.memref_slice %arg7[%select_n3A_190, %add3A_259, %dma_start3A_260] : memref<2x8x128xi32, #tpu.memory_space<vmem>> -> memref<1x1x128xi32, #tpu.memory_space<vmem>>
      %dma_start3A_262 = tpu.memref_squeeze %dma_start3A_261 : memref<1x1x128xi32, #tpu.memory_space<vmem>> -> memref<128xi32, #tpu.memory_space<vmem>>
      %dma_start3A_263 = arith.constant 0 : i32
      %dma_start3A_264 = arith.constant 0 : i32
      %dma_start3A_265 = tpu.memref_slice %arg10[%dma_start3A_263, %dma_start3A_264] : memref<10112x128xf32, #tpu.memory_space<vmem_shared>> -> memref<10112x128xf32, #tpu.memory_space<vmem_shared>>
      tpu.enqueue_indirect_dma source(%arg9 : memref<128x128xf32, #tpu.memory_space<vmem>>) target(%dma_start3A_265 : memref<10112x128xf32, #tpu.memory_space<vmem_shared>>) offsets(%dma_start3A_262 : memref<128xi32, #tpu.memory_space<vmem>>) semaphore(%arg14 : memref<!tpu.dma_semaphore, #tpu.memory_space<semaphore_mem>>) {add = true}
    }
    %scan3A_115 = arith.constant 39 : i32
    %dma_wait3A_116 = arith.constant 0 : i32
    %dma_wait3A_117 = arith.constant 0 : i32
    %dma_wait3A_118 = arith.constant 0 : i32
    %dma_wait3A_119 = tpu.memref_slice %arg7[%dma_wait3A_116, %dma_wait3A_117, %dma_wait3A_118] : memref<2x8x128xi32, #tpu.memory_space<vmem>> -> memref<1x1x128xi32, #tpu.memory_space<vmem>>
    %dma_wait3A_120 = tpu.memref_squeeze %dma_wait3A_119 : memref<1x1x128xi32, #tpu.memory_space<vmem>> -> memref<128xi32, #tpu.memory_space<vmem>>
    %dma_wait3A_121 = arith.constant 0 : i32
    %dma_wait3A_122 = arith.constant 0 : i32
    %dma_wait3A_123 = tpu.memref_slice %arg10[%dma_wait3A_121, %dma_wait3A_122] : memref<10112x128xf32, #tpu.memory_space<vmem_shared>> -> memref<10112x128xf32, #tpu.memory_space<vmem_shared>>
    tpu.wait_indirect_dma semaphore(%arg13 : memref<!tpu.dma_semaphore, #tpu.memory_space<semaphore_mem>>) src(%arg8 : memref<128x128xf32, #tpu.memory_space<vmem>>) dst(%dma_wait3A_123 : memref<10112x128xf32, #tpu.memory_space<vmem_shared>>)
    %dma_wait3A_124 = arith.constant 0 : i32
    %dma_wait3A_125 = arith.constant 0 : i32
    %dma_wait3A_126 = arith.constant 0 : i32
    %dma_wait3A_127 = tpu.memref_slice %arg7[%dma_wait3A_124, %dma_wait3A_125, %dma_wait3A_126] : memref<2x8x128xi32, #tpu.memory_space<vmem>> -> memref<1x1x128xi32, #tpu.memory_space<vmem>>
    %dma_wait3A_128 = tpu.memref_squeeze %dma_wait3A_127 : memref<1x1x128xi32, #tpu.memory_space<vmem>> -> memref<128xi32, #tpu.memory_space<vmem>>
    %dma_wait3A_129 = arith.constant 0 : i32
    %dma_wait3A_130 = arith.constant 0 : i32
    %dma_wait3A_131 = tpu.memref_slice %arg10[%dma_wait3A_129, %dma_wait3A_130] : memref<10112x128xf32, #tpu.memory_space<vmem_shared>> -> memref<10112x128xf32, #tpu.memory_space<vmem_shared>>
    tpu.wait_indirect_dma semaphore(%arg14 : memref<!tpu.dma_semaphore, #tpu.memory_space<semaphore_mem>>) src(%arg9 : memref<128x128xf32, #tpu.memory_space<vmem>>) dst(%dma_wait3A_131 : memref<10112x128xf32, #tpu.memory_space<vmem_shared>>)
    %barrier3A_132 = arith.constant 0 : index
    tpu.barrier barrier_id(%barrier3A_132)
    %mul3A_133 = arith.constant 632 : i32
    %mul3A_134 = arith.muli %arg1, %mul3A_133 : i32
    %mul3A_135 = arith.constant 10240 : i32
    %mul3A_136 = arith.muli %arg0, %mul3A_135 : i32
    %mul3A_137 = arith.constant 632 : i32
    %mul3A_138 = arith.muli %arg1, %mul3A_137 : i32
    %add3A_139 = arith.addi %mul3A_136, %mul3A_138 : i32
    "tpu.region"() ({
      %run_scoped3A_140 = tpu.sem_alloc : memref<!tpu.dma_semaphore, #tpu.memory_space<semaphore_mem>>
      %dma_start3A_141 = arith.constant 0 : i32
      %dma_start3A_142 = tpu.memref_slice %arg5[%add3A_139, %dma_start3A_141] : memref<20480x128xf32, #tpu.memory_space<hbm>> -> memref<632x128xf32, #tpu.memory_space<hbm>>
      %dma_start3A_143 = arith.constant 0 : i32
      %dma_start3A_144 = tpu.memref_slice %arg10[%mul3A_134, %dma_start3A_143] : memref<10112x128xf32, #tpu.memory_space<vmem_shared>> -> memref<632x128xf32, #tpu.memory_space<vmem_shared>>
      tpu.enqueue_dma source(%dma_start3A_144 : memref<632x128xf32, #tpu.memory_space<vmem_shared>>) target(%dma_start3A_142 : memref<632x128xf32, #tpu.memory_space<hbm>>) target_semaphore(%run_scoped3A_140 : memref<!tpu.dma_semaphore, #tpu.memory_space<semaphore_mem>>)
      %dma_wait3A_145 = arith.constant 0 : i32
      %dma_wait3A_146 = tpu.memref_slice %arg5[%add3A_139, %dma_wait3A_145] : memref<20480x128xf32, #tpu.memory_space<hbm>> -> memref<632x128xf32, #tpu.memory_space<hbm>>
      %dma_wait3A_147 = arith.constant 0 : i32
      %dma_wait3A_148 = tpu.memref_slice %arg10[%mul3A_134, %dma_wait3A_147] : memref<10112x128xf32, #tpu.memory_space<vmem_shared>> -> memref<632x128xf32, #tpu.memory_space<vmem_shared>>
      tpu.wait_dma2 semaphore(%run_scoped3A_140 : memref<!tpu.dma_semaphore, #tpu.memory_space<semaphore_mem>>) src(%dma_wait3A_148 : memref<632x128xf32, #tpu.memory_space<vmem_shared>>) dst(%dma_wait3A_146 : memref<632x128xf32, #tpu.memory_space<hbm>>)
      tpu.yield
    }) : () -> ()
    return
  }
}

#map = affine_map<(d0, d1) -> (0, 0)>
#map1 = affine_map<(d0, d1) -> (0, 0, 0, 0)>
module attributes {stable_mosaic.version = 14 : i64} {
  func.func @_sc_segsum(%arg0: i32, %arg1: i32, %arg2: memref<10240x128xf32, #tpu.memory_space<hbm>>, %arg3: memref<32x10x8x128xi32, #tpu.memory_space<hbm>>, %arg4: memref<32x10x8x128xi32, #tpu.memory_space<hbm>>, %arg5: memref<20480x128xf32, #tpu.memory_space<hbm>>, %arg6: memref<2x8x128xi32, #tpu.memory_space<vmem>>, %arg7: memref<2x8x128xi32, #tpu.memory_space<vmem>>, %arg8: memref<128x128xf32, #tpu.memory_space<vmem>>, %arg9: memref<128x128xf32, #tpu.memory_space<vmem>>, %arg10: memref<10112x128xf32, #tpu.memory_space<vmem_shared>>, %arg11: memref<!tpu.dma_semaphore, #tpu.memory_space<semaphore_mem>>, %arg12: memref<!tpu.dma_semaphore, #tpu.memory_space<semaphore_mem>>, %arg13: memref<!tpu.dma_semaphore, #tpu.memory_space<semaphore_mem>>, %arg14: memref<!tpu.dma_semaphore, #tpu.memory_space<semaphore_mem>>, %arg15: memref<!tpu.dma_semaphore, #tpu.memory_space<semaphore_mem>>) attributes {dimension_semantics = [#tpu.dimension_semantics<core_parallel>, #tpu.dimension_semantics<subcore_parallel>], iteration_bounds = array<i64: 2, 16>, scalar_prefetch = 0 : i64, scratch_operands = 10 : i64, tpu.core_type = #tpu.core_type<sc_vector_subcore>, window_params = [{transform_indices = #map}, {transform_indices = #map1}, {transform_indices = #map1}, {transform_indices = #map}]} {
    %mul3A = arith.constant 2 : i32
    %mul3A_0 = arith.muli %arg1, %mul3A : i32
    %add3A = arith.addi %mul3A_0, %arg0 : i32
    %run_scoped3A = arith.constant 0 : i32
    %run_scoped3A_1 = arith.constant 0 : i32
    "tpu.region"() ({
      %run_scoped3A_140 = tpu.sem_alloc : memref<!tpu.dma_semaphore, #tpu.memory_space<semaphore_mem>>
      %dma_start3A_141 = arith.constant 0 : i32
      %dma_start3A_142 = arith.constant 0 : i32
      %dma_start3A_143 = tpu.memref_slice %arg6[%run_scoped3A_1, %dma_start3A_141, %dma_start3A_142] : memref<2x8x128xi32, #tpu.memory_space<vmem>> -> memref<1x8x128xi32, #tpu.memory_space<vmem>>
      %dma_start3A_144 = tpu.memref_squeeze %dma_start3A_143 : memref<1x8x128xi32, #tpu.memory_space<vmem>> -> memref<8x128xi32, #tpu.memory_space<vmem>>
      %dma_start3A_145 = arith.constant 0 : i32
      %dma_start3A_146 = arith.constant 0 : i32
      %dma_start3A_147 = tpu.memref_slice %arg3[%add3A, %run_scoped3A, %dma_start3A_145, %dma_start3A_146] : memref<32x10x8x128xi32, #tpu.memory_space<hbm>> -> memref<1x1x8x128xi32, #tpu.memory_space<hbm>>
      %dma_start3A_148 = tpu.memref_squeeze %dma_start3A_147 : memref<1x1x8x128xi32, #tpu.memory_space<hbm>> -> memref<8x128xi32, #tpu.memory_space<hbm>>
      %dma_start3A_149 = arith.constant 0 : i32
      %dma_start3A_150 = arith.constant 0 : i32
      %dma_start3A_151 = tpu.memref_slice %arg6[%run_scoped3A_1, %dma_start3A_149, %dma_start3A_150] : memref<2x8x128xi32, #tpu.memory_space<vmem>> -> memref<1x8x128xi32, #tpu.memory_space<vmem>>
      %dma_start3A_152 = tpu.memref_squeeze %dma_start3A_151 : memref<1x8x128xi32, #tpu.memory_space<vmem>> -> memref<8x128xi32, #tpu.memory_space<vmem>>
      %dma_start3A_153 = arith.constant 0 : i32
      %dma_start3A_154 = arith.constant 0 : i32
      %dma_start3A_155 = tpu.memref_slice %arg3[%add3A, %run_scoped3A, %dma_start3A_153, %dma_start3A_154] : memref<32x10x8x128xi32, #tpu.memory_space<hbm>> -> memref<1x1x8x128xi32, #tpu.memory_space<hbm>>
      %dma_start3A_156 = tpu.memref_squeeze %dma_start3A_155 : memref<1x1x8x128xi32, #tpu.memory_space<hbm>> -> memref<8x128xi32, #tpu.memory_space<hbm>>
      tpu.enqueue_dma source(%dma_start3A_156 : memref<8x128xi32, #tpu.memory_space<hbm>>) target(%dma_start3A_152 : memref<8x128xi32, #tpu.memory_space<vmem>>) target_semaphore(%run_scoped3A_140 : memref<!tpu.dma_semaphore, #tpu.memory_space<semaphore_mem>>)
      %dma_wait3A_157 = arith.constant 0 : i32
      %dma_wait3A_158 = arith.constant 0 : i32
      %dma_wait3A_159 = tpu.memref_slice %arg6[%run_scoped3A_1, %dma_wait3A_157, %dma_wait3A_158] : memref<2x8x128xi32, #tpu.memory_space<vmem>> -> memref<1x8x128xi32, #tpu.memory_space<vmem>>
      %dma_wait3A_160 = tpu.memref_squeeze %dma_wait3A_159 : memref<1x8x128xi32, #tpu.memory_space<vmem>> -> memref<8x128xi32, #tpu.memory_space<vmem>>
      %dma_wait3A_161 = arith.constant 0 : i32
      %dma_wait3A_162 = arith.constant 0 : i32
      %dma_wait3A_163 = tpu.memref_slice %arg3[%add3A, %run_scoped3A, %dma_wait3A_161, %dma_wait3A_162] : memref<32x10x8x128xi32, #tpu.memory_space<hbm>> -> memref<1x1x8x128xi32, #tpu.memory_space<hbm>>
      %dma_wait3A_164 = tpu.memref_squeeze %dma_wait3A_163 : memref<1x1x8x128xi32, #tpu.memory_space<hbm>> -> memref<8x128xi32, #tpu.memory_space<hbm>>
      %dma_wait3A_165 = arith.constant 0 : i32
      %dma_wait3A_166 = arith.constant 0 : i32
      %dma_wait3A_167 = tpu.memref_slice %arg6[%run_scoped3A_1, %dma_wait3A_165, %dma_wait3A_166] : memref<2x8x128xi32, #tpu.memory_space<vmem>> -> memref<1x8x128xi32, #tpu.memory_space<vmem>>
      %dma_wait3A_168 = tpu.memref_squeeze %dma_wait3A_167 : memref<1x8x128xi32, #tpu.memory_space<vmem>> -> memref<8x128xi32, #tpu.memory_space<vmem>>
      %dma_wait3A_169 = arith.constant 0 : i32
      %dma_wait3A_170 = arith.constant 0 : i32
      %dma_wait3A_171 = tpu.memref_slice %arg3[%add3A, %run_scoped3A, %dma_wait3A_169, %dma_wait3A_170] : memref<32x10x8x128xi32, #tpu.memory_space<hbm>> -> memref<1x1x8x128xi32, #tpu.memory_space<hbm>>
      %dma_wait3A_172 = tpu.memref_squeeze %dma_wait3A_171 : memref<1x1x8x128xi32, #tpu.memory_space<hbm>> -> memref<8x128xi32, #tpu.memory_space<hbm>>
      tpu.wait_dma2 semaphore(%run_scoped3A_140 : memref<!tpu.dma_semaphore, #tpu.memory_space<semaphore_mem>>) src(%dma_wait3A_172 : memref<8x128xi32, #tpu.memory_space<hbm>>) dst(%dma_wait3A_168 : memref<8x128xi32, #tpu.memory_space<vmem>>)
      tpu.yield
    }) : () -> ()
    %run_scoped3A_2 = arith.constant 0 : i32
    %run_scoped3A_3 = arith.constant 0 : i32
    "tpu.region"() ({
      %run_scoped3A_140 = tpu.sem_alloc : memref<!tpu.dma_semaphore, #tpu.memory_space<semaphore_mem>>
      %dma_start3A_141 = arith.constant 0 : i32
      %dma_start3A_142 = arith.constant 0 : i32
      %dma_start3A_143 = tpu.memref_slice %arg7[%run_scoped3A_3, %dma_start3A_141, %dma_start3A_142] : memref<2x8x128xi32, #tpu.memory_space<vmem>> -> memref<1x8x128xi32, #tpu.memory_space<vmem>>
      %dma_start3A_144 = tpu.memref_squeeze %dma_start3A_143 : memref<1x8x128xi32, #tpu.memory_space<vmem>> -> memref<8x128xi32, #tpu.memory_space<vmem>>
      %dma_start3A_145 = arith.constant 0 : i32
      %dma_start3A_146 = arith.constant 0 : i32
      %dma_start3A_147 = tpu.memref_slice %arg4[%add3A, %run_scoped3A_2, %dma_start3A_145, %dma_start3A_146] : memref<32x10x8x128xi32, #tpu.memory_space<hbm>> -> memref<1x1x8x128xi32, #tpu.memory_space<hbm>>
      %dma_start3A_148 = tpu.memref_squeeze %dma_start3A_147 : memref<1x1x8x128xi32, #tpu.memory_space<hbm>> -> memref<8x128xi32, #tpu.memory_space<hbm>>
      %dma_start3A_149 = arith.constant 0 : i32
      %dma_start3A_150 = arith.constant 0 : i32
      %dma_start3A_151 = tpu.memref_slice %arg7[%run_scoped3A_3, %dma_start3A_149, %dma_start3A_150] : memref<2x8x128xi32, #tpu.memory_space<vmem>> -> memref<1x8x128xi32, #tpu.memory_space<vmem>>
      %dma_start3A_152 = tpu.memref_squeeze %dma_start3A_151 : memref<1x8x128xi32, #tpu.memory_space<vmem>> -> memref<8x128xi32, #tpu.memory_space<vmem>>
      %dma_start3A_153 = arith.constant 0 : i32
      %dma_start3A_154 = arith.constant 0 : i32
      %dma_start3A_155 = tpu.memref_slice %arg4[%add3A, %run_scoped3A_2, %dma_start3A_153, %dma_start3A_154] : memref<32x10x8x128xi32, #tpu.memory_space<hbm>> -> memref<1x1x8x128xi32, #tpu.memory_space<hbm>>
      %dma_start3A_156 = tpu.memref_squeeze %dma_start3A_155 : memref<1x1x8x128xi32, #tpu.memory_space<hbm>> -> memref<8x128xi32, #tpu.memory_space<hbm>>
      tpu.enqueue_dma source(%dma_start3A_156 : memref<8x128xi32, #tpu.memory_space<hbm>>) target(%dma_start3A_152 : memref<8x128xi32, #tpu.memory_space<vmem>>) target_semaphore(%run_scoped3A_140 : memref<!tpu.dma_semaphore, #tpu.memory_space<semaphore_mem>>)
      %dma_wait3A_157 = arith.constant 0 : i32
      %dma_wait3A_158 = arith.constant 0 : i32
      %dma_wait3A_159 = tpu.memref_slice %arg7[%run_scoped3A_3, %dma_wait3A_157, %dma_wait3A_158] : memref<2x8x128xi32, #tpu.memory_space<vmem>> -> memref<1x8x128xi32, #tpu.memory_space<vmem>>
      %dma_wait3A_160 = tpu.memref_squeeze %dma_wait3A_159 : memref<1x8x128xi32, #tpu.memory_space<vmem>> -> memref<8x128xi32, #tpu.memory_space<vmem>>
      %dma_wait3A_161 = arith.constant 0 : i32
      %dma_wait3A_162 = arith.constant 0 : i32
      %dma_wait3A_163 = tpu.memref_slice %arg4[%add3A, %run_scoped3A_2, %dma_wait3A_161, %dma_wait3A_162] : memref<32x10x8x128xi32, #tpu.memory_space<hbm>> -> memref<1x1x8x128xi32, #tpu.memory_space<hbm>>
      %dma_wait3A_164 = tpu.memref_squeeze %dma_wait3A_163 : memref<1x1x8x128xi32, #tpu.memory_space<hbm>> -> memref<8x128xi32, #tpu.memory_space<hbm>>
      %dma_wait3A_165 = arith.constant 0 : i32
      %dma_wait3A_166 = arith.constant 0 : i32
      %dma_wait3A_167 = tpu.memref_slice %arg7[%run_scoped3A_3, %dma_wait3A_165, %dma_wait3A_166] : memref<2x8x128xi32, #tpu.memory_space<vmem>> -> memref<1x8x128xi32, #tpu.memory_space<vmem>>
      %dma_wait3A_168 = tpu.memref_squeeze %dma_wait3A_167 : memref<1x8x128xi32, #tpu.memory_space<vmem>> -> memref<8x128xi32, #tpu.memory_space<vmem>>
      %dma_wait3A_169 = arith.constant 0 : i32
      %dma_wait3A_170 = arith.constant 0 : i32
      %dma_wait3A_171 = tpu.memref_slice %arg4[%add3A, %run_scoped3A_2, %dma_wait3A_169, %dma_wait3A_170] : memref<32x10x8x128xi32, #tpu.memory_space<hbm>> -> memref<1x1x8x128xi32, #tpu.memory_space<hbm>>
      %dma_wait3A_172 = tpu.memref_squeeze %dma_wait3A_171 : memref<1x1x8x128xi32, #tpu.memory_space<hbm>> -> memref<8x128xi32, #tpu.memory_space<hbm>>
      tpu.wait_dma2 semaphore(%run_scoped3A_140 : memref<!tpu.dma_semaphore, #tpu.memory_space<semaphore_mem>>) src(%dma_wait3A_172 : memref<8x128xi32, #tpu.memory_space<hbm>>) dst(%dma_wait3A_168 : memref<8x128xi32, #tpu.memory_space<vmem>>)
      tpu.yield
    }) : () -> ()
    %dma_start3A = arith.constant 1 : i32
    %dma_start3A_4 = arith.constant 1 : i32
    %dma_start3A_5 = arith.constant 0 : i32
    %dma_start3A_6 = arith.constant 0 : i32
    %dma_start3A_7 = tpu.memref_slice %arg6[%dma_start3A_4, %dma_start3A_5, %dma_start3A_6] : memref<2x8x128xi32, #tpu.memory_space<vmem>> -> memref<1x8x128xi32, #tpu.memory_space<vmem>>
    %dma_start3A_8 = tpu.memref_squeeze %dma_start3A_7 : memref<1x8x128xi32, #tpu.memory_space<vmem>> -> memref<8x128xi32, #tpu.memory_space<vmem>>
    %dma_start3A_9 = arith.constant 0 : i32
    %dma_start3A_10 = arith.constant 0 : i32
    %dma_start3A_11 = tpu.memref_slice %arg3[%add3A, %dma_start3A, %dma_start3A_9, %dma_start3A_10] : memref<32x10x8x128xi32, #tpu.memory_space<hbm>> -> memref<1x1x8x128xi32, #tpu.memory_space<hbm>>
    %dma_start3A_12 = tpu.memref_squeeze %dma_start3A_11 : memref<1x1x8x128xi32, #tpu.memory_space<hbm>> -> memref<8x128xi32, #tpu.memory_space<hbm>>
    %dma_start3A_13 = arith.constant 0 : i32
    %dma_start3A_14 = arith.constant 0 : i32
    %dma_start3A_15 = tpu.memref_slice %arg6[%dma_start3A_4, %dma_start3A_13, %dma_start3A_14] : memref<2x8x128xi32, #tpu.memory_space<vmem>> -> memref<1x8x128xi32, #tpu.memory_space<vmem>>
    %dma_start3A_16 = tpu.memref_squeeze %dma_start3A_15 : memref<1x8x128xi32, #tpu.memory_space<vmem>> -> memref<8x128xi32, #tpu.memory_space<vmem>>
    %dma_start3A_17 = arith.constant 0 : i32
    %dma_start3A_18 = arith.constant 0 : i32
    %dma_start3A_19 = tpu.memref_slice %arg3[%add3A, %dma_start3A, %dma_start3A_17, %dma_start3A_18] : memref<32x10x8x128xi32, #tpu.memory_space<hbm>> -> memref<1x1x8x128xi32, #tpu.memory_space<hbm>>
    %dma_start3A_20 = tpu.memref_squeeze %dma_start3A_19 : memref<1x1x8x128xi32, #tpu.memory_space<hbm>> -> memref<8x128xi32, #tpu.memory_space<hbm>>
    tpu.enqueue_dma source(%dma_start3A_20 : memref<8x128xi32, #tpu.memory_space<hbm>>) target(%dma_start3A_16 : memref<8x128xi32, #tpu.memory_space<vmem>>) target_semaphore(%arg15 : memref<!tpu.dma_semaphore, #tpu.memory_space<semaphore_mem>>)
    %dma_start3A_21 = arith.constant 1 : i32
    %dma_start3A_22 = arith.constant 1 : i32
    %dma_start3A_23 = arith.constant 0 : i32
    %dma_start3A_24 = arith.constant 0 : i32
    %dma_start3A_25 = tpu.memref_slice %arg7[%dma_start3A_22, %dma_start3A_23, %dma_start3A_24] : memref<2x8x128xi32, #tpu.memory_space<vmem>> -> memref<1x8x128xi32, #tpu.memory_space<vmem>>
    %dma_start3A_26 = tpu.memref_squeeze %dma_start3A_25 : memref<1x8x128xi32, #tpu.memory_space<vmem>> -> memref<8x128xi32, #tpu.memory_space<vmem>>
    %dma_start3A_27 = arith.constant 0 : i32
    %dma_start3A_28 = arith.constant 0 : i32
    %dma_start3A_29 = tpu.memref_slice %arg4[%add3A, %dma_start3A_21, %dma_start3A_27, %dma_start3A_28] : memref<32x10x8x128xi32, #tpu.memory_space<hbm>> -> memref<1x1x8x128xi32, #tpu.memory_space<hbm>>
    %dma_start3A_30 = tpu.memref_squeeze %dma_start3A_29 : memref<1x1x8x128xi32, #tpu.memory_space<hbm>> -> memref<8x128xi32, #tpu.memory_space<hbm>>
    %dma_start3A_31 = arith.constant 0 : i32
    %dma_start3A_32 = arith.constant 0 : i32
    %dma_start3A_33 = tpu.memref_slice %arg7[%dma_start3A_22, %dma_start3A_31, %dma_start3A_32] : memref<2x8x128xi32, #tpu.memory_space<vmem>> -> memref<1x8x128xi32, #tpu.memory_space<vmem>>
    %dma_start3A_34 = tpu.memref_squeeze %dma_start3A_33 : memref<1x8x128xi32, #tpu.memory_space<vmem>> -> memref<8x128xi32, #tpu.memory_space<vmem>>
    %dma_start3A_35 = arith.constant 0 : i32
    %dma_start3A_36 = arith.constant 0 : i32
    %dma_start3A_37 = tpu.memref_slice %arg4[%add3A, %dma_start3A_21, %dma_start3A_35, %dma_start3A_36] : memref<32x10x8x128xi32, #tpu.memory_space<hbm>> -> memref<1x1x8x128xi32, #tpu.memory_space<hbm>>
    %dma_start3A_38 = tpu.memref_squeeze %dma_start3A_37 : memref<1x1x8x128xi32, #tpu.memory_space<hbm>> -> memref<8x128xi32, #tpu.memory_space<hbm>>
    tpu.enqueue_dma source(%dma_start3A_38 : memref<8x128xi32, #tpu.memory_space<hbm>>) target(%dma_start3A_34 : memref<8x128xi32, #tpu.memory_space<vmem>>) target_semaphore(%arg15 : memref<!tpu.dma_semaphore, #tpu.memory_space<semaphore_mem>>)
    %dma_start3A_39 = arith.constant 0 : i32
    %dma_start3A_40 = arith.constant 0 : i32
    %dma_start3A_41 = arith.constant 0 : i32
    %dma_start3A_42 = tpu.memref_slice %arg6[%dma_start3A_39, %dma_start3A_40, %dma_start3A_41] : memref<2x8x128xi32, #tpu.memory_space<vmem>> -> memref<1x1x128xi32, #tpu.memory_space<vmem>>
    %dma_start3A_43 = tpu.memref_squeeze %dma_start3A_42 : memref<1x1x128xi32, #tpu.memory_space<vmem>> -> memref<128xi32, #tpu.memory_space<vmem>>
    %dma_start3A_44 = arith.constant 0 : i32
    %dma_start3A_45 = arith.constant 0 : i32
    %dma_start3A_46 = tpu.memref_slice %arg2[%dma_start3A_44, %dma_start3A_45] : memref<10240x128xf32, #tpu.memory_space<hbm>> -> memref<10240x128xf32, #tpu.memory_space<hbm>>
    tpu.enqueue_indirect_dma source(%dma_start3A_46 : memref<10240x128xf32, #tpu.memory_space<hbm>>) target(%arg8 : memref<128x128xf32, #tpu.memory_space<vmem>>) offsets(%dma_start3A_43 : memref<128xi32, #tpu.memory_space<vmem>>) semaphore(%arg11 : memref<!tpu.dma_semaphore, #tpu.memory_space<semaphore_mem>>)
    %scan3A = arith.constant 0 : i32
    %scan3A_47 = arith.constant 0 : i32
    %scan3A_48 = arith.constant 128 : i32
    %scan3A_49 = arith.addi %scan3A_47, %scan3A_48 : i32
    %scan3A_50 = arith.constant 1 : i32
    scf.for %scan3A_140 = %scan3A_47 to %scan3A_49 step %scan3A_50  : i32 {
      %broadcast_in_dim3A = arith.constant 0.000000e+00 : f32
      %broadcast_in_dim3A_141 = vector.broadcast %broadcast_in_dim3A : f32 to vector<16xf32>
      %swap3A = arith.index_cast %scan3A_140 : i32 to index
      %swap3A_142 = arith.constant 0 : index
      %swap3A_143 = tpu.vector_load %arg9[%swap3A, %swap3A_142] {strides = array<i32>} : memref<128x128xf32, #tpu.memory_space<vmem>>, vector<1x16xf32>,
      %swap3A_144 = vector.shape_cast %swap3A_143 : vector<1x16xf32> to vector<16xf32>
      %swap3A_145 = vector.shape_cast %broadcast_in_dim3A_141 : vector<16xf32> to vector<1x16xf32>
      tpu.vector_store %arg9[%swap3A, %swap3A_142], %swap3A_145 {strides = array<i32>} : memref<128x128xf32, #tpu.memory_space<vmem>>, vector<1x16xf32>,
      %broadcast_in_dim3A_146 = arith.constant 0.000000e+00 : f32
      %broadcast_in_dim3A_147 = vector.broadcast %broadcast_in_dim3A_146 : f32 to vector<16xf32>
      %swap3A_148 = arith.index_cast %scan3A_140 : i32 to index
      %swap3A_149 = arith.constant 16 : index
      %swap3A_150 = tpu.vector_load %arg9[%swap3A_148, %swap3A_149] {strides = array<i32>} : memref<128x128xf32, #tpu.memory_space<vmem>>, vector<1x16xf32>,
      %swap3A_151 = vector.shape_cast %swap3A_150 : vector<1x16xf32> to vector<16xf32>
      %swap3A_152 = vector.shape_cast %broadcast_in_dim3A_147 : vector<16xf32> to vector<1x16xf32>
      tpu.vector_store %arg9[%swap3A_148, %swap3A_149], %swap3A_152 {strides = array<i32>} : memref<128x128xf32, #tpu.memory_space<vmem>>, vector<1x16xf32>,
      %broadcast_in_dim3A_153 = arith.constant 0.000000e+00 : f32
      %broadcast_in_dim3A_154 = vector.broadcast %broadcast_in_dim3A_153 : f32 to vector<16xf32>
      %swap3A_155 = arith.index_cast %scan3A_140 : i32 to index
      %swap3A_156 = arith.constant 32 : index
      %swap3A_157 = tpu.vector_load %arg9[%swap3A_155, %swap3A_156] {strides = array<i32>} : memref<128x128xf32, #tpu.memory_space<vmem>>, vector<1x16xf32>,
      %swap3A_158 = vector.shape_cast %swap3A_157 : vector<1x16xf32> to vector<16xf32>
      %swap3A_159 = vector.shape_cast %broadcast_in_dim3A_154 : vector<16xf32> to vector<1x16xf32>
      tpu.vector_store %arg9[%swap3A_155, %swap3A_156], %swap3A_159 {strides = array<i32>} : memref<128x128xf32, #tpu.memory_space<vmem>>, vector<1x16xf32>,
      %broadcast_in_dim3A_160 = arith.constant 0.000000e+00 : f32
      %broadcast_in_dim3A_161 = vector.broadcast %broadcast_in_dim3A_160 : f32 to vector<16xf32>
      %swap3A_162 = arith.index_cast %scan3A_140 : i32 to index
      %swap3A_163 = arith.constant 48 : index
      %swap3A_164 = tpu.vector_load %arg9[%swap3A_162, %swap3A_163] {strides = array<i32>} : memref<128x128xf32, #tpu.memory_space<vmem>>, vector<1x16xf32>,
      %swap3A_165 = vector.shape_cast %swap3A_164 : vector<1x16xf32> to vector<16xf32>
      %swap3A_166 = vector.shape_cast %broadcast_in_dim3A_161 : vector<16xf32> to vector<1x16xf32>
      tpu.vector_store %arg9[%swap3A_162, %swap3A_163], %swap3A_166 {strides = array<i32>} : memref<128x128xf32, #tpu.memory_space<vmem>>, vector<1x16xf32>,
      %broadcast_in_dim3A_167 = arith.constant 0.000000e+00 : f32
      %broadcast_in_dim3A_168 = vector.broadcast %broadcast_in_dim3A_167 : f32 to vector<16xf32>
      %swap3A_169 = arith.index_cast %scan3A_140 : i32 to index
      %swap3A_170 = arith.constant 64 : index
      %swap3A_171 = tpu.vector_load %arg9[%swap3A_169, %swap3A_170] {strides = array<i32>} : memref<128x128xf32, #tpu.memory_space<vmem>>, vector<1x16xf32>,
      %swap3A_172 = vector.shape_cast %swap3A_171 : vector<1x16xf32> to vector<16xf32>
      %swap3A_173 = vector.shape_cast %broadcast_in_dim3A_168 : vector<16xf32> to vector<1x16xf32>
      tpu.vector_store %arg9[%swap3A_169, %swap3A_170], %swap3A_173 {strides = array<i32>} : memref<128x128xf32, #tpu.memory_space<vmem>>, vector<1x16xf32>,
      %broadcast_in_dim3A_174 = arith.constant 0.000000e+00 : f32
      %broadcast_in_dim3A_175 = vector.broadcast %broadcast_in_dim3A_174 : f32 to vector<16xf32>
      %swap3A_176 = arith.index_cast %scan3A_140 : i32 to index
      %swap3A_177 = arith.constant 80 : index
      %swap3A_178 = tpu.vector_load %arg9[%swap3A_176, %swap3A_177] {strides = array<i32>} : memref<128x128xf32, #tpu.memory_space<vmem>>, vector<1x16xf32>,
      %swap3A_179 = vector.shape_cast %swap3A_178 : vector<1x16xf32> to vector<16xf32>
      %swap3A_180 = vector.shape_cast %broadcast_in_dim3A_175 : vector<16xf32> to vector<1x16xf32>
      tpu.vector_store %arg9[%swap3A_176, %swap3A_177], %swap3A_180 {strides = array<i32>} : memref<128x128xf32, #tpu.memory_space<vmem>>, vector<1x16xf32>,
      %broadcast_in_dim3A_181 = arith.constant 0.000000e+00 : f32
      %broadcast_in_dim3A_182 = vector.broadcast %broadcast_in_dim3A_181 : f32 to vector<16xf32>
      %swap3A_183 = arith.index_cast %scan3A_140 : i32 to index
      %swap3A_184 = arith.constant 96 : index
      %swap3A_185 = tpu.vector_load %arg9[%swap3A_183, %swap3A_184] {strides = array<i32>} : memref<128x128xf32, #tpu.memory_space<vmem>>, vector<1x16xf32>,
      %swap3A_186 = vector.shape_cast %swap3A_185 : vector<1x16xf32> to vector<16xf32>
      %swap3A_187 = vector.shape_cast %broadcast_in_dim3A_182 : vector<16xf32> to vector<1x16xf32>
      tpu.vector_store %arg9[%swap3A_183, %swap3A_184], %swap3A_187 {strides = array<i32>} : memref<128x128xf32, #tpu.memory_space<vmem>>, vector<1x16xf32>,
      %broadcast_in_dim3A_188 = arith.constant 0.000000e+00 : f32
      %broadcast_in_dim3A_189 = vector.broadcast %broadcast_in_dim3A_188 : f32 to vector<16xf32>
      %swap3A_190 = arith.index_cast %scan3A_140 : i32 to index
      %swap3A_191 = arith.constant 112 : index
      %swap3A_192 = tpu.vector_load %arg9[%swap3A_190, %swap3A_191] {strides = array<i32>} : memref<128x128xf32, #tpu.memory_space<vmem>>, vector<1x16xf32>,
      %swap3A_193 = vector.shape_cast %swap3A_192 : vector<1x16xf32> to vector<16xf32>
      %swap3A_194 = vector.shape_cast %broadcast_in_dim3A_189 : vector<16xf32> to vector<1x16xf32>
      tpu.vector_store %arg9[%swap3A_190, %swap3A_191], %swap3A_194 {strides = array<i32>} : memref<128x128xf32, #tpu.memory_space<vmem>>, vector<1x16xf32>,
    }
    %scan3A_51 = arith.constant 128 : i32
    %mul3A_52 = arith.constant 632 : i32
    %mul3A_53 = arith.muli %arg1, %mul3A_52 : i32
    %add3A_54 = arith.constant 0 : i32
    %add3A_55 = arith.addi %mul3A_53, %add3A_54 : i32
    "tpu.region"() ({
      %run_scoped3A_140 = tpu.sem_alloc : memref<!tpu.dma_semaphore, #tpu.memory_space<semaphore_mem>>
      %dma_start3A_141 = arith.constant 0 : i32
      %dma_start3A_142 = tpu.memref_slice %arg10[%add3A_55, %dma_start3A_141] : memref<10112x128xf32, #tpu.memory_space<vmem_shared>> -> memref<128x128xf32, #tpu.memory_space<vmem_shared>>
      %dma_start3A_143 = arith.constant 0 : i32
      %dma_start3A_144 = tpu.memref_slice %arg10[%add3A_55, %dma_start3A_143] : memref<10112x128xf32, #tpu.memory_space<vmem_shared>> -> memref<128x128xf32, #tpu.memory_space<vmem_shared>>
      tpu.enqueue_dma source(%arg9 : memref<128x128xf32, #tpu.memory_space<vmem>>) target(%dma_start3A_144 : memref<128x128xf32, #tpu.memory_space<vmem_shared>>) target_semaphore(%run_scoped3A_140 : memref<!tpu.dma_semaphore, #tpu.memory_space<semaphore_mem>>)
      %dma_wait3A_145 = arith.constant 0 : i32
      %dma_wait3A_146 = tpu.memref_slice %arg10[%add3A_55, %dma_wait3A_145] : memref<10112x128xf32, #tpu.memory_space<vmem_shared>> -> memref<128x128xf32, #tpu.memory_space<vmem_shared>>
      %dma_wait3A_147 = arith.constant 0 : i32
      %dma_wait3A_148 = tpu.memref_slice %arg10[%add3A_55, %dma_wait3A_147] : memref<10112x128xf32, #tpu.memory_space<vmem_shared>> -> memref<128x128xf32, #tpu.memory_space<vmem_shared>>
      tpu.wait_dma2 semaphore(%run_scoped3A_140 : memref<!tpu.dma_semaphore, #tpu.memory_space<semaphore_mem>>) src(%arg9 : memref<128x128xf32, #tpu.memory_space<vmem>>) dst(%dma_wait3A_148 : memref<128x128xf32, #tpu.memory_space<vmem_shared>>)
      tpu.yield
    }) : () -> ()
    %mul3A_56 = arith.constant 632 : i32
    %mul3A_57 = arith.muli %arg1, %mul3A_56 : i32
    %add3A_58 = arith.constant 128 : i32
    %add3A_59 = arith.addi %mul3A_57, %add3A_58 : i32
    "tpu.region"() ({
      %run_scoped3A_140 = tpu.sem_alloc : memref<!tpu.dma_semaphore, #tpu.memory_space<semaphore_mem>>
      %dma_start3A_141 = arith.constant 0 : i32
      %dma_start3A_142 = tpu.memref_slice %arg10[%add3A_59, %dma_start3A_141] : memref<10112x128xf32, #tpu.memory_space<vmem_shared>> -> memref<128x128xf32, #tpu.memory_space<vmem_shared>>
      %dma_start3A_143 = arith.constant 0 : i32
      %dma_start3A_144 = tpu.memref_slice %arg10[%add3A_59, %dma_start3A_143] : memref<10112x128xf32, #tpu.memory_space<vmem_shared>> -> memref<128x128xf32, #tpu.memory_space<vmem_shared>>
      tpu.enqueue_dma source(%arg9 : memref<128x128xf32, #tpu.memory_space<vmem>>) target(%dma_start3A_144 : memref<128x128xf32, #tpu.memory_space<vmem_shared>>) target_semaphore(%run_scoped3A_140 : memref<!tpu.dma_semaphore, #tpu.memory_space<semaphore_mem>>)
      %dma_wait3A_145 = arith.constant 0 : i32
      %dma_wait3A_146 = tpu.memref_slice %arg10[%add3A_59, %dma_wait3A_145] : memref<10112x128xf32, #tpu.memory_space<vmem_shared>> -> memref<128x128xf32, #tpu.memory_space<vmem_shared>>
      %dma_wait3A_147 = arith.constant 0 : i32
      %dma_wait3A_148 = tpu.memref_slice %arg10[%add3A_59, %dma_wait3A_147] : memref<10112x128xf32, #tpu.memory_space<vmem_shared>> -> memref<128x128xf32, #tpu.memory_space<vmem_shared>>
      tpu.wait_dma2 semaphore(%run_scoped3A_140 : memref<!tpu.dma_semaphore, #tpu.memory_space<semaphore_mem>>) src(%arg9 : memref<128x128xf32, #tpu.memory_space<vmem>>) dst(%dma_wait3A_148 : memref<128x128xf32, #tpu.memory_space<vmem_shared>>)
      tpu.yield
    }) : () -> ()
    %mul3A_60 = arith.constant 632 : i32
    %mul3A_61 = arith.muli %arg1, %mul3A_60 : i32
    %add3A_62 = arith.constant 256 : i32
    %add3A_63 = arith.addi %mul3A_61, %add3A_62 : i32
    "tpu.region"() ({
      %run_scoped3A_140 = tpu.sem_alloc : memref<!tpu.dma_semaphore, #tpu.memory_space<semaphore_mem>>
      %dma_start3A_141 = arith.constant 0 : i32
      %dma_start3A_142 = tpu.memref_slice %arg10[%add3A_63, %dma_start3A_141] : memref<10112x128xf32, #tpu.memory_space<vmem_shared>> -> memref<128x128xf32, #tpu.memory_space<vmem_shared>>
      %dma_start3A_143 = arith.constant 0 : i32
      %dma_start3A_144 = tpu.memref_slice %arg10[%add3A_63, %dma_start3A_143] : memref<10112x128xf32, #tpu.memory_space<vmem_shared>> -> memref<128x128xf32, #tpu.memory_space<vmem_shared>>
      tpu.enqueue_dma source(%arg9 : memref<128x128xf32, #tpu.memory_space<vmem>>) target(%dma_start3A_144 : memref<128x128xf32, #tpu.memory_space<vmem_shared>>) target_semaphore(%run_scoped3A_140 : memref<!tpu.dma_semaphore, #tpu.memory_space<semaphore_mem>>)
      %dma_wait3A_145 = arith.constant 0 : i32
      %dma_wait3A_146 = tpu.memref_slice %arg10[%add3A_63, %dma_wait3A_145] : memref<10112x128xf32, #tpu.memory_space<vmem_shared>> -> memref<128x128xf32, #tpu.memory_space<vmem_shared>>
      %dma_wait3A_147 = arith.constant 0 : i32
      %dma_wait3A_148 = tpu.memref_slice %arg10[%add3A_63, %dma_wait3A_147] : memref<10112x128xf32, #tpu.memory_space<vmem_shared>> -> memref<128x128xf32, #tpu.memory_space<vmem_shared>>
      tpu.wait_dma2 semaphore(%run_scoped3A_140 : memref<!tpu.dma_semaphore, #tpu.memory_space<semaphore_mem>>) src(%arg9 : memref<128x128xf32, #tpu.memory_space<vmem>>) dst(%dma_wait3A_148 : memref<128x128xf32, #tpu.memory_space<vmem_shared>>)
      tpu.yield
    }) : () -> ()
    %mul3A_64 = arith.constant 632 : i32
    %mul3A_65 = arith.muli %arg1, %mul3A_64 : i32
    %add3A_66 = arith.constant 384 : i32
    %add3A_67 = arith.addi %mul3A_65, %add3A_66 : i32
    "tpu.region"() ({
      %run_scoped3A_140 = tpu.sem_alloc : memref<!tpu.dma_semaphore, #tpu.memory_space<semaphore_mem>>
      %dma_start3A_141 = arith.constant 0 : i32
      %dma_start3A_142 = tpu.memref_slice %arg10[%add3A_67, %dma_start3A_141] : memref<10112x128xf32, #tpu.memory_space<vmem_shared>> -> memref<128x128xf32, #tpu.memory_space<vmem_shared>>
      %dma_start3A_143 = arith.constant 0 : i32
      %dma_start3A_144 = tpu.memref_slice %arg10[%add3A_67, %dma_start3A_143] : memref<10112x128xf32, #tpu.memory_space<vmem_shared>> -> memref<128x128xf32, #tpu.memory_space<vmem_shared>>
      tpu.enqueue_dma source(%arg9 : memref<128x128xf32, #tpu.memory_space<vmem>>) target(%dma_start3A_144 : memref<128x128xf32, #tpu.memory_space<vmem_shared>>) target_semaphore(%run_scoped3A_140 : memref<!tpu.dma_semaphore, #tpu.memory_space<semaphore_mem>>)
      %dma_wait3A_145 = arith.constant 0 : i32
      %dma_wait3A_146 = tpu.memref_slice %arg10[%add3A_67, %dma_wait3A_145] : memref<10112x128xf32, #tpu.memory_space<vmem_shared>> -> memref<128x128xf32, #tpu.memory_space<vmem_shared>>
      %dma_wait3A_147 = arith.constant 0 : i32
      %dma_wait3A_148 = tpu.memref_slice %arg10[%add3A_67, %dma_wait3A_147] : memref<10112x128xf32, #tpu.memory_space<vmem_shared>> -> memref<128x128xf32, #tpu.memory_space<vmem_shared>>
      tpu.wait_dma2 semaphore(%run_scoped3A_140 : memref<!tpu.dma_semaphore, #tpu.memory_space<semaphore_mem>>) src(%arg9 : memref<128x128xf32, #tpu.memory_space<vmem>>) dst(%dma_wait3A_148 : memref<128x128xf32, #tpu.memory_space<vmem_shared>>)
      tpu.yield
    }) : () -> ()
    %mul3A_68 = arith.constant 632 : i32
    %mul3A_69 = arith.muli %arg1, %mul3A_68 : i32
    %add3A_70 = arith.constant 512 : i32
    %add3A_71 = arith.addi %mul3A_69, %add3A_70 : i32
    "tpu.region"() ({
      %run_scoped3A_140 = tpu.sem_alloc : memref<!tpu.dma_semaphore, #tpu.memory_space<semaphore_mem>>
      %dma_start3A_141 = arith.constant 0 : i32
      %dma_start3A_142 = arith.constant 0 : i32
      %dma_start3A_143 = tpu.memref_slice %arg9[%dma_start3A_141, %dma_start3A_142] : memref<128x128xf32, #tpu.memory_space<vmem>> -> memref<120x128xf32, #tpu.memory_space<vmem>>
      %dma_start3A_144 = arith.constant 0 : i32
      %dma_start3A_145 = tpu.memref_slice %arg10[%add3A_71, %dma_start3A_144] : memref<10112x128xf32, #tpu.memory_space<vmem_shared>> -> memref<120x128xf32, #tpu.memory_space<vmem_shared>>
      %dma_start3A_146 = arith.constant 0 : i32
      %dma_start3A_147 = tpu.memref_slice %arg10[%add3A_71, %dma_start3A_146] : memref<10112x128xf32, #tpu.memory_space<vmem_shared>> -> memref<120x128xf32, #tpu.memory_space<vmem_shared>>
      %dma_start3A_148 = arith.constant 0 : i32
      %dma_start3A_149 = arith.constant 0 : i32
      %dma_start3A_150 = tpu.memref_slice %arg9[%dma_start3A_148, %dma_start3A_149] : memref<128x128xf32, #tpu.memory_space<vmem>> -> memref<120x128xf32, #tpu.memory_space<vmem>>
      tpu.enqueue_dma source(%dma_start3A_150 : memref<120x128xf32, #tpu.memory_space<vmem>>) target(%dma_start3A_147 : memref<120x128xf32, #tpu.memory_space<vmem_shared>>) target_semaphore(%run_scoped3A_140 : memref<!tpu.dma_semaphore, #tpu.memory_space<semaphore_mem>>)
      %dma_wait3A_151 = arith.constant 0 : i32
      %dma_wait3A_152 = arith.constant 0 : i32
      %dma_wait3A_153 = tpu.memref_slice %arg9[%dma_wait3A_151, %dma_wait3A_152] : memref<128x128xf32, #tpu.memory_space<vmem>> -> memref<120x128xf32, #tpu.memory_space<vmem>>
      %dma_wait3A_154 = arith.constant 0 : i32
      %dma_wait3A_155 = tpu.memref_slice %arg10[%add3A_71, %dma_wait3A_154] : memref<10112x128xf32, #tpu.memory_space<vmem_shared>> -> memref<120x128xf32, #tpu.memory_space<vmem_shared>>
      %dma_wait3A_156 = arith.constant 0 : i32
      %dma_wait3A_157 = tpu.memref_slice %arg10[%add3A_71, %dma_wait3A_156] : memref<10112x128xf32, #tpu.memory_space<vmem_shared>> -> memref<120x128xf32, #tpu.memory_space<vmem_shared>>
      %dma_wait3A_158 = arith.constant 0 : i32
      %dma_wait3A_159 = arith.constant 0 : i32
      %dma_wait3A_160 = tpu.memref_slice %arg9[%dma_wait3A_158, %dma_wait3A_159] : memref<128x128xf32, #tpu.memory_space<vmem>> -> memref<120x128xf32, #tpu.memory_space<vmem>>
      tpu.wait_dma2 semaphore(%run_scoped3A_140 : memref<!tpu.dma_semaphore, #tpu.memory_space<semaphore_mem>>) src(%dma_wait3A_160 : memref<120x128xf32, #tpu.memory_space<vmem>>) dst(%dma_wait3A_157 : memref<120x128xf32, #tpu.memory_space<vmem_shared>>)
      tpu.yield
    }) : () -> ()
    %barrier3A = arith.constant 0 : index
    tpu.barrier barrier_id(%barrier3A)
    %dma_start3A_72 = arith.constant 0 : i32
    %dma_start3A_73 = arith.constant 1 : i32
    %dma_start3A_74 = arith.constant 0 : i32
    %dma_start3A_75 = tpu.memref_slice %arg6[%dma_start3A_72, %dma_start3A_73, %dma_start3A_74] : memref<2x8x128xi32, #tpu.memory_space<vmem>> -> memref<1x1x128xi32, #tpu.memory_space<vmem>>
    %dma_start3A_76 = tpu.memref_squeeze %dma_start3A_75 : memref<1x1x128xi32, #tpu.memory_space<vmem>> -> memref<128xi32, #tpu.memory_space<vmem>>
    %dma_start3A_77 = arith.constant 0 : i32
    %dma_start3A_78 = arith.constant 0 : i32
    %dma_start3A_79 = tpu.memref_slice %arg2[%dma_start3A_77, %dma_start3A_78] : memref<10240x128xf32, #tpu.memory_space<hbm>> -> memref<10240x128xf32, #tpu.memory_space<hbm>>
    tpu.enqueue_indirect_dma source(%dma_start3A_79 : memref<10240x128xf32, #tpu.memory_space<hbm>>) target(%arg9 : memref<128x128xf32, #tpu.memory_space<vmem>>) offsets(%dma_start3A_76 : memref<128xi32, #tpu.memory_space<vmem>>) semaphore(%arg12 : memref<!tpu.dma_semaphore, #tpu.memory_space<semaphore_mem>>)
    %dma_wait3A = arith.constant 0 : i32
    %dma_wait3A_80 = arith.constant 0 : i32
    %dma_wait3A_81 = arith.constant 0 : i32
    %dma_wait3A_82 = tpu.memref_slice %arg6[%dma_wait3A, %dma_wait3A_80, %dma_wait3A_81] : memref<2x8x128xi32, #tpu.memory_space<vmem>> -> memref<1x1x128xi32, #tpu.memory_space<vmem>>
    %dma_wait3A_83 = tpu.memref_squeeze %dma_wait3A_82 : memref<1x1x128xi32, #tpu.memory_space<vmem>> -> memref<128xi32, #tpu.memory_space<vmem>>
    %dma_wait3A_84 = arith.constant 0 : i32
    %dma_wait3A_85 = arith.constant 0 : i32
    %dma_wait3A_86 = tpu.memref_slice %arg2[%dma_wait3A_84, %dma_wait3A_85] : memref<10240x128xf32, #tpu.memory_space<hbm>> -> memref<10240x128xf32, #tpu.memory_space<hbm>>
    tpu.wait_indirect_dma semaphore(%arg11 : memref<!tpu.dma_semaphore, #tpu.memory_space<semaphore_mem>>) src(%dma_wait3A_86 : memref<10240x128xf32, #tpu.memory_space<hbm>>) dst(%arg8 : memref<128x128xf32, #tpu.memory_space<vmem>>)
    %dma_start3A_87 = arith.constant 0 : i32
    %dma_start3A_88 = arith.constant 0 : i32
    %dma_start3A_89 = arith.constant 0 : i32
    %dma_start3A_90 = tpu.memref_slice %arg7[%dma_start3A_87, %dma_start3A_88, %dma_start3A_89] : memref<2x8x128xi32, #tpu.memory_space<vmem>> -> memref<1x1x128xi32, #tpu.memory_space<vmem>>
    %dma_start3A_91 = tpu.memref_squeeze %dma_start3A_90 : memref<1x1x128xi32, #tpu.memory_space<vmem>> -> memref<128xi32, #tpu.memory_space<vmem>>
    %dma_start3A_92 = arith.constant 0 : i32
    %dma_start3A_93 = arith.constant 0 : i32
    %dma_start3A_94 = tpu.memref_slice %arg10[%dma_start3A_92, %dma_start3A_93] : memref<10112x128xf32, #tpu.memory_space<vmem_shared>> -> memref<10112x128xf32, #tpu.memory_space<vmem_shared>>
    tpu.enqueue_indirect_dma source(%arg8 : memref<128x128xf32, #tpu.memory_space<vmem>>) target(%dma_start3A_94 : memref<10112x128xf32, #tpu.memory_space<vmem_shared>>) offsets(%dma_start3A_91 : memref<128xi32, #tpu.memory_space<vmem>>) semaphore(%arg13 : memref<!tpu.dma_semaphore, #tpu.memory_space<semaphore_mem>>) {add = true}
    %dma_wait3A_95 = arith.constant 0 : i32
    %dma_wait3A_96 = arith.constant 1 : i32
    %dma_wait3A_97 = arith.constant 0 : i32
    %dma_wait3A_98 = tpu.memref_slice %arg6[%dma_wait3A_95, %dma_wait3A_96, %dma_wait3A_97] : memref<2x8x128xi32, #tpu.memory_space<vmem>> -> memref<1x1x128xi32, #tpu.memory_space<vmem>>
    %dma_wait3A_99 = tpu.memref_squeeze %dma_wait3A_98 : memref<1x1x128xi32, #tpu.memory_space<vmem>> -> memref<128xi32, #tpu.memory_space<vmem>>
    %dma_wait3A_100 = arith.constant 0 : i32
    %dma_wait3A_101 = arith.constant 0 : i32
    %dma_wait3A_102 = tpu.memref_slice %arg2[%dma_wait3A_100, %dma_wait3A_101] : memref<10240x128xf32, #tpu.memory_space<hbm>> -> memref<10240x128xf32, #tpu.memory_space<hbm>>
    tpu.wait_indirect_dma semaphore(%arg12 : memref<!tpu.dma_semaphore, #tpu.memory_space<semaphore_mem>>) src(%dma_wait3A_102 : memref<10240x128xf32, #tpu.memory_space<hbm>>) dst(%arg9 : memref<128x128xf32, #tpu.memory_space<vmem>>)
    %dma_start3A_103 = arith.constant 0 : i32
    %dma_start3A_104 = arith.constant 1 : i32
    %dma_start3A_105 = arith.constant 0 : i32
    %dma_start3A_106 = tpu.memref_slice %arg7[%dma_start3A_103, %dma_start3A_104, %dma_start3A_105] : memref<2x8x128xi32, #tpu.memory_space<vmem>> -> memref<1x1x128xi32, #tpu.memory_space<vmem>>
    %dma_start3A_107 = tpu.memref_squeeze %dma_start3A_106 : memref<1x1x128xi32, #tpu.memory_space<vmem>> -> memref<128xi32, #tpu.memory_space<vmem>>
    %dma_start3A_108 = arith.constant 0 : i32
    %dma_start3A_109 = arith.constant 0 : i32
    %dma_start3A_110 = tpu.memref_slice %arg10[%dma_start3A_108, %dma_start3A_109] : memref<10112x128xf32, #tpu.memory_space<vmem_shared>> -> memref<10112x128xf32, #tpu.memory_space<vmem_shared>>
    tpu.enqueue_indirect_dma source(%arg9 : memref<128x128xf32, #tpu.memory_space<vmem>>) target(%dma_start3A_110 : memref<10112x128xf32, #tpu.memory_space<vmem_shared>>) offsets(%dma_start3A_107 : memref<128xi32, #tpu.memory_space<vmem>>) semaphore(%arg14 : memref<!tpu.dma_semaphore, #tpu.memory_space<semaphore_mem>>) {add = true}
    %scan3A_111 = arith.constant 0 : i32
    %scan3A_112 = arith.constant 39 : i32
    %scan3A_113 = arith.addi %scan3A_111, %scan3A_112 : i32
    %scan3A_114 = arith.constant 1 : i32
    scf.for %scan3A_140 = %scan3A_111 to %scan3A_113 step %scan3A_114  : i32 {
      %mul3A_141 = arith.constant 2 : i32
      %mul3A_142 = arith.muli %scan3A_140, %mul3A_141 : i32
      %add3A_143 = arith.constant 2 : i32
      %add3A_144 = arith.addi %add3A_143, %mul3A_142 : i32
      %jit3A = arith.constant 8 : i32
      %div3A = arith.divsi %add3A_144, %jit3A : i32
      %sign3A = arith.constant 0 : i32
      %sign3A_145 = arith.cmpi sgt, %add3A_144, %sign3A : i32
      %sign3A_146 = arith.extui %sign3A_145 : i1 to i32
      %sign3A_147 = arith.constant 0 : i32
      %sign3A_148 = arith.cmpi slt, %add3A_144, %sign3A_147 : i32
      %sign3A_149 = arith.extui %sign3A_148 : i1 to i32
      %sign3A_150 = arith.subi %sign3A_146, %sign3A_149 : i32
      %sign3A_151 = arith.constant 0 : i32
      %sign3A_152 = arith.cmpi sgt, %jit3A, %sign3A_151 : i32
      %sign3A_153 = arith.extui %sign3A_152 : i1 to i32
      %sign3A_154 = arith.constant 0 : i32
      %sign3A_155 = arith.cmpi slt, %jit3A, %sign3A_154 : i32
      %sign3A_156 = arith.extui %sign3A_155 : i1 to i32
      %sign3A_157 = arith.subi %sign3A_153, %sign3A_156 : i32
      %ne3A = arith.cmpi ne, %sign3A_150, %sign3A_157 : i32
      %rem3A = arith.remsi %add3A_144, %jit3A : i32
      %ne3A_158 = arith.constant 0 : i32
      %ne3A_159 = arith.cmpi ne, %rem3A, %ne3A_158 : i32
      %and3A = arith.andi %ne3A, %ne3A_159 : i1
      %sub3A = arith.constant 1 : i32
      %sub3A_160 = arith.subi %div3A, %sub3A : i32
      %select_n3A = arith.select %and3A, %sub3A_160, %div3A : i32
      %jit3A_161 = arith.constant 8 : i32
      %eq3A = arith.constant 0 : i32
      %eq3A_162 = arith.cmpi eq, %jit3A_161, %eq3A : i32
      %jit3A_163 = arith.constant 1 : i32
      %select_n3A_164 = arith.select %eq3A_162, %jit3A_163, %jit3A_161 : i32
      %rem3A_165 = arith.remsi %add3A_144, %select_n3A_164 : i32
      %ne3A_166 = arith.constant 0 : i32
      %ne3A_167 = arith.cmpi ne, %rem3A_165, %ne3A_166 : i32
      %lt3A = arith.constant 0 : i32
      %lt3A_168 = arith.cmpi slt, %rem3A_165, %lt3A : i32
      %lt3A_169 = arith.constant 0 : i32
      %lt3A_170 = arith.cmpi slt, %select_n3A_164, %lt3A_169 : i32
      %ne3A_171 = arith.xori %lt3A_168, %lt3A_170 : i1
      %and3A_172 = arith.andi %ne3A_171, %ne3A_167 : i1
      %add3A_173 = arith.addi %rem3A_165, %select_n3A_164 : i32
      %select_n3A_174 = arith.select %and3A_172, %add3A_173, %rem3A_165 : i32
      %jit3A_175 = arith.constant 2 : i32
      %eq3A_176 = arith.constant 0 : i32
      %eq3A_177 = arith.cmpi eq, %jit3A_175, %eq3A_176 : i32
      %jit3A_178 = arith.constant 1 : i32
      %select_n3A_179 = arith.select %eq3A_177, %jit3A_178, %jit3A_175 : i32
      %rem3A_180 = arith.remsi %select_n3A, %select_n3A_179 : i32
      %ne3A_181 = arith.constant 0 : i32
      %ne3A_182 = arith.cmpi ne, %rem3A_180, %ne3A_181 : i32
      %lt3A_183 = arith.constant 0 : i32
      %lt3A_184 = arith.cmpi slt, %rem3A_180, %lt3A_183 : i32
      %lt3A_185 = arith.constant 0 : i32
      %lt3A_186 = arith.cmpi slt, %select_n3A_179, %lt3A_185 : i32
      %ne3A_187 = arith.xori %lt3A_184, %lt3A_186 : i1
      %and3A_188 = arith.andi %ne3A_187, %ne3A_182 : i1
      %add3A_189 = arith.addi %rem3A_180, %select_n3A_179 : i32
      %select_n3A_190 = arith.select %and3A_188, %add3A_189, %rem3A_180 : i32
      %eq3A_191 = arith.constant 0 : i32
      %eq3A_192 = arith.cmpi eq, %select_n3A_174, %eq3A_191 : i32
      %convert_element_type3A = arith.extui %eq3A_192 : i1 to i32
      %cond3A = arith.constant 0 : i32
      %cond3A_193 = arith.cmpi ne, %convert_element_type3A, %cond3A : i32
      scf.if %cond3A_193 {
        %dma_wait3A_266 = arith.constant 0 : i32
        %dma_wait3A_267 = arith.constant 0 : i32
        %dma_wait3A_268 = arith.constant 0 : i32
        %dma_wait3A_269 = arith.constant 0 : i32
        %dma_wait3A_270 = tpu.memref_slice %arg6[%dma_wait3A_267, %dma_wait3A_268, %dma_wait3A_269] : memref<2x8x128xi32, #tpu.memory_space<vmem>> -> memref<1x8x128xi32, #tpu.memory_space<vmem>>
        %dma_wait3A_271 = tpu.memref_squeeze %dma_wait3A_270 : memref<1x8x128xi32, #tpu.memory_space<vmem>> -> memref<8x128xi32, #tpu.memory_space<vmem>>
        %dma_wait3A_272 = arith.constant 0 : i32
        %dma_wait3A_273 = arith.constant 0 : i32
        %dma_wait3A_274 = tpu.memref_slice %arg3[%add3A, %dma_wait3A_266, %dma_wait3A_272, %dma_wait3A_273] : memref<32x10x8x128xi32, #tpu.memory_space<hbm>> -> memref<1x1x8x128xi32, #tpu.memory_space<hbm>>
        %dma_wait3A_275 = tpu.memref_squeeze %dma_wait3A_274 : memref<1x1x8x128xi32, #tpu.memory_space<hbm>> -> memref<8x128xi32, #tpu.memory_space<hbm>>
        %dma_wait3A_276 = arith.constant 0 : i32
        %dma_wait3A_277 = arith.constant 0 : i32
        %dma_wait3A_278 = tpu.memref_slice %arg6[%dma_wait3A_267, %dma_wait3A_276, %dma_wait3A_277] : memref<2x8x128xi32, #tpu.memory_space<vmem>> -> memref<1x8x128xi32, #tpu.memory_space<vmem>>
        %dma_wait3A_279 = tpu.memref_squeeze %dma_wait3A_278 : memref<1x8x128xi32, #tpu.memory_space<vmem>> -> memref<8x128xi32, #tpu.memory_space<vmem>>
        %dma_wait3A_280 = arith.constant 0 : i32
        %dma_wait3A_281 = arith.constant 0 : i32
        %dma_wait3A_282 = tpu.memref_slice %arg3[%add3A, %dma_wait3A_266, %dma_wait3A_280, %dma_wait3A_281] : memref<32x10x8x128xi32, #tpu.memory_space<hbm>> -> memref<1x1x8x128xi32, #tpu.memory_space<hbm>>
        %dma_wait3A_283 = tpu.memref_squeeze %dma_wait3A_282 : memref<1x1x8x128xi32, #tpu.memory_space<hbm>> -> memref<8x128xi32, #tpu.memory_space<hbm>>
        tpu.wait_dma2 semaphore(%arg15 : memref<!tpu.dma_semaphore, #tpu.memory_space<semaphore_mem>>) src(%dma_wait3A_283 : memref<8x128xi32, #tpu.memory_space<hbm>>) dst(%dma_wait3A_279 : memref<8x128xi32, #tpu.memory_space<vmem>>)
        %dma_wait3A_284 = arith.constant 0 : i32
        %dma_wait3A_285 = arith.constant 0 : i32
        %dma_wait3A_286 = arith.constant 0 : i32
        %dma_wait3A_287 = arith.constant 0 : i32
        %dma_wait3A_288 = tpu.memref_slice %arg7[%dma_wait3A_285, %dma_wait3A_286, %dma_wait3A_287] : memref<2x8x128xi32, #tpu.memory_space<vmem>> -> memref<1x8x128xi32, #tpu.memory_space<vmem>>
        %dma_wait3A_289 = tpu.memref_squeeze %dma_wait3A_288 : memref<1x8x128xi32, #tpu.memory_space<vmem>> -> memref<8x128xi32, #tpu.memory_space<vmem>>
        %dma_wait3A_290 = arith.constant 0 : i32
        %dma_wait3A_291 = arith.constant 0 : i32
        %dma_wait3A_292 = tpu.memref_slice %arg4[%add3A, %dma_wait3A_284, %dma_wait3A_290, %dma_wait3A_291] : memref<32x10x8x128xi32, #tpu.memory_space<hbm>> -> memref<1x1x8x128xi32, #tpu.memory_space<hbm>>
        %dma_wait3A_293 = tpu.memref_squeeze %dma_wait3A_292 : memref<1x1x8x128xi32, #tpu.memory_space<hbm>> -> memref<8x128xi32, #tpu.memory_space<hbm>>
        %dma_wait3A_294 = arith.constant 0 : i32
        %dma_wait3A_295 = arith.constant 0 : i32
        %dma_wait3A_296 = tpu.memref_slice %arg7[%dma_wait3A_285, %dma_wait3A_294, %dma_wait3A_295] : memref<2x8x128xi32, #tpu.memory_space<vmem>> -> memref<1x8x128xi32, #tpu.memory_space<vmem>>
        %dma_wait3A_297 = tpu.memref_squeeze %dma_wait3A_296 : memref<1x8x128xi32, #tpu.memory_space<vmem>> -> memref<8x128xi32, #tpu.memory_space<vmem>>
        %dma_wait3A_298 = arith.constant 0 : i32
        %dma_wait3A_299 = arith.constant 0 : i32
        %dma_wait3A_300 = tpu.memref_slice %arg4[%add3A, %dma_wait3A_284, %dma_wait3A_298, %dma_wait3A_299] : memref<32x10x8x128xi32, #tpu.memory_space<hbm>> -> memref<1x1x8x128xi32, #tpu.memory_space<hbm>>
        %dma_wait3A_301 = tpu.memref_squeeze %dma_wait3A_300 : memref<1x1x8x128xi32, #tpu.memory_space<hbm>> -> memref<8x128xi32, #tpu.memory_space<hbm>>
        tpu.wait_dma2 semaphore(%arg15 : memref<!tpu.dma_semaphore, #tpu.memory_space<semaphore_mem>>) src(%dma_wait3A_301 : memref<8x128xi32, #tpu.memory_space<hbm>>) dst(%dma_wait3A_297 : memref<8x128xi32, #tpu.memory_space<vmem>>)
      } else {
      }
      %eq3A_194 = arith.constant 0 : i32
      %eq3A_195 = arith.cmpi eq, %select_n3A_174, %eq3A_194 : i32
      %lt3A_196 = arith.constant 9 : i32
      %lt3A_197 = arith.cmpi slt, %select_n3A, %lt3A_196 : i32
      %and3A_198 = arith.andi %eq3A_195, %lt3A_197 : i1
      %convert_element_type3A_199 = arith.extui %and3A_198 : i1 to i32
      %cond3A_200 = arith.constant 0 : i32
      %cond3A_201 = arith.cmpi ne, %convert_element_type3A_199, %cond3A_200 : i32
      scf.if %cond3A_201 {
        %add3A_266 = arith.constant 1 : i32
        %add3A_267 = arith.addi %select_n3A, %add3A_266 : i32
        %sub3A_268 = arith.constant 1 : i32
        %sub3A_269 = arith.subi %sub3A_268, %select_n3A_190 : i32
        %dma_start3A_270 = arith.constant 0 : i32
        %dma_start3A_271 = arith.constant 0 : i32
        %dma_start3A_272 = tpu.memref_slice %arg6[%sub3A_269, %dma_start3A_270, %dma_start3A_271] : memref<2x8x128xi32, #tpu.memory_space<vmem>> -> memref<1x8x128xi32, #tpu.memory_space<vmem>>
        %dma_start3A_273 = tpu.memref_squeeze %dma_start3A_272 : memref<1x8x128xi32, #tpu.memory_space<vmem>> -> memref<8x128xi32, #tpu.memory_space<vmem>>
        %dma_start3A_274 = arith.constant 0 : i32
        %dma_start3A_275 = arith.constant 0 : i32
        %dma_start3A_276 = tpu.memref_slice %arg3[%add3A, %add3A_267, %dma_start3A_274, %dma_start3A_275] : memref<32x10x8x128xi32, #tpu.memory_space<hbm>> -> memref<1x1x8x128xi32, #tpu.memory_space<hbm>>
        %dma_start3A_277 = tpu.memref_squeeze %dma_start3A_276 : memref<1x1x8x128xi32, #tpu.memory_space<hbm>> -> memref<8x128xi32, #tpu.memory_space<hbm>>
        %dma_start3A_278 = arith.constant 0 : i32
        %dma_start3A_279 = arith.constant 0 : i32
        %dma_start3A_280 = tpu.memref_slice %arg6[%sub3A_269, %dma_start3A_278, %dma_start3A_279] : memref<2x8x128xi32, #tpu.memory_space<vmem>> -> memref<1x8x128xi32, #tpu.memory_space<vmem>>
        %dma_start3A_281 = tpu.memref_squeeze %dma_start3A_280 : memref<1x8x128xi32, #tpu.memory_space<vmem>> -> memref<8x128xi32, #tpu.memory_space<vmem>>
        %dma_start3A_282 = arith.constant 0 : i32
        %dma_start3A_283 = arith.constant 0 : i32
        %dma_start3A_284 = tpu.memref_slice %arg3[%add3A, %add3A_267, %dma_start3A_282, %dma_start3A_283] : memref<32x10x8x128xi32, #tpu.memory_space<hbm>> -> memref<1x1x8x128xi32, #tpu.memory_space<hbm>>
        %dma_start3A_285 = tpu.memref_squeeze %dma_start3A_284 : memref<1x1x8x128xi32, #tpu.memory_space<hbm>> -> memref<8x128xi32, #tpu.memory_space<hbm>>
        tpu.enqueue_dma source(%dma_start3A_285 : memref<8x128xi32, #tpu.memory_space<hbm>>) target(%dma_start3A_281 : memref<8x128xi32, #tpu.memory_space<vmem>>) target_semaphore(%arg15 : memref<!tpu.dma_semaphore, #tpu.memory_space<semaphore_mem>>)
        %add3A_286 = arith.constant 1 : i32
        %add3A_287 = arith.addi %select_n3A, %add3A_286 : i32
        %sub3A_288 = arith.constant 1 : i32
        %sub3A_289 = arith.subi %sub3A_288, %select_n3A_190 : i32
        %dma_start3A_290 = arith.constant 0 : i32
        %dma_start3A_291 = arith.constant 0 : i32
        %dma_start3A_292 = tpu.memref_slice %arg7[%sub3A_289, %dma_start3A_290, %dma_start3A_291] : memref<2x8x128xi32, #tpu.memory_space<vmem>> -> memref<1x8x128xi32, #tpu.memory_space<vmem>>
        %dma_start3A_293 = tpu.memref_squeeze %dma_start3A_292 : memref<1x8x128xi32, #tpu.memory_space<vmem>> -> memref<8x128xi32, #tpu.memory_space<vmem>>
        %dma_start3A_294 = arith.constant 0 : i32
        %dma_start3A_295 = arith.constant 0 : i32
        %dma_start3A_296 = tpu.memref_slice %arg4[%add3A, %add3A_287, %dma_start3A_294, %dma_start3A_295] : memref<32x10x8x128xi32, #tpu.memory_space<hbm>> -> memref<1x1x8x128xi32, #tpu.memory_space<hbm>>
        %dma_start3A_297 = tpu.memref_squeeze %dma_start3A_296 : memref<1x1x8x128xi32, #tpu.memory_space<hbm>> -> memref<8x128xi32, #tpu.memory_space<hbm>>
        %dma_start3A_298 = arith.constant 0 : i32
        %dma_start3A_299 = arith.constant 0 : i32
        %dma_start3A_300 = tpu.memref_slice %arg7[%sub3A_289, %dma_start3A_298, %dma_start3A_299] : memref<2x8x128xi32, #tpu.memory_space<vmem>> -> memref<1x8x128xi32, #tpu.memory_space<vmem>>
        %dma_start3A_301 = tpu.memref_squeeze %dma_start3A_300 : memref<1x8x128xi32, #tpu.memory_space<vmem>> -> memref<8x128xi32, #tpu.memory_space<vmem>>
        %dma_start3A_302 = arith.constant 0 : i32
        %dma_start3A_303 = arith.constant 0 : i32
        %dma_start3A_304 = tpu.memref_slice %arg4[%add3A, %add3A_287, %dma_start3A_302, %dma_start3A_303] : memref<32x10x8x128xi32, #tpu.memory_space<hbm>> -> memref<1x1x8x128xi32, #tpu.memory_space<hbm>>
        %dma_start3A_305 = tpu.memref_squeeze %dma_start3A_304 : memref<1x1x8x128xi32, #tpu.memory_space<hbm>> -> memref<8x128xi32, #tpu.memory_space<hbm>>
        tpu.enqueue_dma source(%dma_start3A_305 : memref<8x128xi32, #tpu.memory_space<hbm>>) target(%dma_start3A_301 : memref<8x128xi32, #tpu.memory_space<vmem>>) target_semaphore(%arg15 : memref<!tpu.dma_semaphore, #tpu.memory_space<semaphore_mem>>)
      } else {
      }
      %dma_wait3A_202 = arith.constant 0 : i32
      %dma_wait3A_203 = arith.constant 0 : i32
      %dma_wait3A_204 = arith.constant 0 : i32
      %dma_wait3A_205 = tpu.memref_slice %arg7[%dma_wait3A_202, %dma_wait3A_203, %dma_wait3A_204] : memref<2x8x128xi32, #tpu.memory_space<vmem>> -> memref<1x1x128xi32, #tpu.memory_space<vmem>>
      %dma_wait3A_206 = tpu.memref_squeeze %dma_wait3A_205 : memref<1x1x128xi32, #tpu.memory_space<vmem>> -> memref<128xi32, #tpu.memory_space<vmem>>
      %dma_wait3A_207 = arith.constant 0 : i32
      %dma_wait3A_208 = arith.constant 0 : i32
      %dma_wait3A_209 = tpu.memref_slice %arg10[%dma_wait3A_207, %dma_wait3A_208] : memref<10112x128xf32, #tpu.memory_space<vmem_shared>> -> memref<10112x128xf32, #tpu.memory_space<vmem_shared>>
      tpu.wait_indirect_dma semaphore(%arg13 : memref<!tpu.dma_semaphore, #tpu.memory_space<semaphore_mem>>) src(%arg8 : memref<128x128xf32, #tpu.memory_space<vmem>>) dst(%dma_wait3A_209 : memref<10112x128xf32, #tpu.memory_space<vmem_shared>>)
      %add3A_210 = arith.constant 0 : i32
      %add3A_211 = arith.addi %select_n3A_174, %add3A_210 : i32
      %dma_start3A_212 = arith.constant 0 : i32
      %dma_start3A_213 = tpu.memref_slice %arg6[%select_n3A_190, %add3A_211, %dma_start3A_212] : memref<2x8x128xi32, #tpu.memory_space<vmem>> -> memref<1x1x128xi32, #tpu.memory_space<vmem>>
      %dma_start3A_214 = tpu.memref_squeeze %dma_start3A_213 : memref<1x1x128xi32, #tpu.memory_space<vmem>> -> memref<128xi32, #tpu.memory_space<vmem>>
      %dma_start3A_215 = arith.constant 0 : i32
      %dma_start3A_216 = arith.constant 0 : i32
      %dma_start3A_217 = tpu.memref_slice %arg2[%dma_start3A_215, %dma_start3A_216] : memref<10240x128xf32, #tpu.memory_space<hbm>> -> memref<10240x128xf32, #tpu.memory_space<hbm>>
      tpu.enqueue_indirect_dma source(%dma_start3A_217 : memref<10240x128xf32, #tpu.memory_space<hbm>>) target(%arg8 : memref<128x128xf32, #tpu.memory_space<vmem>>) offsets(%dma_start3A_214 : memref<128xi32, #tpu.memory_space<vmem>>) semaphore(%arg11 : memref<!tpu.dma_semaphore, #tpu.memory_space<semaphore_mem>>)
      %dma_wait3A_218 = arith.constant 0 : i32
      %dma_wait3A_219 = arith.constant 0 : i32
      %dma_wait3A_220 = arith.constant 0 : i32
      %dma_wait3A_221 = tpu.memref_slice %arg7[%dma_wait3A_218, %dma_wait3A_219, %dma_wait3A_220] : memref<2x8x128xi32, #tpu.memory_space<vmem>> -> memref<1x1x128xi32, #tpu.memory_space<vmem>>
      %dma_wait3A_222 = tpu.memref_squeeze %dma_wait3A_221 : memref<1x1x128xi32, #tpu.memory_space<vmem>> -> memref<128xi32, #tpu.memory_space<vmem>>
      %dma_wait3A_223 = arith.constant 0 : i32
      %dma_wait3A_224 = arith.constant 0 : i32
      %dma_wait3A_225 = tpu.memref_slice %arg10[%dma_wait3A_223, %dma_wait3A_224] : memref<10112x128xf32, #tpu.memory_space<vmem_shared>> -> memref<10112x128xf32, #tpu.memory_space<vmem_shared>>
      tpu.wait_indirect_dma semaphore(%arg14 : memref<!tpu.dma_semaphore, #tpu.memory_space<semaphore_mem>>) src(%arg9 : memref<128x128xf32, #tpu.memory_space<vmem>>) dst(%dma_wait3A_225 : memref<10112x128xf32, #tpu.memory_space<vmem_shared>>)
      %add3A_226 = arith.constant 1 : i32
      %add3A_227 = arith.addi %select_n3A_174, %add3A_226 : i32
      %dma_start3A_228 = arith.constant 0 : i32
      %dma_start3A_229 = tpu.memref_slice %arg6[%select_n3A_190, %add3A_227, %dma_start3A_228] : memref<2x8x128xi32, #tpu.memory_space<vmem>> -> memref<1x1x128xi32, #tpu.memory_space<vmem>>
      %dma_start3A_230 = tpu.memref_squeeze %dma_start3A_229 : memref<1x1x128xi32, #tpu.memory_space<vmem>> -> memref<128xi32, #tpu.memory_space<vmem>>
      %dma_start3A_231 = arith.constant 0 : i32
      %dma_start3A_232 = arith.constant 0 : i32
      %dma_start3A_233 = tpu.memref_slice %arg2[%dma_start3A_231, %dma_start3A_232] : memref<10240x128xf32, #tpu.memory_space<hbm>> -> memref<10240x128xf32, #tpu.memory_space<hbm>>
      tpu.enqueue_indirect_dma source(%dma_start3A_233 : memref<10240x128xf32, #tpu.memory_space<hbm>>) target(%arg9 : memref<128x128xf32, #tpu.memory_space<vmem>>) offsets(%dma_start3A_230 : memref<128xi32, #tpu.memory_space<vmem>>) semaphore(%arg12 : memref<!tpu.dma_semaphore, #tpu.memory_space<semaphore_mem>>)
      %add3A_234 = arith.constant 0 : i32
      %add3A_235 = arith.addi %select_n3A_174, %add3A_234 : i32
      %dma_wait3A_236 = arith.constant 0 : i32
      %dma_wait3A_237 = tpu.memref_slice %arg6[%select_n3A_190, %add3A_235, %dma_wait3A_236] : memref<2x8x128xi32, #tpu.memory_space<vmem>> -> memref<1x1x128xi32, #tpu.memory_space<vmem>>
      %dma_wait3A_238 = tpu.memref_squeeze %dma_wait3A_237 : memref<1x1x128xi32, #tpu.memory_space<vmem>> -> memref<128xi32, #tpu.memory_space<vmem>>
      %dma_wait3A_239 = arith.constant 0 : i32
      %dma_wait3A_240 = arith.constant 0 : i32
      %dma_wait3A_241 = tpu.memref_slice %arg2[%dma_wait3A_239, %dma_wait3A_240] : memref<10240x128xf32, #tpu.memory_space<hbm>> -> memref<10240x128xf32, #tpu.memory_space<hbm>>
      tpu.wait_indirect_dma semaphore(%arg11 : memref<!tpu.dma_semaphore, #tpu.memory_space<semaphore_mem>>) src(%dma_wait3A_241 : memref<10240x128xf32, #tpu.memory_space<hbm>>) dst(%arg8 : memref<128x128xf32, #tpu.memory_space<vmem>>)
      %add3A_242 = arith.constant 0 : i32
      %add3A_243 = arith.addi %select_n3A_174, %add3A_242 : i32
      %dma_start3A_244 = arith.constant 0 : i32
      %dma_start3A_245 = tpu.memref_slice %arg7[%select_n3A_190, %add3A_243, %dma_start3A_244] : memref<2x8x128xi32, #tpu.memory_space<vmem>> -> memref<1x1x128xi32, #tpu.memory_space<vmem>>
      %dma_start3A_246 = tpu.memref_squeeze %dma_start3A_245 : memref<1x1x128xi32, #tpu.memory_space<vmem>> -> memref<128xi32, #tpu.memory_space<vmem>>
      %dma_start3A_247 = arith.constant 0 : i32
      %dma_start3A_248 = arith.constant 0 : i32
      %dma_start3A_249 = tpu.memref_slice %arg10[%dma_start3A_247, %dma_start3A_248] : memref<10112x128xf32, #tpu.memory_space<vmem_shared>> -> memref<10112x128xf32, #tpu.memory_space<vmem_shared>>
      tpu.enqueue_indirect_dma source(%arg8 : memref<128x128xf32, #tpu.memory_space<vmem>>) target(%dma_start3A_249 : memref<10112x128xf32, #tpu.memory_space<vmem_shared>>) offsets(%dma_start3A_246 : memref<128xi32, #tpu.memory_space<vmem>>) semaphore(%arg13 : memref<!tpu.dma_semaphore, #tpu.memory_space<semaphore_mem>>) {add = true}
      %add3A_250 = arith.constant 1 : i32
      %add3A_251 = arith.addi %select_n3A_174, %add3A_250 : i32
      %dma_wait3A_252 = arith.constant 0 : i32
      %dma_wait3A_253 = tpu.memref_slice %arg6[%select_n3A_190, %add3A_251, %dma_wait3A_252] : memref<2x8x128xi32, #tpu.memory_space<vmem>> -> memref<1x1x128xi32, #tpu.memory_space<vmem>>
      %dma_wait3A_254 = tpu.memref_squeeze %dma_wait3A_253 : memref<1x1x128xi32, #tpu.memory_space<vmem>> -> memref<128xi32, #tpu.memory_space<vmem>>
      %dma_wait3A_255 = arith.constant 0 : i32
      %dma_wait3A_256 = arith.constant 0 : i32
      %dma_wait3A_257 = tpu.memref_slice %arg2[%dma_wait3A_255, %dma_wait3A_256] : memref<10240x128xf32, #tpu.memory_space<hbm>> -> memref<10240x128xf32, #tpu.memory_space<hbm>>
      tpu.wait_indirect_dma semaphore(%arg12 : memref<!tpu.dma_semaphore, #tpu.memory_space<semaphore_mem>>) src(%dma_wait3A_257 : memref<10240x128xf32, #tpu.memory_space<hbm>>) dst(%arg9 : memref<128x128xf32, #tpu.memory_space<vmem>>)
      %add3A_258 = arith.constant 1 : i32
      %add3A_259 = arith.addi %select_n3A_174, %add3A_258 : i32
      %dma_start3A_260 = arith.constant 0 : i32
      %dma_start3A_261 = tpu.memref_slice %arg7[%select_n3A_190, %add3A_259, %dma_start3A_260] : memref<2x8x128xi32, #tpu.memory_space<vmem>> -> memref<1x1x128xi32, #tpu.memory_space<vmem>>
      %dma_start3A_262 = tpu.memref_squeeze %dma_start3A_261 : memref<1x1x128xi32, #tpu.memory_space<vmem>> -> memref<128xi32, #tpu.memory_space<vmem>>
      %dma_start3A_263 = arith.constant 0 : i32
      %dma_start3A_264 = arith.constant 0 : i32
      %dma_start3A_265 = tpu.memref_slice %arg10[%dma_start3A_263, %dma_start3A_264] : memref<10112x128xf32, #tpu.memory_space<vmem_shared>> -> memref<10112x128xf32, #tpu.memory_space<vmem_shared>>
      tpu.enqueue_indirect_dma source(%arg9 : memref<128x128xf32, #tpu.memory_space<vmem>>) target(%dma_start3A_265 : memref<10112x128xf32, #tpu.memory_space<vmem_shared>>) offsets(%dma_start3A_262 : memref<128xi32, #tpu.memory_space<vmem>>) semaphore(%arg14 : memref<!tpu.dma_semaphore, #tpu.memory_space<semaphore_mem>>) {add = true}
    }
    %scan3A_115 = arith.constant 39 : i32
    %dma_wait3A_116 = arith.constant 0 : i32
    %dma_wait3A_117 = arith.constant 0 : i32
    %dma_wait3A_118 = arith.constant 0 : i32
    %dma_wait3A_119 = tpu.memref_slice %arg7[%dma_wait3A_116, %dma_wait3A_117, %dma_wait3A_118] : memref<2x8x128xi32, #tpu.memory_space<vmem>> -> memref<1x1x128xi32, #tpu.memory_space<vmem>>
    %dma_wait3A_120 = tpu.memref_squeeze %dma_wait3A_119 : memref<1x1x128xi32, #tpu.memory_space<vmem>> -> memref<128xi32, #tpu.memory_space<vmem>>
    %dma_wait3A_121 = arith.constant 0 : i32
    %dma_wait3A_122 = arith.constant 0 : i32
    %dma_wait3A_123 = tpu.memref_slice %arg10[%dma_wait3A_121, %dma_wait3A_122] : memref<10112x128xf32, #tpu.memory_space<vmem_shared>> -> memref<10112x128xf32, #tpu.memory_space<vmem_shared>>
    tpu.wait_indirect_dma semaphore(%arg13 : memref<!tpu.dma_semaphore, #tpu.memory_space<semaphore_mem>>) src(%arg8 : memref<128x128xf32, #tpu.memory_space<vmem>>) dst(%dma_wait3A_123 : memref<10112x128xf32, #tpu.memory_space<vmem_shared>>)
    %dma_wait3A_124 = arith.constant 0 : i32
    %dma_wait3A_125 = arith.constant 0 : i32
    %dma_wait3A_126 = arith.constant 0 : i32
    %dma_wait3A_127 = tpu.memref_slice %arg7[%dma_wait3A_124, %dma_wait3A_125, %dma_wait3A_126] : memref<2x8x128xi32, #tpu.memory_space<vmem>> -> memref<1x1x128xi32, #tpu.memory_space<vmem>>
    %dma_wait3A_128 = tpu.memref_squeeze %dma_wait3A_127 : memref<1x1x128xi32, #tpu.memory_space<vmem>> -> memref<128xi32, #tpu.memory_space<vmem>>
    %dma_wait3A_129 = arith.constant 0 : i32
    %dma_wait3A_130 = arith.constant 0 : i32
    %dma_wait3A_131 = tpu.memref_slice %arg10[%dma_wait3A_129, %dma_wait3A_130] : memref<10112x128xf32, #tpu.memory_space<vmem_shared>> -> memref<10112x128xf32, #tpu.memory_space<vmem_shared>>
    tpu.wait_indirect_dma semaphore(%arg14 : memref<!tpu.dma_semaphore, #tpu.memory_space<semaphore_mem>>) src(%arg9 : memref<128x128xf32, #tpu.memory_space<vmem>>) dst(%dma_wait3A_131 : memref<10112x128xf32, #tpu.memory_space<vmem_shared>>)
    %barrier3A_132 = arith.constant 0 : index
    tpu.barrier barrier_id(%barrier3A_132)
    %mul3A_133 = arith.constant 632 : i32
    %mul3A_134 = arith.muli %arg1, %mul3A_133 : i32
    %mul3A_135 = arith.constant 10240 : i32
    %mul3A_136 = arith.muli %arg0, %mul3A_135 : i32
    %mul3A_137 = arith.constant 632 : i32
    %mul3A_138 = arith.muli %arg1, %mul3A_137 : i32
    %add3A_139 = arith.addi %mul3A_136, %mul3A_138 : i32
    "tpu.region"() ({
      %run_scoped3A_140 = tpu.sem_alloc : memref<!tpu.dma_semaphore, #tpu.memory_space<semaphore_mem>>
      %dma_start3A_141 = arith.constant 0 : i32
      %dma_start3A_142 = tpu.memref_slice %arg5[%add3A_139, %dma_start3A_141] : memref<20480x128xf32, #tpu.memory_space<hbm>> -> memref<632x128xf32, #tpu.memory_space<hbm>>
      %dma_start3A_143 = arith.constant 0 : i32
      %dma_start3A_144 = tpu.memref_slice %arg10[%mul3A_134, %dma_start3A_143] : memref<10112x128xf32, #tpu.memory_space<vmem_shared>> -> memref<632x128xf32, #tpu.memory_space<vmem_shared>>
      tpu.enqueue_dma source(%dma_start3A_144 : memref<632x128xf32, #tpu.memory_space<vmem_shared>>) target(%dma_start3A_142 : memref<632x128xf32, #tpu.memory_space<hbm>>) target_semaphore(%run_scoped3A_140 : memref<!tpu.dma_semaphore, #tpu.memory_space<semaphore_mem>>)
      %dma_wait3A_145 = arith.constant 0 : i32
      %dma_wait3A_146 = tpu.memref_slice %arg5[%add3A_139, %dma_wait3A_145] : memref<20480x128xf32, #tpu.memory_space<hbm>> -> memref<632x128xf32, #tpu.memory_space<hbm>>
      %dma_wait3A_147 = arith.constant 0 : i32
      %dma_wait3A_148 = tpu.memref_slice %arg10[%mul3A_134, %dma_wait3A_147] : memref<10112x128xf32, #tpu.memory_space<vmem_shared>> -> memref<632x128xf32, #tpu.memory_space<vmem_shared>>
      tpu.wait_dma2 semaphore(%run_scoped3A_140 : memref<!tpu.dma_semaphore, #tpu.memory_space<semaphore_mem>>) src(%dma_wait3A_148 : memref<632x128xf32, #tpu.memory_space<vmem_shared>>) dst(%dma_wait3A_146 : memref<632x128xf32, #tpu.memory_space<hbm>>)
      tpu.yield
    }) : () -> ()
    return
  }
}

#map = affine_map<(d0, d1) -> (0, 0)>
#map1 = affine_map<(d0, d1) -> (0, 0, 0, 0)>
module attributes {stable_mosaic.version = 14 : i64} {
  func.func @_sc_segsum(%arg0: i32, %arg1: i32, %arg2: memref<10240x128xf32, #tpu.memory_space<hbm>>, %arg3: memref<32x10x8x128xi32, #tpu.memory_space<hbm>>, %arg4: memref<32x10x8x128xi32, #tpu.memory_space<hbm>>, %arg5: memref<20480x128xf32, #tpu.memory_space<hbm>>, %arg6: memref<2x8x128xi32, #tpu.memory_space<vmem>>, %arg7: memref<2x8x128xi32, #tpu.memory_space<vmem>>, %arg8: memref<128x128xf32, #tpu.memory_space<vmem>>, %arg9: memref<128x128xf32, #tpu.memory_space<vmem>>, %arg10: memref<10112x128xf32, #tpu.memory_space<vmem_shared>>, %arg11: memref<!tpu.dma_semaphore, #tpu.memory_space<semaphore_mem>>, %arg12: memref<!tpu.dma_semaphore, #tpu.memory_space<semaphore_mem>>, %arg13: memref<!tpu.dma_semaphore, #tpu.memory_space<semaphore_mem>>, %arg14: memref<!tpu.dma_semaphore, #tpu.memory_space<semaphore_mem>>, %arg15: memref<!tpu.dma_semaphore, #tpu.memory_space<semaphore_mem>>) attributes {dimension_semantics = [#tpu.dimension_semantics<core_parallel>, #tpu.dimension_semantics<subcore_parallel>], iteration_bounds = array<i64: 2, 16>, scalar_prefetch = 0 : i64, scratch_operands = 10 : i64, tpu.core_type = #tpu.core_type<sc_vector_subcore>, window_params = [{transform_indices = #map}, {transform_indices = #map1}, {transform_indices = #map1}, {transform_indices = #map}]} {
    %mul3A = arith.constant 2 : i32
    %mul3A_0 = arith.muli %arg1, %mul3A : i32
    %add3A = arith.addi %mul3A_0, %arg0 : i32
    %run_scoped3A = arith.constant 0 : i32
    %run_scoped3A_1 = arith.constant 0 : i32
    "tpu.region"() ({
      %run_scoped3A_140 = tpu.sem_alloc : memref<!tpu.dma_semaphore, #tpu.memory_space<semaphore_mem>>
      %dma_start3A_141 = arith.constant 0 : i32
      %dma_start3A_142 = arith.constant 0 : i32
      %dma_start3A_143 = tpu.memref_slice %arg6[%run_scoped3A_1, %dma_start3A_141, %dma_start3A_142] : memref<2x8x128xi32, #tpu.memory_space<vmem>> -> memref<1x8x128xi32, #tpu.memory_space<vmem>>
      %dma_start3A_144 = tpu.memref_squeeze %dma_start3A_143 : memref<1x8x128xi32, #tpu.memory_space<vmem>> -> memref<8x128xi32, #tpu.memory_space<vmem>>
      %dma_start3A_145 = arith.constant 0 : i32
      %dma_start3A_146 = arith.constant 0 : i32
      %dma_start3A_147 = tpu.memref_slice %arg3[%add3A, %run_scoped3A, %dma_start3A_145, %dma_start3A_146] : memref<32x10x8x128xi32, #tpu.memory_space<hbm>> -> memref<1x1x8x128xi32, #tpu.memory_space<hbm>>
      %dma_start3A_148 = tpu.memref_squeeze %dma_start3A_147 : memref<1x1x8x128xi32, #tpu.memory_space<hbm>> -> memref<8x128xi32, #tpu.memory_space<hbm>>
      %dma_start3A_149 = arith.constant 0 : i32
      %dma_start3A_150 = arith.constant 0 : i32
      %dma_start3A_151 = tpu.memref_slice %arg6[%run_scoped3A_1, %dma_start3A_149, %dma_start3A_150] : memref<2x8x128xi32, #tpu.memory_space<vmem>> -> memref<1x8x128xi32, #tpu.memory_space<vmem>>
      %dma_start3A_152 = tpu.memref_squeeze %dma_start3A_151 : memref<1x8x128xi32, #tpu.memory_space<vmem>> -> memref<8x128xi32, #tpu.memory_space<vmem>>
      %dma_start3A_153 = arith.constant 0 : i32
      %dma_start3A_154 = arith.constant 0 : i32
      %dma_start3A_155 = tpu.memref_slice %arg3[%add3A, %run_scoped3A, %dma_start3A_153, %dma_start3A_154] : memref<32x10x8x128xi32, #tpu.memory_space<hbm>> -> memref<1x1x8x128xi32, #tpu.memory_space<hbm>>
      %dma_start3A_156 = tpu.memref_squeeze %dma_start3A_155 : memref<1x1x8x128xi32, #tpu.memory_space<hbm>> -> memref<8x128xi32, #tpu.memory_space<hbm>>
      tpu.enqueue_dma source(%dma_start3A_156 : memref<8x128xi32, #tpu.memory_space<hbm>>) target(%dma_start3A_152 : memref<8x128xi32, #tpu.memory_space<vmem>>) target_semaphore(%run_scoped3A_140 : memref<!tpu.dma_semaphore, #tpu.memory_space<semaphore_mem>>)
      %dma_wait3A_157 = arith.constant 0 : i32
      %dma_wait3A_158 = arith.constant 0 : i32
      %dma_wait3A_159 = tpu.memref_slice %arg6[%run_scoped3A_1, %dma_wait3A_157, %dma_wait3A_158] : memref<2x8x128xi32, #tpu.memory_space<vmem>> -> memref<1x8x128xi32, #tpu.memory_space<vmem>>
      %dma_wait3A_160 = tpu.memref_squeeze %dma_wait3A_159 : memref<1x8x128xi32, #tpu.memory_space<vmem>> -> memref<8x128xi32, #tpu.memory_space<vmem>>
      %dma_wait3A_161 = arith.constant 0 : i32
      %dma_wait3A_162 = arith.constant 0 : i32
      %dma_wait3A_163 = tpu.memref_slice %arg3[%add3A, %run_scoped3A, %dma_wait3A_161, %dma_wait3A_162] : memref<32x10x8x128xi32, #tpu.memory_space<hbm>> -> memref<1x1x8x128xi32, #tpu.memory_space<hbm>>
      %dma_wait3A_164 = tpu.memref_squeeze %dma_wait3A_163 : memref<1x1x8x128xi32, #tpu.memory_space<hbm>> -> memref<8x128xi32, #tpu.memory_space<hbm>>
      %dma_wait3A_165 = arith.constant 0 : i32
      %dma_wait3A_166 = arith.constant 0 : i32
      %dma_wait3A_167 = tpu.memref_slice %arg6[%run_scoped3A_1, %dma_wait3A_165, %dma_wait3A_166] : memref<2x8x128xi32, #tpu.memory_space<vmem>> -> memref<1x8x128xi32, #tpu.memory_space<vmem>>
      %dma_wait3A_168 = tpu.memref_squeeze %dma_wait3A_167 : memref<1x8x128xi32, #tpu.memory_space<vmem>> -> memref<8x128xi32, #tpu.memory_space<vmem>>
      %dma_wait3A_169 = arith.constant 0 : i32
      %dma_wait3A_170 = arith.constant 0 : i32
      %dma_wait3A_171 = tpu.memref_slice %arg3[%add3A, %run_scoped3A, %dma_wait3A_169, %dma_wait3A_170] : memref<32x10x8x128xi32, #tpu.memory_space<hbm>> -> memref<1x1x8x128xi32, #tpu.memory_space<hbm>>
      %dma_wait3A_172 = tpu.memref_squeeze %dma_wait3A_171 : memref<1x1x8x128xi32, #tpu.memory_space<hbm>> -> memref<8x128xi32, #tpu.memory_space<hbm>>
      tpu.wait_dma2 semaphore(%run_scoped3A_140 : memref<!tpu.dma_semaphore, #tpu.memory_space<semaphore_mem>>) src(%dma_wait3A_172 : memref<8x128xi32, #tpu.memory_space<hbm>>) dst(%dma_wait3A_168 : memref<8x128xi32, #tpu.memory_space<vmem>>)
      tpu.yield
    }) : () -> ()
    %run_scoped3A_2 = arith.constant 0 : i32
    %run_scoped3A_3 = arith.constant 0 : i32
    "tpu.region"() ({
      %run_scoped3A_140 = tpu.sem_alloc : memref<!tpu.dma_semaphore, #tpu.memory_space<semaphore_mem>>
      %dma_start3A_141 = arith.constant 0 : i32
      %dma_start3A_142 = arith.constant 0 : i32
      %dma_start3A_143 = tpu.memref_slice %arg7[%run_scoped3A_3, %dma_start3A_141, %dma_start3A_142] : memref<2x8x128xi32, #tpu.memory_space<vmem>> -> memref<1x8x128xi32, #tpu.memory_space<vmem>>
      %dma_start3A_144 = tpu.memref_squeeze %dma_start3A_143 : memref<1x8x128xi32, #tpu.memory_space<vmem>> -> memref<8x128xi32, #tpu.memory_space<vmem>>
      %dma_start3A_145 = arith.constant 0 : i32
      %dma_start3A_146 = arith.constant 0 : i32
      %dma_start3A_147 = tpu.memref_slice %arg4[%add3A, %run_scoped3A_2, %dma_start3A_145, %dma_start3A_146] : memref<32x10x8x128xi32, #tpu.memory_space<hbm>> -> memref<1x1x8x128xi32, #tpu.memory_space<hbm>>
      %dma_start3A_148 = tpu.memref_squeeze %dma_start3A_147 : memref<1x1x8x128xi32, #tpu.memory_space<hbm>> -> memref<8x128xi32, #tpu.memory_space<hbm>>
      %dma_start3A_149 = arith.constant 0 : i32
      %dma_start3A_150 = arith.constant 0 : i32
      %dma_start3A_151 = tpu.memref_slice %arg7[%run_scoped3A_3, %dma_start3A_149, %dma_start3A_150] : memref<2x8x128xi32, #tpu.memory_space<vmem>> -> memref<1x8x128xi32, #tpu.memory_space<vmem>>
      %dma_start3A_152 = tpu.memref_squeeze %dma_start3A_151 : memref<1x8x128xi32, #tpu.memory_space<vmem>> -> memref<8x128xi32, #tpu.memory_space<vmem>>
      %dma_start3A_153 = arith.constant 0 : i32
      %dma_start3A_154 = arith.constant 0 : i32
      %dma_start3A_155 = tpu.memref_slice %arg4[%add3A, %run_scoped3A_2, %dma_start3A_153, %dma_start3A_154] : memref<32x10x8x128xi32, #tpu.memory_space<hbm>> -> memref<1x1x8x128xi32, #tpu.memory_space<hbm>>
      %dma_start3A_156 = tpu.memref_squeeze %dma_start3A_155 : memref<1x1x8x128xi32, #tpu.memory_space<hbm>> -> memref<8x128xi32, #tpu.memory_space<hbm>>
      tpu.enqueue_dma source(%dma_start3A_156 : memref<8x128xi32, #tpu.memory_space<hbm>>) target(%dma_start3A_152 : memref<8x128xi32, #tpu.memory_space<vmem>>) target_semaphore(%run_scoped3A_140 : memref<!tpu.dma_semaphore, #tpu.memory_space<semaphore_mem>>)
      %dma_wait3A_157 = arith.constant 0 : i32
      %dma_wait3A_158 = arith.constant 0 : i32
      %dma_wait3A_159 = tpu.memref_slice %arg7[%run_scoped3A_3, %dma_wait3A_157, %dma_wait3A_158] : memref<2x8x128xi32, #tpu.memory_space<vmem>> -> memref<1x8x128xi32, #tpu.memory_space<vmem>>
      %dma_wait3A_160 = tpu.memref_squeeze %dma_wait3A_159 : memref<1x8x128xi32, #tpu.memory_space<vmem>> -> memref<8x128xi32, #tpu.memory_space<vmem>>
      %dma_wait3A_161 = arith.constant 0 : i32
      %dma_wait3A_162 = arith.constant 0 : i32
      %dma_wait3A_163 = tpu.memref_slice %arg4[%add3A, %run_scoped3A_2, %dma_wait3A_161, %dma_wait3A_162] : memref<32x10x8x128xi32, #tpu.memory_space<hbm>> -> memref<1x1x8x128xi32, #tpu.memory_space<hbm>>
      %dma_wait3A_164 = tpu.memref_squeeze %dma_wait3A_163 : memref<1x1x8x128xi32, #tpu.memory_space<hbm>> -> memref<8x128xi32, #tpu.memory_space<hbm>>
      %dma_wait3A_165 = arith.constant 0 : i32
      %dma_wait3A_166 = arith.constant 0 : i32
      %dma_wait3A_167 = tpu.memref_slice %arg7[%run_scoped3A_3, %dma_wait3A_165, %dma_wait3A_166] : memref<2x8x128xi32, #tpu.memory_space<vmem>> -> memref<1x8x128xi32, #tpu.memory_space<vmem>>
      %dma_wait3A_168 = tpu.memref_squeeze %dma_wait3A_167 : memref<1x8x128xi32, #tpu.memory_space<vmem>> -> memref<8x128xi32, #tpu.memory_space<vmem>>
      %dma_wait3A_169 = arith.constant 0 : i32
      %dma_wait3A_170 = arith.constant 0 : i32
      %dma_wait3A_171 = tpu.memref_slice %arg4[%add3A, %run_scoped3A_2, %dma_wait3A_169, %dma_wait3A_170] : memref<32x10x8x128xi32, #tpu.memory_space<hbm>> -> memref<1x1x8x128xi32, #tpu.memory_space<hbm>>
      %dma_wait3A_172 = tpu.memref_squeeze %dma_wait3A_171 : memref<1x1x8x128xi32, #tpu.memory_space<hbm>> -> memref<8x128xi32, #tpu.memory_space<hbm>>
      tpu.wait_dma2 semaphore(%run_scoped3A_140 : memref<!tpu.dma_semaphore, #tpu.memory_space<semaphore_mem>>) src(%dma_wait3A_172 : memref<8x128xi32, #tpu.memory_space<hbm>>) dst(%dma_wait3A_168 : memref<8x128xi32, #tpu.memory_space<vmem>>)
      tpu.yield
    }) : () -> ()
    %dma_start3A = arith.constant 1 : i32
    %dma_start3A_4 = arith.constant 1 : i32
    %dma_start3A_5 = arith.constant 0 : i32
    %dma_start3A_6 = arith.constant 0 : i32
    %dma_start3A_7 = tpu.memref_slice %arg6[%dma_start3A_4, %dma_start3A_5, %dma_start3A_6] : memref<2x8x128xi32, #tpu.memory_space<vmem>> -> memref<1x8x128xi32, #tpu.memory_space<vmem>>
    %dma_start3A_8 = tpu.memref_squeeze %dma_start3A_7 : memref<1x8x128xi32, #tpu.memory_space<vmem>> -> memref<8x128xi32, #tpu.memory_space<vmem>>
    %dma_start3A_9 = arith.constant 0 : i32
    %dma_start3A_10 = arith.constant 0 : i32
    %dma_start3A_11 = tpu.memref_slice %arg3[%add3A, %dma_start3A, %dma_start3A_9, %dma_start3A_10] : memref<32x10x8x128xi32, #tpu.memory_space<hbm>> -> memref<1x1x8x128xi32, #tpu.memory_space<hbm>>
    %dma_start3A_12 = tpu.memref_squeeze %dma_start3A_11 : memref<1x1x8x128xi32, #tpu.memory_space<hbm>> -> memref<8x128xi32, #tpu.memory_space<hbm>>
    %dma_start3A_13 = arith.constant 0 : i32
    %dma_start3A_14 = arith.constant 0 : i32
    %dma_start3A_15 = tpu.memref_slice %arg6[%dma_start3A_4, %dma_start3A_13, %dma_start3A_14] : memref<2x8x128xi32, #tpu.memory_space<vmem>> -> memref<1x8x128xi32, #tpu.memory_space<vmem>>
    %dma_start3A_16 = tpu.memref_squeeze %dma_start3A_15 : memref<1x8x128xi32, #tpu.memory_space<vmem>> -> memref<8x128xi32, #tpu.memory_space<vmem>>
    %dma_start3A_17 = arith.constant 0 : i32
    %dma_start3A_18 = arith.constant 0 : i32
    %dma_start3A_19 = tpu.memref_slice %arg3[%add3A, %dma_start3A, %dma_start3A_17, %dma_start3A_18] : memref<32x10x8x128xi32, #tpu.memory_space<hbm>> -> memref<1x1x8x128xi32, #tpu.memory_space<hbm>>
    %dma_start3A_20 = tpu.memref_squeeze %dma_start3A_19 : memref<1x1x8x128xi32, #tpu.memory_space<hbm>> -> memref<8x128xi32, #tpu.memory_space<hbm>>
    tpu.enqueue_dma source(%dma_start3A_20 : memref<8x128xi32, #tpu.memory_space<hbm>>) target(%dma_start3A_16 : memref<8x128xi32, #tpu.memory_space<vmem>>) target_semaphore(%arg15 : memref<!tpu.dma_semaphore, #tpu.memory_space<semaphore_mem>>)
    %dma_start3A_21 = arith.constant 1 : i32
    %dma_start3A_22 = arith.constant 1 : i32
    %dma_start3A_23 = arith.constant 0 : i32
    %dma_start3A_24 = arith.constant 0 : i32
    %dma_start3A_25 = tpu.memref_slice %arg7[%dma_start3A_22, %dma_start3A_23, %dma_start3A_24] : memref<2x8x128xi32, #tpu.memory_space<vmem>> -> memref<1x8x128xi32, #tpu.memory_space<vmem>>
    %dma_start3A_26 = tpu.memref_squeeze %dma_start3A_25 : memref<1x8x128xi32, #tpu.memory_space<vmem>> -> memref<8x128xi32, #tpu.memory_space<vmem>>
    %dma_start3A_27 = arith.constant 0 : i32
    %dma_start3A_28 = arith.constant 0 : i32
    %dma_start3A_29 = tpu.memref_slice %arg4[%add3A, %dma_start3A_21, %dma_start3A_27, %dma_start3A_28] : memref<32x10x8x128xi32, #tpu.memory_space<hbm>> -> memref<1x1x8x128xi32, #tpu.memory_space<hbm>>
    %dma_start3A_30 = tpu.memref_squeeze %dma_start3A_29 : memref<1x1x8x128xi32, #tpu.memory_space<hbm>> -> memref<8x128xi32, #tpu.memory_space<hbm>>
    %dma_start3A_31 = arith.constant 0 : i32
    %dma_start3A_32 = arith.constant 0 : i32
    %dma_start3A_33 = tpu.memref_slice %arg7[%dma_start3A_22, %dma_start3A_31, %dma_start3A_32] : memref<2x8x128xi32, #tpu.memory_space<vmem>> -> memref<1x8x128xi32, #tpu.memory_space<vmem>>
    %dma_start3A_34 = tpu.memref_squeeze %dma_start3A_33 : memref<1x8x128xi32, #tpu.memory_space<vmem>> -> memref<8x128xi32, #tpu.memory_space<vmem>>
    %dma_start3A_35 = arith.constant 0 : i32
    %dma_start3A_36 = arith.constant 0 : i32
    %dma_start3A_37 = tpu.memref_slice %arg4[%add3A, %dma_start3A_21, %dma_start3A_35, %dma_start3A_36] : memref<32x10x8x128xi32, #tpu.memory_space<hbm>> -> memref<1x1x8x128xi32, #tpu.memory_space<hbm>>
    %dma_start3A_38 = tpu.memref_squeeze %dma_start3A_37 : memref<1x1x8x128xi32, #tpu.memory_space<hbm>> -> memref<8x128xi32, #tpu.memory_space<hbm>>
    tpu.enqueue_dma source(%dma_start3A_38 : memref<8x128xi32, #tpu.memory_space<hbm>>) target(%dma_start3A_34 : memref<8x128xi32, #tpu.memory_space<vmem>>) target_semaphore(%arg15 : memref<!tpu.dma_semaphore, #tpu.memory_space<semaphore_mem>>)
    %dma_start3A_39 = arith.constant 0 : i32
    %dma_start3A_40 = arith.constant 0 : i32
    %dma_start3A_41 = arith.constant 0 : i32
    %dma_start3A_42 = tpu.memref_slice %arg6[%dma_start3A_39, %dma_start3A_40, %dma_start3A_41] : memref<2x8x128xi32, #tpu.memory_space<vmem>> -> memref<1x1x128xi32, #tpu.memory_space<vmem>>
    %dma_start3A_43 = tpu.memref_squeeze %dma_start3A_42 : memref<1x1x128xi32, #tpu.memory_space<vmem>> -> memref<128xi32, #tpu.memory_space<vmem>>
    %dma_start3A_44 = arith.constant 0 : i32
    %dma_start3A_45 = arith.constant 0 : i32
    %dma_start3A_46 = tpu.memref_slice %arg2[%dma_start3A_44, %dma_start3A_45] : memref<10240x128xf32, #tpu.memory_space<hbm>> -> memref<10240x128xf32, #tpu.memory_space<hbm>>
    tpu.enqueue_indirect_dma source(%dma_start3A_46 : memref<10240x128xf32, #tpu.memory_space<hbm>>) target(%arg8 : memref<128x128xf32, #tpu.memory_space<vmem>>) offsets(%dma_start3A_43 : memref<128xi32, #tpu.memory_space<vmem>>) semaphore(%arg11 : memref<!tpu.dma_semaphore, #tpu.memory_space<semaphore_mem>>)
    %scan3A = arith.constant 0 : i32
    %scan3A_47 = arith.constant 0 : i32
    %scan3A_48 = arith.constant 128 : i32
    %scan3A_49 = arith.addi %scan3A_47, %scan3A_48 : i32
    %scan3A_50 = arith.constant 1 : i32
    scf.for %scan3A_140 = %scan3A_47 to %scan3A_49 step %scan3A_50  : i32 {
      %broadcast_in_dim3A = arith.constant 0.000000e+00 : f32
      %broadcast_in_dim3A_141 = vector.broadcast %broadcast_in_dim3A : f32 to vector<16xf32>
      %swap3A = arith.index_cast %scan3A_140 : i32 to index
      %swap3A_142 = arith.constant 0 : index
      %swap3A_143 = tpu.vector_load %arg9[%swap3A, %swap3A_142] {strides = array<i32>} : memref<128x128xf32, #tpu.memory_space<vmem>>, vector<1x16xf32>,
      %swap3A_144 = vector.shape_cast %swap3A_143 : vector<1x16xf32> to vector<16xf32>
      %swap3A_145 = vector.shape_cast %broadcast_in_dim3A_141 : vector<16xf32> to vector<1x16xf32>
      tpu.vector_store %arg9[%swap3A, %swap3A_142], %swap3A_145 {strides = array<i32>} : memref<128x128xf32, #tpu.memory_space<vmem>>, vector<1x16xf32>,
      %broadcast_in_dim3A_146 = arith.constant 0.000000e+00 : f32
      %broadcast_in_dim3A_147 = vector.broadcast %broadcast_in_dim3A_146 : f32 to vector<16xf32>
      %swap3A_148 = arith.index_cast %scan3A_140 : i32 to index
      %swap3A_149 = arith.constant 16 : index
      %swap3A_150 = tpu.vector_load %arg9[%swap3A_148, %swap3A_149] {strides = array<i32>} : memref<128x128xf32, #tpu.memory_space<vmem>>, vector<1x16xf32>,
      %swap3A_151 = vector.shape_cast %swap3A_150 : vector<1x16xf32> to vector<16xf32>
      %swap3A_152 = vector.shape_cast %broadcast_in_dim3A_147 : vector<16xf32> to vector<1x16xf32>
      tpu.vector_store %arg9[%swap3A_148, %swap3A_149], %swap3A_152 {strides = array<i32>} : memref<128x128xf32, #tpu.memory_space<vmem>>, vector<1x16xf32>,
      %broadcast_in_dim3A_153 = arith.constant 0.000000e+00 : f32
      %broadcast_in_dim3A_154 = vector.broadcast %broadcast_in_dim3A_153 : f32 to vector<16xf32>
      %swap3A_155 = arith.index_cast %scan3A_140 : i32 to index
      %swap3A_156 = arith.constant 32 : index
      %swap3A_157 = tpu.vector_load %arg9[%swap3A_155, %swap3A_156] {strides = array<i32>} : memref<128x128xf32, #tpu.memory_space<vmem>>, vector<1x16xf32>,
      %swap3A_158 = vector.shape_cast %swap3A_157 : vector<1x16xf32> to vector<16xf32>
      %swap3A_159 = vector.shape_cast %broadcast_in_dim3A_154 : vector<16xf32> to vector<1x16xf32>
      tpu.vector_store %arg9[%swap3A_155, %swap3A_156], %swap3A_159 {strides = array<i32>} : memref<128x128xf32, #tpu.memory_space<vmem>>, vector<1x16xf32>,
      %broadcast_in_dim3A_160 = arith.constant 0.000000e+00 : f32
      %broadcast_in_dim3A_161 = vector.broadcast %broadcast_in_dim3A_160 : f32 to vector<16xf32>
      %swap3A_162 = arith.index_cast %scan3A_140 : i32 to index
      %swap3A_163 = arith.constant 48 : index
      %swap3A_164 = tpu.vector_load %arg9[%swap3A_162, %swap3A_163] {strides = array<i32>} : memref<128x128xf32, #tpu.memory_space<vmem>>, vector<1x16xf32>,
      %swap3A_165 = vector.shape_cast %swap3A_164 : vector<1x16xf32> to vector<16xf32>
      %swap3A_166 = vector.shape_cast %broadcast_in_dim3A_161 : vector<16xf32> to vector<1x16xf32>
      tpu.vector_store %arg9[%swap3A_162, %swap3A_163], %swap3A_166 {strides = array<i32>} : memref<128x128xf32, #tpu.memory_space<vmem>>, vector<1x16xf32>,
      %broadcast_in_dim3A_167 = arith.constant 0.000000e+00 : f32
      %broadcast_in_dim3A_168 = vector.broadcast %broadcast_in_dim3A_167 : f32 to vector<16xf32>
      %swap3A_169 = arith.index_cast %scan3A_140 : i32 to index
      %swap3A_170 = arith.constant 64 : index
      %swap3A_171 = tpu.vector_load %arg9[%swap3A_169, %swap3A_170] {strides = array<i32>} : memref<128x128xf32, #tpu.memory_space<vmem>>, vector<1x16xf32>,
      %swap3A_172 = vector.shape_cast %swap3A_171 : vector<1x16xf32> to vector<16xf32>
      %swap3A_173 = vector.shape_cast %broadcast_in_dim3A_168 : vector<16xf32> to vector<1x16xf32>
      tpu.vector_store %arg9[%swap3A_169, %swap3A_170], %swap3A_173 {strides = array<i32>} : memref<128x128xf32, #tpu.memory_space<vmem>>, vector<1x16xf32>,
      %broadcast_in_dim3A_174 = arith.constant 0.000000e+00 : f32
      %broadcast_in_dim3A_175 = vector.broadcast %broadcast_in_dim3A_174 : f32 to vector<16xf32>
      %swap3A_176 = arith.index_cast %scan3A_140 : i32 to index
      %swap3A_177 = arith.constant 80 : index
      %swap3A_178 = tpu.vector_load %arg9[%swap3A_176, %swap3A_177] {strides = array<i32>} : memref<128x128xf32, #tpu.memory_space<vmem>>, vector<1x16xf32>,
      %swap3A_179 = vector.shape_cast %swap3A_178 : vector<1x16xf32> to vector<16xf32>
      %swap3A_180 = vector.shape_cast %broadcast_in_dim3A_175 : vector<16xf32> to vector<1x16xf32>
      tpu.vector_store %arg9[%swap3A_176, %swap3A_177], %swap3A_180 {strides = array<i32>} : memref<128x128xf32, #tpu.memory_space<vmem>>, vector<1x16xf32>,
      %broadcast_in_dim3A_181 = arith.constant 0.000000e+00 : f32
      %broadcast_in_dim3A_182 = vector.broadcast %broadcast_in_dim3A_181 : f32 to vector<16xf32>
      %swap3A_183 = arith.index_cast %scan3A_140 : i32 to index
      %swap3A_184 = arith.constant 96 : index
      %swap3A_185 = tpu.vector_load %arg9[%swap3A_183, %swap3A_184] {strides = array<i32>} : memref<128x128xf32, #tpu.memory_space<vmem>>, vector<1x16xf32>,
      %swap3A_186 = vector.shape_cast %swap3A_185 : vector<1x16xf32> to vector<16xf32>
      %swap3A_187 = vector.shape_cast %broadcast_in_dim3A_182 : vector<16xf32> to vector<1x16xf32>
      tpu.vector_store %arg9[%swap3A_183, %swap3A_184], %swap3A_187 {strides = array<i32>} : memref<128x128xf32, #tpu.memory_space<vmem>>, vector<1x16xf32>,
      %broadcast_in_dim3A_188 = arith.constant 0.000000e+00 : f32
      %broadcast_in_dim3A_189 = vector.broadcast %broadcast_in_dim3A_188 : f32 to vector<16xf32>
      %swap3A_190 = arith.index_cast %scan3A_140 : i32 to index
      %swap3A_191 = arith.constant 112 : index
      %swap3A_192 = tpu.vector_load %arg9[%swap3A_190, %swap3A_191] {strides = array<i32>} : memref<128x128xf32, #tpu.memory_space<vmem>>, vector<1x16xf32>,
      %swap3A_193 = vector.shape_cast %swap3A_192 : vector<1x16xf32> to vector<16xf32>
      %swap3A_194 = vector.shape_cast %broadcast_in_dim3A_189 : vector<16xf32> to vector<1x16xf32>
      tpu.vector_store %arg9[%swap3A_190, %swap3A_191], %swap3A_194 {strides = array<i32>} : memref<128x128xf32, #tpu.memory_space<vmem>>, vector<1x16xf32>,
    }
    %scan3A_51 = arith.constant 128 : i32
    %mul3A_52 = arith.constant 632 : i32
    %mul3A_53 = arith.muli %arg1, %mul3A_52 : i32
    %add3A_54 = arith.constant 0 : i32
    %add3A_55 = arith.addi %mul3A_53, %add3A_54 : i32
    "tpu.region"() ({
      %run_scoped3A_140 = tpu.sem_alloc : memref<!tpu.dma_semaphore, #tpu.memory_space<semaphore_mem>>
      %dma_start3A_141 = arith.constant 0 : i32
      %dma_start3A_142 = tpu.memref_slice %arg10[%add3A_55, %dma_start3A_141] : memref<10112x128xf32, #tpu.memory_space<vmem_shared>> -> memref<128x128xf32, #tpu.memory_space<vmem_shared>>
      %dma_start3A_143 = arith.constant 0 : i32
      %dma_start3A_144 = tpu.memref_slice %arg10[%add3A_55, %dma_start3A_143] : memref<10112x128xf32, #tpu.memory_space<vmem_shared>> -> memref<128x128xf32, #tpu.memory_space<vmem_shared>>
      tpu.enqueue_dma source(%arg9 : memref<128x128xf32, #tpu.memory_space<vmem>>) target(%dma_start3A_144 : memref<128x128xf32, #tpu.memory_space<vmem_shared>>) target_semaphore(%run_scoped3A_140 : memref<!tpu.dma_semaphore, #tpu.memory_space<semaphore_mem>>)
      %dma_wait3A_145 = arith.constant 0 : i32
      %dma_wait3A_146 = tpu.memref_slice %arg10[%add3A_55, %dma_wait3A_145] : memref<10112x128xf32, #tpu.memory_space<vmem_shared>> -> memref<128x128xf32, #tpu.memory_space<vmem_shared>>
      %dma_wait3A_147 = arith.constant 0 : i32
      %dma_wait3A_148 = tpu.memref_slice %arg10[%add3A_55, %dma_wait3A_147] : memref<10112x128xf32, #tpu.memory_space<vmem_shared>> -> memref<128x128xf32, #tpu.memory_space<vmem_shared>>
      tpu.wait_dma2 semaphore(%run_scoped3A_140 : memref<!tpu.dma_semaphore, #tpu.memory_space<semaphore_mem>>) src(%arg9 : memref<128x128xf32, #tpu.memory_space<vmem>>) dst(%dma_wait3A_148 : memref<128x128xf32, #tpu.memory_space<vmem_shared>>)
      tpu.yield
    }) : () -> ()
    %mul3A_56 = arith.constant 632 : i32
    %mul3A_57 = arith.muli %arg1, %mul3A_56 : i32
    %add3A_58 = arith.constant 128 : i32
    %add3A_59 = arith.addi %mul3A_57, %add3A_58 : i32
    "tpu.region"() ({
      %run_scoped3A_140 = tpu.sem_alloc : memref<!tpu.dma_semaphore, #tpu.memory_space<semaphore_mem>>
      %dma_start3A_141 = arith.constant 0 : i32
      %dma_start3A_142 = tpu.memref_slice %arg10[%add3A_59, %dma_start3A_141] : memref<10112x128xf32, #tpu.memory_space<vmem_shared>> -> memref<128x128xf32, #tpu.memory_space<vmem_shared>>
      %dma_start3A_143 = arith.constant 0 : i32
      %dma_start3A_144 = tpu.memref_slice %arg10[%add3A_59, %dma_start3A_143] : memref<10112x128xf32, #tpu.memory_space<vmem_shared>> -> memref<128x128xf32, #tpu.memory_space<vmem_shared>>
      tpu.enqueue_dma source(%arg9 : memref<128x128xf32, #tpu.memory_space<vmem>>) target(%dma_start3A_144 : memref<128x128xf32, #tpu.memory_space<vmem_shared>>) target_semaphore(%run_scoped3A_140 : memref<!tpu.dma_semaphore, #tpu.memory_space<semaphore_mem>>)
      %dma_wait3A_145 = arith.constant 0 : i32
      %dma_wait3A_146 = tpu.memref_slice %arg10[%add3A_59, %dma_wait3A_145] : memref<10112x128xf32, #tpu.memory_space<vmem_shared>> -> memref<128x128xf32, #tpu.memory_space<vmem_shared>>
      %dma_wait3A_147 = arith.constant 0 : i32
      %dma_wait3A_148 = tpu.memref_slice %arg10[%add3A_59, %dma_wait3A_147] : memref<10112x128xf32, #tpu.memory_space<vmem_shared>> -> memref<128x128xf32, #tpu.memory_space<vmem_shared>>
      tpu.wait_dma2 semaphore(%run_scoped3A_140 : memref<!tpu.dma_semaphore, #tpu.memory_space<semaphore_mem>>) src(%arg9 : memref<128x128xf32, #tpu.memory_space<vmem>>) dst(%dma_wait3A_148 : memref<128x128xf32, #tpu.memory_space<vmem_shared>>)
      tpu.yield
    }) : () -> ()
    %mul3A_60 = arith.constant 632 : i32
    %mul3A_61 = arith.muli %arg1, %mul3A_60 : i32
    %add3A_62 = arith.constant 256 : i32
    %add3A_63 = arith.addi %mul3A_61, %add3A_62 : i32
    "tpu.region"() ({
      %run_scoped3A_140 = tpu.sem_alloc : memref<!tpu.dma_semaphore, #tpu.memory_space<semaphore_mem>>
      %dma_start3A_141 = arith.constant 0 : i32
      %dma_start3A_142 = tpu.memref_slice %arg10[%add3A_63, %dma_start3A_141] : memref<10112x128xf32, #tpu.memory_space<vmem_shared>> -> memref<128x128xf32, #tpu.memory_space<vmem_shared>>
      %dma_start3A_143 = arith.constant 0 : i32
      %dma_start3A_144 = tpu.memref_slice %arg10[%add3A_63, %dma_start3A_143] : memref<10112x128xf32, #tpu.memory_space<vmem_shared>> -> memref<128x128xf32, #tpu.memory_space<vmem_shared>>
      tpu.enqueue_dma source(%arg9 : memref<128x128xf32, #tpu.memory_space<vmem>>) target(%dma_start3A_144 : memref<128x128xf32, #tpu.memory_space<vmem_shared>>) target_semaphore(%run_scoped3A_140 : memref<!tpu.dma_semaphore, #tpu.memory_space<semaphore_mem>>)
      %dma_wait3A_145 = arith.constant 0 : i32
      %dma_wait3A_146 = tpu.memref_slice %arg10[%add3A_63, %dma_wait3A_145] : memref<10112x128xf32, #tpu.memory_space<vmem_shared>> -> memref<128x128xf32, #tpu.memory_space<vmem_shared>>
      %dma_wait3A_147 = arith.constant 0 : i32
      %dma_wait3A_148 = tpu.memref_slice %arg10[%add3A_63, %dma_wait3A_147] : memref<10112x128xf32, #tpu.memory_space<vmem_shared>> -> memref<128x128xf32, #tpu.memory_space<vmem_shared>>
      tpu.wait_dma2 semaphore(%run_scoped3A_140 : memref<!tpu.dma_semaphore, #tpu.memory_space<semaphore_mem>>) src(%arg9 : memref<128x128xf32, #tpu.memory_space<vmem>>) dst(%dma_wait3A_148 : memref<128x128xf32, #tpu.memory_space<vmem_shared>>)
      tpu.yield
    }) : () -> ()
    %mul3A_64 = arith.constant 632 : i32
    %mul3A_65 = arith.muli %arg1, %mul3A_64 : i32
    %add3A_66 = arith.constant 384 : i32
    %add3A_67 = arith.addi %mul3A_65, %add3A_66 : i32
    "tpu.region"() ({
      %run_scoped3A_140 = tpu.sem_alloc : memref<!tpu.dma_semaphore, #tpu.memory_space<semaphore_mem>>
      %dma_start3A_141 = arith.constant 0 : i32
      %dma_start3A_142 = tpu.memref_slice %arg10[%add3A_67, %dma_start3A_141] : memref<10112x128xf32, #tpu.memory_space<vmem_shared>> -> memref<128x128xf32, #tpu.memory_space<vmem_shared>>
      %dma_start3A_143 = arith.constant 0 : i32
      %dma_start3A_144 = tpu.memref_slice %arg10[%add3A_67, %dma_start3A_143] : memref<10112x128xf32, #tpu.memory_space<vmem_shared>> -> memref<128x128xf32, #tpu.memory_space<vmem_shared>>
      tpu.enqueue_dma source(%arg9 : memref<128x128xf32, #tpu.memory_space<vmem>>) target(%dma_start3A_144 : memref<128x128xf32, #tpu.memory_space<vmem_shared>>) target_semaphore(%run_scoped3A_140 : memref<!tpu.dma_semaphore, #tpu.memory_space<semaphore_mem>>)
      %dma_wait3A_145 = arith.constant 0 : i32
      %dma_wait3A_146 = tpu.memref_slice %arg10[%add3A_67, %dma_wait3A_145] : memref<10112x128xf32, #tpu.memory_space<vmem_shared>> -> memref<128x128xf32, #tpu.memory_space<vmem_shared>>
      %dma_wait3A_147 = arith.constant 0 : i32
      %dma_wait3A_148 = tpu.memref_slice %arg10[%add3A_67, %dma_wait3A_147] : memref<10112x128xf32, #tpu.memory_space<vmem_shared>> -> memref<128x128xf32, #tpu.memory_space<vmem_shared>>
      tpu.wait_dma2 semaphore(%run_scoped3A_140 : memref<!tpu.dma_semaphore, #tpu.memory_space<semaphore_mem>>) src(%arg9 : memref<128x128xf32, #tpu.memory_space<vmem>>) dst(%dma_wait3A_148 : memref<128x128xf32, #tpu.memory_space<vmem_shared>>)
      tpu.yield
    }) : () -> ()
    %mul3A_68 = arith.constant 632 : i32
    %mul3A_69 = arith.muli %arg1, %mul3A_68 : i32
    %add3A_70 = arith.constant 512 : i32
    %add3A_71 = arith.addi %mul3A_69, %add3A_70 : i32
    "tpu.region"() ({
      %run_scoped3A_140 = tpu.sem_alloc : memref<!tpu.dma_semaphore, #tpu.memory_space<semaphore_mem>>
      %dma_start3A_141 = arith.constant 0 : i32
      %dma_start3A_142 = arith.constant 0 : i32
      %dma_start3A_143 = tpu.memref_slice %arg9[%dma_start3A_141, %dma_start3A_142] : memref<128x128xf32, #tpu.memory_space<vmem>> -> memref<120x128xf32, #tpu.memory_space<vmem>>
      %dma_start3A_144 = arith.constant 0 : i32
      %dma_start3A_145 = tpu.memref_slice %arg10[%add3A_71, %dma_start3A_144] : memref<10112x128xf32, #tpu.memory_space<vmem_shared>> -> memref<120x128xf32, #tpu.memory_space<vmem_shared>>
      %dma_start3A_146 = arith.constant 0 : i32
      %dma_start3A_147 = tpu.memref_slice %arg10[%add3A_71, %dma_start3A_146] : memref<10112x128xf32, #tpu.memory_space<vmem_shared>> -> memref<120x128xf32, #tpu.memory_space<vmem_shared>>
      %dma_start3A_148 = arith.constant 0 : i32
      %dma_start3A_149 = arith.constant 0 : i32
      %dma_start3A_150 = tpu.memref_slice %arg9[%dma_start3A_148, %dma_start3A_149] : memref<128x128xf32, #tpu.memory_space<vmem>> -> memref<120x128xf32, #tpu.memory_space<vmem>>
      tpu.enqueue_dma source(%dma_start3A_150 : memref<120x128xf32, #tpu.memory_space<vmem>>) target(%dma_start3A_147 : memref<120x128xf32, #tpu.memory_space<vmem_shared>>) target_semaphore(%run_scoped3A_140 : memref<!tpu.dma_semaphore, #tpu.memory_space<semaphore_mem>>)
      %dma_wait3A_151 = arith.constant 0 : i32
      %dma_wait3A_152 = arith.constant 0 : i32
      %dma_wait3A_153 = tpu.memref_slice %arg9[%dma_wait3A_151, %dma_wait3A_152] : memref<128x128xf32, #tpu.memory_space<vmem>> -> memref<120x128xf32, #tpu.memory_space<vmem>>
      %dma_wait3A_154 = arith.constant 0 : i32
      %dma_wait3A_155 = tpu.memref_slice %arg10[%add3A_71, %dma_wait3A_154] : memref<10112x128xf32, #tpu.memory_space<vmem_shared>> -> memref<120x128xf32, #tpu.memory_space<vmem_shared>>
      %dma_wait3A_156 = arith.constant 0 : i32
      %dma_wait3A_157 = tpu.memref_slice %arg10[%add3A_71, %dma_wait3A_156] : memref<10112x128xf32, #tpu.memory_space<vmem_shared>> -> memref<120x128xf32, #tpu.memory_space<vmem_shared>>
      %dma_wait3A_158 = arith.constant 0 : i32
      %dma_wait3A_159 = arith.constant 0 : i32
      %dma_wait3A_160 = tpu.memref_slice %arg9[%dma_wait3A_158, %dma_wait3A_159] : memref<128x128xf32, #tpu.memory_space<vmem>> -> memref<120x128xf32, #tpu.memory_space<vmem>>
      tpu.wait_dma2 semaphore(%run_scoped3A_140 : memref<!tpu.dma_semaphore, #tpu.memory_space<semaphore_mem>>) src(%dma_wait3A_160 : memref<120x128xf32, #tpu.memory_space<vmem>>) dst(%dma_wait3A_157 : memref<120x128xf32, #tpu.memory_space<vmem_shared>>)
      tpu.yield
    }) : () -> ()
    %barrier3A = arith.constant 0 : index
    tpu.barrier barrier_id(%barrier3A)
    %dma_start3A_72 = arith.constant 0 : i32
    %dma_start3A_73 = arith.constant 1 : i32
    %dma_start3A_74 = arith.constant 0 : i32
    %dma_start3A_75 = tpu.memref_slice %arg6[%dma_start3A_72, %dma_start3A_73, %dma_start3A_74] : memref<2x8x128xi32, #tpu.memory_space<vmem>> -> memref<1x1x128xi32, #tpu.memory_space<vmem>>
    %dma_start3A_76 = tpu.memref_squeeze %dma_start3A_75 : memref<1x1x128xi32, #tpu.memory_space<vmem>> -> memref<128xi32, #tpu.memory_space<vmem>>
    %dma_start3A_77 = arith.constant 0 : i32
    %dma_start3A_78 = arith.constant 0 : i32
    %dma_start3A_79 = tpu.memref_slice %arg2[%dma_start3A_77, %dma_start3A_78] : memref<10240x128xf32, #tpu.memory_space<hbm>> -> memref<10240x128xf32, #tpu.memory_space<hbm>>
    tpu.enqueue_indirect_dma source(%dma_start3A_79 : memref<10240x128xf32, #tpu.memory_space<hbm>>) target(%arg9 : memref<128x128xf32, #tpu.memory_space<vmem>>) offsets(%dma_start3A_76 : memref<128xi32, #tpu.memory_space<vmem>>) semaphore(%arg12 : memref<!tpu.dma_semaphore, #tpu.memory_space<semaphore_mem>>)
    %dma_wait3A = arith.constant 0 : i32
    %dma_wait3A_80 = arith.constant 0 : i32
    %dma_wait3A_81 = arith.constant 0 : i32
    %dma_wait3A_82 = tpu.memref_slice %arg6[%dma_wait3A, %dma_wait3A_80, %dma_wait3A_81] : memref<2x8x128xi32, #tpu.memory_space<vmem>> -> memref<1x1x128xi32, #tpu.memory_space<vmem>>
    %dma_wait3A_83 = tpu.memref_squeeze %dma_wait3A_82 : memref<1x1x128xi32, #tpu.memory_space<vmem>> -> memref<128xi32, #tpu.memory_space<vmem>>
    %dma_wait3A_84 = arith.constant 0 : i32
    %dma_wait3A_85 = arith.constant 0 : i32
    %dma_wait3A_86 = tpu.memref_slice %arg2[%dma_wait3A_84, %dma_wait3A_85] : memref<10240x128xf32, #tpu.memory_space<hbm>> -> memref<10240x128xf32, #tpu.memory_space<hbm>>
    tpu.wait_indirect_dma semaphore(%arg11 : memref<!tpu.dma_semaphore, #tpu.memory_space<semaphore_mem>>) src(%dma_wait3A_86 : memref<10240x128xf32, #tpu.memory_space<hbm>>) dst(%arg8 : memref<128x128xf32, #tpu.memory_space<vmem>>)
    %dma_start3A_87 = arith.constant 0 : i32
    %dma_start3A_88 = arith.constant 0 : i32
    %dma_start3A_89 = arith.constant 0 : i32
    %dma_start3A_90 = tpu.memref_slice %arg7[%dma_start3A_87, %dma_start3A_88, %dma_start3A_89] : memref<2x8x128xi32, #tpu.memory_space<vmem>> -> memref<1x1x128xi32, #tpu.memory_space<vmem>>
    %dma_start3A_91 = tpu.memref_squeeze %dma_start3A_90 : memref<1x1x128xi32, #tpu.memory_space<vmem>> -> memref<128xi32, #tpu.memory_space<vmem>>
    %dma_start3A_92 = arith.constant 0 : i32
    %dma_start3A_93 = arith.constant 0 : i32
    %dma_start3A_94 = tpu.memref_slice %arg10[%dma_start3A_92, %dma_start3A_93] : memref<10112x128xf32, #tpu.memory_space<vmem_shared>> -> memref<10112x128xf32, #tpu.memory_space<vmem_shared>>
    tpu.enqueue_indirect_dma source(%arg8 : memref<128x128xf32, #tpu.memory_space<vmem>>) target(%dma_start3A_94 : memref<10112x128xf32, #tpu.memory_space<vmem_shared>>) offsets(%dma_start3A_91 : memref<128xi32, #tpu.memory_space<vmem>>) semaphore(%arg13 : memref<!tpu.dma_semaphore, #tpu.memory_space<semaphore_mem>>) {add = true}
    %dma_wait3A_95 = arith.constant 0 : i32
    %dma_wait3A_96 = arith.constant 1 : i32
    %dma_wait3A_97 = arith.constant 0 : i32
    %dma_wait3A_98 = tpu.memref_slice %arg6[%dma_wait3A_95, %dma_wait3A_96, %dma_wait3A_97] : memref<2x8x128xi32, #tpu.memory_space<vmem>> -> memref<1x1x128xi32, #tpu.memory_space<vmem>>
    %dma_wait3A_99 = tpu.memref_squeeze %dma_wait3A_98 : memref<1x1x128xi32, #tpu.memory_space<vmem>> -> memref<128xi32, #tpu.memory_space<vmem>>
    %dma_wait3A_100 = arith.constant 0 : i32
    %dma_wait3A_101 = arith.constant 0 : i32
    %dma_wait3A_102 = tpu.memref_slice %arg2[%dma_wait3A_100, %dma_wait3A_101] : memref<10240x128xf32, #tpu.memory_space<hbm>> -> memref<10240x128xf32, #tpu.memory_space<hbm>>
    tpu.wait_indirect_dma semaphore(%arg12 : memref<!tpu.dma_semaphore, #tpu.memory_space<semaphore_mem>>) src(%dma_wait3A_102 : memref<10240x128xf32, #tpu.memory_space<hbm>>) dst(%arg9 : memref<128x128xf32, #tpu.memory_space<vmem>>)
    %dma_start3A_103 = arith.constant 0 : i32
    %dma_start3A_104 = arith.constant 1 : i32
    %dma_start3A_105 = arith.constant 0 : i32
    %dma_start3A_106 = tpu.memref_slice %arg7[%dma_start3A_103, %dma_start3A_104, %dma_start3A_105] : memref<2x8x128xi32, #tpu.memory_space<vmem>> -> memref<1x1x128xi32, #tpu.memory_space<vmem>>
    %dma_start3A_107 = tpu.memref_squeeze %dma_start3A_106 : memref<1x1x128xi32, #tpu.memory_space<vmem>> -> memref<128xi32, #tpu.memory_space<vmem>>
    %dma_start3A_108 = arith.constant 0 : i32
    %dma_start3A_109 = arith.constant 0 : i32
    %dma_start3A_110 = tpu.memref_slice %arg10[%dma_start3A_108, %dma_start3A_109] : memref<10112x128xf32, #tpu.memory_space<vmem_shared>> -> memref<10112x128xf32, #tpu.memory_space<vmem_shared>>
    tpu.enqueue_indirect_dma source(%arg9 : memref<128x128xf32, #tpu.memory_space<vmem>>) target(%dma_start3A_110 : memref<10112x128xf32, #tpu.memory_space<vmem_shared>>) offsets(%dma_start3A_107 : memref<128xi32, #tpu.memory_space<vmem>>) semaphore(%arg14 : memref<!tpu.dma_semaphore, #tpu.memory_space<semaphore_mem>>) {add = true}
    %scan3A_111 = arith.constant 0 : i32
    %scan3A_112 = arith.constant 39 : i32
    %scan3A_113 = arith.addi %scan3A_111, %scan3A_112 : i32
    %scan3A_114 = arith.constant 1 : i32
    scf.for %scan3A_140 = %scan3A_111 to %scan3A_113 step %scan3A_114  : i32 {
      %mul3A_141 = arith.constant 2 : i32
      %mul3A_142 = arith.muli %scan3A_140, %mul3A_141 : i32
      %add3A_143 = arith.constant 2 : i32
      %add3A_144 = arith.addi %add3A_143, %mul3A_142 : i32
      %jit3A = arith.constant 8 : i32
      %div3A = arith.divsi %add3A_144, %jit3A : i32
      %sign3A = arith.constant 0 : i32
      %sign3A_145 = arith.cmpi sgt, %add3A_144, %sign3A : i32
      %sign3A_146 = arith.extui %sign3A_145 : i1 to i32
      %sign3A_147 = arith.constant 0 : i32
      %sign3A_148 = arith.cmpi slt, %add3A_144, %sign3A_147 : i32
      %sign3A_149 = arith.extui %sign3A_148 : i1 to i32
      %sign3A_150 = arith.subi %sign3A_146, %sign3A_149 : i32
      %sign3A_151 = arith.constant 0 : i32
      %sign3A_152 = arith.cmpi sgt, %jit3A, %sign3A_151 : i32
      %sign3A_153 = arith.extui %sign3A_152 : i1 to i32
      %sign3A_154 = arith.constant 0 : i32
      %sign3A_155 = arith.cmpi slt, %jit3A, %sign3A_154 : i32
      %sign3A_156 = arith.extui %sign3A_155 : i1 to i32
      %sign3A_157 = arith.subi %sign3A_153, %sign3A_156 : i32
      %ne3A = arith.cmpi ne, %sign3A_150, %sign3A_157 : i32
      %rem3A = arith.remsi %add3A_144, %jit3A : i32
      %ne3A_158 = arith.constant 0 : i32
      %ne3A_159 = arith.cmpi ne, %rem3A, %ne3A_158 : i32
      %and3A = arith.andi %ne3A, %ne3A_159 : i1
      %sub3A = arith.constant 1 : i32
      %sub3A_160 = arith.subi %div3A, %sub3A : i32
      %select_n3A = arith.select %and3A, %sub3A_160, %div3A : i32
      %jit3A_161 = arith.constant 8 : i32
      %eq3A = arith.constant 0 : i32
      %eq3A_162 = arith.cmpi eq, %jit3A_161, %eq3A : i32
      %jit3A_163 = arith.constant 1 : i32
      %select_n3A_164 = arith.select %eq3A_162, %jit3A_163, %jit3A_161 : i32
      %rem3A_165 = arith.remsi %add3A_144, %select_n3A_164 : i32
      %ne3A_166 = arith.constant 0 : i32
      %ne3A_167 = arith.cmpi ne, %rem3A_165, %ne3A_166 : i32
      %lt3A = arith.constant 0 : i32
      %lt3A_168 = arith.cmpi slt, %rem3A_165, %lt3A : i32
      %lt3A_169 = arith.constant 0 : i32
      %lt3A_170 = arith.cmpi slt, %select_n3A_164, %lt3A_169 : i32
      %ne3A_171 = arith.xori %lt3A_168, %lt3A_170 : i1
      %and3A_172 = arith.andi %ne3A_171, %ne3A_167 : i1
      %add3A_173 = arith.addi %rem3A_165, %select_n3A_164 : i32
      %select_n3A_174 = arith.select %and3A_172, %add3A_173, %rem3A_165 : i32
      %jit3A_175 = arith.constant 2 : i32
      %eq3A_176 = arith.constant 0 : i32
      %eq3A_177 = arith.cmpi eq, %jit3A_175, %eq3A_176 : i32
      %jit3A_178 = arith.constant 1 : i32
      %select_n3A_179 = arith.select %eq3A_177, %jit3A_178, %jit3A_175 : i32
      %rem3A_180 = arith.remsi %select_n3A, %select_n3A_179 : i32
      %ne3A_181 = arith.constant 0 : i32
      %ne3A_182 = arith.cmpi ne, %rem3A_180, %ne3A_181 : i32
      %lt3A_183 = arith.constant 0 : i32
      %lt3A_184 = arith.cmpi slt, %rem3A_180, %lt3A_183 : i32
      %lt3A_185 = arith.constant 0 : i32
      %lt3A_186 = arith.cmpi slt, %select_n3A_179, %lt3A_185 : i32
      %ne3A_187 = arith.xori %lt3A_184, %lt3A_186 : i1
      %and3A_188 = arith.andi %ne3A_187, %ne3A_182 : i1
      %add3A_189 = arith.addi %rem3A_180, %select_n3A_179 : i32
      %select_n3A_190 = arith.select %and3A_188, %add3A_189, %rem3A_180 : i32
      %eq3A_191 = arith.constant 0 : i32
      %eq3A_192 = arith.cmpi eq, %select_n3A_174, %eq3A_191 : i32
      %convert_element_type3A = arith.extui %eq3A_192 : i1 to i32
      %cond3A = arith.constant 0 : i32
      %cond3A_193 = arith.cmpi ne, %convert_element_type3A, %cond3A : i32
      scf.if %cond3A_193 {
        %dma_wait3A_266 = arith.constant 0 : i32
        %dma_wait3A_267 = arith.constant 0 : i32
        %dma_wait3A_268 = arith.constant 0 : i32
        %dma_wait3A_269 = arith.constant 0 : i32
        %dma_wait3A_270 = tpu.memref_slice %arg6[%dma_wait3A_267, %dma_wait3A_268, %dma_wait3A_269] : memref<2x8x128xi32, #tpu.memory_space<vmem>> -> memref<1x8x128xi32, #tpu.memory_space<vmem>>
        %dma_wait3A_271 = tpu.memref_squeeze %dma_wait3A_270 : memref<1x8x128xi32, #tpu.memory_space<vmem>> -> memref<8x128xi32, #tpu.memory_space<vmem>>
        %dma_wait3A_272 = arith.constant 0 : i32
        %dma_wait3A_273 = arith.constant 0 : i32
        %dma_wait3A_274 = tpu.memref_slice %arg3[%add3A, %dma_wait3A_266, %dma_wait3A_272, %dma_wait3A_273] : memref<32x10x8x128xi32, #tpu.memory_space<hbm>> -> memref<1x1x8x128xi32, #tpu.memory_space<hbm>>
        %dma_wait3A_275 = tpu.memref_squeeze %dma_wait3A_274 : memref<1x1x8x128xi32, #tpu.memory_space<hbm>> -> memref<8x128xi32, #tpu.memory_space<hbm>>
        %dma_wait3A_276 = arith.constant 0 : i32
        %dma_wait3A_277 = arith.constant 0 : i32
        %dma_wait3A_278 = tpu.memref_slice %arg6[%dma_wait3A_267, %dma_wait3A_276, %dma_wait3A_277] : memref<2x8x128xi32, #tpu.memory_space<vmem>> -> memref<1x8x128xi32, #tpu.memory_space<vmem>>
        %dma_wait3A_279 = tpu.memref_squeeze %dma_wait3A_278 : memref<1x8x128xi32, #tpu.memory_space<vmem>> -> memref<8x128xi32, #tpu.memory_space<vmem>>
        %dma_wait3A_280 = arith.constant 0 : i32
        %dma_wait3A_281 = arith.constant 0 : i32
        %dma_wait3A_282 = tpu.memref_slice %arg3[%add3A, %dma_wait3A_266, %dma_wait3A_280, %dma_wait3A_281] : memref<32x10x8x128xi32, #tpu.memory_space<hbm>> -> memref<1x1x8x128xi32, #tpu.memory_space<hbm>>
        %dma_wait3A_283 = tpu.memref_squeeze %dma_wait3A_282 : memref<1x1x8x128xi32, #tpu.memory_space<hbm>> -> memref<8x128xi32, #tpu.memory_space<hbm>>
        tpu.wait_dma2 semaphore(%arg15 : memref<!tpu.dma_semaphore, #tpu.memory_space<semaphore_mem>>) src(%dma_wait3A_283 : memref<8x128xi32, #tpu.memory_space<hbm>>) dst(%dma_wait3A_279 : memref<8x128xi32, #tpu.memory_space<vmem>>)
        %dma_wait3A_284 = arith.constant 0 : i32
        %dma_wait3A_285 = arith.constant 0 : i32
        %dma_wait3A_286 = arith.constant 0 : i32
        %dma_wait3A_287 = arith.constant 0 : i32
        %dma_wait3A_288 = tpu.memref_slice %arg7[%dma_wait3A_285, %dma_wait3A_286, %dma_wait3A_287] : memref<2x8x128xi32, #tpu.memory_space<vmem>> -> memref<1x8x128xi32, #tpu.memory_space<vmem>>
        %dma_wait3A_289 = tpu.memref_squeeze %dma_wait3A_288 : memref<1x8x128xi32, #tpu.memory_space<vmem>> -> memref<8x128xi32, #tpu.memory_space<vmem>>
        %dma_wait3A_290 = arith.constant 0 : i32
        %dma_wait3A_291 = arith.constant 0 : i32
        %dma_wait3A_292 = tpu.memref_slice %arg4[%add3A, %dma_wait3A_284, %dma_wait3A_290, %dma_wait3A_291] : memref<32x10x8x128xi32, #tpu.memory_space<hbm>> -> memref<1x1x8x128xi32, #tpu.memory_space<hbm>>
        %dma_wait3A_293 = tpu.memref_squeeze %dma_wait3A_292 : memref<1x1x8x128xi32, #tpu.memory_space<hbm>> -> memref<8x128xi32, #tpu.memory_space<hbm>>
        %dma_wait3A_294 = arith.constant 0 : i32
        %dma_wait3A_295 = arith.constant 0 : i32
        %dma_wait3A_296 = tpu.memref_slice %arg7[%dma_wait3A_285, %dma_wait3A_294, %dma_wait3A_295] : memref<2x8x128xi32, #tpu.memory_space<vmem>> -> memref<1x8x128xi32, #tpu.memory_space<vmem>>
        %dma_wait3A_297 = tpu.memref_squeeze %dma_wait3A_296 : memref<1x8x128xi32, #tpu.memory_space<vmem>> -> memref<8x128xi32, #tpu.memory_space<vmem>>
        %dma_wait3A_298 = arith.constant 0 : i32
        %dma_wait3A_299 = arith.constant 0 : i32
        %dma_wait3A_300 = tpu.memref_slice %arg4[%add3A, %dma_wait3A_284, %dma_wait3A_298, %dma_wait3A_299] : memref<32x10x8x128xi32, #tpu.memory_space<hbm>> -> memref<1x1x8x128xi32, #tpu.memory_space<hbm>>
        %dma_wait3A_301 = tpu.memref_squeeze %dma_wait3A_300 : memref<1x1x8x128xi32, #tpu.memory_space<hbm>> -> memref<8x128xi32, #tpu.memory_space<hbm>>
        tpu.wait_dma2 semaphore(%arg15 : memref<!tpu.dma_semaphore, #tpu.memory_space<semaphore_mem>>) src(%dma_wait3A_301 : memref<8x128xi32, #tpu.memory_space<hbm>>) dst(%dma_wait3A_297 : memref<8x128xi32, #tpu.memory_space<vmem>>)
      } else {
      }
      %eq3A_194 = arith.constant 0 : i32
      %eq3A_195 = arith.cmpi eq, %select_n3A_174, %eq3A_194 : i32
      %lt3A_196 = arith.constant 9 : i32
      %lt3A_197 = arith.cmpi slt, %select_n3A, %lt3A_196 : i32
      %and3A_198 = arith.andi %eq3A_195, %lt3A_197 : i1
      %convert_element_type3A_199 = arith.extui %and3A_198 : i1 to i32
      %cond3A_200 = arith.constant 0 : i32
      %cond3A_201 = arith.cmpi ne, %convert_element_type3A_199, %cond3A_200 : i32
      scf.if %cond3A_201 {
        %add3A_266 = arith.constant 1 : i32
        %add3A_267 = arith.addi %select_n3A, %add3A_266 : i32
        %sub3A_268 = arith.constant 1 : i32
        %sub3A_269 = arith.subi %sub3A_268, %select_n3A_190 : i32
        %dma_start3A_270 = arith.constant 0 : i32
        %dma_start3A_271 = arith.constant 0 : i32
        %dma_start3A_272 = tpu.memref_slice %arg6[%sub3A_269, %dma_start3A_270, %dma_start3A_271] : memref<2x8x128xi32, #tpu.memory_space<vmem>> -> memref<1x8x128xi32, #tpu.memory_space<vmem>>
        %dma_start3A_273 = tpu.memref_squeeze %dma_start3A_272 : memref<1x8x128xi32, #tpu.memory_space<vmem>> -> memref<8x128xi32, #tpu.memory_space<vmem>>
        %dma_start3A_274 = arith.constant 0 : i32
        %dma_start3A_275 = arith.constant 0 : i32
        %dma_start3A_276 = tpu.memref_slice %arg3[%add3A, %add3A_267, %dma_start3A_274, %dma_start3A_275] : memref<32x10x8x128xi32, #tpu.memory_space<hbm>> -> memref<1x1x8x128xi32, #tpu.memory_space<hbm>>
        %dma_start3A_277 = tpu.memref_squeeze %dma_start3A_276 : memref<1x1x8x128xi32, #tpu.memory_space<hbm>> -> memref<8x128xi32, #tpu.memory_space<hbm>>
        %dma_start3A_278 = arith.constant 0 : i32
        %dma_start3A_279 = arith.constant 0 : i32
        %dma_start3A_280 = tpu.memref_slice %arg6[%sub3A_269, %dma_start3A_278, %dma_start3A_279] : memref<2x8x128xi32, #tpu.memory_space<vmem>> -> memref<1x8x128xi32, #tpu.memory_space<vmem>>
        %dma_start3A_281 = tpu.memref_squeeze %dma_start3A_280 : memref<1x8x128xi32, #tpu.memory_space<vmem>> -> memref<8x128xi32, #tpu.memory_space<vmem>>
        %dma_start3A_282 = arith.constant 0 : i32
        %dma_start3A_283 = arith.constant 0 : i32
        %dma_start3A_284 = tpu.memref_slice %arg3[%add3A, %add3A_267, %dma_start3A_282, %dma_start3A_283] : memref<32x10x8x128xi32, #tpu.memory_space<hbm>> -> memref<1x1x8x128xi32, #tpu.memory_space<hbm>>
        %dma_start3A_285 = tpu.memref_squeeze %dma_start3A_284 : memref<1x1x8x128xi32, #tpu.memory_space<hbm>> -> memref<8x128xi32, #tpu.memory_space<hbm>>
        tpu.enqueue_dma source(%dma_start3A_285 : memref<8x128xi32, #tpu.memory_space<hbm>>) target(%dma_start3A_281 : memref<8x128xi32, #tpu.memory_space<vmem>>) target_semaphore(%arg15 : memref<!tpu.dma_semaphore, #tpu.memory_space<semaphore_mem>>)
        %add3A_286 = arith.constant 1 : i32
        %add3A_287 = arith.addi %select_n3A, %add3A_286 : i32
        %sub3A_288 = arith.constant 1 : i32
        %sub3A_289 = arith.subi %sub3A_288, %select_n3A_190 : i32
        %dma_start3A_290 = arith.constant 0 : i32
        %dma_start3A_291 = arith.constant 0 : i32
        %dma_start3A_292 = tpu.memref_slice %arg7[%sub3A_289, %dma_start3A_290, %dma_start3A_291] : memref<2x8x128xi32, #tpu.memory_space<vmem>> -> memref<1x8x128xi32, #tpu.memory_space<vmem>>
        %dma_start3A_293 = tpu.memref_squeeze %dma_start3A_292 : memref<1x8x128xi32, #tpu.memory_space<vmem>> -> memref<8x128xi32, #tpu.memory_space<vmem>>
        %dma_start3A_294 = arith.constant 0 : i32
        %dma_start3A_295 = arith.constant 0 : i32
        %dma_start3A_296 = tpu.memref_slice %arg4[%add3A, %add3A_287, %dma_start3A_294, %dma_start3A_295] : memref<32x10x8x128xi32, #tpu.memory_space<hbm>> -> memref<1x1x8x128xi32, #tpu.memory_space<hbm>>
        %dma_start3A_297 = tpu.memref_squeeze %dma_start3A_296 : memref<1x1x8x128xi32, #tpu.memory_space<hbm>> -> memref<8x128xi32, #tpu.memory_space<hbm>>
        %dma_start3A_298 = arith.constant 0 : i32
        %dma_start3A_299 = arith.constant 0 : i32
        %dma_start3A_300 = tpu.memref_slice %arg7[%sub3A_289, %dma_start3A_298, %dma_start3A_299] : memref<2x8x128xi32, #tpu.memory_space<vmem>> -> memref<1x8x128xi32, #tpu.memory_space<vmem>>
        %dma_start3A_301 = tpu.memref_squeeze %dma_start3A_300 : memref<1x8x128xi32, #tpu.memory_space<vmem>> -> memref<8x128xi32, #tpu.memory_space<vmem>>
        %dma_start3A_302 = arith.constant 0 : i32
        %dma_start3A_303 = arith.constant 0 : i32
        %dma_start3A_304 = tpu.memref_slice %arg4[%add3A, %add3A_287, %dma_start3A_302, %dma_start3A_303] : memref<32x10x8x128xi32, #tpu.memory_space<hbm>> -> memref<1x1x8x128xi32, #tpu.memory_space<hbm>>
        %dma_start3A_305 = tpu.memref_squeeze %dma_start3A_304 : memref<1x1x8x128xi32, #tpu.memory_space<hbm>> -> memref<8x128xi32, #tpu.memory_space<hbm>>
        tpu.enqueue_dma source(%dma_start3A_305 : memref<8x128xi32, #tpu.memory_space<hbm>>) target(%dma_start3A_301 : memref<8x128xi32, #tpu.memory_space<vmem>>) target_semaphore(%arg15 : memref<!tpu.dma_semaphore, #tpu.memory_space<semaphore_mem>>)
      } else {
      }
      %dma_wait3A_202 = arith.constant 0 : i32
      %dma_wait3A_203 = arith.constant 0 : i32
      %dma_wait3A_204 = arith.constant 0 : i32
      %dma_wait3A_205 = tpu.memref_slice %arg7[%dma_wait3A_202, %dma_wait3A_203, %dma_wait3A_204] : memref<2x8x128xi32, #tpu.memory_space<vmem>> -> memref<1x1x128xi32, #tpu.memory_space<vmem>>
      %dma_wait3A_206 = tpu.memref_squeeze %dma_wait3A_205 : memref<1x1x128xi32, #tpu.memory_space<vmem>> -> memref<128xi32, #tpu.memory_space<vmem>>
      %dma_wait3A_207 = arith.constant 0 : i32
      %dma_wait3A_208 = arith.constant 0 : i32
      %dma_wait3A_209 = tpu.memref_slice %arg10[%dma_wait3A_207, %dma_wait3A_208] : memref<10112x128xf32, #tpu.memory_space<vmem_shared>> -> memref<10112x128xf32, #tpu.memory_space<vmem_shared>>
      tpu.wait_indirect_dma semaphore(%arg13 : memref<!tpu.dma_semaphore, #tpu.memory_space<semaphore_mem>>) src(%arg8 : memref<128x128xf32, #tpu.memory_space<vmem>>) dst(%dma_wait3A_209 : memref<10112x128xf32, #tpu.memory_space<vmem_shared>>)
      %add3A_210 = arith.constant 0 : i32
      %add3A_211 = arith.addi %select_n3A_174, %add3A_210 : i32
      %dma_start3A_212 = arith.constant 0 : i32
      %dma_start3A_213 = tpu.memref_slice %arg6[%select_n3A_190, %add3A_211, %dma_start3A_212] : memref<2x8x128xi32, #tpu.memory_space<vmem>> -> memref<1x1x128xi32, #tpu.memory_space<vmem>>
      %dma_start3A_214 = tpu.memref_squeeze %dma_start3A_213 : memref<1x1x128xi32, #tpu.memory_space<vmem>> -> memref<128xi32, #tpu.memory_space<vmem>>
      %dma_start3A_215 = arith.constant 0 : i32
      %dma_start3A_216 = arith.constant 0 : i32
      %dma_start3A_217 = tpu.memref_slice %arg2[%dma_start3A_215, %dma_start3A_216] : memref<10240x128xf32, #tpu.memory_space<hbm>> -> memref<10240x128xf32, #tpu.memory_space<hbm>>
      tpu.enqueue_indirect_dma source(%dma_start3A_217 : memref<10240x128xf32, #tpu.memory_space<hbm>>) target(%arg8 : memref<128x128xf32, #tpu.memory_space<vmem>>) offsets(%dma_start3A_214 : memref<128xi32, #tpu.memory_space<vmem>>) semaphore(%arg11 : memref<!tpu.dma_semaphore, #tpu.memory_space<semaphore_mem>>)
      %dma_wait3A_218 = arith.constant 0 : i32
      %dma_wait3A_219 = arith.constant 0 : i32
      %dma_wait3A_220 = arith.constant 0 : i32
      %dma_wait3A_221 = tpu.memref_slice %arg7[%dma_wait3A_218, %dma_wait3A_219, %dma_wait3A_220] : memref<2x8x128xi32, #tpu.memory_space<vmem>> -> memref<1x1x128xi32, #tpu.memory_space<vmem>>
      %dma_wait3A_222 = tpu.memref_squeeze %dma_wait3A_221 : memref<1x1x128xi32, #tpu.memory_space<vmem>> -> memref<128xi32, #tpu.memory_space<vmem>>
      %dma_wait3A_223 = arith.constant 0 : i32
      %dma_wait3A_224 = arith.constant 0 : i32
      %dma_wait3A_225 = tpu.memref_slice %arg10[%dma_wait3A_223, %dma_wait3A_224] : memref<10112x128xf32, #tpu.memory_space<vmem_shared>> -> memref<10112x128xf32, #tpu.memory_space<vmem_shared>>
      tpu.wait_indirect_dma semaphore(%arg14 : memref<!tpu.dma_semaphore, #tpu.memory_space<semaphore_mem>>) src(%arg9 : memref<128x128xf32, #tpu.memory_space<vmem>>) dst(%dma_wait3A_225 : memref<10112x128xf32, #tpu.memory_space<vmem_shared>>)
      %add3A_226 = arith.constant 1 : i32
      %add3A_227 = arith.addi %select_n3A_174, %add3A_226 : i32
      %dma_start3A_228 = arith.constant 0 : i32
      %dma_start3A_229 = tpu.memref_slice %arg6[%select_n3A_190, %add3A_227, %dma_start3A_228] : memref<2x8x128xi32, #tpu.memory_space<vmem>> -> memref<1x1x128xi32, #tpu.memory_space<vmem>>
      %dma_start3A_230 = tpu.memref_squeeze %dma_start3A_229 : memref<1x1x128xi32, #tpu.memory_space<vmem>> -> memref<128xi32, #tpu.memory_space<vmem>>
      %dma_start3A_231 = arith.constant 0 : i32
      %dma_start3A_232 = arith.constant 0 : i32
      %dma_start3A_233 = tpu.memref_slice %arg2[%dma_start3A_231, %dma_start3A_232] : memref<10240x128xf32, #tpu.memory_space<hbm>> -> memref<10240x128xf32, #tpu.memory_space<hbm>>
      tpu.enqueue_indirect_dma source(%dma_start3A_233 : memref<10240x128xf32, #tpu.memory_space<hbm>>) target(%arg9 : memref<128x128xf32, #tpu.memory_space<vmem>>) offsets(%dma_start3A_230 : memref<128xi32, #tpu.memory_space<vmem>>) semaphore(%arg12 : memref<!tpu.dma_semaphore, #tpu.memory_space<semaphore_mem>>)
      %add3A_234 = arith.constant 0 : i32
      %add3A_235 = arith.addi %select_n3A_174, %add3A_234 : i32
      %dma_wait3A_236 = arith.constant 0 : i32
      %dma_wait3A_237 = tpu.memref_slice %arg6[%select_n3A_190, %add3A_235, %dma_wait3A_236] : memref<2x8x128xi32, #tpu.memory_space<vmem>> -> memref<1x1x128xi32, #tpu.memory_space<vmem>>
      %dma_wait3A_238 = tpu.memref_squeeze %dma_wait3A_237 : memref<1x1x128xi32, #tpu.memory_space<vmem>> -> memref<128xi32, #tpu.memory_space<vmem>>
      %dma_wait3A_239 = arith.constant 0 : i32
      %dma_wait3A_240 = arith.constant 0 : i32
      %dma_wait3A_241 = tpu.memref_slice %arg2[%dma_wait3A_239, %dma_wait3A_240] : memref<10240x128xf32, #tpu.memory_space<hbm>> -> memref<10240x128xf32, #tpu.memory_space<hbm>>
      tpu.wait_indirect_dma semaphore(%arg11 : memref<!tpu.dma_semaphore, #tpu.memory_space<semaphore_mem>>) src(%dma_wait3A_241 : memref<10240x128xf32, #tpu.memory_space<hbm>>) dst(%arg8 : memref<128x128xf32, #tpu.memory_space<vmem>>)
      %add3A_242 = arith.constant 0 : i32
      %add3A_243 = arith.addi %select_n3A_174, %add3A_242 : i32
      %dma_start3A_244 = arith.constant 0 : i32
      %dma_start3A_245 = tpu.memref_slice %arg7[%select_n3A_190, %add3A_243, %dma_start3A_244] : memref<2x8x128xi32, #tpu.memory_space<vmem>> -> memref<1x1x128xi32, #tpu.memory_space<vmem>>
      %dma_start3A_246 = tpu.memref_squeeze %dma_start3A_245 : memref<1x1x128xi32, #tpu.memory_space<vmem>> -> memref<128xi32, #tpu.memory_space<vmem>>
      %dma_start3A_247 = arith.constant 0 : i32
      %dma_start3A_248 = arith.constant 0 : i32
      %dma_start3A_249 = tpu.memref_slice %arg10[%dma_start3A_247, %dma_start3A_248] : memref<10112x128xf32, #tpu.memory_space<vmem_shared>> -> memref<10112x128xf32, #tpu.memory_space<vmem_shared>>
      tpu.enqueue_indirect_dma source(%arg8 : memref<128x128xf32, #tpu.memory_space<vmem>>) target(%dma_start3A_249 : memref<10112x128xf32, #tpu.memory_space<vmem_shared>>) offsets(%dma_start3A_246 : memref<128xi32, #tpu.memory_space<vmem>>) semaphore(%arg13 : memref<!tpu.dma_semaphore, #tpu.memory_space<semaphore_mem>>) {add = true}
      %add3A_250 = arith.constant 1 : i32
      %add3A_251 = arith.addi %select_n3A_174, %add3A_250 : i32
      %dma_wait3A_252 = arith.constant 0 : i32
      %dma_wait3A_253 = tpu.memref_slice %arg6[%select_n3A_190, %add3A_251, %dma_wait3A_252] : memref<2x8x128xi32, #tpu.memory_space<vmem>> -> memref<1x1x128xi32, #tpu.memory_space<vmem>>
      %dma_wait3A_254 = tpu.memref_squeeze %dma_wait3A_253 : memref<1x1x128xi32, #tpu.memory_space<vmem>> -> memref<128xi32, #tpu.memory_space<vmem>>
      %dma_wait3A_255 = arith.constant 0 : i32
      %dma_wait3A_256 = arith.constant 0 : i32
      %dma_wait3A_257 = tpu.memref_slice %arg2[%dma_wait3A_255, %dma_wait3A_256] : memref<10240x128xf32, #tpu.memory_space<hbm>> -> memref<10240x128xf32, #tpu.memory_space<hbm>>
      tpu.wait_indirect_dma semaphore(%arg12 : memref<!tpu.dma_semaphore, #tpu.memory_space<semaphore_mem>>) src(%dma_wait3A_257 : memref<10240x128xf32, #tpu.memory_space<hbm>>) dst(%arg9 : memref<128x128xf32, #tpu.memory_space<vmem>>)
      %add3A_258 = arith.constant 1 : i32
      %add3A_259 = arith.addi %select_n3A_174, %add3A_258 : i32
      %dma_start3A_260 = arith.constant 0 : i32
      %dma_start3A_261 = tpu.memref_slice %arg7[%select_n3A_190, %add3A_259, %dma_start3A_260] : memref<2x8x128xi32, #tpu.memory_space<vmem>> -> memref<1x1x128xi32, #tpu.memory_space<vmem>>
      %dma_start3A_262 = tpu.memref_squeeze %dma_start3A_261 : memref<1x1x128xi32, #tpu.memory_space<vmem>> -> memref<128xi32, #tpu.memory_space<vmem>>
      %dma_start3A_263 = arith.constant 0 : i32
      %dma_start3A_264 = arith.constant 0 : i32
      %dma_start3A_265 = tpu.memref_slice %arg10[%dma_start3A_263, %dma_start3A_264] : memref<10112x128xf32, #tpu.memory_space<vmem_shared>> -> memref<10112x128xf32, #tpu.memory_space<vmem_shared>>
      tpu.enqueue_indirect_dma source(%arg9 : memref<128x128xf32, #tpu.memory_space<vmem>>) target(%dma_start3A_265 : memref<10112x128xf32, #tpu.memory_space<vmem_shared>>) offsets(%dma_start3A_262 : memref<128xi32, #tpu.memory_space<vmem>>) semaphore(%arg14 : memref<!tpu.dma_semaphore, #tpu.memory_space<semaphore_mem>>) {add = true}
    }
    %scan3A_115 = arith.constant 39 : i32
    %dma_wait3A_116 = arith.constant 0 : i32
    %dma_wait3A_117 = arith.constant 0 : i32
    %dma_wait3A_118 = arith.constant 0 : i32
    %dma_wait3A_119 = tpu.memref_slice %arg7[%dma_wait3A_116, %dma_wait3A_117, %dma_wait3A_118] : memref<2x8x128xi32, #tpu.memory_space<vmem>> -> memref<1x1x128xi32, #tpu.memory_space<vmem>>
    %dma_wait3A_120 = tpu.memref_squeeze %dma_wait3A_119 : memref<1x1x128xi32, #tpu.memory_space<vmem>> -> memref<128xi32, #tpu.memory_space<vmem>>
    %dma_wait3A_121 = arith.constant 0 : i32
    %dma_wait3A_122 = arith.constant 0 : i32
    %dma_wait3A_123 = tpu.memref_slice %arg10[%dma_wait3A_121, %dma_wait3A_122] : memref<10112x128xf32, #tpu.memory_space<vmem_shared>> -> memref<10112x128xf32, #tpu.memory_space<vmem_shared>>
    tpu.wait_indirect_dma semaphore(%arg13 : memref<!tpu.dma_semaphore, #tpu.memory_space<semaphore_mem>>) src(%arg8 : memref<128x128xf32, #tpu.memory_space<vmem>>) dst(%dma_wait3A_123 : memref<10112x128xf32, #tpu.memory_space<vmem_shared>>)
    %dma_wait3A_124 = arith.constant 0 : i32
    %dma_wait3A_125 = arith.constant 0 : i32
    %dma_wait3A_126 = arith.constant 0 : i32
    %dma_wait3A_127 = tpu.memref_slice %arg7[%dma_wait3A_124, %dma_wait3A_125, %dma_wait3A_126] : memref<2x8x128xi32, #tpu.memory_space<vmem>> -> memref<1x1x128xi32, #tpu.memory_space<vmem>>
    %dma_wait3A_128 = tpu.memref_squeeze %dma_wait3A_127 : memref<1x1x128xi32, #tpu.memory_space<vmem>> -> memref<128xi32, #tpu.memory_space<vmem>>
    %dma_wait3A_129 = arith.constant 0 : i32
    %dma_wait3A_130 = arith.constant 0 : i32
    %dma_wait3A_131 = tpu.memref_slice %arg10[%dma_wait3A_129, %dma_wait3A_130] : memref<10112x128xf32, #tpu.memory_space<vmem_shared>> -> memref<10112x128xf32, #tpu.memory_space<vmem_shared>>
    tpu.wait_indirect_dma semaphore(%arg14 : memref<!tpu.dma_semaphore, #tpu.memory_space<semaphore_mem>>) src(%arg9 : memref<128x128xf32, #tpu.memory_space<vmem>>) dst(%dma_wait3A_131 : memref<10112x128xf32, #tpu.memory_space<vmem_shared>>)
    %barrier3A_132 = arith.constant 0 : index
    tpu.barrier barrier_id(%barrier3A_132)
    %mul3A_133 = arith.constant 632 : i32
    %mul3A_134 = arith.muli %arg1, %mul3A_133 : i32
    %mul3A_135 = arith.constant 10240 : i32
    %mul3A_136 = arith.muli %arg0, %mul3A_135 : i32
    %mul3A_137 = arith.constant 632 : i32
    %mul3A_138 = arith.muli %arg1, %mul3A_137 : i32
    %add3A_139 = arith.addi %mul3A_136, %mul3A_138 : i32
    "tpu.region"() ({
      %run_scoped3A_140 = tpu.sem_alloc : memref<!tpu.dma_semaphore, #tpu.memory_space<semaphore_mem>>
      %dma_start3A_141 = arith.constant 0 : i32
      %dma_start3A_142 = tpu.memref_slice %arg5[%add3A_139, %dma_start3A_141] : memref<20480x128xf32, #tpu.memory_space<hbm>> -> memref<632x128xf32, #tpu.memory_space<hbm>>
      %dma_start3A_143 = arith.constant 0 : i32
      %dma_start3A_144 = tpu.memref_slice %arg10[%mul3A_134, %dma_start3A_143] : memref<10112x128xf32, #tpu.memory_space<vmem_shared>> -> memref<632x128xf32, #tpu.memory_space<vmem_shared>>
      tpu.enqueue_dma source(%dma_start3A_144 : memref<632x128xf32, #tpu.memory_space<vmem_shared>>) target(%dma_start3A_142 : memref<632x128xf32, #tpu.memory_space<hbm>>) target_semaphore(%run_scoped3A_140 : memref<!tpu.dma_semaphore, #tpu.memory_space<semaphore_mem>>)
      %dma_wait3A_145 = arith.constant 0 : i32
      %dma_wait3A_146 = tpu.memref_slice %arg5[%add3A_139, %dma_wait3A_145] : memref<20480x128xf32, #tpu.memory_space<hbm>> -> memref<632x128xf32, #tpu.memory_space<hbm>>
      %dma_wait3A_147 = arith.constant 0 : i32
      %dma_wait3A_148 = tpu.memref_slice %arg10[%mul3A_134, %dma_wait3A_147] : memref<10112x128xf32, #tpu.memory_space<vmem_shared>> -> memref<632x128xf32, #tpu.memory_space<vmem_shared>>
      tpu.wait_dma2 semaphore(%run_scoped3A_140 : memref<!tpu.dma_semaphore, #tpu.memory_space<semaphore_mem>>) src(%dma_wait3A_148 : memref<632x128xf32, #tpu.memory_space<vmem_shared>>) dst(%dma_wait3A_146 : memref<632x128xf32, #tpu.memory_space<hbm>>)
      tpu.yield
    }) : () -> ()
    return
  }
}

module attributes {stable_mosaic.version = 14 : i64} {
  func.func @_tc_scale(%arg0: i32, %arg1: memref<1024x128xf32, #tpu.memory_space<vmem>>, %arg2: memref<1024x128xf32, #tpu.memory_space<vmem>>, %arg3: memref<1024x128xf32, #tpu.memory_space<vmem>>, %arg4: memref<1024x128xf32, #tpu.memory_space<vmem>>, %arg5: memref<1024x1xf32, #tpu.memory_space<vmem>>) attributes {dimension_semantics = [#tpu.dimension_semantics<arbitrary>], iteration_bounds = array<i64: 10>, scalar_prefetch = 0 : i64, scratch_operands = 0 : i64, tpu.core_type = #tpu.core_type<tc>, window_params = [{transform_indices = @transform_0, window_bounds = array<i64: 1024, 128>}, {transform_indices = @transform_1, window_bounds = array<i64: 1024, 128>}, {transform_indices = @transform_2, window_bounds = array<i64: 1024, 128>}, {transform_indices = @transform_3, window_bounds = array<i64: 1024, 128>}, {transform_indices = @transform_4, window_bounds = array<i64: 1024, 1>}]} {
    %get3A = arith.constant 0 : index
    %get3A_0 = arith.constant 0 : index
    %get3A_1 = vector.load %arg2[%get3A, %get3A_0] : memref<1024x128xf32, #tpu.memory_space<vmem>>, vector<1024x1xf32>
    %get3A_2 = arith.constant 0 : index
    %get3A_3 = arith.constant 0 : index
    %get3A_4 = vector.load %arg3[%get3A_2, %get3A_3] : memref<1024x128xf32, #tpu.memory_space<vmem>>, vector<1024x1xf32>
    %add3A = arith.addf %get3A_1, %get3A_4 : vector<1024x1xf32>
    %add3A_5 = arith.constant 1.000000e+00 : f32
    %add3A_6 = vector.broadcast %add3A_5 : f32 to vector<1024x1xf32>
    %add3A_7 = arith.addf %add3A, %add3A_6 : vector<1024x1xf32>
    %rsqrt3A = math.rsqrt %add3A_7 : vector<1024x1xf32>
    %swap3A = arith.constant 0 : index
    %swap3A_8 = arith.constant 0 : index
    %swap3A_9 = vector.load %arg5[%swap3A, %swap3A_8] : memref<1024x1xf32, #tpu.memory_space<vmem>>, vector<1024x1xf32>
    tpu.vector_store %arg5[%swap3A, %swap3A_8], %rsqrt3A {strides = array<i32>} : memref<1024x1xf32, #tpu.memory_space<vmem>>, vector<1024x1xf32>,
    %get3A_10 = arith.constant 0 : index
    %get3A_11 = arith.constant 0 : index
    %get3A_12 = vector.load %arg1[%get3A_10, %get3A_11] : memref<1024x128xf32, #tpu.memory_space<vmem>>, vector<1024x128xf32>
    %mul3A = vector.broadcast %rsqrt3A : vector<1024x1xf32> to vector<1024x128xf32>
    %mul3A_13 = arith.mulf %mul3A, %get3A_12 : vector<1024x128xf32>
    %swap3A_14 = arith.constant 0 : index
    %swap3A_15 = arith.constant 0 : index
    %swap3A_16 = vector.load %arg4[%swap3A_14, %swap3A_15] : memref<1024x128xf32, #tpu.memory_space<vmem>>, vector<1024x128xf32>
    tpu.vector_store %arg4[%swap3A_14, %swap3A_15], %mul3A_13 {strides = array<i32>} : memref<1024x128xf32, #tpu.memory_space<vmem>>, vector<1024x128xf32>,
    return
  }
  func.func @transform_0(%arg0: i32) -> (i32, i32) {
    %add3A = arith.constant 0 : i32
    %add3A_0 = arith.addi %arg0, %add3A : i32
    %c0_i32 = arith.constant 0 : i32
    %c0_i32_1 = arith.constant 0 : i32
    return %add3A_0, %c0_i32 : i32, i32
  }
  func.func @transform_1(%arg0: i32) -> (i32, i32) {
    %add3A = arith.constant 0 : i32
    %add3A_0 = arith.addi %arg0, %add3A : i32
    %c0_i32 = arith.constant 0 : i32
    %c0_i32_1 = arith.constant 0 : i32
    return %add3A_0, %c0_i32 : i32, i32
  }
  func.func @transform_2(%arg0: i32) -> (i32, i32) {
    %add3A = arith.constant 10 : i32
    %add3A_0 = arith.addi %arg0, %add3A : i32
    %c0_i32 = arith.constant 0 : i32
    %c0_i32_1 = arith.constant 0 : i32
    return %add3A_0, %c0_i32 : i32, i32
  }
  func.func @transform_3(%arg0: i32) -> (i32, i32) {
    %add3A = arith.constant 0 : i32
    %add3A_0 = arith.addi %arg0, %add3A : i32
    %c0_i32 = arith.constant 0 : i32
    %c0_i32_1 = arith.constant 0 : i32
    return %add3A_0, %c0_i32 : i32, i32
  }
  func.func @transform_4(%arg0: i32) -> (i32, i32) {
    %c0_i32 = arith.constant 0 : i32
    %c0_i32_0 = arith.constant 0 : i32
    return %arg0, %c0_i32 : i32, i32
  }
}

module attributes {stable_mosaic.version = 14 : i64} {
  func.func @_tc_mm(%arg0: i32, %arg1: memref<1024x128xf32, #tpu.memory_space<vmem>>, %arg2: memref<128x128xf32, #tpu.memory_space<vmem>>, %arg3: memref<1024x128xf32, #tpu.memory_space<vmem>>) attributes {dimension_semantics = [#tpu.dimension_semantics<arbitrary>], iteration_bounds = array<i64: 10>, scalar_prefetch = 0 : i64, scratch_operands = 0 : i64, tpu.core_type = #tpu.core_type<tc>, window_params = [{transform_indices = @transform_0, window_bounds = array<i64: 1024, 128>}, {pipeline_mode = #tpu.pipeline_mode<synchronous>, transform_indices = @transform_1, window_bounds = array<i64: 128, 128>}, {transform_indices = @transform_2, window_bounds = array<i64: 1024, 128>}]} {
    %get3A = arith.constant 0 : index
    %get3A_0 = arith.constant 0 : index
    %get3A_1 = vector.load %arg1[%get3A, %get3A_0] : memref<1024x128xf32, #tpu.memory_space<vmem>>, vector<1024x128xf32>
    %get3A_2 = arith.constant 0 : index
    %get3A_3 = arith.constant 0 : index
    %get3A_4 = vector.load %arg2[%get3A_2, %get3A_3] : memref<128x128xf32, #tpu.memory_space<vmem>>, vector<128x128xf32>
    %dot_general3A = arith.constant dense<0.000000e+00> : vector<1024x128xf32>
    %dot_general3A_5 = tpu.matmul %get3A_1, %get3A_4, %dot_general3A {dimension_numbers = #tpu.dot_dimension_numbers<[1], [0], [0], [1], [0, 0, 1, 1], [], []>, transpose_lhs_hint = false} : vector<1024x128xf32>, vector<128x128xf32>, vector<1024x128xf32> -> vector<1024x128xf32>
    %swap3A = arith.constant 0 : index
    %swap3A_6 = arith.constant 0 : index
    %swap3A_7 = vector.load %arg3[%swap3A, %swap3A_6] : memref<1024x128xf32, #tpu.memory_space<vmem>>, vector<1024x128xf32>
    tpu.vector_store %arg3[%swap3A, %swap3A_6], %dot_general3A_5 {strides = array<i32>} : memref<1024x128xf32, #tpu.memory_space<vmem>>, vector<1024x128xf32>,
    return
  }
  func.func @transform_0(%arg0: i32) -> (i32, i32) {
    %add3A = arith.constant 0 : i32
    %add3A_0 = arith.addi %arg0, %add3A : i32
    %c0_i32 = arith.constant 0 : i32
    %c0_i32_1 = arith.constant 0 : i32
    return %add3A_0, %c0_i32 : i32, i32
  }
  func.func @transform_1(%arg0: i32) -> (i32, i32) {
    %c0_i32 = arith.constant 0 : i32
    %c0_i32_0 = arith.constant 0 : i32
    %c0_i32_1 = arith.constant 0 : i32
    return %c0_i32, %c0_i32_0 : i32, i32
  }
  func.func @transform_2(%arg0: i32) -> (i32, i32) {
    %add3A = arith.constant 0 : i32
    %add3A_0 = arith.addi %arg0, %add3A : i32
    %c0_i32 = arith.constant 0 : i32
    %c0_i32_1 = arith.constant 0 : i32
    return %add3A_0, %c0_i32 : i32, i32
  }
}

module attributes {stable_mosaic.version = 14 : i64} {
  func.func @_tc_layer(%arg0: i32, %arg1: memref<1024x128xf32, #tpu.memory_space<vmem>>, %arg2: memref<1024x128xf32, #tpu.memory_space<vmem>>, %arg3: memref<1024x128xf32, #tpu.memory_space<vmem>>, %arg4: memref<1024x1xf32, #tpu.memory_space<vmem>>, %arg5: memref<1x128xf32, #tpu.memory_space<vmem>>, %arg6: memref<128x128xf32, #tpu.memory_space<vmem>>, %arg7: memref<1x1024xi32, #tpu.memory_space<vmem>>, %arg8: memref<1024x128xf32, #tpu.memory_space<vmem>>, %arg9: memref<64x128xf32, #tpu.memory_space<vmem>>, %arg10: memref<64x128xf32, #tpu.memory_space<vmem>>) attributes {dimension_semantics = [#tpu.dimension_semantics<arbitrary>], iteration_bounds = array<i64: 10>, scalar_prefetch = 0 : i64, scratch_operands = 1 : i64, tpu.core_type = #tpu.core_type<tc>, window_params = [{transform_indices = @transform_0, window_bounds = array<i64: 1024, 128>}, {transform_indices = @transform_1, window_bounds = array<i64: 1024, 128>}, {transform_indices = @transform_2, window_bounds = array<i64: 1024, 128>}, {transform_indices = @transform_3, window_bounds = array<i64: 1024, 1>}, {pipeline_mode = #tpu.pipeline_mode<synchronous>, transform_indices = @transform_4, window_bounds = array<i64: 1, 128>}, {pipeline_mode = #tpu.pipeline_mode<synchronous>, transform_indices = @transform_5, window_bounds = array<i64: 128, 128>}, {transform_indices = @transform_6, window_bounds = array<i64: 1, 1024>}, {transform_indices = @transform_7, window_bounds = array<i64: 1024, 128>}, {pipeline_mode = #tpu.pipeline_mode<synchronous>, transform_indices = @transform_8, window_bounds = array<i64: 64, 128>}]} {
    %get3A = arith.constant 0 : index
    %get3A_0 = arith.constant 0 : index
    %get3A_1 = vector.load %arg4[%get3A, %get3A_0] : memref<1024x1xf32, #tpu.memory_space<vmem>>, vector<1024x1xf32>
    %get3A_2 = arith.constant 0 : index
    %get3A_3 = arith.constant 0 : index
    %get3A_4 = vector.load %arg1[%get3A_2, %get3A_3] : memref<1024x128xf32, #tpu.memory_space<vmem>>, vector<1024x128xf32>
    %get3A_5 = arith.constant 0 : index
    %get3A_6 = arith.constant 0 : index
    %get3A_7 = vector.load %arg2[%get3A_5, %get3A_6] : memref<1024x128xf32, #tpu.memory_space<vmem>>, vector<1024x128xf32>
    %add3A = arith.addf %get3A_4, %get3A_7 : vector<1024x128xf32>
    %get3A_8 = arith.constant 0 : index
    %get3A_9 = arith.constant 0 : index
    %get3A_10 = vector.load %arg3[%get3A_8, %get3A_9] : memref<1024x128xf32, #tpu.memory_space<vmem>>, vector<1024x128xf32>
    %add3A_11 = arith.addf %add3A, %get3A_10 : vector<1024x128xf32>
    %mul3A = vector.broadcast %get3A_1 : vector<1024x1xf32> to vector<1024x128xf32>
    %mul3A_12 = arith.mulf %mul3A, %add3A_11 : vector<1024x128xf32>
    %get3A_13 = arith.constant 0 : index
    %get3A_14 = arith.constant 0 : index
    %get3A_15 = vector.load %arg5[%get3A_13, %get3A_14] : memref<1x128xf32, #tpu.memory_space<vmem>>, vector<1x128xf32>
    %add3A_16 = vector.broadcast %get3A_15 : vector<1x128xf32> to vector<1024x128xf32>
    %add3A_17 = arith.addf %mul3A_12, %add3A_16 : vector<1024x128xf32>
    %max3A = arith.constant 0.000000e+00 : f32
    %max3A_18 = vector.broadcast %max3A : f32 to vector<1024x128xf32>
    %max3A_19 = arith.maximumf %add3A_17, %max3A_18 : vector<1024x128xf32>
    %get3A_20 = arith.constant 0 : index
    %get3A_21 = arith.constant 0 : index
    %get3A_22 = vector.load %arg6[%get3A_20, %get3A_21] : memref<128x128xf32, #tpu.memory_space<vmem>>, vector<128x128xf32>
    %dot_general3A = arith.constant dense<0.000000e+00> : vector<1024x128xf32>
    %dot_general3A_23 = tpu.matmul %max3A_19, %get3A_22, %dot_general3A {dimension_numbers = #tpu.dot_dimension_numbers<[1], [0], [0], [1], [0, 0, 1, 1], [], []>, transpose_lhs_hint = false} : vector<1024x128xf32>, vector<128x128xf32>, vector<1024x128xf32> -> vector<1024x128xf32>
    %mul3A_24 = vector.broadcast %get3A_1 : vector<1024x1xf32> to vector<1024x128xf32>
    %mul3A_25 = arith.mulf %mul3A_24, %dot_general3A_23 : vector<1024x128xf32>
    %swap3A = arith.constant 0 : index
    %swap3A_26 = arith.constant 0 : index
    %swap3A_27 = vector.load %arg8[%swap3A, %swap3A_26] : memref<1024x128xf32, #tpu.memory_space<vmem>>, vector<1024x128xf32>
    tpu.vector_store %arg8[%swap3A, %swap3A_26], %mul3A_25 {strides = array<i32>} : memref<1024x128xf32, #tpu.memory_space<vmem>>, vector<1024x128xf32>,
    %iota3A = tpu.iota {dimensions = array<i32: 0>} : vector<64x1024xi32>
    %get3A_28 = arith.constant 0 : index
    %get3A_29 = arith.constant 0 : index
    %get3A_30 = vector.load %arg7[%get3A_28, %get3A_29] : memref<1x1024xi32, #tpu.memory_space<vmem>>, vector<1x1024xi32>
    %eq3A = vector.broadcast %get3A_30 : vector<1x1024xi32> to vector<64x1024xi32>
    %eq3A_31 = arith.cmpi eq, %iota3A, %eq3A : vector<64x1024xi32>
    %convert_element_type3A = arith.extui %eq3A_31 : vector<64x1024xi1> to vector<64x1024xi32>
    %convert_element_type3A_32 = arith.sitofp %convert_element_type3A : vector<64x1024xi32> to vector<64x1024xf32>
    %dot_general3A_33 = arith.constant dense<0.000000e+00> : vector<64x128xf32>
    %dot_general3A_34 = tpu.matmul %convert_element_type3A_32, %max3A_19, %dot_general3A_33 {dimension_numbers = #tpu.dot_dimension_numbers<[1], [0], [0], [1], [0, 0, 1, 1], [], []>, transpose_lhs_hint = false} : vector<64x1024xf32>, vector<1024x128xf32>, vector<64x128xf32> -> vector<64x128xf32>
    %eq3A_35 = arith.constant 0 : i32
    %eq3A_36 = arith.cmpi eq, %arg0, %eq3A_35 : i32
    %convert_element_type3A_37 = arith.extui %eq3A_36 : i1 to i32
    %cond3A = arith.constant 0 : i32
    %cond3A_38 = arith.cmpi ne, %convert_element_type3A_37, %cond3A : i32
    scf.if %cond3A_38 {
      %swap3A_48 = arith.constant 0 : index
      %swap3A_49 = arith.constant 0 : index
      %swap3A_50 = vector.load %arg10[%swap3A_48, %swap3A_49] : memref<64x128xf32, #tpu.memory_space<vmem>>, vector<64x128xf32>
      tpu.vector_store %arg10[%swap3A_48, %swap3A_49], %dot_general3A_34 {strides = array<i32>} : memref<64x128xf32, #tpu.memory_space<vmem>>, vector<64x128xf32>,
    } else {
    }
    %gt3A = arith.constant 0 : i32
    %gt3A_39 = arith.cmpi sgt, %arg0, %gt3A : i32
    %convert_element_type3A_40 = arith.extui %gt3A_39 : i1 to i32
    %cond3A_41 = arith.constant 0 : i32
    %cond3A_42 = arith.cmpi ne, %convert_element_type3A_40, %cond3A_41 : i32
    scf.if %cond3A_42 {
      %get3A_48 = arith.constant 0 : index
      %get3A_49 = arith.constant 0 : index
      %get3A_50 = vector.load %arg10[%get3A_48, %get3A_49] : memref<64x128xf32, #tpu.memory_space<vmem>>, vector<64x128xf32>
      %add3A_51 = arith.addf %get3A_50, %dot_general3A_34 : vector<64x128xf32>
      %swap3A_52 = arith.constant 0 : index
      %swap3A_53 = arith.constant 0 : index
      %swap3A_54 = vector.load %arg10[%swap3A_52, %swap3A_53] : memref<64x128xf32, #tpu.memory_space<vmem>>, vector<64x128xf32>
      tpu.vector_store %arg10[%swap3A_52, %swap3A_53], %add3A_51 {strides = array<i32>} : memref<64x128xf32, #tpu.memory_space<vmem>>, vector<64x128xf32>,
    } else {
    }
    %eq3A_43 = arith.constant 9 : i32
    %eq3A_44 = arith.cmpi eq, %arg0, %eq3A_43 : i32
    %convert_element_type3A_45 = arith.extui %eq3A_44 : i1 to i32
    %cond3A_46 = arith.constant 0 : i32
    %cond3A_47 = arith.cmpi ne, %convert_element_type3A_45, %cond3A_46 : i32
    scf.if %cond3A_47 {
      %get3A_48 = arith.constant 0 : index
      %get3A_49 = arith.constant 0 : index
      %get3A_50 = vector.load %arg10[%get3A_48, %get3A_49] : memref<64x128xf32, #tpu.memory_space<vmem>>, vector<64x128xf32>
      %swap3A_51 = arith.constant 0 : index
      %swap3A_52 = arith.constant 0 : index
      %swap3A_53 = vector.load %arg9[%swap3A_51, %swap3A_52] : memref<64x128xf32, #tpu.memory_space<vmem>>, vector<64x128xf32>
      tpu.vector_store %arg9[%swap3A_51, %swap3A_52], %get3A_50 {strides = array<i32>} : memref<64x128xf32, #tpu.memory_space<vmem>>, vector<64x128xf32>,
    } else {
    }
    return
  }
  func.func @transform_0(%arg0: i32) -> (i32, i32) {
    %add3A = arith.constant 0 : i32
    %add3A_0 = arith.addi %arg0, %add3A : i32
    %c0_i32 = arith.constant 0 : i32
    %c0_i32_1 = arith.constant 0 : i32
    return %add3A_0, %c0_i32 : i32, i32
  }
  func.func @transform_1(%arg0: i32) -> (i32, i32) {
    %add3A = arith.constant 10 : i32
    %add3A_0 = arith.addi %arg0, %add3A : i32
    %c0_i32 = arith.constant 0 : i32
    %c0_i32_1 = arith.constant 0 : i32
    return %add3A_0, %c0_i32 : i32, i32
  }
  func.func @transform_2(%arg0: i32) -> (i32, i32) {
    %add3A = arith.constant 0 : i32
    %add3A_0 = arith.addi %arg0, %add3A : i32
    %c0_i32 = arith.constant 0 : i32
    %c0_i32_1 = arith.constant 0 : i32
    return %add3A_0, %c0_i32 : i32, i32
  }
  func.func @transform_3(%arg0: i32) -> (i32, i32) {
    %c0_i32 = arith.constant 0 : i32
    %c0_i32_0 = arith.constant 0 : i32
    return %arg0, %c0_i32 : i32, i32
  }
  func.func @transform_4(%arg0: i32) -> (i32, i32) {
    %c0_i32 = arith.constant 0 : i32
    %c0_i32_0 = arith.constant 0 : i32
    %c0_i32_1 = arith.constant 0 : i32
    return %c0_i32, %c0_i32_0 : i32, i32
  }
  func.func @transform_5(%arg0: i32) -> (i32, i32) {
    %c0_i32 = arith.constant 0 : i32
    %c0_i32_0 = arith.constant 0 : i32
    %c0_i32_1 = arith.constant 0 : i32
    return %c0_i32, %c0_i32_0 : i32, i32
  }
  func.func @transform_6(%arg0: i32) -> (i32, i32) {
    %c0_i32 = arith.constant 0 : i32
    %c0_i32_0 = arith.constant 0 : i32
    return %c0_i32, %arg0 : i32, i32
  }
  func.func @transform_7(%arg0: i32) -> (i32, i32) {
    %add3A = arith.constant 0 : i32
    %add3A_0 = arith.addi %arg0, %add3A : i32
    %c0_i32 = arith.constant 0 : i32
    %c0_i32_1 = arith.constant 0 : i32
    return %add3A_0, %c0_i32 : i32, i32
  }
  func.func @transform_8(%arg0: i32) -> (i32, i32) {
    %c0_i32 = arith.constant 0 : i32
    %c0_i32_0 = arith.constant 0 : i32
    %c0_i32_1 = arith.constant 0 : i32
    return %c0_i32, %c0_i32_0 : i32, i32
  }
}

module attributes {stable_mosaic.version = 14 : i64} {
  func.func @_tc_layer_nox(%arg0: i32, %arg1: memref<1024x128xf32, #tpu.memory_space<vmem>>, %arg2: memref<1024x128xf32, #tpu.memory_space<vmem>>, %arg3: memref<1024x128xf32, #tpu.memory_space<vmem>>, %arg4: memref<1024x1xf32, #tpu.memory_space<vmem>>, %arg5: memref<1x128xf32, #tpu.memory_space<vmem>>, %arg6: memref<128x128xf32, #tpu.memory_space<vmem>>, %arg7: memref<1024x128xf32, #tpu.memory_space<vmem>>) attributes {dimension_semantics = [#tpu.dimension_semantics<arbitrary>], iteration_bounds = array<i64: 10>, scalar_prefetch = 0 : i64, scratch_operands = 0 : i64, tpu.core_type = #tpu.core_type<tc>, window_params = [{transform_indices = @transform_0, window_bounds = array<i64: 1024, 128>}, {transform_indices = @transform_1, window_bounds = array<i64: 1024, 128>}, {transform_indices = @transform_2, window_bounds = array<i64: 1024, 128>}, {transform_indices = @transform_3, window_bounds = array<i64: 1024, 1>}, {pipeline_mode = #tpu.pipeline_mode<synchronous>, transform_indices = @transform_4, window_bounds = array<i64: 1, 128>}, {pipeline_mode = #tpu.pipeline_mode<synchronous>, transform_indices = @transform_5, window_bounds = array<i64: 128, 128>}, {transform_indices = @transform_6, window_bounds = array<i64: 1024, 128>}]} {
    %get3A = arith.constant 0 : index
    %get3A_0 = arith.constant 0 : index
    %get3A_1 = vector.load %arg4[%get3A, %get3A_0] : memref<1024x1xf32, #tpu.memory_space<vmem>>, vector<1024x1xf32>
    %get3A_2 = arith.constant 0 : index
    %get3A_3 = arith.constant 0 : index
    %get3A_4 = vector.load %arg1[%get3A_2, %get3A_3] : memref<1024x128xf32, #tpu.memory_space<vmem>>, vector<1024x128xf32>
    %get3A_5 = arith.constant 0 : index
    %get3A_6 = arith.constant 0 : index
    %get3A_7 = vector.load %arg2[%get3A_5, %get3A_6] : memref<1024x128xf32, #tpu.memory_space<vmem>>, vector<1024x128xf32>
    %add3A = arith.addf %get3A_4, %get3A_7 : vector<1024x128xf32>
    %get3A_8 = arith.constant 0 : index
    %get3A_9 = arith.constant 0 : index
    %get3A_10 = vector.load %arg3[%get3A_8, %get3A_9] : memref<1024x128xf32, #tpu.memory_space<vmem>>, vector<1024x128xf32>
    %add3A_11 = arith.addf %add3A, %get3A_10 : vector<1024x128xf32>
    %mul3A = vector.broadcast %get3A_1 : vector<1024x1xf32> to vector<1024x128xf32>
    %mul3A_12 = arith.mulf %mul3A, %add3A_11 : vector<1024x128xf32>
    %get3A_13 = arith.constant 0 : index
    %get3A_14 = arith.constant 0 : index
    %get3A_15 = vector.load %arg5[%get3A_13, %get3A_14] : memref<1x128xf32, #tpu.memory_space<vmem>>, vector<1x128xf32>
    %add3A_16 = vector.broadcast %get3A_15 : vector<1x128xf32> to vector<1024x128xf32>
    %add3A_17 = arith.addf %mul3A_12, %add3A_16 : vector<1024x128xf32>
    %max3A = arith.constant 0.000000e+00 : f32
    %max3A_18 = vector.broadcast %max3A : f32 to vector<1024x128xf32>
    %max3A_19 = arith.maximumf %add3A_17, %max3A_18 : vector<1024x128xf32>
    %get3A_20 = arith.constant 0 : index
    %get3A_21 = arith.constant 0 : index
    %get3A_22 = vector.load %arg6[%get3A_20, %get3A_21] : memref<128x128xf32, #tpu.memory_space<vmem>>, vector<128x128xf32>
    %dot_general3A = arith.constant dense<0.000000e+00> : vector<1024x128xf32>
    %dot_general3A_23 = tpu.matmul %max3A_19, %get3A_22, %dot_general3A {dimension_numbers = #tpu.dot_dimension_numbers<[1], [0], [0], [1], [0, 0, 1, 1], [], []>, transpose_lhs_hint = false} : vector<1024x128xf32>, vector<128x128xf32>, vector<1024x128xf32> -> vector<1024x128xf32>
    %mul3A_24 = vector.broadcast %get3A_1 : vector<1024x1xf32> to vector<1024x128xf32>
    %mul3A_25 = arith.mulf %mul3A_24, %dot_general3A_23 : vector<1024x128xf32>
    %swap3A = arith.constant 0 : index
    %swap3A_26 = arith.constant 0 : index
    %swap3A_27 = vector.load %arg7[%swap3A, %swap3A_26] : memref<1024x128xf32, #tpu.memory_space<vmem>>, vector<1024x128xf32>
    tpu.vector_store %arg7[%swap3A, %swap3A_26], %mul3A_25 {strides = array<i32>} : memref<1024x128xf32, #tpu.memory_space<vmem>>, vector<1024x128xf32>,
    return
  }
  func.func @transform_0(%arg0: i32) -> (i32, i32) {
    %add3A = arith.constant 0 : i32
    %add3A_0 = arith.addi %arg0, %add3A : i32
    %c0_i32 = arith.constant 0 : i32
    %c0_i32_1 = arith.constant 0 : i32
    return %add3A_0, %c0_i32 : i32, i32
  }
  func.func @transform_1(%arg0: i32) -> (i32, i32) {
    %add3A = arith.constant 10 : i32
    %add3A_0 = arith.addi %arg0, %add3A : i32
    %c0_i32 = arith.constant 0 : i32
    %c0_i32_1 = arith.constant 0 : i32
    return %add3A_0, %c0_i32 : i32, i32
  }
  func.func @transform_2(%arg0: i32) -> (i32, i32) {
    %add3A = arith.constant 0 : i32
    %add3A_0 = arith.addi %arg0, %add3A : i32
    %c0_i32 = arith.constant 0 : i32
    %c0_i32_1 = arith.constant 0 : i32
    return %add3A_0, %c0_i32 : i32, i32
  }
  func.func @transform_3(%arg0: i32) -> (i32, i32) {
    %c0_i32 = arith.constant 0 : i32
    %c0_i32_0 = arith.constant 0 : i32
    return %arg0, %c0_i32 : i32, i32
  }
  func.func @transform_4(%arg0: i32) -> (i32, i32) {
    %c0_i32 = arith.constant 0 : i32
    %c0_i32_0 = arith.constant 0 : i32
    %c0_i32_1 = arith.constant 0 : i32
    return %c0_i32, %c0_i32_0 : i32, i32
  }
  func.func @transform_5(%arg0: i32) -> (i32, i32) {
    %c0_i32 = arith.constant 0 : i32
    %c0_i32_0 = arith.constant 0 : i32
    %c0_i32_1 = arith.constant 0 : i32
    return %c0_i32, %c0_i32_0 : i32, i32
  }
  func.func @transform_6(%arg0: i32) -> (i32, i32) {
    %add3A = arith.constant 0 : i32
    %add3A_0 = arith.addi %arg0, %add3A : i32
    %c0_i32 = arith.constant 0 : i32
    %c0_i32_1 = arith.constant 0 : i32
    return %add3A_0, %c0_i32 : i32, i32
  }
}

module attributes {stable_mosaic.version = 14 : i64} {
  func.func @_tc_pool(%arg0: i32, %arg1: memref<1024x128xf32, #tpu.memory_space<vmem>>, %arg2: memref<1024x128xf32, #tpu.memory_space<vmem>>, %arg3: memref<1024x128xf32, #tpu.memory_space<vmem>>, %arg4: memref<1024x1xf32, #tpu.memory_space<vmem>>, %arg5: memref<1x128xf32, #tpu.memory_space<vmem>>, %arg6: memref<64x128xf32, #tpu.memory_space<vmem>>, %arg7: memref<64x128xf32, #tpu.memory_space<vmem>>, %arg8: memref<1x1024xi32, #tpu.memory_space<vmem>>, %arg9: memref<384x10xf32, #tpu.memory_space<vmem>>, %arg10: memref<1x10xf32, #tpu.memory_space<vmem>>, %arg11: memref<64x10xf32, #tpu.memory_space<vmem>>, %arg12: memref<64x128xf32, #tpu.memory_space<vmem>>, %arg13: memref<64x1xf32, #tpu.memory_space<vmem>>) attributes {dimension_semantics = [#tpu.dimension_semantics<arbitrary>], iteration_bounds = array<i64: 10>, scalar_prefetch = 0 : i64, scratch_operands = 2 : i64, tpu.core_type = #tpu.core_type<tc>, window_params = [{transform_indices = @transform_0, window_bounds = array<i64: 1024, 128>}, {transform_indices = @transform_1, window_bounds = array<i64: 1024, 128>}, {transform_indices = @transform_2, window_bounds = array<i64: 1024, 128>}, {transform_indices = @transform_3, window_bounds = array<i64: 1024, 1>}, {pipeline_mode = #tpu.pipeline_mode<synchronous>, transform_indices = @transform_4, window_bounds = array<i64: 1, 128>}, {pipeline_mode = #tpu.pipeline_mode<synchronous>, transform_indices = @transform_5, window_bounds = array<i64: 64, 128>}, {pipeline_mode = #tpu.pipeline_mode<synchronous>, transform_indices = @transform_6, window_bounds = array<i64: 64, 128>}, {transform_indices = @transform_7, window_bounds = array<i64: 1, 1024>}, {pipeline_mode = #tpu.pipeline_mode<synchronous>, transform_indices = @transform_8, window_bounds = array<i64: 384, 10>}, {pipeline_mode = #tpu.pipeline_mode<synchronous>, transform_indices = @transform_9, window_bounds = array<i64: 1, 10>}, {pipeline_mode = #tpu.pipeline_mode<synchronous>, transform_indices = @transform_10, window_bounds = array<i64: 64, 10>}]} {
    %get3A = arith.constant 0 : index
    %get3A_0 = arith.constant 0 : index
    %get3A_1 = vector.load %arg4[%get3A, %get3A_0] : memref<1024x1xf32, #tpu.memory_space<vmem>>, vector<1024x1xf32>
    %get3A_2 = arith.constant 0 : index
    %get3A_3 = arith.constant 0 : index
    %get3A_4 = vector.load %arg1[%get3A_2, %get3A_3] : memref<1024x128xf32, #tpu.memory_space<vmem>>, vector<1024x128xf32>
    %get3A_5 = arith.constant 0 : index
    %get3A_6 = arith.constant 0 : index
    %get3A_7 = vector.load %arg2[%get3A_5, %get3A_6] : memref<1024x128xf32, #tpu.memory_space<vmem>>, vector<1024x128xf32>
    %add3A = arith.addf %get3A_4, %get3A_7 : vector<1024x128xf32>
    %get3A_8 = arith.constant 0 : index
    %get3A_9 = arith.constant 0 : index
    %get3A_10 = vector.load %arg3[%get3A_8, %get3A_9] : memref<1024x128xf32, #tpu.memory_space<vmem>>, vector<1024x128xf32>
    %add3A_11 = arith.addf %add3A, %get3A_10 : vector<1024x128xf32>
    %mul3A = vector.broadcast %get3A_1 : vector<1024x1xf32> to vector<1024x128xf32>
    %mul3A_12 = arith.mulf %mul3A, %add3A_11 : vector<1024x128xf32>
    %get3A_13 = arith.constant 0 : index
    %get3A_14 = arith.constant 0 : index
    %get3A_15 = vector.load %arg5[%get3A_13, %get3A_14] : memref<1x128xf32, #tpu.memory_space<vmem>>, vector<1x128xf32>
    %add3A_16 = vector.broadcast %get3A_15 : vector<1x128xf32> to vector<1024x128xf32>
    %add3A_17 = arith.addf %mul3A_12, %add3A_16 : vector<1024x128xf32>
    %max3A = arith.constant 0.000000e+00 : f32
    %max3A_18 = vector.broadcast %max3A : f32 to vector<1024x128xf32>
    %max3A_19 = arith.maximumf %add3A_17, %max3A_18 : vector<1024x128xf32>
    %iota3A = tpu.iota {dimensions = array<i32: 0>} : vector<64x1024xi32>
    %get3A_20 = arith.constant 0 : index
    %get3A_21 = arith.constant 0 : index
    %get3A_22 = vector.load %arg8[%get3A_20, %get3A_21] : memref<1x1024xi32, #tpu.memory_space<vmem>>, vector<1x1024xi32>
    %eq3A = vector.broadcast %get3A_22 : vector<1x1024xi32> to vector<64x1024xi32>
    %eq3A_23 = arith.cmpi eq, %iota3A, %eq3A : vector<64x1024xi32>
    %convert_element_type3A = arith.extui %eq3A_23 : vector<64x1024xi1> to vector<64x1024xi32>
    %convert_element_type3A_24 = arith.sitofp %convert_element_type3A : vector<64x1024xi32> to vector<64x1024xf32>
    %dot_general3A = arith.constant dense<0.000000e+00> : vector<64x128xf32>
    %dot_general3A_25 = tpu.matmul %convert_element_type3A_24, %max3A_19, %dot_general3A {dimension_numbers = #tpu.dot_dimension_numbers<[1], [0], [0], [1], [0, 0, 1, 1], [], []>, transpose_lhs_hint = false} : vector<64x1024xf32>, vector<1024x128xf32>, vector<64x128xf32> -> vector<64x128xf32>
    %reduce_sum3A = arith.constant dense<0.000000e+00> : vector<64xf32>
    %reduce_sum3A_26 = vector.multi_reduction <add>, %convert_element_type3A_24, %reduce_sum3A [1] : vector<64x1024xf32> to vector<64xf32>
    %broadcast_in_dim3A = vector.shape_cast %reduce_sum3A_26 : vector<64xf32> to vector<64x1xf32>
    %eq3A_27 = arith.constant 0 : i32
    %eq3A_28 = arith.cmpi eq, %arg0, %eq3A_27 : i32
    %convert_element_type3A_29 = arith.extui %eq3A_28 : i1 to i32
    %cond3A = arith.constant 0 : i32
    %cond3A_30 = arith.cmpi ne, %convert_element_type3A_29, %cond3A : i32
    scf.if %cond3A_30 {
      %swap3A = arith.constant 0 : index
      %swap3A_40 = arith.constant 0 : index
      %swap3A_41 = vector.load %arg12[%swap3A, %swap3A_40] : memref<64x128xf32, #tpu.memory_space<vmem>>, vector<64x128xf32>
      tpu.vector_store %arg12[%swap3A, %swap3A_40], %dot_general3A_25 {strides = array<i32>} : memref<64x128xf32, #tpu.memory_space<vmem>>, vector<64x128xf32>,
      %swap3A_42 = arith.constant 0 : index
      %swap3A_43 = arith.constant 0 : index
      %swap3A_44 = vector.load %arg13[%swap3A_42, %swap3A_43] : memref<64x1xf32, #tpu.memory_space<vmem>>, vector<64x1xf32>
      tpu.vector_store %arg13[%swap3A_42, %swap3A_43], %broadcast_in_dim3A {strides = array<i32>} : memref<64x1xf32, #tpu.memory_space<vmem>>, vector<64x1xf32>,
    } else {
    }
    %gt3A = arith.constant 0 : i32
    %gt3A_31 = arith.cmpi sgt, %arg0, %gt3A : i32
    %convert_element_type3A_32 = arith.extui %gt3A_31 : i1 to i32
    %cond3A_33 = arith.constant 0 : i32
    %cond3A_34 = arith.cmpi ne, %convert_element_type3A_32, %cond3A_33 : i32
    scf.if %cond3A_34 {
      %get3A_40 = arith.constant 0 : index
      %get3A_41 = arith.constant 0 : index
      %get3A_42 = vector.load %arg12[%get3A_40, %get3A_41] : memref<64x128xf32, #tpu.memory_space<vmem>>, vector<64x128xf32>
      %add3A_43 = arith.addf %get3A_42, %dot_general3A_25 : vector<64x128xf32>
      %swap3A = arith.constant 0 : index
      %swap3A_44 = arith.constant 0 : index
      %swap3A_45 = vector.load %arg12[%swap3A, %swap3A_44] : memref<64x128xf32, #tpu.memory_space<vmem>>, vector<64x128xf32>
      tpu.vector_store %arg12[%swap3A, %swap3A_44], %add3A_43 {strides = array<i32>} : memref<64x128xf32, #tpu.memory_space<vmem>>, vector<64x128xf32>,
      %get3A_46 = arith.constant 0 : index
      %get3A_47 = arith.constant 0 : index
      %get3A_48 = vector.load %arg13[%get3A_46, %get3A_47] : memref<64x1xf32, #tpu.memory_space<vmem>>, vector<64x1xf32>
      %add3A_49 = arith.addf %get3A_48, %broadcast_in_dim3A : vector<64x1xf32>
      %swap3A_50 = arith.constant 0 : index
      %swap3A_51 = arith.constant 0 : index
      %swap3A_52 = vector.load %arg13[%swap3A_50, %swap3A_51] : memref<64x1xf32, #tpu.memory_space<vmem>>, vector<64x1xf32>
      tpu.vector_store %arg13[%swap3A_50, %swap3A_51], %add3A_49 {strides = array<i32>} : memref<64x1xf32, #tpu.memory_space<vmem>>, vector<64x1xf32>,
    } else {
    }
    %eq3A_35 = arith.constant 9 : i32
    %eq3A_36 = arith.cmpi eq, %arg0, %eq3A_35 : i32
    %convert_element_type3A_37 = arith.extui %eq3A_36 : i1 to i32
    %cond3A_38 = arith.constant 0 : i32
    %cond3A_39 = arith.cmpi ne, %convert_element_type3A_37, %cond3A_38 : i32
    scf.if %cond3A_39 {
      %get3A_40 = arith.constant 0 : index
      %get3A_41 = arith.constant 0 : index
      %get3A_42 = vector.load %arg6[%get3A_40, %get3A_41] : memref<64x128xf32, #tpu.memory_space<vmem>>, vector<64x128xf32>
      %get3A_43 = arith.constant 0 : index
      %get3A_44 = arith.constant 0 : index
      %get3A_45 = vector.load %arg7[%get3A_43, %get3A_44] : memref<64x128xf32, #tpu.memory_space<vmem>>, vector<64x128xf32>
      %get3A_46 = arith.constant 0 : index
      %get3A_47 = arith.constant 0 : index
      %get3A_48 = vector.load %arg12[%get3A_46, %get3A_47] : memref<64x128xf32, #tpu.memory_space<vmem>>, vector<64x128xf32>
      %concatenate3A = tpu.concatenate %get3A_42, %get3A_45, %get3A_48 in 1 : vector<64x128xf32>, vector<64x128xf32>, vector<64x128xf32> -> vector<64x384xf32>
      %get3A_49 = arith.constant 0 : index
      %get3A_50 = arith.constant 0 : index
      %get3A_51 = vector.load %arg13[%get3A_49, %get3A_50] : memref<64x1xf32, #tpu.memory_space<vmem>>, vector<64x1xf32>
      %max3A_52 = arith.constant 1.000000e+00 : f32
      %max3A_53 = vector.broadcast %max3A_52 : f32 to vector<64x1xf32>
      %max3A_54 = arith.maximumf %get3A_51, %max3A_53 : vector<64x1xf32>
      %div3A = vector.broadcast %max3A_54 : vector<64x1xf32> to vector<64x384xf32>
      %div3A_55 = arith.divf %concatenate3A, %div3A : vector<64x384xf32>
      %get3A_56 = arith.constant 0 : index
      %get3A_57 = arith.constant 0 : index
      %get3A_58 = vector.load %arg9[%get3A_56, %get3A_57] : memref<384x10xf32, #tpu.memory_space<vmem>>, vector<384x10xf32>
      %dot_general3A_59 = arith.constant dense<0.000000e+00> : vector<64x10xf32>
      %dot_general3A_60 = tpu.matmul %div3A_55, %get3A_58, %dot_general3A_59 {dimension_numbers = #tpu.dot_dimension_numbers<[1], [0], [0], [1], [0, 0, 1, 1], [], []>, transpose_lhs_hint = false} : vector<64x384xf32>, vector<384x10xf32>, vector<64x10xf32> -> vector<64x10xf32>
      %get3A_61 = arith.constant 0 : index
      %get3A_62 = arith.constant 0 : index
      %get3A_63 = vector.load %arg10[%get3A_61, %get3A_62] : memref<1x10xf32, #tpu.memory_space<vmem>>, vector<1x10xf32>
      %add3A_64 = vector.broadcast %get3A_63 : vector<1x10xf32> to vector<64x10xf32>
      %add3A_65 = arith.addf %dot_general3A_60, %add3A_64 : vector<64x10xf32>
      %reduce_max3A = arith.constant dense<0xFF800000> : vector<64xf32>
      %reduce_max3A_66 = vector.multi_reduction <maximumf>, %add3A_65, %reduce_max3A [1] : vector<64x10xf32> to vector<64xf32>
      %broadcast_in_dim3A_67 = vector.shape_cast %reduce_max3A_66 : vector<64xf32> to vector<64x1xf32>
      %sub3A = vector.broadcast %broadcast_in_dim3A_67 : vector<64x1xf32> to vector<64x10xf32>
      %sub3A_68 = arith.subf %add3A_65, %sub3A : vector<64x10xf32>
      %exp3A = math.exp %sub3A_68 : vector<64x10xf32>
      %reduce_sum3A_69 = arith.constant dense<0.000000e+00> : vector<64xf32>
      %reduce_sum3A_70 = vector.multi_reduction <add>, %exp3A, %reduce_sum3A_69 [1] : vector<64x10xf32> to vector<64xf32>
      %broadcast_in_dim3A_71 = vector.shape_cast %reduce_sum3A_70 : vector<64xf32> to vector<64x1xf32>
      %log3A = math.log %broadcast_in_dim3A_71 : vector<64x1xf32>
      %add3A_72 = arith.addf %log3A, %broadcast_in_dim3A_67 : vector<64x1xf32>
      %sub3A_73 = vector.broadcast %add3A_72 : vector<64x1xf32> to vector<64x10xf32>
      %sub3A_74 = arith.subf %add3A_65, %sub3A_73 : vector<64x10xf32>
      %swap3A = arith.constant 0 : index
      %swap3A_75 = arith.constant 0 : index
      %swap3A_76 = vector.load %arg11[%swap3A, %swap3A_75] : memref<64x10xf32, #tpu.memory_space<vmem>>, vector<64x10xf32>
      tpu.vector_store %arg11[%swap3A, %swap3A_75], %sub3A_74 {strides = array<i32>} : memref<64x10xf32, #tpu.memory_space<vmem>>, vector<64x10xf32>,
    } else {
    }
    return
  }
  func.func @transform_0(%arg0: i32) -> (i32, i32) {
    %add3A = arith.constant 0 : i32
    %add3A_0 = arith.addi %arg0, %add3A : i32
    %c0_i32 = arith.constant 0 : i32
    %c0_i32_1 = arith.constant 0 : i32
    return %add3A_0, %c0_i32 : i32, i32
  }
  func.func @transform_1(%arg0: i32) -> (i32, i32) {
    %add3A = arith.constant 10 : i32
    %add3A_0 = arith.addi %arg0, %add3A : i32
    %c0_i32 = arith.constant 0 : i32
    %c0_i32_1 = arith.constant 0 : i32
    return %add3A_0, %c0_i32 : i32, i32
  }
  func.func @transform_2(%arg0: i32) -> (i32, i32) {
    %add3A = arith.constant 0 : i32
    %add3A_0 = arith.addi %arg0, %add3A : i32
    %c0_i32 = arith.constant 0 : i32
    %c0_i32_1 = arith.constant 0 : i32
    return %add3A_0, %c0_i32 : i32, i32
  }
  func.func @transform_3(%arg0: i32) -> (i32, i32) {
    %c0_i32 = arith.constant 0 : i32
    %c0_i32_0 = arith.constant 0 : i32
    return %arg0, %c0_i32 : i32, i32
  }
  func.func @transform_4(%arg0: i32) -> (i32, i32) {
    %c0_i32 = arith.constant 0 : i32
    %c0_i32_0 = arith.constant 0 : i32
    %c0_i32_1 = arith.constant 0 : i32
    return %c0_i32, %c0_i32_0 : i32, i32
  }
  func.func @transform_5(%arg0: i32) -> (i32, i32) {
    %c0_i32 = arith.constant 0 : i32
    %c0_i32_0 = arith.constant 0 : i32
    %c0_i32_1 = arith.constant 0 : i32
    return %c0_i32, %c0_i32_0 : i32, i32
  }
  func.func @transform_6(%arg0: i32) -> (i32, i32) {
    %c0_i32 = arith.constant 0 : i32
    %c0_i32_0 = arith.constant 0 : i32
    %c0_i32_1 = arith.constant 0 : i32
    return %c0_i32, %c0_i32_0 : i32, i32
  }
  func.func @transform_7(%arg0: i32) -> (i32, i32) {
    %c0_i32 = arith.constant 0 : i32
    %c0_i32_0 = arith.constant 0 : i32
    return %c0_i32, %arg0 : i32, i32
  }
  func.func @transform_8(%arg0: i32) -> (i32, i32) {
    %c0_i32 = arith.constant 0 : i32
    %c0_i32_0 = arith.constant 0 : i32
    %c0_i32_1 = arith.constant 0 : i32
    return %c0_i32, %c0_i32_0 : i32, i32
  }
  func.func @transform_9(%arg0: i32) -> (i32, i32) {
    %c0_i32 = arith.constant 0 : i32
    %c0_i32_0 = arith.constant 0 : i32
    %c0_i32_1 = arith.constant 0 : i32
    return %c0_i32, %c0_i32_0 : i32, i32
  }
  func.func @transform_10(%arg0: i32) -> (i32, i32) {
    %c0_i32 = arith.constant 0 : i32
    %c0_i32_0 = arith.constant 0 : i32
    %c0_i32_1 = arith.constant 0 : i32
    return %c0_i32, %c0_i32_0 : i32, i32
  }
}

</mosaic_0001>

<sc_bundles>
// kernel: kernel.13.cloned.1.call-start
scs
__scs_entry_jumppad:
0x0: {  	(pc) =	sbr.rel $0x88, $3  }
0x1: {  	(tag) =	ssettag $0x0;
	lr =	simm.s32 $0x1  }
0x2: {  	[smem:$0x3F94] =	sst lr;
	_ =	strace $0xD0000000  }
0x3: {  	_ = 	snop  }
0x4: {  	_ = 	snop  }
0x5: {  	_ = 	snop  }
0x6: {  	_ = 	snop  }
0x7: {  	_ = 	snop  }
__scs_overlays_trampoline_lowered:
0x8: {  	[smem:$0x3FA3] =	sst s0  }
0x9: {  	[smem:$0x3FA4] =	sst s1  }
0xa: {  	[smem:$0x3FA5] =	sst s2  }
0xb: {  	[smem:$0x3FA6] =	sst s3  }
0xc: {  	[smem:$0x3FA7] =	sst s4  }
0xd: {  	[smem:$0x3FA8] =	sst s5  }
0xe: {  	[smem:$0x3FA9] =	sst s6  }
0xf: {  	[smem:$0x3FAA] =	sst s7  }
0x10: {  	[smem:$0x3FAB] =	sst s8  }
0x11: {  	[smem:$0x3FAC] =	sst s9;
	s0 =	simm.s32 @!p0 $0x0  }
0x12: {  	s1 =	sld [smem:$0x3F92];
	s0 =	simm.s32 @p0 $0x1  }
0x13: {  	[smem:$0x3FAD] =	sst s0;
	s0 =	simm.s32 @!p1 $0x0  }
0x14: {  	s2 =	sld [smem:$0x3F91];
	s0 =	simm.s32 @p1 $0x1  }
0x15: {  	[smem:$0x3FAE] =	sst s0;
	s0 =	simm.s32 @!p2 $0x0  }
0x16: {  	s3 =	sld [smem:$0x3FDB];
	s0 =	simm.s32 @p2 $0x1  }
0x17: {  	s4 =	simm.s32 $0x1BF5;
	[smem:$0x3FB0] =	sst s0  }
0x18: {  	s0 =	sld [smem:$0x3F93];
	_ =	swait.ge [sflag:s4], $0x0  }
0x19: {  	s7 =	sld [smem:$0x3F94]  }
0x1a: {  	s8 =	sadd.s32 $0xFFFFE003, lr  }
0x1b: {  	s9 =	sadd.s32 $0xFFFFFEF7, lr;
	s5 =	simm.s32 $0xFFFFFFFF;
	p2 =	slt.u32 s8, $0xFFFFF086  }
0x1c: {  	p1 =	slt.u32 s9, $0xF7A;
	s5 =	simm.s32 @!p2 $0x0  }
0x1d: {  	s5 =	simm.s32 @p1 $0x1;
	p0 =	seq.s32 s7, s2  }
0x1e: {  	s7 =	smul.u32 @!p0 $0xF7A, s2;
	p2 =	seq.s32 @!p0 s5, $0x0  }
0x1f: {  	s9 =	smul.u32 $0xF7A, s1;
	s8 =	simm.s32 @!p0 $0x1BF5;
	p2 =	por !p2, p0  }
0x20: {  	[sflag:s8] =	ssyncset.s32 @!p0 $0xFFFFF086;
	s6 =	sadd.s32 @!p0 s3, s7;
	s7 =	simm.s32 @!p0 $0x108  }
0x21: {  	s3 =	sadd.s32 s3, s9;
	s6 =	sadd.s32 @!p0 $0x88, s6;
	s7 =	simm.s32 @p2 $0x1082  }
0x22: {  	[simem:s7], [sflag:s8] =	dma.local @!p0 [hbm:s6], $0xF7A  }
0x23: {  	s9 =	sor.u32 $0xD0000000, s2;
	s6 =	simm.s32 $0x108;
	_ =	swait.ge @!p0 [sflag:s8], $0x0  }
0x24: {  	s3 =	sadd.s32 $0x88, s3;
	s6 =	simm.s32 @!p1 $0x1082;
	[sflag:s4] =	ssyncset.s32 $0xFFFFF086  }
0x25: {  	[simem:s6], [sflag:s4] =	dma.local [hbm:s3], $0xF7A  }
0x26: {  	[smem:$0x3F94] =	sst s1;
	(tag) =	ssettag s2;
	_ =	strace s9  }
0x27: {  	s1 =	sld [smem:$0x3FA4]  }
0x28: {  	s2 =	sld [smem:$0x3FA5]  }
0x29: {  	s4 =	sld [smem:$0x3FA7]  }
0x2a: {  	p0 =	seq.s32 s5, $0x0;
	s5 =	sld [smem:$0x3FA8]  }
0x2b: {  	s6 =	sld [smem:$0x3FA9]  }
0x2c: {  	s7 =	sld [smem:$0x3FAA]  }
0x2d: {  	s3 =	simm.s32 $0x108;
	s8 =	sld [smem:$0x3FAB]  }
0x2e: {  	s3 =	simm.s32 @!p0 $0x1082;
	s9 =	sld [smem:$0x3FAC]  }
0x2f: {  	lr =	sadd.s32 s0, s3;
	s0 =	sld [smem:$0x3FA3]  }
0x30: {  	s3 =	sld [smem:$0x3FA6]  }
0x31: {  	[smem:$0x3FAF] =	sst s10  }
0x32: {  	s10 =	sld [smem:$0x3FAD];
	_ =	sdelay $0x3  }
0x33: {  	p0 =	seq.s32 s10, $0x1;
	s10 =	sld [smem:$0x3FAF];
	_ =	sdelay $0x3  }
0x34: {  	[smem:$0x3FAF] =	sst s10  }
0x35: {  	s10 =	sld [smem:$0x3FAE];
	_ =	sdelay $0x3  }
0x36: {  	p1 =	seq.s32 s10, $0x1;
	s10 =	sld [smem:$0x3FAF];
	_ =	sdelay $0x3  }
0x37: {  	[smem:$0x3FAF] =	sst s10  }
0x38: {  	s10 =	sld [smem:$0x3FB0]  }
0x39: {  	_ = 	snop;
	(pc) =	sbr.ind lr, $3  }
0x3a: {  	_ = 	snop  }
0x3b: {  	_ = 	snop  }
0x3c: {  	p2 =	seq.s32 s10, $0x1;
	s10 =	sld [smem:$0x3FAF]  }
0x3d: {  	_ =	shalt  }
0x3e: {  	_ =	shalt  }
0x3f: {  	_ =	shalt  }
0x40: {  	_ =	shalt  }
0x41: {  	_ =	shalt  }
0x42: {  	_ =	shalt  }
0x43: {  	_ =	shalt  }
0x44: {  	_ =	shalt  }
0x45: {  	_ =	shalt  }
0x46: {  	_ =	shalt  }
0x47: {  	_ =	shalt  }
0x48: {  	_ =	shalt  }
0x49: {  	_ =	shalt  }
0x4a: {  	_ =	shalt  }
0x4b: {  	_ =	shalt  }
0x4c: {  	_ =	shalt  }
0x4d: {  	_ =	shalt  }
0x4e: {  	_ =	shalt  }
0x4f: {  	_ =	shalt  }
0x50: {  	_ =	shalt  }
0x51: {  	_ =	shalt  }
0x52: {  	_ =	shalt  }
0x53: {  	_ =	shalt  }
0x54: {  	_ =	shalt  }
0x55: {  	_ =	shalt  }
0x56: {  	_ =	shalt  }
0x57: {  	_ =	shalt  }
0x58: {  	_ =	shalt  }
0x59: {  	_ =	shalt  }
0x5a: {  	_ =	shalt  }
0x5b: {  	_ =	shalt  }
0x5c: {  	_ =	shalt  }
0x5d: {  	_ =	shalt  }
0x5e: {  	_ =	shalt  }
0x5f: {  	_ =	shalt  }
0x60: {  	_ =	shalt  }
0x61: {  	_ =	shalt  }
0x62: {  	_ =	shalt  }
0x63: {  	_ =	shalt  }
0x64: {  	_ =	shalt  }
0x65: {  	_ =	shalt  }
0x66: {  	_ =	shalt  }
0x67: {  	_ =	shalt  }
0x68: {  	_ =	shalt  }
0x69: {  	_ =	shalt  }
0x6a: {  	_ =	shalt  }
0x6b: {  	_ =	shalt  }
0x6c: {  	_ =	shalt  }
0x6d: {  	_ =	shalt  }
0x6e: {  	_ =	shalt  }
0x6f: {  	_ =	shalt  }
0x70: {  	_ =	shalt  }
0x71: {  	_ =	shalt  }
0x72: {  	_ =	shalt  }
0x73: {  	_ =	shalt  }
0x74: {  	_ =	shalt  }
0x75: {  	_ =	shalt  }
0x76: {  	_ =	shalt  }
0x77: {  	_ =	shalt  }
0x78: {  	_ =	shalt  }
0x79: {  	_ =	shalt  }
0x7a: {  	_ =	shalt  }
0x7b: {  	_ =	shalt  }
0x7c: {  	_ =	shalt  }
0x7d: {  	_ =	shalt  }
0x7e: {  	_ =	shalt  }
0x7f: {  	_ =	shalt  }
0x80: {  	_ =	shalt  }
0x81: {  	_ =	shalt  }
0x82: {  	_ =	shalt  }
0x83: {  	_ =	shalt  }
0x84: {  	_ =	shalt  }
0x85: {  	_ =	shalt  }
0x86: {  	_ =	shalt  }
0x87: {  	_ =	shalt  }
.Lfunc_end0:
.L_simem_size_0:
called_computation_lowered:
.L_overlay_start_0:
0x88: {  	s2 =	sld [smem:$0x3FD9]  }
0x89: {  	s3 =	sld [smem:$0x3FFE];
	_ =	sdelay $0x1  }
0x8a: {  	s1 =	srdreg.scid  }
0x8b: {  	s0 =	sand.u32 $0x1, s1  }
0x8c: {  	s16 =	sshll.u32 s0, $0xA;
	s2 =	sadd.s32 s3, s2  }
0x8d: {  	s2 =	sadd.s32 s2, s16  }
0x8e: {  	[smem:$0x3FBB] =	sst s2  }
0x8f: {  	_ = 	snop  }
0x90: {  	(tm) =	ssettm $0x1  }
0x91: {  	s17 =	sld [smem:$0x3FFB];
	_ =	sdelay $0x3  }
0x92: {  	_ =	strace s17  }
0x93: {  	s2 =	sld [smem:$0x3FFC];
	_ =	sdelay $0x3  }
0x94: {  	_ =	strace s2  }
0x95: {  	s2 =	sld [smem:$0x3FFD];
	_ =	sdelay $0x3  }
0x96: {  	_ =	strace s2  }
0x97: {  	_ =	strace $0x8FFFFFFF  }
0x98: {  	s18 =	sld [smem:$0x3FDB];
	_ =	sdelay $0x1  }
0x99: {  	s19 =	simm.s32 $_scs_section_size  }
0x9a: {  	s4 =	simm.s32 $_size__tile_overlayer_lowered;
	s5 =	simm.s32 $_tile_overlayer_lowered  }
0x9b: {  	s22 =	simm.s32 $0x1BFF;
	s21 =	sshll.u32 s5, $0x1;
	s2 =	sadd.s32 s19, s18  }
0x9c: {  	s6 =	simm.s32 $0x0;
	s20 =	sshll.u32 s4, $0x1;
	s4 =	sadd.s32 s21, s2  }
0x9d: {  	[timem:s6], [sflag:s22] =	dma.local [hbm:s4], s20  }
0x9e: {  	_ =	swait.ge [sflag:s22], s20  }
0x9f: {  	s3 =	ssub.s32 $0x0, s20;
	[sflag:s22] =	ssyncset.done $0x0  }
0xa0: {  	[sflag:s22] =	ssyncadd.s32 s3;
	_ =	sdelay $0x1  }
0xa1: {  	s23 =	simm.s32 $0x1B8B  }
0xa2: {  	_ =	swait.ge [sflag:s23], $0x1  }
0xa3: {  	[sflag:s23] =	ssyncset.done $0x0  }
0xa4: {  	s25 =	simm.s32 $0x1B8E;
	s24 =	sld [smem:$0x3FFE];
	[sflag:s23] =	ssyncadd.s32 $0xFFFFFFFF  }
0xa5: {  	s26 =	simm.s32 $execute0_lowered;
	[smem:$0x3FD2] =	sst s25  }
0xa6: {  	s4 =	sshll.u32 s26, $0x1;
	_ =	strace $0x80000046;
	[dreg:$0x1] =	wrdreg $0xFFFFFFFF  }
0xa7: {  	s28 =	simm.s32 $_size_execute0_lowered;
	s2 =	sadd.s32 s2, s4;
	[dreg:$0x0] =	wrdreg $0x0  }
0xa8: {  	s4 =	sshll.u32 s28, $0x1;
	[dreg:$0x2] =	wrdreg s2  }
0xa9: {  	[dreg:$0x3] =	wrdreg s4  }
0xaa: {  	[dreg:$0x4] =	wrdreg $0xC0  }
0xab: {  	_ =	task [dreg:s6], $0x5FFFF  }
0xac: {  	[dreg:$0x1] =	wrdreg $0xFFFFFFFF  }
0xad: {  	[dreg:$0x0] =	wrdreg $0x60  }
0xae: {  	[dreg:$0x2] =	wrdreg s24  }
0xaf: {  	[dreg:$0x3] =	wrdreg $0x68000  }
0xb0: {  	[dreg:$0x4] =	wrdreg $0x9  }
0xb1: {  	_ =	task.clear_ibuf [dreg:s6], $0x5FFFF;
	_ =	strace $0x90000046  }
0xb2: {  	s29 =	simm.s32 $0x9;
	_ =	strace $0x80000048  }
0xb3: {  	_ =	swait.ge [sflag:s29], $0x1  }
0xb4: {  	[sflag:s29] =	ssyncadd.s32 $0xFFFFFFFF  }
0xb5: {  	_ =	strace $0x90000048  }
0xb6: {  	_ =	sfence  }
0xb7: {  	s30 =	sld [smem:$0x0];
	_ =	sdelay $0x2  }
0xb8: {  	s31 =	sshll.u32 s1, $0xD;
	s1 =	sshrl.u32 s1, $0x2  }
0xb9: {  	s3 =	sand.u32 $0x4000, s31;
	s1 =	sadd.s32 s1, s30  }
0xba: {  	s0 =	sor.u32 s3, s0;
	s1 =	sshll.u32 s1, $0x11  }
0xbb: {  	s0 =	sor.u32 s1, s0  }
0xbc: {  	s0 =	sadd.s32 $0x8F2B, s0  }
0xbd: {  	[sflag:s0] =	ssyncadd.remote.s32 $0x1  }
0xbe: {  	_ =	sfence.sel $0xFFFF  }
0xbf: {  	[dreg:$0x0] =	wrdreg $0xFFFFFFFF;
	(pc) =	sbr.abs _section_cstart, $3  }
0xc0: {  	[dreg:$0x1] =	wrdreg $0xFFFFFFFF  }
0xc1: {  	_ =	task.clear_ibuf [dreg:s6], $0x2FFFF;
	_ =	strace $0x9FFFFFFF  }
0xc2: {  	(tm) =	ssettm $0x7FFFFFFF  }
0xc3: {  	_ =	shalt  }
tec
execute0_lowered:
.L_overlay_start_1:
0x0: {  	(tag) =	ssettag $0x1  }
0x1: {  	s1 =	srdreg.scid  }
0x2: {  	s0 =	stileid.u32;
	s5 =	rddreg [dreg:$0x0]  }
0x3: {  	s2 =	rddreg [dreg:$0x1];
	s3 =	simm.s32 $0x0;
	s12 =	simm.s32 $0x3  }
0x4: {  	s13 =	simm.s32 $0x2800;
	s14 =	simm.s32 $0x80;
	s15 =	simm.s32 $0x1  }
0x5: {  	s16 =	simm.s32 $0x2;
	s19 =	simm.s32 $0x0;
	s4 =	sand.u32 $0x1, s1  }
0x6: {  	s29 =	sshll.u32 s0, $0x1;
	s7 =	smul.u32 $0x2780, s0;
	[smem:$0x7FF] =	sst s3  }
0x7: {  	s9 =	smul.u32 $0x4F000, s0;
	s17 =	sshll.u32 s0, $0x6;
	s1 =	sor.u32 s4, s29  }
0x8: {  	s8 =	smul.u32 $0x28000, s4;
	s4 =	ssub.s32 $0x2, s4;
	s17 =	sor.u32 $0x1C03, s17  }
0x9: {  	s6 =	smul.u32 $0x500, s1;
	s1 =	rddreg [dreg:$0x2];
	_ =	strace $0x80000047  }
0xa: {  	s30 =	sshrl.u32 s4, $0x1;
	s31 =	sshrl.u32 s9, $0x2;
	s7 =	sadd.s32 s7, s8  }
0xb: {  	s11 =	ssub.s32 s4, s30;
	s6 =	sadd.s32 s6, s5;
	s10 =	sadd.s32 s7, s5  }
0xc: {  	s5 =	sadd.s32 s31, s2;
	s11 =	smax.u32 s11, $0x1;
	s4 =	sadd.s32 $0x5600, s6  }
0xd: {  	s6 =	sadd.s32 $0x4000, s5;
	s7 =	sadd.s32 $0x8000, s5;
	s8 =	sadd.s32 $0xC000, s5  }
0xe: {  	v0 =	vimm.f32 $0.0e+00;
	v1 =	vimm.f32 $1.000000000e+00;
	s9 =	sadd.s32 $0x10000, s5;
	s10 =	sadd.s32 $0x19600, s10;
	s18 =	sshrl.u32 s5, $0x3  }
.LBB2_1:
0xf: {  	[tilespmem:s3], [sflag:$0x3] =	stream.linear.gather [hbm4b:s4+s3], $0x2800, $0x38;
	[tilespmem:$0x1A400] =	vst v63  }
0x10: {  	_ =	swait.ge [sflag:s12], $0x2800  }
0x11: {  	[sflag:s12] =	ssyncset.done $0x0  }
0x12: {  	s20 =	simm.s32 $0x0;
	s21 =	simm.s32 $0x200;
	[sflag:s12] =	ssyncadd.s32 $0xFFFFD800  }
.LBB2_2:
0x13: {  	p0 =	sne.s32 s21, $0xFE00;
	[tilespmem:s20+$0x2870] =	vst v0  }
0x14: {  	[tilespmem:s20+$0x2800] =	vst v0  }
0x15: {  	[tilespmem:s20+$0x2810] =	vst v0  }
.Ltmp0:
0x16: {  	[tilespmem:s20+$0x2820] =	vst v0;
	(pc) =	sbr.rel @p0 .LBB2_2-.Ltmp0, $4  }
0x17: {  	[tilespmem:s20+$0x2830] =	vst v0  }
0x18: {  	[tilespmem:s20+$0x2840] =	vst v0  }
0x19: {  	[tilespmem:s20+$0x2850] =	vst v0  }
0x1a: {  	[tilespmem:s20+$0x2860] =	vst v0;
	s20 =	sshra.s32 s21, $0x2;
	s21 =	sadd.s32 $0x200, s21  }
0x1b: {  	[tilespmem:s20+$0x2870] =	vst v0  }
0x1c: {  	[tilespmem:s20+$0x2800] =	vst v0  }
0x1d: {  	[tilespmem:s20+$0x2810] =	vst v0  }
0x1e: {  	[tilespmem:s20+$0x2820] =	vst v0  }
0x1f: {  	[tilespmem:s20+$0x2830] =	vst v0  }
0x20: {  	[tilespmem:s20+$0x2840] =	vst v0  }
0x21: {  	[tilespmem:s20+$0x2850] =	vst v0  }
0x22: {  	[tilespmem:s20+$0x2860] =	vst v0  }
0x23: {  	[spmem:s5] =	stream.linear.scatter [tilespmem:s13], [sflag:$0x3], $0x4000, $0x38;
	[tilespmem:$0x1A400] =	vst v63  }
0x24: {  	_ =	swait.ge [sflag:s12], $0x4000  }
0x25: {  	[sflag:s12] =	ssyncset.done $0x0  }
0x26: {  	[sflag:s12] =	ssyncadd.s32 $0xFFFFC000  }
0x27: {  	[spmem:s6] =	stream.linear.scatter [tilespmem:s13], [sflag:$0x3], $0x4000, $0x38;
	[tilespmem:$0x1A400] =	vst v63  }
0x28: {  	_ =	swait.ge [sflag:s12], $0x4000  }
0x29: {  	[sflag:s12] =	ssyncset.done $0x0  }
0x2a: {  	[sflag:s12] =	ssyncadd.s32 $0xFFFFC000  }
0x2b: {  	[spmem:s7] =	stream.linear.scatter [tilespmem:s13], [sflag:$0x3], $0x4000, $0x38;
	[tilespmem:$0x1A400] =	vst v63  }
0x2c: {  	_ =	swait.ge [sflag:s12], $0x4000  }
0x2d: {  	[sflag:s12] =	ssyncset.done $0x0  }
0x2e: {  	[sflag:s12] =	ssyncadd.s32 $0xFFFFC000  }
0x2f: {  	[spmem:s8] =	stream.linear.scatter [tilespmem:s13], [sflag:$0x3], $0x4000, $0x38;
	[tilespmem:$0x1A400] =	vst v63  }
0x30: {  	_ =	swait.ge [sflag:s12], $0x4000  }
0x31: {  	[sflag:s12] =	ssyncset.done $0x0  }
0x32: {  	[sflag:s12] =	ssyncadd.s32 $0xFFFFC000  }
0x33: {  	[spmem:s9] =	stream.linear.scatter [tilespmem:s13], [sflag:$0x3], $0x3C00, $0x38;
	[tilespmem:$0x1A400] =	vst v63  }
0x34: {  	_ =	swait.ge [sflag:s12], $0x3C00  }
0x35: {  	[sflag:s12] =	ssyncset.done $0x0  }
0x36: {  	[sflag:s12] =	ssyncadd.s32 $0xFFFFC400  }
0x37: {  	s20 =	simm.s32 $0x0;
	s21 =	simm.s32 $0x200;
	[bflag:$0x0] =	sbarrier.arrive $0xFFFF  }
.LBB2_4:
0x38: {  	p0 =	sne.s32 s21, $0xFE00;
	[tilespmem:s20+$0x2870] =	vst v1  }
0x39: {  	[tilespmem:s20+$0x2800] =	vst v1  }
0x3a: {  	[tilespmem:s20+$0x2810] =	vst v1  }
.Ltmp1:
0x3b: {  	[tilespmem:s20+$0x2820] =	vst v1;
	(pc) =	sbr.rel @p0 .LBB2_4-.Ltmp1, $4  }
0x3c: {  	[tilespmem:s20+$0x2830] =	vst v1  }
0x3d: {  	[tilespmem:s20+$0x2840] =	vst v1  }
0x3e: {  	[tilespmem:s20+$0x2850] =	vst v1  }
0x3f: {  	[tilespmem:s20+$0x2860] =	vst v1;
	s20 =	sshra.s32 s21, $0x2;
	s21 =	sadd.s32 $0x200, s21  }
0x40: {  	[tilespmem:s20+$0x2870] =	vst v1  }
0x41: {  	[tilespmem:s20+$0x2800] =	vst v1  }
0x42: {  	[tilespmem:s20+$0x2810] =	vst v1  }
0x43: {  	[tilespmem:s20+$0x2820] =	vst v1  }
0x44: {  	[tilespmem:s20+$0x2830] =	vst v1  }
0x45: {  	[tilespmem:s20+$0x2840] =	vst v1  }
0x46: {  	[tilespmem:s20+$0x2850] =	vst v1  }
0x47: {  	[tilespmem:s20+$0x2860] =	vst v1  }
0x48: {  	[spmem:s2] =	stream.indirect.scatter.add.f32 [tilespmem:s13], [sflag:$0x1], $0x80, s3, s14, $0xb8;
	[tilespmem:$0x1A400] =	vst v63  }
0x49: {  	_ = 	snop  }
0x4a: {  	[spmem:s2] =	stream.indirect.scatter.add.f32 [tilespmem:s13], [sflag:$0x2], $0x80, s14, s14, $0xb8;
	[tilespmem:$0x1A400] =	vst v63  }
0x4b: {  	_ =	swait.ge [sflag:s15], $0x4000  }
0x4c: {  	[sflag:s15] =	ssyncset.done $0x0  }
0x4d: {  	s31 =	simm.s32 $0x100;
	[sflag:s15] =	ssyncadd.s32 $0xFFFFC000  }
0x4e: {  	[spmem:s2] =	stream.indirect.scatter.add.f32 [tilespmem:s13], [sflag:$0x1], $0x80, s31, s14, $0xb8;
	[tilespmem:$0x1A400] =	vst v63  }
0x4f: {  	_ =	swait.ge [sflag:s16], $0x4000  }
0x50: {  	[sflag:s16] =	ssyncset.done $0x0  }
0x51: {  	s20 =	simm.s32 $0xFFFF6800;
	s21 =	simm.s32 $0x180;
	[sflag:s16] =	ssyncadd.s32 $0xFFFFC000  }
.LBB2_6:
0x52: {  	[spmem:s2] =	stream.indirect.scatter.add.f32 [tilespmem:s13], [sflag:$0x2], $0x80, s21, s14, $0xb8;
	[tilespmem:$0x1A400] =	vst v63  }
0x53: {  	s21 =	smov.u32 s20  }
0x54: {  	p0 =	sne.s32 s20, $0xFFFFFC00;
	s20 =	sadd.s32 $0x400, s20;
	_ =	swait.ge [sflag:s15], $0x4000  }
0x55: {  	s21 =	sshra.s32 s21, $0x2;
	[sflag:s15] =	ssyncset.done $0x0  }
.Ltmp2:
0x56: {  	s22 =	sadd.s32 $0x2800, s21;
	[sflag:s15] =	ssyncadd.s32 $0xFFFFC000;
	(pc) =	sbr.rel @p0 .LBB2_6-.Ltmp2, $4  }
0x57: {  	[spmem:s2] =	stream.indirect.scatter.add.f32 [tilespmem:s13], [sflag:$0x1], $0x80, s22, s14, $0xb8;
	[tilespmem:$0x1A400] =	vst v63  }
0x58: {  	_ =	swait.ge [sflag:s16], $0x4000  }
0x59: {  	[sflag:s16] =	ssyncset.done $0x0  }
0x5a: {  	s21 =	sadd.s32 $0x2880, s21;
	[sflag:s16] =	ssyncadd.s32 $0xFFFFC000  }
0x5b: {  	[spmem:s2] =	stream.indirect.scatter.add.f32 [tilespmem:s13], [sflag:$0x2], $0x80, s21, s14, $0xb8;
	[tilespmem:$0x1A400] =	vst v63  }
0x5c: {  	_ =	swait.ge [sflag:s15], $0x4000  }
0x5d: {  	[sflag:s15] =	ssyncset.done $0x0  }
0x5e: {  	[sflag:s15] =	ssyncadd.s32 $0xFFFFC000  }
0x5f: {  	_ =	swait.ge [sflag:s16], $0x4000  }
0x60: {  	s19 =	sadd.s32 $0x1, s19;
	[sflag:s16] =	ssyncset.done $0x0  }
0x61: {  	p0 =	sne.s32 s19, s11;
	[sflag:s16] =	ssyncadd.s32 $0xFFFFC000  }
.Ltmp3:
0x62: {  	[bflag:$0x0] =	sbarrier.arrive $0xFFFF;
	(pc) =	sbr.rel @p0 .LBB2_1-.Ltmp3, $4  }
0x63: {  	[hbm:s10], [sflag:s17] =	dma.local [spmem:s18], $0x2780  }
0x64: {  	_ =	swait.ge [sflag:s12], $0x2780  }
0x65: {  	[sflag:s12] =	ssyncset.done $0x0  }
0x66: {  	[sflag:s12] =	ssyncadd.s32 $0xFFFFD880  }
0x67: {  	_ =	sfence.sel $0x180000  }
0x68: {  	[bflag:$0x0] =	sbarrier.arrive $0xFFFF  }
0x69: {  	p0 =	sne.s32 s0, $0x0;
	_ =	strace $0x90000047  }
0x6a: {  	s0 =	sadd.s32 @!p0 $0x100000, s1;
	[bflag:$0x2] =	sbarrier.arrive $0xFFFF  }
0x6b: {  	[sflag:s0] =	ssyncadd.tile.s32 @!p0 $0x1;
	_ =	shalt  }
.Lfunc_end2:
_tile_overlayer_lowered:
.L_overlay_start_2:
0x6c: {  	(tag) =	ssettag $0x2  }
0x6d: {  	s0 =	rddreg [dreg:$0x0];
	s2 =	stileid.u32  }
0x6e: {  	s1 =	rddreg [dreg:$0x1];
	p0 =	sne.s32 s2, $0x0  }
0x6f: {  	s3 =	rddreg [dreg:$0x2];
	[bflag:$0x3] =	sbarrier.arrive $0xFFFF;
	s2 =	simm.s32 @!p0 $0x1C03  }
0x70: {  	[timem:s3], [sflag:s2] =	dma.local @!p0 [hbm:s0], s1  }
0x71: {  	s0 =	simm.s32 @!p0 $0x3  }
0x72: {  	_ =	swait.ge @!p0 [sflag:s0], s1  }
0x73: {  	s1 =	ssub.s32 @!p0 $0x0, s1;
	[sflag:s0] =	ssyncset.done @!p0 $0x0  }
0x74: {  	[sflag:s0] =	ssyncadd.s32 @!p0 s1  }
0x75: {  	[bflag:$0x3] =	sbarrier.arrive $0xFFFF  }
0x76: {  	_ =	shalt  }

// kernel: kernel.16.cloned.1.call-start
scs
__scs_entry_jumppad:
0x0: {  	(pc) =	sbr.rel $0x88, $3  }
0x1: {  	(tag) =	ssettag $0x0;
	lr =	simm.s32 $0x1  }
0x2: {  	[smem:$0x3F94] =	sst lr;
	_ =	strace $0xD0000000  }
0x3: {  	_ = 	snop  }
0x4: {  	_ = 	snop  }
0x5: {  	_ = 	snop  }
0x6: {  	_ = 	snop  }
0x7: {  	_ = 	snop  }
__scs_overlays_trampoline_lowered:
0x8: {  	[smem:$0x3FA3] =	sst s0  }
0x9: {  	[smem:$0x3FA4] =	sst s1  }
0xa: {  	[smem:$0x3FA5] =	sst s2  }
0xb: {  	[smem:$0x3FA6] =	sst s3  }
0xc: {  	[smem:$0x3FA7] =	sst s4  }
0xd: {  	[smem:$0x3FA8] =	sst s5  }
0xe: {  	[smem:$0x3FA9] =	sst s6  }
0xf: {  	[smem:$0x3FAA] =	sst s7  }
0x10: {  	[smem:$0x3FAB] =	sst s8  }
0x11: {  	[smem:$0x3FAC] =	sst s9;
	s0 =	simm.s32 @!p0 $0x0  }
0x12: {  	s1 =	sld [smem:$0x3F92];
	s0 =	simm.s32 @p0 $0x1  }
0x13: {  	[smem:$0x3FAD] =	sst s0;
	s0 =	simm.s32 @!p1 $0x0  }
0x14: {  	s2 =	sld [smem:$0x3F91];
	s0 =	simm.s32 @p1 $0x1  }
0x15: {  	[smem:$0x3FAE] =	sst s0;
	s0 =	simm.s32 @!p2 $0x0  }
0x16: {  	s3 =	sld [smem:$0x3FDB];
	s0 =	simm.s32 @p2 $0x1  }
0x17: {  	s4 =	simm.s32 $0x1BF5;
	[smem:$0x3FB0] =	sst s0  }
0x18: {  	s0 =	sld [smem:$0x3F93];
	_ =	swait.ge [sflag:s4], $0x0  }
0x19: {  	s7 =	sld [smem:$0x3F94]  }
0x1a: {  	s8 =	sadd.s32 $0xFFFFE003, lr  }
0x1b: {  	s9 =	sadd.s32 $0xFFFFFEF7, lr;
	s5 =	simm.s32 $0xFFFFFFFF;
	p2 =	slt.u32 s8, $0xFFFFF086  }
0x1c: {  	p1 =	slt.u32 s9, $0xF7A;
	s5 =	simm.s32 @!p2 $0x0  }
0x1d: {  	s5 =	simm.s32 @p1 $0x1;
	p0 =	seq.s32 s7, s2  }
0x1e: {  	s7 =	smul.u32 @!p0 $0xF7A, s2;
	p2 =	seq.s32 @!p0 s5, $0x0  }
0x1f: {  	s9 =	smul.u32 $0xF7A, s1;
	s8 =	simm.s32 @!p0 $0x1BF5;
	p2 =	por !p2, p0  }
0x20: {  	[sflag:s8] =	ssyncset.s32 @!p0 $0xFFFFF086;
	s6 =	sadd.s32 @!p0 s3, s7;
	s7 =	simm.s32 @!p0 $0x108  }
0x21: {  	s3 =	sadd.s32 s3, s9;
	s6 =	sadd.s32 @!p0 $0x88, s6;
	s7 =	simm.s32 @p2 $0x1082  }
0x22: {  	[simem:s7], [sflag:s8] =	dma.local @!p0 [hbm:s6], $0xF7A  }
0x23: {  	s9 =	sor.u32 $0xD0000000, s2;
	s6 =	simm.s32 $0x108;
	_ =	swait.ge @!p0 [sflag:s8], $0x0  }
0x24: {  	s3 =	sadd.s32 $0x88, s3;
	s6 =	simm.s32 @!p1 $0x1082;
	[sflag:s4] =	ssyncset.s32 $0xFFFFF086  }
0x25: {  	[simem:s6], [sflag:s4] =	dma.local [hbm:s3], $0xF7A  }
0x26: {  	[smem:$0x3F94] =	sst s1;
	(tag) =	ssettag s2;
	_ =	strace s9  }
0x27: {  	s1 =	sld [smem:$0x3FA4]  }
0x28: {  	s2 =	sld [smem:$0x3FA5]  }
0x29: {  	s4 =	sld [smem:$0x3FA7]  }
0x2a: {  	p0 =	seq.s32 s5, $0x0;
	s5 =	sld [smem:$0x3FA8]  }
0x2b: {  	s6 =	sld [smem:$0x3FA9]  }
0x2c: {  	s7 =	sld [smem:$0x3FAA]  }
0x2d: {  	s3 =	simm.s32 $0x108;
	s8 =	sld [smem:$0x3FAB]  }
0x2e: {  	s3 =	simm.s32 @!p0 $0x1082;
	s9 =	sld [smem:$0x3FAC]  }
0x2f: {  	lr =	sadd.s32 s0, s3;
	s0 =	sld [smem:$0x3FA3]  }
0x30: {  	s3 =	sld [smem:$0x3FA6]  }
0x31: {  	[smem:$0x3FAF] =	sst s10  }
0x32: {  	s10 =	sld [smem:$0x3FAD];
	_ =	sdelay $0x3  }
0x33: {  	p0 =	seq.s32 s10, $0x1;
	s10 =	sld [smem:$0x3FAF];
	_ =	sdelay $0x3  }
0x34: {  	[smem:$0x3FAF] =	sst s10  }
0x35: {  	s10 =	sld [smem:$0x3FAE];
	_ =	sdelay $0x3  }
0x36: {  	p1 =	seq.s32 s10, $0x1;
	s10 =	sld [smem:$0x3FAF];
	_ =	sdelay $0x3  }
0x37: {  	[smem:$0x3FAF] =	sst s10  }
0x38: {  	s10 =	sld [smem:$0x3FB0]  }
0x39: {  	_ = 	snop;
	(pc) =	sbr.ind lr, $3  }
0x3a: {  	_ = 	snop  }
0x3b: {  	_ = 	snop  }
0x3c: {  	p2 =	seq.s32 s10, $0x1;
	s10 =	sld [smem:$0x3FAF]  }
0x3d: {  	_ =	shalt  }
0x3e: {  	_ =	shalt  }
0x3f: {  	_ =	shalt  }
0x40: {  	_ =	shalt  }
0x41: {  	_ =	shalt  }
0x42: {  	_ =	shalt  }
0x43: {  	_ =	shalt  }
0x44: {  	_ =	shalt  }
0x45: {  	_ =	shalt  }
0x46: {  	_ =	shalt  }
0x47: {  	_ =	shalt  }
0x48: {  	_ =	shalt  }
0x49: {  	_ =	shalt  }
0x4a: {  	_ =	shalt  }
0x4b: {  	_ =	shalt  }
0x4c: {  	_ =	shalt  }
0x4d: {  	_ =	shalt  }
0x4e: {  	_ =	shalt  }
0x4f: {  	_ =	shalt  }
0x50: {  	_ =	shalt  }
0x51: {  	_ =	shalt  }
0x52: {  	_ =	shalt  }
0x53: {  	_ =	shalt  }
0x54: {  	_ =	shalt  }
0x55: {  	_ =	shalt  }
0x56: {  	_ =	shalt  }
0x57: {  	_ =	shalt  }
0x58: {  	_ =	shalt  }
0x59: {  	_ =	shalt  }
0x5a: {  	_ =	shalt  }
0x5b: {  	_ =	shalt  }
0x5c: {  	_ =	shalt  }
0x5d: {  	_ =	shalt  }
0x5e: {  	_ =	shalt  }
0x5f: {  	_ =	shalt  }
0x60: {  	_ =	shalt  }
0x61: {  	_ =	shalt  }
0x62: {  	_ =	shalt  }
0x63: {  	_ =	shalt  }
0x64: {  	_ =	shalt  }
0x65: {  	_ =	shalt  }
0x66: {  	_ =	shalt  }
0x67: {  	_ =	shalt  }
0x68: {  	_ =	shalt  }
0x69: {  	_ =	shalt  }
0x6a: {  	_ =	shalt  }
0x6b: {  	_ =	shalt  }
0x6c: {  	_ =	shalt  }
0x6d: {  	_ =	shalt  }
0x6e: {  	_ =	shalt  }
0x6f: {  	_ =	shalt  }
0x70: {  	_ =	shalt  }
0x71: {  	_ =	shalt  }
0x72: {  	_ =	shalt  }
0x73: {  	_ =	shalt  }
0x74: {  	_ =	shalt  }
0x75: {  	_ =	shalt  }
0x76: {  	_ =	shalt  }
0x77: {  	_ =	shalt  }
0x78: {  	_ =	shalt  }
0x79: {  	_ =	shalt  }
0x7a: {  	_ =	shalt  }
0x7b: {  	_ =	shalt  }
0x7c: {  	_ =	shalt  }
0x7d: {  	_ =	shalt  }
0x7e: {  	_ =	shalt  }
0x7f: {  	_ =	shalt  }
0x80: {  	_ =	shalt  }
0x81: {  	_ =	shalt  }
0x82: {  	_ =	shalt  }
0x83: {  	_ =	shalt  }
0x84: {  	_ =	shalt  }
0x85: {  	_ =	shalt  }
0x86: {  	_ =	shalt  }
0x87: {  	_ =	shalt  }
.Lfunc_end0:
.L_simem_size_0:
called_computation.1_lowered:
.L_overlay_start_0:
0x88: {  	s2 =	sld [smem:$0x3FD9]  }
0x89: {  	s3 =	sld [smem:$0x3FFE];
	_ =	sdelay $0x1  }
0x8a: {  	s1 =	srdreg.scid  }
0x8b: {  	s0 =	sand.u32 $0x1, s1  }
0x8c: {  	s16 =	sshll.u32 s0, $0xA;
	s2 =	sadd.s32 s3, s2  }
0x8d: {  	s2 =	sadd.s32 s2, s16  }
0x8e: {  	[smem:$0x3FBB] =	sst s2  }
0x8f: {  	_ = 	snop  }
0x90: {  	(tm) =	ssettm $0x1  }
0x91: {  	s17 =	sld [smem:$0x3FFB];
	_ =	sdelay $0x3  }
0x92: {  	_ =	strace s17  }
0x93: {  	s2 =	sld [smem:$0x3FFC];
	_ =	sdelay $0x3  }
0x94: {  	_ =	strace s2  }
0x95: {  	s2 =	sld [smem:$0x3FFD];
	_ =	sdelay $0x3  }
0x96: {  	_ =	strace s2  }
0x97: {  	_ =	strace $0x8FFFFFFF  }
0x98: {  	s18 =	sld [smem:$0x3FDB];
	_ =	sdelay $0x1  }
0x99: {  	s19 =	simm.s32 $_scs_section_size  }
0x9a: {  	s4 =	simm.s32 $_size__tile_overlayer_lowered;
	s5 =	simm.s32 $_tile_overlayer_lowered  }
0x9b: {  	s22 =	simm.s32 $0x1BFF;
	s21 =	sshll.u32 s5, $0x1;
	s2 =	sadd.s32 s19, s18  }
0x9c: {  	s6 =	simm.s32 $0x0;
	s20 =	sshll.u32 s4, $0x1;
	s4 =	sadd.s32 s21, s2  }
0x9d: {  	[timem:s6], [sflag:s22] =	dma.local [hbm:s4], s20  }
0x9e: {  	_ =	swait.ge [sflag:s22], s20  }
0x9f: {  	s3 =	ssub.s32 $0x0, s20;
	[sflag:s22] =	ssyncset.done $0x0  }
0xa0: {  	[sflag:s22] =	ssyncadd.s32 s3;
	_ =	sdelay $0x1  }
0xa1: {  	s23 =	simm.s32 $0x1B8B  }
0xa2: {  	_ =	swait.ge [sflag:s23], $0x1  }
0xa3: {  	[sflag:s23] =	ssyncset.done $0x0  }
0xa4: {  	s25 =	simm.s32 $0x1B8E;
	s24 =	sld [smem:$0x3FFE];
	[sflag:s23] =	ssyncadd.s32 $0xFFFFFFFF  }
0xa5: {  	s26 =	simm.s32 $execute0_lowered;
	[smem:$0x3FD2] =	sst s25  }
0xa6: {  	s4 =	sshll.u32 s26, $0x1;
	_ =	strace $0x80000049;
	[dreg:$0x1] =	wrdreg $0xFFFFFFFF  }
0xa7: {  	s28 =	simm.s32 $_size_execute0_lowered;
	s2 =	sadd.s32 s2, s4;
	[dreg:$0x0] =	wrdreg $0x0  }
0xa8: {  	s4 =	sshll.u32 s28, $0x1;
	[dreg:$0x2] =	wrdreg s2  }
0xa9: {  	[dreg:$0x3] =	wrdreg s4  }
0xaa: {  	[dreg:$0x4] =	wrdreg $0xC0  }
0xab: {  	_ =	task [dreg:s6], $0x5FFFF  }
0xac: {  	[dreg:$0x1] =	wrdreg $0xFFFFFFFF  }
0xad: {  	[dreg:$0x0] =	wrdreg $0x60  }
0xae: {  	[dreg:$0x2] =	wrdreg s24  }
0xaf: {  	[dreg:$0x3] =	wrdreg $0x90000  }
0xb0: {  	[dreg:$0x4] =	wrdreg $0x9  }
0xb1: {  	_ =	task.clear_ibuf [dreg:s6], $0x5FFFF;
	_ =	strace $0x90000049  }
0xb2: {  	s29 =	simm.s32 $0x9;
	_ =	strace $0x8000004B  }
0xb3: {  	_ =	swait.ge [sflag:s29], $0x1  }
0xb4: {  	[sflag:s29] =	ssyncadd.s32 $0xFFFFFFFF  }
0xb5: {  	_ =	strace $0x9000004B  }
0xb6: {  	_ =	sfence  }
0xb7: {  	s30 =	sld [smem:$0x0];
	_ =	sdelay $0x2  }
0xb8: {  	s31 =	sshll.u32 s1, $0xD;
	s1 =	sshrl.u32 s1, $0x2  }
0xb9: {  	s3 =	sand.u32 $0x4000, s31;
	s1 =	sadd.s32 s1, s30  }
0xba: {  	s0 =	sor.u32 s3, s0;
	s1 =	sshll.u32 s1, $0x11  }
0xbb: {  	s0 =	sor.u32 s1, s0  }
0xbc: {  	s0 =	sadd.s32 $0x8F2B, s0  }
0xbd: {  	[sflag:s0] =	ssyncadd.remote.s32 $0x1  }
0xbe: {  	_ =	sfence.sel $0xFFFF  }
0xbf: {  	[dreg:$0x0] =	wrdreg $0xFFFFFFFF;
	(pc) =	sbr.abs _section_cstart, $3  }
0xc0: {  	[dreg:$0x1] =	wrdreg $0xFFFFFFFF  }
0xc1: {  	_ =	task.clear_ibuf [dreg:s6], $0x2FFFF;
	_ =	strace $0x9FFFFFFF  }
0xc2: {  	(tm) =	ssettm $0x7FFFFFFF  }
0xc3: {  	_ =	shalt  }
tec
execute0_lowered:
.L_overlay_start_1:
0x0: {  	(tag) =	ssettag $0x1  }
0x1: {  	s0 =	rddreg [dreg:$0x0]  }
0x2: {  	s1 =	rddreg [dreg:$0x1]  }
0x3: {  	s3 =	simm.s32 $0x0;
	s2 =	srdreg.scid;
	s10 =	stileid.u32  }
0x4: {  	s18 =	simm.s32 $0x6;
	s19 =	simm.s32 $0x800;
	s28 =	simm.s32 $0x3  }
0x5: {  	s29 =	simm.s32 $0x4;
	s30 =	simm.s32 $0x2;
	s31 =	simm.s32 $0x0  }
0x6: {  	[smem:$0x7FF] =	sst s3;
	s2 =	sand.u32 $0x1, s2;
	s7 =	smul.u32 $0x2780, s10  }
0x7: {  	s4 =	sshll.u32 s10, $0x1;
	s5 =	sadd.s32 $0xF600, s0;
	s10 =	smul.u32 $0x4F000, s10  }
0x8: {  	_ =	strace $0x8000004A;
	s8 =	smul.u32 $0x28000, s2;
	s6 =	sor.u32 s2, s4  }
0x9: {  	s4 =	sadd.s32 $0x19600, s0;
	s2 =	ssub.s32 $0x2, s2;
	s14 =	smul.u32 $0x2800, s6  }
0xa: {  	s6 =	sadd.s32 $0x5600, s0;
	s21 =	sshrl.u32 s2, $0x1;
	s12 =	sshrl.u32 s10, $0x2  }
0xb: {  	s7 =	sadd.s32 s7, s8;
	s2 =	ssub.s32 s2, s21;
	s9 =	sshrl.u32 s14, $0x3  }
0xc: {  	s0 =	sadd.s32 s7, s0;
	s16 =	sor.u32 $0x400, s14;
	s17 =	smax.u32 s2, $0x1  }
0xd: {  	s22 =	sadd.s32 s5, s9;
	s23 =	sadd.s32 s6, s9;
	[dreg:$0x3] =	wrdreg s16  }
0xe: {  	s11 =	sor.u32 $0x80, s9;
	s16 =	sadd.s32 $0x41600, s0;
	[dreg:$0x4] =	wrdreg s22  }
0xf: {  	[dreg:$0x5] =	wrdreg s23;
	s24 =	sadd.s32 s5, s11;
	s25 =	sadd.s32 s6, s11  }
0x10: {  	s11 =	sadd.s32 s12, s1;
	s22 =	simm.s32 $0x80;
	[dreg:$0x6] =	wrdreg s24  }
0x11: {  	s23 =	simm.s32 $0x1000;
	[dreg:$0x7] =	wrdreg s25;
	s26 =	sadd.s32 $0x4000, s11  }
0x12: {  	s13 =	sadd.s32 $0x8000, s11;
	s14 =	sadd.s32 $0xC000, s11;
	s15 =	sadd.s32 $0x10000, s11  }
0x13: {  	v0 =	vimm.f32 $0.0e+00;
	s24 =	simm.s32 $0x5000;
	s25 =	simm.s32 $0x1;
	[dreg:$0x8] =	wrdreg s26  }
.LBB2_1:
0x14: {  	s0 =	rddreg [dreg:$0x4]  }
0x15: {  	[tilespmem:s3], [sflag:$0x6] =	stream.linear.gather [hbm4b:s0+s3], $0x400, $0x38;
	[tilespmem:$0x1CC00] =	vst v63  }
0x16: {  	_ =	swait.ge [sflag:s18], $0x400  }
0x17: {  	[sflag:s18] =	ssyncset.done $0x0  }
0x18: {  	s12 =	rddreg [dreg:$0x5];
	[sflag:s18] =	ssyncadd.s32 $0xFFFFFC00  }
0x19: {  	[tilespmem:s19], [sflag:$0x6] =	stream.linear.gather [hbm4b:s12+s3], $0x400, $0x38;
	[tilespmem:$0x1CC00] =	vst v63  }
0x1a: {  	_ =	swait.ge [sflag:s18], $0x400  }
0x1b: {  	[sflag:s18] =	ssyncset.done $0x0  }
0x1c: {  	s2 =	simm.s32 $0x400;
	s20 =	rddreg [dreg:$0x6];
	[sflag:s18] =	ssyncadd.s32 $0xFFFFFC00  }
0x1d: {  	[tilespmem:s2], [sflag:$0x5] =	stream.linear.gather [hbm4b:s20+s3], $0x400, $0x38;
	[tilespmem:$0x1CC00] =	vst v63  }
0x1e: {  	s26 =	simm.s32 $0xC00;
	s21 =	rddreg [dreg:$0x7]  }
0x1f: {  	[tilespmem:s26], [sflag:$0x5] =	stream.linear.gather [hbm4b:s21+s3], $0x400, $0x38;
	[tilespmem:$0x1CC00] =	vst v63  }
0x20: {  	s0 =	simm.s32 $0x0;
	s2 =	simm.s32 $0x200  }
0x21: {  	[tilespmem:s23], [sflag:$0x1] =	stream.indirect.gather [hbm4b:s4+s22], $0x80, s3, s22, $0xb8;
	[tilespmem:$0x1CC00] =	vst v63  }
.LBB2_2:
0x22: {  	p0 =	sne.s32 s2, $0xFE00;
	[tilespmem:s0+$0x5070] =	vst v0  }
0x23: {  	[tilespmem:s0+$0x5000] =	vst v0  }
0x24: {  	[tilespmem:s0+$0x5010] =	vst v0  }
.Ltmp0:
0x25: {  	[tilespmem:s0+$0x5020] =	vst v0;
	(pc) =	sbr.rel @p0 .LBB2_2-.Ltmp0, $4  }
0x26: {  	[tilespmem:s0+$0x5030] =	vst v0  }
0x27: {  	[tilespmem:s0+$0x5040] =	vst v0  }
0x28: {  	[tilespmem:s0+$0x5050] =	vst v0  }
0x29: {  	[tilespmem:s0+$0x5060] =	vst v0;
	s0 =	sshra.s32 s2, $0x2;
	s2 =	sadd.s32 $0x200, s2  }
0x2a: {  	[tilespmem:s0+$0x5070] =	vst v0  }
0x2b: {  	[tilespmem:s0+$0x5000] =	vst v0  }
0x2c: {  	[tilespmem:s0+$0x5010] =	vst v0  }
0x2d: {  	[tilespmem:s0+$0x5020] =	vst v0  }
0x2e: {  	[tilespmem:s0+$0x5030] =	vst v0  }
0x2f: {  	[tilespmem:s0+$0x5040] =	vst v0  }
0x30: {  	[tilespmem:s0+$0x5050] =	vst v0  }
0x31: {  	[tilespmem:s0+$0x5060] =	vst v0  }
0x32: {  	[spmem:s11] =	stream.linear.scatter [tilespmem:s24], [sflag:$0x6], $0x4000, $0x38;
	[tilespmem:$0x1CC00] =	vst v63  }
0x33: {  	_ =	swait.ge [sflag:s18], $0x4000  }
0x34: {  	[sflag:s18] =	ssyncset.done $0x0  }
0x35: {  	s2 =	rddreg [dreg:$0x8];
	[sflag:s18] =	ssyncadd.s32 $0xFFFFC000  }
0x36: {  	[spmem:s2] =	stream.linear.scatter [tilespmem:s24], [sflag:$0x6], $0x4000, $0x38;
	[tilespmem:$0x1CC00] =	vst v63  }
0x37: {  	_ =	swait.ge [sflag:s18], $0x4000  }
0x38: {  	[sflag:s18] =	ssyncset.done $0x0  }
0x39: {  	[sflag:s18] =	ssyncadd.s32 $0xFFFFC000  }
0x3a: {  	[spmem:s13] =	stream.linear.scatter [tilespmem:s24], [sflag:$0x6], $0x4000, $0x38;
	[tilespmem:$0x1CC00] =	vst v63  }
0x3b: {  	_ =	swait.ge [sflag:s18], $0x4000  }
0x3c: {  	[sflag:s18] =	ssyncset.done $0x0  }
0x3d: {  	[sflag:s18] =	ssyncadd.s32 $0xFFFFC000  }
0x3e: {  	[spmem:s14] =	stream.linear.scatter [tilespmem:s24], [sflag:$0x6], $0x4000, $0x38;
	[tilespmem:$0x1CC00] =	vst v63  }
0x3f: {  	_ =	swait.ge [sflag:s18], $0x4000  }
0x40: {  	[sflag:s18] =	ssyncset.done $0x0  }
0x41: {  	[sflag:s18] =	ssyncadd.s32 $0xFFFFC000  }
0x42: {  	[spmem:s15] =	stream.linear.scatter [tilespmem:s24], [sflag:$0x6], $0x3C00, $0x38;
	[tilespmem:$0x1CC00] =	vst v63  }
0x43: {  	_ =	swait.ge [sflag:s18], $0x3C00  }
0x44: {  	[sflag:s18] =	ssyncset.done $0x0  }
0x45: {  	[sflag:s18] =	ssyncadd.s32 $0xFFFFC400  }
0x46: {  	[bflag:$0x0] =	sbarrier.arrive $0xFFFF  }
0x47: {  	[tilespmem:s24], [sflag:$0x2] =	stream.indirect.gather [hbm4b:s4+s22], $0x80, s22, s22, $0xb8;
	[tilespmem:$0x1CC00] =	vst v63  }
0x48: {  	_ =	swait.ge [sflag:s25], $0x4000  }
0x49: {  	[sflag:s25] =	ssyncset.done $0x0  }
0x4a: {  	s7 =	simm.s32 $0x2;
	[sflag:s25] =	ssyncadd.s32 $0xFFFFC000  }
0x4b: {  	[spmem:s1] =	stream.indirect.scatter.add.f32 [tilespmem:s23], [sflag:$0x3], $0x80, s19, s22, $0xb8;
	[tilespmem:$0x1CC00] =	vst v63  }
0x4c: {  	_ =	swait.ge [sflag:s7], $0x4000  }
0x4d: {  	s0 =	sand.u32 $0x6, s7;
	[sflag:s7] =	ssyncset.done $0x0  }
0x4e: {  	p0 =	sne.s32 s0, $0x0;
	s2 =	simm.s32 $0x880;
	[sflag:s7] =	ssyncadd.s32 $0xFFFFC000  }
0x4f: {  	[spmem:s1] =	stream.indirect.scatter.add.f32 [tilespmem:s24], [sflag:$0x4], $0x80, s2, s22, $0xb8;
	[tilespmem:$0x1CC00] =	vst v63  }
0x50: {  	s2 =	simm.s32 @!p0 $0x5  }
0x51: {  	_ =	swait.ge @!p0 [sflag:s2], $0x400  }
0x52: {  	[sflag:s2] =	ssyncset.done @!p0 $0x0  }
0x53: {  	[sflag:s2] =	ssyncadd.s32 @!p0 $0xFFFFFC00  }
0x54: {  	p1 =	por @!p0 $0x0, $0x0;
	_ =	swait.ge @!p0 [sflag:s2], $0x400  }
0x55: {  	s21 =	simm.s32 $0x0;
	p1 =	por p1, p0;
	s20 =	rddreg [dreg:$0x3]  }
0x56: {  	s21 =	sand.u32 $0x1, s21;
	[sflag:s2] =	ssyncset.done @!p0 $0x0;
	s20 =	sadd.s32 @!p1 $0x0, s20  }
0x57: {  	[sflag:s2] =	ssyncadd.s32 @!p0 $0xFFFFFC00;
	s2 =	sshll.u32 @!p1 s21, $0xA;
	s20 =	sshrl.u32 @!p1 s20, $0x3  }
0x58: {  	s7 =	simm.s32 @!p1 $0x0;
	s2 =	sxor.u32 @!p1 $0x400, s2;
	s26 =	sadd.s32 @!p1 s5, s20  }
0x59: {  	[tilespmem:s2], [sflag:$0x5] =	stream.linear.gather @!p1 [hbm4b:s26+s7], $0x400, $0x38;
	[tilespmem:$0x1CC00] =	vst v63  }
0x5a: {  	s20 =	sadd.s32 @!p1 s6, s20;
	s2 =	sor.u32 @!p1 $0x800, s2  }
0x5b: {  	[tilespmem:s2], [sflag:$0x5] =	stream.linear.gather @!p1 [hbm4b:s20+s7], $0x400, $0x38;
	[tilespmem:$0x1CC00] =	vst v63  }
0x5c: {  	_ =	swait.ge [sflag:s28], $0x4000  }
0x5d: {  	s0 =	sshll.u32 s0, $0x7;
	s8 =	sshll.u32 s21, $0xA;
	[sflag:s28] =	ssyncset.done $0x0  }
0x5e: {  	s9 =	sor.u32 s0, s8;
	[sflag:s28] =	ssyncadd.s32 $0xFFFFC000  }
0x5f: {  	[tilespmem:s23], [sflag:$0x1] =	stream.indirect.gather [hbm4b:s4+s22], $0x80, s9, s22, $0xb8;
	[tilespmem:$0x1CC00] =	vst v63  }
0x60: {  	_ =	swait.ge [sflag:s29], $0x4000  }
0x61: {  	[sflag:s29] =	ssyncset.done $0x0  }
0x62: {  	s0 =	sor.u32 $0x80, s9;
	[sflag:s29] =	ssyncadd.s32 $0xFFFFC000  }
0x63: {  	[tilespmem:s24], [sflag:$0x2] =	stream.indirect.gather [hbm4b:s4+s22], $0x80, s0, s22, $0xb8;
	[tilespmem:$0x1CC00] =	vst v63  }
0x64: {  	_ =	swait.ge [sflag:s25], $0x4000  }
0x65: {  	s10 =	sor.u32 $0x800, s9;
	s26 =	sor.u32 $0x880, s9;
	[sflag:s25] =	ssyncset.done $0x0  }
0x66: {  	s20 =	simm.s32 $0x6;
	s0 =	simm.s32 $0x4;
	[sflag:s25] =	ssyncadd.s32 $0xFFFFC000  }
0x67: {  	[spmem:s1] =	stream.indirect.scatter.add.f32 [tilespmem:s23], [sflag:$0x3], $0x80, s10, s22, $0xb8;
	[tilespmem:$0x1CC00] =	vst v63  }
0x68: {  	s2 =	simm.s32 $0x1;
	s12 =	sand.u32 $0x6, s0;
	_ =	swait.ge [sflag:s30], $0x4000  }
0x69: {  	p1 =	sne.s32 s12, $0x0;
	s21 =	sshll.u32 s12, $0x7;
	[sflag:s30] =	ssyncset.done $0x0  }
.LBB2_4:
0x6a: {  	s7 =	simm.s32 @!p1 $0x5;
	[sflag:s30] =	ssyncadd.s32 $0xFFFFC000  }
0x6b: {  	[spmem:s1] =	stream.indirect.scatter.add.f32 [tilespmem:s24], [sflag:$0x4], $0x80, s26, s22, $0xb8;
	[tilespmem:$0x1CC00] =	vst v63  }
0x6c: {  	_ =	swait.ge @!p1 [sflag:s7], $0x400  }
0x6d: {  	[sflag:s7] =	ssyncset.done @!p1 $0x0  }
0x6e: {  	[sflag:s7] =	ssyncadd.s32 @!p1 $0xFFFFFC00  }
0x6f: {  	_ =	swait.ge @!p1 [sflag:s7], $0x400  }
0x70: {  	s8 =	smov.u32 s20;
	p2 =	sgt.u32 @!p1 s2, $0x22;
	[sflag:s7] =	ssyncset.done @!p1 $0x0  }
0x71: {  	s26 =	sshrl.u32 s0, $0x3;
	[sflag:s7] =	ssyncadd.s32 @!p1 $0xFFFFFC00;
	p1 =	por p2, p1  }
0x72: {  	s0 =	smov.u32 s8;
	s8 =	rddreg [dreg:$0x3];
	s7 =	sshll.u32 @!p1 s26, $0xA  }
0x73: {  	s9 =	sand.u32 $0x1, s26;
	s7 =	sadd.s32 @!p1 s7, s8  }
0x74: {  	s26 =	sshll.u32 @!p1 s9, $0xA;
	s7 =	sshrl.u32 @!p1 s7, $0x3  }
0x75: {  	s12 =	simm.s32 @!p1 $0x0;
	s8 =	sxor.u32 @!p1 $0x400, s26;
	s10 =	sadd.s32 @!p1 s5, s7  }
0x76: {  	[tilespmem:s8], [sflag:$0x5] =	stream.linear.gather @!p1 [hbm4b:s10+s12], $0x400, $0x38;
	[tilespmem:$0x1CC00] =	vst v63  }
0x77: {  	s26 =	sor.u32 @!p1 $0x800, s8;
	s7 =	sadd.s32 @!p1 s6, s7  }
0x78: {  	[tilespmem:s26], [sflag:$0x5] =	stream.linear.gather @!p1 [hbm4b:s7+s12], $0x400, $0x38;
	[tilespmem:$0x1CC00] =	vst v63  }
0x79: {  	_ =	swait.ge [sflag:s28], $0x4000  }
0x7a: {  	s9 =	sshll.u32 s9, $0xA;
	[sflag:s28] =	ssyncset.done $0x0  }
0x7b: {  	s7 =	sor.u32 s21, s9;
	[sflag:s28] =	ssyncadd.s32 $0xFFFFC000  }
0x7c: {  	[tilespmem:s23], [sflag:$0x1] =	stream.indirect.gather [hbm4b:s4+s22], $0x80, s7, s22, $0xb8;
	[tilespmem:$0x1CC00] =	vst v63  }
0x7d: {  	_ =	swait.ge [sflag:s29], $0x4000  }
0x7e: {  	[sflag:s29] =	ssyncset.done $0x0  }
0x7f: {  	s20 =	sadd.s32 $0x2, s20;
	s10 =	sor.u32 $0x80, s7;
	[sflag:s29] =	ssyncadd.s32 $0xFFFFC000  }
0x80: {  	[tilespmem:s24], [sflag:$0x2] =	stream.indirect.gather [hbm4b:s4+s22], $0x80, s10, s22, $0xb8;
	[tilespmem:$0x1CC00] =	vst v63  }
0x81: {  	p0 =	sne.s32 s20, $0x50;
	_ =	swait.ge [sflag:s25], $0x4000  }
.Ltmp1:
0x82: {  	[sflag:s25] =	ssyncset.done $0x0;
	(pc) =	sbr.rel @p0 .LBB2_4-.Ltmp1, $4  }
0x83: {  	s2 =	sadd.s32 $0x1, s2;
	s12 =	sor.u32 $0x800, s7;
	[sflag:s25] =	ssyncadd.s32 $0xFFFFC000  }
0x84: {  	[spmem:s1] =	stream.indirect.scatter.add.f32 [tilespmem:s23], [sflag:$0x3], $0x80, s12, s22, $0xb8;
	[tilespmem:$0x1CC00] =	vst v63  }
0x85: {  	s21 =	sand.u32 $0x6, s0;
	s26 =	sor.u32 $0x880, s7;
	_ =	swait.ge [sflag:s30], $0x4000  }
0x86: {  	p1 =	sne.s32 s21, $0x0;
	s21 =	sshll.u32 s21, $0x7;
	[sflag:s30] =	ssyncset.done $0x0  }
0x87: {  	s7 =	simm.s32 @!p1 $0x5;
	[sflag:s30] =	ssyncadd.s32 $0xFFFFC000  }
0x88: {  	[spmem:s1] =	stream.indirect.scatter.add.f32 [tilespmem:s24], [sflag:$0x4], $0x80, s26, s22, $0xb8;
	[tilespmem:$0x1CC00] =	vst v63  }
0x89: {  	_ =	swait.ge @!p1 [sflag:s7], $0x400  }
0x8a: {  	[sflag:s7] =	ssyncset.done @!p1 $0x0  }
0x8b: {  	p0 =	sgt.u32 @!p1 s2, $0x22;
	[sflag:s7] =	ssyncadd.s32 @!p1 $0xFFFFFC00  }
0x8c: {  	s0 =	sshrl.u32 s0, $0x3;
	p0 =	por p0, p1;
	_ =	swait.ge @!p1 [sflag:s7], $0x400  }
0x8d: {  	s8 =	sshll.u32 @!p0 s0, $0xA;
	s2 =	rddreg [dreg:$0x3]  }
0x8e: {  	s0 =	sand.u32 $0x1, s0;
	[sflag:s7] =	ssyncset.done @!p1 $0x0;
	s2 =	sadd.s32 @!p0 s8, s2  }
0x8f: {  	[sflag:s7] =	ssyncadd.s32 @!p1 $0xFFFFFC00;
	s7 =	sshll.u32 @!p0 s0, $0xA;
	s2 =	sshrl.u32 @!p0 s2, $0x3  }
0x90: {  	s9 =	simm.s32 @!p0 $0x0;
	s7 =	sxor.u32 @!p0 $0x400, s7;
	s8 =	sadd.s32 @!p0 s5, s2  }
0x91: {  	[tilespmem:s7], [sflag:$0x5] =	stream.linear.gather @!p0 [hbm4b:s8+s9], $0x400, $0x38;
	[tilespmem:$0x1CC00] =	vst v63  }
0x92: {  	s2 =	sadd.s32 @!p0 s6, s2;
	s7 =	sor.u32 @!p0 $0x800, s7  }
0x93: {  	[tilespmem:s7], [sflag:$0x5] =	stream.linear.gather @!p0 [hbm4b:s2+s9], $0x400, $0x38;
	[tilespmem:$0x1CC00] =	vst v63  }
0x94: {  	_ =	swait.ge [sflag:s28], $0x4000  }
0x95: {  	s0 =	sshll.u32 s0, $0xA;
	[sflag:s28] =	ssyncset.done $0x0  }
0x96: {  	s0 =	sor.u32 s21, s0;
	[sflag:s28] =	ssyncadd.s32 $0xFFFFC000  }
0x97: {  	[tilespmem:s23], [sflag:$0x1] =	stream.indirect.gather [hbm4b:s4+s22], $0x80, s0, s22, $0xb8;
	[tilespmem:$0x1CC00] =	vst v63  }
0x98: {  	_ =	swait.ge [sflag:s29], $0x4000  }
0x99: {  	[sflag:s29] =	ssyncset.done $0x0  }
0x9a: {  	s12 =	sor.u32 $0x80, s0;
	[sflag:s29] =	ssyncadd.s32 $0xFFFFC000  }
0x9b: {  	[tilespmem:s24], [sflag:$0x2] =	stream.indirect.gather [hbm4b:s4+s22], $0x80, s12, s22, $0xb8;
	[tilespmem:$0x1CC00] =	vst v63  }
0x9c: {  	_ =	swait.ge [sflag:s25], $0x4000  }
0x9d: {  	[sflag:s25] =	ssyncset.done $0x0  }
0x9e: {  	s20 =	sor.u32 $0x800, s0;
	[sflag:s25] =	ssyncadd.s32 $0xFFFFC000  }
0x9f: {  	[spmem:s1] =	stream.indirect.scatter.add.f32 [tilespmem:s23], [sflag:$0x3], $0x80, s20, s22, $0xb8;
	[tilespmem:$0x1CC00] =	vst v63  }
0xa0: {  	_ =	swait.ge [sflag:s30], $0x4000  }
0xa1: {  	[sflag:s30] =	ssyncset.done $0x0  }
0xa2: {  	s0 =	sor.u32 $0x880, s0;
	[sflag:s30] =	ssyncadd.s32 $0xFFFFC000  }
0xa3: {  	[spmem:s1] =	stream.indirect.scatter.add.f32 [tilespmem:s24], [sflag:$0x4], $0x80, s0, s22, $0xb8;
	[tilespmem:$0x1CC00] =	vst v63  }
0xa4: {  	_ =	swait.ge [sflag:s28], $0x4000  }
0xa5: {  	[sflag:s28] =	ssyncset.done $0x0  }
0xa6: {  	[sflag:s28] =	ssyncadd.s32 $0xFFFFC000  }
0xa7: {  	s31 =	sadd.s32 $0x1, s31;
	_ =	swait.ge [sflag:s29], $0x4000  }
0xa8: {  	s26 =	sshrl.u32 s11, $0x3;
	s21 =	stileid.u32;
	[sflag:s29] =	ssyncset.done $0x0  }
0xa9: {  	p0 =	sne.s32 s31, s17;
	s0 =	sshll.u32 s21, $0x6;
	[sflag:s29] =	ssyncadd.s32 $0xFFFFC000  }
.Ltmp2:
0xaa: {  	s0 =	sor.u32 $0x1C06, s0;
	[bflag:$0x0] =	sbarrier.arrive $0xFFFF;
	(pc) =	sbr.rel @p0 .LBB2_1-.Ltmp2, $4  }
0xab: {  	[hbm:s16], [sflag:s0] =	dma.local [spmem:s26], $0x2780  }
0xac: {  	_ =	swait.ge [sflag:s18], $0x2780  }
0xad: {  	[sflag:s18] =	ssyncset.done $0x0  }
0xae: {  	[sflag:s18] =	ssyncadd.s32 $0xFFFFD880  }
0xaf: {  	_ =	sfence.sel $0x180000  }
0xb0: {  	[bflag:$0x0] =	sbarrier.arrive $0xFFFF  }
0xb1: {  	_ =	strace $0x9000004A  }
0xb2: {  	s0 =	stileid.u32;
	[bflag:$0x2] =	sbarrier.arrive $0xFFFF  }
0xb3: {  	p0 =	sne.s32 s0, $0x0;
	s0 =	rddreg [dreg:$0x2]  }
0xb4: {  	s0 =	sadd.s32 @!p0 $0x100000, s0  }
0xb5: {  	[sflag:s0] =	ssyncadd.tile.s32 @!p0 $0x1;
	_ =	shalt  }
.Lfunc_end2:
_tile_overlayer_lowered:
.L_overlay_start_2:
0xb6: {  	(tag) =	ssettag $0x2  }
0xb7: {  	s0 =	rddreg [dreg:$0x0];
	s2 =	stileid.u32  }
0xb8: {  	s1 =	rddreg [dreg:$0x1];
	p0 =	sne.s32 s2, $0x0  }
0xb9: {  	s3 =	rddreg [dreg:$0x2];
	[bflag:$0x3] =	sbarrier.arrive $0xFFFF;
	s2 =	simm.s32 @!p0 $0x1C06  }
0xba: {  	[timem:s3], [sflag:s2] =	dma.local @!p0 [hbm:s0], s1  }
0xbb: {  	s0 =	simm.s32 @!p0 $0x6  }
0xbc: {  	_ =	swait.ge @!p0 [sflag:s0], s1  }
0xbd: {  	s1 =	ssub.s32 @!p0 $0x0, s1;
	[sflag:s0] =	ssyncset.done @!p0 $0x0  }
0xbe: {  	[sflag:s0] =	ssyncadd.s32 @!p0 s1  }
0xbf: {  	[bflag:$0x3] =	sbarrier.arrive $0xFFFF  }
0xc0: {  	_ =	shalt  }

// kernel: kernel.19.cloned.1.call-start
scs
__scs_entry_jumppad:
0x0: {  	(pc) =	sbr.rel $0x88, $3  }
0x1: {  	(tag) =	ssettag $0x0;
	lr =	simm.s32 $0x1  }
0x2: {  	[smem:$0x3F94] =	sst lr;
	_ =	strace $0xD0000000  }
0x3: {  	_ = 	snop  }
0x4: {  	_ = 	snop  }
0x5: {  	_ = 	snop  }
0x6: {  	_ = 	snop  }
0x7: {  	_ = 	snop  }
__scs_overlays_trampoline_lowered:
0x8: {  	[smem:$0x3FA3] =	sst s0  }
0x9: {  	[smem:$0x3FA4] =	sst s1  }
0xa: {  	[smem:$0x3FA5] =	sst s2  }
0xb: {  	[smem:$0x3FA6] =	sst s3  }
0xc: {  	[smem:$0x3FA7] =	sst s4  }
0xd: {  	[smem:$0x3FA8] =	sst s5  }
0xe: {  	[smem:$0x3FA9] =	sst s6  }
0xf: {  	[smem:$0x3FAA] =	sst s7  }
0x10: {  	[smem:$0x3FAB] =	sst s8  }
0x11: {  	[smem:$0x3FAC] =	sst s9;
	s0 =	simm.s32 @!p0 $0x0  }
0x12: {  	s1 =	sld [smem:$0x3F92];
	s0 =	simm.s32 @p0 $0x1  }
0x13: {  	[smem:$0x3FAD] =	sst s0;
	s0 =	simm.s32 @!p1 $0x0  }
0x14: {  	s2 =	sld [smem:$0x3F91];
	s0 =	simm.s32 @p1 $0x1  }
0x15: {  	[smem:$0x3FAE] =	sst s0;
	s0 =	simm.s32 @!p2 $0x0  }
0x16: {  	s3 =	sld [smem:$0x3FDB];
	s0 =	simm.s32 @p2 $0x1  }
0x17: {  	s4 =	simm.s32 $0x1BF5;
	[smem:$0x3FB0] =	sst s0  }
0x18: {  	s0 =	sld [smem:$0x3F93];
	_ =	swait.ge [sflag:s4], $0x0  }
0x19: {  	s7 =	sld [smem:$0x3F94]  }
0x1a: {  	s8 =	sadd.s32 $0xFFFFE003, lr  }
0x1b: {  	s9 =	sadd.s32 $0xFFFFFEF7, lr;
	s5 =	simm.s32 $0xFFFFFFFF;
	p2 =	slt.u32 s8, $0xFFFFF086  }
0x1c: {  	p1 =	slt.u32 s9, $0xF7A;
	s5 =	simm.s32 @!p2 $0x0  }
0x1d: {  	s5 =	simm.s32 @p1 $0x1;
	p0 =	seq.s32 s7, s2  }
0x1e: {  	s7 =	smul.u32 @!p0 $0xF7A, s2;
	p2 =	seq.s32 @!p0 s5, $0x0  }
0x1f: {  	s9 =	smul.u32 $0xF7A, s1;
	s8 =	simm.s32 @!p0 $0x1BF5;
	p2 =	por !p2, p0  }
0x20: {  	[sflag:s8] =	ssyncset.s32 @!p0 $0xFFFFF086;
	s6 =	sadd.s32 @!p0 s3, s7;
	s7 =	simm.s32 @!p0 $0x108  }
0x21: {  	s3 =	sadd.s32 s3, s9;
	s6 =	sadd.s32 @!p0 $0x88, s6;
	s7 =	simm.s32 @p2 $0x1082  }
0x22: {  	[simem:s7], [sflag:s8] =	dma.local @!p0 [hbm:s6], $0xF7A  }
0x23: {  	s9 =	sor.u32 $0xD0000000, s2;
	s6 =	simm.s32 $0x108;
	_ =	swait.ge @!p0 [sflag:s8], $0x0  }
0x24: {  	s3 =	sadd.s32 $0x88, s3;
	s6 =	simm.s32 @!p1 $0x1082;
	[sflag:s4] =	ssyncset.s32 $0xFFFFF086  }
0x25: {  	[simem:s6], [sflag:s4] =	dma.local [hbm:s3], $0xF7A  }
0x26: {  	[smem:$0x3F94] =	sst s1;
	(tag) =	ssettag s2;
	_ =	strace s9  }
0x27: {  	s1 =	sld [smem:$0x3FA4]  }
0x28: {  	s2 =	sld [smem:$0x3FA5]  }
0x29: {  	s4 =	sld [smem:$0x3FA7]  }
0x2a: {  	p0 =	seq.s32 s5, $0x0;
	s5 =	sld [smem:$0x3FA8]  }
0x2b: {  	s6 =	sld [smem:$0x3FA9]  }
0x2c: {  	s7 =	sld [smem:$0x3FAA]  }
0x2d: {  	s3 =	simm.s32 $0x108;
	s8 =	sld [smem:$0x3FAB]  }
0x2e: {  	s3 =	simm.s32 @!p0 $0x1082;
	s9 =	sld [smem:$0x3FAC]  }
0x2f: {  	lr =	sadd.s32 s0, s3;
	s0 =	sld [smem:$0x3FA3]  }
0x30: {  	s3 =	sld [smem:$0x3FA6]  }
0x31: {  	[smem:$0x3FAF] =	sst s10  }
0x32: {  	s10 =	sld [smem:$0x3FAD];
	_ =	sdelay $0x3  }
0x33: {  	p0 =	seq.s32 s10, $0x1;
	s10 =	sld [smem:$0x3FAF];
	_ =	sdelay $0x3  }
0x34: {  	[smem:$0x3FAF] =	sst s10  }
0x35: {  	s10 =	sld [smem:$0x3FAE];
	_ =	sdelay $0x3  }
0x36: {  	p1 =	seq.s32 s10, $0x1;
	s10 =	sld [smem:$0x3FAF];
	_ =	sdelay $0x3  }
0x37: {  	[smem:$0x3FAF] =	sst s10  }
0x38: {  	s10 =	sld [smem:$0x3FB0]  }
0x39: {  	_ = 	snop;
	(pc) =	sbr.ind lr, $3  }
0x3a: {  	_ = 	snop  }
0x3b: {  	_ = 	snop  }
0x3c: {  	p2 =	seq.s32 s10, $0x1;
	s10 =	sld [smem:$0x3FAF]  }
0x3d: {  	_ =	shalt  }
0x3e: {  	_ =	shalt  }
0x3f: {  	_ =	shalt  }
0x40: {  	_ =	shalt  }
0x41: {  	_ =	shalt  }
0x42: {  	_ =	shalt  }
0x43: {  	_ =	shalt  }
0x44: {  	_ =	shalt  }
0x45: {  	_ =	shalt  }
0x46: {  	_ =	shalt  }
0x47: {  	_ =	shalt  }
0x48: {  	_ =	shalt  }
0x49: {  	_ =	shalt  }
0x4a: {  	_ =	shalt  }
0x4b: {  	_ =	shalt  }
0x4c: {  	_ =	shalt  }
0x4d: {  	_ =	shalt  }
0x4e: {  	_ =	shalt  }
0x4f: {  	_ =	shalt  }
0x50: {  	_ =	shalt  }
0x51: {  	_ =	shalt  }
0x52: {  	_ =	shalt  }
0x53: {  	_ =	shalt  }
0x54: {  	_ =	shalt  }
0x55: {  	_ =	shalt  }
0x56: {  	_ =	shalt  }
0x57: {  	_ =	shalt  }
0x58: {  	_ =	shalt  }
0x59: {  	_ =	shalt  }
0x5a: {  	_ =	shalt  }
0x5b: {  	_ =	shalt  }
0x5c: {  	_ =	shalt  }
0x5d: {  	_ =	shalt  }
0x5e: {  	_ =	shalt  }
0x5f: {  	_ =	shalt  }
0x60: {  	_ =	shalt  }
0x61: {  	_ =	shalt  }
0x62: {  	_ =	shalt  }
0x63: {  	_ =	shalt  }
0x64: {  	_ =	shalt  }
0x65: {  	_ =	shalt  }
0x66: {  	_ =	shalt  }
0x67: {  	_ =	shalt  }
0x68: {  	_ =	shalt  }
0x69: {  	_ =	shalt  }
0x6a: {  	_ =	shalt  }
0x6b: {  	_ =	shalt  }
0x6c: {  	_ =	shalt  }
0x6d: {  	_ =	shalt  }
0x6e: {  	_ =	shalt  }
0x6f: {  	_ =	shalt  }
0x70: {  	_ =	shalt  }
0x71: {  	_ =	shalt  }
0x72: {  	_ =	shalt  }
0x73: {  	_ =	shalt  }
0x74: {  	_ =	shalt  }
0x75: {  	_ =	shalt  }
0x76: {  	_ =	shalt  }
0x77: {  	_ =	shalt  }
0x78: {  	_ =	shalt  }
0x79: {  	_ =	shalt  }
0x7a: {  	_ =	shalt  }
0x7b: {  	_ =	shalt  }
0x7c: {  	_ =	shalt  }
0x7d: {  	_ =	shalt  }
0x7e: {  	_ =	shalt  }
0x7f: {  	_ =	shalt  }
0x80: {  	_ =	shalt  }
0x81: {  	_ =	shalt  }
0x82: {  	_ =	shalt  }
0x83: {  	_ =	shalt  }
0x84: {  	_ =	shalt  }
0x85: {  	_ =	shalt  }
0x86: {  	_ =	shalt  }
0x87: {  	_ =	shalt  }
.Lfunc_end0:
.L_simem_size_0:
called_computation.2_lowered:
.L_overlay_start_0:
0x88: {  	s2 =	sld [smem:$0x3FD9]  }
0x89: {  	s3 =	sld [smem:$0x3FFE];
	_ =	sdelay $0x1  }
0x8a: {  	s1 =	srdreg.scid  }
0x8b: {  	s0 =	sand.u32 $0x1, s1  }
0x8c: {  	s16 =	sshll.u32 s0, $0xA;
	s2 =	sadd.s32 s3, s2  }
0x8d: {  	s2 =	sadd.s32 s2, s16  }
0x8e: {  	[smem:$0x3FBB] =	sst s2  }
0x8f: {  	_ = 	snop  }
0x90: {  	(tm) =	ssettm $0x1  }
0x91: {  	s17 =	sld [smem:$0x3FFB];
	_ =	sdelay $0x3  }
0x92: {  	_ =	strace s17  }
0x93: {  	s2 =	sld [smem:$0x3FFC];
	_ =	sdelay $0x3  }
0x94: {  	_ =	strace s2  }
0x95: {  	s2 =	sld [smem:$0x3FFD];
	_ =	sdelay $0x3  }
0x96: {  	_ =	strace s2  }
0x97: {  	_ =	strace $0x8FFFFFFF  }
0x98: {  	s18 =	sld [smem:$0x3FDB];
	_ =	sdelay $0x1  }
0x99: {  	s19 =	simm.s32 $_scs_section_size  }
0x9a: {  	s4 =	simm.s32 $_size__tile_overlayer_lowered;
	s5 =	simm.s32 $_tile_overlayer_lowered  }
0x9b: {  	s22 =	simm.s32 $0x1BFF;
	s21 =	sshll.u32 s5, $0x1;
	s2 =	sadd.s32 s19, s18  }
0x9c: {  	s6 =	simm.s32 $0x0;
	s20 =	sshll.u32 s4, $0x1;
	s4 =	sadd.s32 s21, s2  }
0x9d: {  	[timem:s6], [sflag:s22] =	dma.local [hbm:s4], s20  }
0x9e: {  	_ =	swait.ge [sflag:s22], s20  }
0x9f: {  	s3 =	ssub.s32 $0x0, s20;
	[sflag:s22] =	ssyncset.done $0x0  }
0xa0: {  	[sflag:s22] =	ssyncadd.s32 s3;
	_ =	sdelay $0x1  }
0xa1: {  	s23 =	simm.s32 $0x1B8B  }
0xa2: {  	_ =	swait.ge [sflag:s23], $0x1  }
0xa3: {  	[sflag:s23] =	ssyncset.done $0x0  }
0xa4: {  	s25 =	simm.s32 $0x1B8E;
	s24 =	sld [smem:$0x3FFE];
	[sflag:s23] =	ssyncadd.s32 $0xFFFFFFFF  }
0xa5: {  	s26 =	simm.s32 $execute0_lowered;
	[smem:$0x3FD2] =	sst s25  }
0xa6: {  	s4 =	sshll.u32 s26, $0x1;
	_ =	strace $0x8000004C;
	[dreg:$0x1] =	wrdreg $0xFFFFFFFF  }
0xa7: {  	s28 =	simm.s32 $_size_execute0_lowered;
	s2 =	sadd.s32 s2, s4;
	[dreg:$0x0] =	wrdreg $0x0  }
0xa8: {  	s4 =	sshll.u32 s28, $0x1;
	[dreg:$0x2] =	wrdreg s2  }
0xa9: {  	[dreg:$0x3] =	wrdreg s4  }
0xaa: {  	[dreg:$0x4] =	wrdreg $0xC0  }
0xab: {  	_ =	task [dreg:s6], $0x5FFFF  }
0xac: {  	[dreg:$0x1] =	wrdreg $0xFFFFFFFF  }
0xad: {  	[dreg:$0x0] =	wrdreg $0x60  }
0xae: {  	[dreg:$0x2] =	wrdreg s24  }
0xaf: {  	[dreg:$0x3] =	wrdreg $0x90000  }
0xb0: {  	[dreg:$0x4] =	wrdreg $0x9  }
0xb1: {  	_ =	task.clear_ibuf [dreg:s6], $0x5FFFF;
	_ =	strace $0x9000004C  }
0xb2: {  	s29 =	simm.s32 $0x9;
	_ =	strace $0x8000004E  }
0xb3: {  	_ =	swait.ge [sflag:s29], $0x1  }
0xb4: {  	[sflag:s29] =	ssyncadd.s32 $0xFFFFFFFF  }
0xb5: {  	_ =	strace $0x9000004E  }
0xb6: {  	_ =	sfence  }
0xb7: {  	s30 =	sld [smem:$0x0];
	_ =	sdelay $0x2  }
0xb8: {  	s31 =	sshll.u32 s1, $0xD;
	s1 =	sshrl.u32 s1, $0x2  }
0xb9: {  	s3 =	sand.u32 $0x4000, s31;
	s1 =	sadd.s32 s1, s30  }
0xba: {  	s0 =	sor.u32 s3, s0;
	s1 =	sshll.u32 s1, $0x11  }
0xbb: {  	s0 =	sor.u32 s1, s0  }
0xbc: {  	s0 =	sadd.s32 $0x8F2B, s0  }
0xbd: {  	[sflag:s0] =	ssyncadd.remote.s32 $0x1  }
0xbe: {  	_ =	sfence.sel $0xFFFF  }
0xbf: {  	[dreg:$0x0] =	wrdreg $0xFFFFFFFF;
	(pc) =	sbr.abs _section_cstart, $3  }
0xc0: {  	[dreg:$0x1] =	wrdreg $0xFFFFFFFF  }
0xc1: {  	_ =	task.clear_ibuf [dreg:s6], $0x2FFFF;
	_ =	strace $0x9FFFFFFF  }
0xc2: {  	(tm) =	ssettm $0x7FFFFFFF  }
0xc3: {  	_ =	shalt  }
tec
execute0_lowered:
.L_overlay_start_1:
0x0: {  	(tag) =	ssettag $0x1  }
0x1: {  	s0 =	rddreg [dreg:$0x0]  }
0x2: {  	s1 =	rddreg [dreg:$0x1]  }
0x3: {  	s3 =	simm.s32 $0x0;
	s2 =	srdreg.scid;
	s10 =	stileid.u32  }
0x4: {  	s18 =	simm.s32 $0x6;
	s19 =	simm.s32 $0x800;
	s28 =	simm.s32 $0x3  }
0x5: {  	s29 =	simm.s32 $0x4;
	s30 =	simm.s32 $0x2;
	s31 =	simm.s32 $0x0  }
0x6: {  	[smem:$0x7FF] =	sst s3;
	s2 =	sand.u32 $0x1, s2;
	s7 =	smul.u32 $0x2780, s10  }
0x7: {  	s4 =	sshll.u32 s10, $0x1;
	s5 =	sadd.s32 $0xF600, s0;
	s10 =	smul.u32 $0x4F000, s10  }
0x8: {  	_ =	strace $0x8000004D;
	s8 =	smul.u32 $0x28000, s2;
	s6 =	sor.u32 s2, s4  }
0x9: {  	s4 =	sadd.s32 $0x19600, s0;
	s2 =	ssub.s32 $0x2, s2;
	s14 =	smul.u32 $0x2800, s6  }
0xa: {  	s6 =	sadd.s32 $0x5600, s0;
	s21 =	sshrl.u32 s2, $0x1;
	s12 =	sshrl.u32 s10, $0x2  }
0xb: {  	s7 =	sadd.s32 s7, s8;
	s2 =	ssub.s32 s2, s21;
	s9 =	sshrl.u32 s14, $0x3  }
0xc: {  	s0 =	sadd.s32 s7, s0;
	s16 =	sor.u32 $0x400, s14;
	s17 =	smax.u32 s2, $0x1  }
0xd: {  	s22 =	sadd.s32 s5, s9;
	s23 =	sadd.s32 s6, s9;
	[dreg:$0x3] =	wrdreg s16  }
0xe: {  	s11 =	sor.u32 $0x80, s9;
	s16 =	sadd.s32 $0x41600, s0;
	[dreg:$0x4] =	wrdreg s22  }
0xf: {  	[dreg:$0x5] =	wrdreg s23;
	s24 =	sadd.s32 s5, s11;
	s25 =	sadd.s32 s6, s11  }
0x10: {  	s11 =	sadd.s32 s12, s1;
	s22 =	simm.s32 $0x80;
	[dreg:$0x6] =	wrdreg s24  }
0x11: {  	s23 =	simm.s32 $0x1000;
	[dreg:$0x7] =	wrdreg s25;
	s26 =	sadd.s32 $0x4000, s11  }
0x12: {  	s13 =	sadd.s32 $0x8000, s11;
	s14 =	sadd.s32 $0xC000, s11;
	s15 =	sadd.s32 $0x10000, s11  }
0x13: {  	v0 =	vimm.f32 $0.0e+00;
	s24 =	simm.s32 $0x5000;
	s25 =	simm.s32 $0x1;
	[dreg:$0x8] =	wrdreg s26  }
.LBB2_1:
0x14: {  	s0 =	rddreg [dreg:$0x4]  }
0x15: {  	[tilespmem:s3], [sflag:$0x6] =	stream.linear.gather [hbm4b:s0+s3], $0x400, $0x38;
	[tilespmem:$0x1CC00] =	vst v63  }
0x16: {  	_ =	swait.ge [sflag:s18], $0x400  }
0x17: {  	[sflag:s18] =	ssyncset.done $0x0  }
0x18: {  	s12 =	rddreg [dreg:$0x5];
	[sflag:s18] =	ssyncadd.s32 $0xFFFFFC00  }
0x19: {  	[tilespmem:s19], [sflag:$0x6] =	stream.linear.gather [hbm4b:s12+s3], $0x400, $0x38;
	[tilespmem:$0x1CC00] =	vst v63  }
0x1a: {  	_ =	swait.ge [sflag:s18], $0x400  }
0x1b: {  	[sflag:s18] =	ssyncset.done $0x0  }
0x1c: {  	s2 =	simm.s32 $0x400;
	s20 =	rddreg [dreg:$0x6];
	[sflag:s18] =	ssyncadd.s32 $0xFFFFFC00  }
0x1d: {  	[tilespmem:s2], [sflag:$0x5] =	stream.linear.gather [hbm4b:s20+s3], $0x400, $0x38;
	[tilespmem:$0x1CC00] =	vst v63  }
0x1e: {  	s26 =	simm.s32 $0xC00;
	s21 =	rddreg [dreg:$0x7]  }
0x1f: {  	[tilespmem:s26], [sflag:$0x5] =	stream.linear.gather [hbm4b:s21+s3], $0x400, $0x38;
	[tilespmem:$0x1CC00] =	vst v63  }
0x20: {  	s0 =	simm.s32 $0x0;
	s2 =	simm.s32 $0x200  }
0x21: {  	[tilespmem:s23], [sflag:$0x1] =	stream.indirect.gather [hbm4b:s4+s22], $0x80, s3, s22, $0xb8;
	[tilespmem:$0x1CC00] =	vst v63  }
.LBB2_2:
0x22: {  	p0 =	sne.s32 s2, $0xFE00;
	[tilespmem:s0+$0x5070] =	vst v0  }
0x23: {  	[tilespmem:s0+$0x5000] =	vst v0  }
0x24: {  	[tilespmem:s0+$0x5010] =	vst v0  }
.Ltmp0:
0x25: {  	[tilespmem:s0+$0x5020] =	vst v0;
	(pc) =	sbr.rel @p0 .LBB2_2-.Ltmp0, $4  }
0x26: {  	[tilespmem:s0+$0x5030] =	vst v0  }
0x27: {  	[tilespmem:s0+$0x5040] =	vst v0  }
0x28: {  	[tilespmem:s0+$0x5050] =	vst v0  }
0x29: {  	[tilespmem:s0+$0x5060] =	vst v0;
	s0 =	sshra.s32 s2, $0x2;
	s2 =	sadd.s32 $0x200, s2  }
0x2a: {  	[tilespmem:s0+$0x5070] =	vst v0  }
0x2b: {  	[tilespmem:s0+$0x5000] =	vst v0  }
0x2c: {  	[tilespmem:s0+$0x5010] =	vst v0  }
0x2d: {  	[tilespmem:s0+$0x5020] =	vst v0  }
0x2e: {  	[tilespmem:s0+$0x5030] =	vst v0  }
0x2f: {  	[tilespmem:s0+$0x5040] =	vst v0  }
0x30: {  	[tilespmem:s0+$0x5050] =	vst v0  }
0x31: {  	[tilespmem:s0+$0x5060] =	vst v0  }
0x32: {  	[spmem:s11] =	stream.linear.scatter [tilespmem:s24], [sflag:$0x6], $0x4000, $0x38;
	[tilespmem:$0x1CC00] =	vst v63  }
0x33: {  	_ =	swait.ge [sflag:s18], $0x4000  }
0x34: {  	[sflag:s18] =	ssyncset.done $0x0  }
0x35: {  	s2 =	rddreg [dreg:$0x8];
	[sflag:s18] =	ssyncadd.s32 $0xFFFFC000  }
0x36: {  	[spmem:s2] =	stream.linear.scatter [tilespmem:s24], [sflag:$0x6], $0x4000, $0x38;
	[tilespmem:$0x1CC00] =	vst v63  }
0x37: {  	_ =	swait.ge [sflag:s18], $0x4000  }
0x38: {  	[sflag:s18] =	ssyncset.done $0x0  }
0x39: {  	[sflag:s18] =	ssyncadd.s32 $0xFFFFC000  }
0x3a: {  	[spmem:s13] =	stream.linear.scatter [tilespmem:s24], [sflag:$0x6], $0x4000, $0x38;
	[tilespmem:$0x1CC00] =	vst v63  }
0x3b: {  	_ =	swait.ge [sflag:s18], $0x4000  }
0x3c: {  	[sflag:s18] =	ssyncset.done $0x0  }
0x3d: {  	[sflag:s18] =	ssyncadd.s32 $0xFFFFC000  }
0x3e: {  	[spmem:s14] =	stream.linear.scatter [tilespmem:s24], [sflag:$0x6], $0x4000, $0x38;
	[tilespmem:$0x1CC00] =	vst v63  }
0x3f: {  	_ =	swait.ge [sflag:s18], $0x4000  }
0x40: {  	[sflag:s18] =	ssyncset.done $0x0  }
0x41: {  	[sflag:s18] =	ssyncadd.s32 $0xFFFFC000  }
0x42: {  	[spmem:s15] =	stream.linear.scatter [tilespmem:s24], [sflag:$0x6], $0x3C00, $0x38;
	[tilespmem:$0x1CC00] =	vst v63  }
0x43: {  	_ =	swait.ge [sflag:s18], $0x3C00  }
0x44: {  	[sflag:s18] =	ssyncset.done $0x0  }
0x45: {  	[sflag:s18] =	ssyncadd.s32 $0xFFFFC400  }
0x46: {  	[bflag:$0x0] =	sbarrier.arrive $0xFFFF  }
0x47: {  	[tilespmem:s24], [sflag:$0x2] =	stream.indirect.gather [hbm4b:s4+s22], $0x80, s22, s22, $0xb8;
	[tilespmem:$0x1CC00] =	vst v63  }
0x48: {  	_ =	swait.ge [sflag:s25], $0x4000  }
0x49: {  	[sflag:s25] =	ssyncset.done $0x0  }
0x4a: {  	s7 =	simm.s32 $0x2;
	[sflag:s25] =	ssyncadd.s32 $0xFFFFC000  }
0x4b: {  	[spmem:s1] =	stream.indirect.scatter.add.f32 [tilespmem:s23], [sflag:$0x3], $0x80, s19, s22, $0xb8;
	[tilespmem:$0x1CC00] =	vst v63  }
0x4c: {  	_ =	swait.ge [sflag:s7], $0x4000  }
0x4d: {  	s0 =	sand.u32 $0x6, s7;
	[sflag:s7] =	ssyncset.done $0x0  }
0x4e: {  	p0 =	sne.s32 s0, $0x0;
	s2 =	simm.s32 $0x880;
	[sflag:s7] =	ssyncadd.s32 $0xFFFFC000  }
0x4f: {  	[spmem:s1] =	stream.indirect.scatter.add.f32 [tilespmem:s24], [sflag:$0x4], $0x80, s2, s22, $0xb8;
	[tilespmem:$0x1CC00] =	vst v63  }
0x50: {  	s2 =	simm.s32 @!p0 $0x5  }
0x51: {  	_ =	swait.ge @!p0 [sflag:s2], $0x400  }
0x52: {  	[sflag:s2] =	ssyncset.done @!p0 $0x0  }
0x53: {  	[sflag:s2] =	ssyncadd.s32 @!p0 $0xFFFFFC00  }
0x54: {  	p1 =	por @!p0 $0x0, $0x0;
	_ =	swait.ge @!p0 [sflag:s2], $0x400  }
0x55: {  	s21 =	simm.s32 $0x0;
	p1 =	por p1, p0;
	s20 =	rddreg [dreg:$0x3]  }
0x56: {  	s21 =	sand.u32 $0x1, s21;
	[sflag:s2] =	ssyncset.done @!p0 $0x0;
	s20 =	sadd.s32 @!p1 $0x0, s20  }
0x57: {  	[sflag:s2] =	ssyncadd.s32 @!p0 $0xFFFFFC00;
	s2 =	sshll.u32 @!p1 s21, $0xA;
	s20 =	sshrl.u32 @!p1 s20, $0x3  }
0x58: {  	s7 =	simm.s32 @!p1 $0x0;
	s2 =	sxor.u32 @!p1 $0x400, s2;
	s26 =	sadd.s32 @!p1 s5, s20  }
0x59: {  	[tilespmem:s2], [sflag:$0x5] =	stream.linear.gather @!p1 [hbm4b:s26+s7], $0x400, $0x38;
	[tilespmem:$0x1CC00] =	vst v63  }
0x5a: {  	s20 =	sadd.s32 @!p1 s6, s20;
	s2 =	sor.u32 @!p1 $0x800, s2  }
0x5b: {  	[tilespmem:s2], [sflag:$0x5] =	stream.linear.gather @!p1 [hbm4b:s20+s7], $0x400, $0x38;
	[tilespmem:$0x1CC00] =	vst v63  }
0x5c: {  	_ =	swait.ge [sflag:s28], $0x4000  }
0x5d: {  	s0 =	sshll.u32 s0, $0x7;
	s8 =	sshll.u32 s21, $0xA;
	[sflag:s28] =	ssyncset.done $0x0  }
0x5e: {  	s9 =	sor.u32 s0, s8;
	[sflag:s28] =	ssyncadd.s32 $0xFFFFC000  }
0x5f: {  	[tilespmem:s23], [sflag:$0x1] =	stream.indirect.gather [hbm4b:s4+s22], $0x80, s9, s22, $0xb8;
	[tilespmem:$0x1CC00] =	vst v63  }
0x60: {  	_ =	swait.ge [sflag:s29], $0x4000  }
0x61: {  	[sflag:s29] =	ssyncset.done $0x0  }
0x62: {  	s0 =	sor.u32 $0x80, s9;
	[sflag:s29] =	ssyncadd.s32 $0xFFFFC000  }
0x63: {  	[tilespmem:s24], [sflag:$0x2] =	stream.indirect.gather [hbm4b:s4+s22], $0x80, s0, s22, $0xb8;
	[tilespmem:$0x1CC00] =	vst v63  }
0x64: {  	_ =	swait.ge [sflag:s25], $0x4000  }
0x65: {  	s10 =	sor.u32 $0x800, s9;
	s26 =	sor.u32 $0x880, s9;
	[sflag:s25] =	ssyncset.done $0x0  }
0x66: {  	s20 =	simm.s32 $0x6;
	s0 =	simm.s32 $0x4;
	[sflag:s25] =	ssyncadd.s32 $0xFFFFC000  }
0x67: {  	[spmem:s1] =	stream.indirect.scatter.add.f32 [tilespmem:s23], [sflag:$0x3], $0x80, s10, s22, $0xb8;
	[tilespmem:$0x1CC00] =	vst v63  }
0x68: {  	s2 =	simm.s32 $0x1;
	s12 =	sand.u32 $0x6, s0;
	_ =	swait.ge [sflag:s30], $0x4000  }
0x69: {  	p1 =	sne.s32 s12, $0x0;
	s21 =	sshll.u32 s12, $0x7;
	[sflag:s30] =	ssyncset.done $0x0  }
.LBB2_4:
0x6a: {  	s7 =	simm.s32 @!p1 $0x5;
	[sflag:s30] =	ssyncadd.s32 $0xFFFFC000  }
0x6b: {  	[spmem:s1] =	stream.indirect.scatter.add.f32 [tilespmem:s24], [sflag:$0x4], $0x80, s26, s22, $0xb8;
	[tilespmem:$0x1CC00] =	vst v63  }
0x6c: {  	_ =	swait.ge @!p1 [sflag:s7], $0x400  }
0x6d: {  	[sflag:s7] =	ssyncset.done @!p1 $0x0  }
0x6e: {  	[sflag:s7] =	ssyncadd.s32 @!p1 $0xFFFFFC00  }
0x6f: {  	_ =	swait.ge @!p1 [sflag:s7], $0x400  }
0x70: {  	s8 =	smov.u32 s20;
	p2 =	sgt.u32 @!p1 s2, $0x22;
	[sflag:s7] =	ssyncset.done @!p1 $0x0  }
0x71: {  	s26 =	sshrl.u32 s0, $0x3;
	[sflag:s7] =	ssyncadd.s32 @!p1 $0xFFFFFC00;
	p1 =	por p2, p1  }
0x72: {  	s0 =	smov.u32 s8;
	s8 =	rddreg [dreg:$0x3];
	s7 =	sshll.u32 @!p1 s26, $0xA  }
0x73: {  	s9 =	sand.u32 $0x1, s26;
	s7 =	sadd.s32 @!p1 s7, s8  }
0x74: {  	s26 =	sshll.u32 @!p1 s9, $0xA;
	s7 =	sshrl.u32 @!p1 s7, $0x3  }
0x75: {  	s12 =	simm.s32 @!p1 $0x0;
	s8 =	sxor.u32 @!p1 $0x400, s26;
	s10 =	sadd.s32 @!p1 s5, s7  }
0x76: {  	[tilespmem:s8], [sflag:$0x5] =	stream.linear.gather @!p1 [hbm4b:s10+s12], $0x400, $0x38;
	[tilespmem:$0x1CC00] =	vst v63  }
0x77: {  	s26 =	sor.u32 @!p1 $0x800, s8;
	s7 =	sadd.s32 @!p1 s6, s7  }
0x78: {  	[tilespmem:s26], [sflag:$0x5] =	stream.linear.gather @!p1 [hbm4b:s7+s12], $0x400, $0x38;
	[tilespmem:$0x1CC00] =	vst v63  }
0x79: {  	_ =	swait.ge [sflag:s28], $0x4000  }
0x7a: {  	s9 =	sshll.u32 s9, $0xA;
	[sflag:s28] =	ssyncset.done $0x0  }
0x7b: {  	s7 =	sor.u32 s21, s9;
	[sflag:s28] =	ssyncadd.s32 $0xFFFFC000  }
0x7c: {  	[tilespmem:s23], [sflag:$0x1] =	stream.indirect.gather [hbm4b:s4+s22], $0x80, s7, s22, $0xb8;
	[tilespmem:$0x1CC00] =	vst v63  }
0x7d: {  	_ =	swait.ge [sflag:s29], $0x4000  }
0x7e: {  	[sflag:s29] =	ssyncset.done $0x0  }
0x7f: {  	s20 =	sadd.s32 $0x2, s20;
	s10 =	sor.u32 $0x80, s7;
	[sflag:s29] =	ssyncadd.s32 $0xFFFFC000  }
0x80: {  	[tilespmem:s24], [sflag:$0x2] =	stream.indirect.gather [hbm4b:s4+s22], $0x80, s10, s22, $0xb8;
	[tilespmem:$0x1CC00] =	vst v63  }
0x81: {  	p0 =	sne.s32 s20, $0x50;
	_ =	swait.ge [sflag:s25], $0x4000  }
.Ltmp1:
0x82: {  	[sflag:s25] =	ssyncset.done $0x0;
	(pc) =	sbr.rel @p0 .LBB2_4-.Ltmp1, $4  }
0x83: {  	s2 =	sadd.s32 $0x1, s2;
	s12 =	sor.u32 $0x800, s7;
	[sflag:s25] =	ssyncadd.s32 $0xFFFFC000  }
0x84: {  	[spmem:s1] =	stream.indirect.scatter.add.f32 [tilespmem:s23], [sflag:$0x3], $0x80, s12, s22, $0xb8;
	[tilespmem:$0x1CC00] =	vst v63  }
0x85: {  	s21 =	sand.u32 $0x6, s0;
	s26 =	sor.u32 $0x880, s7;
	_ =	swait.ge [sflag:s30], $0x4000  }
0x86: {  	p1 =	sne.s32 s21, $0x0;
	s21 =	sshll.u32 s21, $0x7;
	[sflag:s30] =	ssyncset.done $0x0  }
0x87: {  	s7 =	simm.s32 @!p1 $0x5;
	[sflag:s30] =	ssyncadd.s32 $0xFFFFC000  }
0x88: {  	[spmem:s1] =	stream.indirect.scatter.add.f32 [tilespmem:s24], [sflag:$0x4], $0x80, s26, s22, $0xb8;
	[tilespmem:$0x1CC00] =	vst v63  }
0x89: {  	_ =	swait.ge @!p1 [sflag:s7], $0x400  }
0x8a: {  	[sflag:s7] =	ssyncset.done @!p1 $0x0  }
0x8b: {  	p0 =	sgt.u32 @!p1 s2, $0x22;
	[sflag:s7] =	ssyncadd.s32 @!p1 $0xFFFFFC00  }
0x8c: {  	s0 =	sshrl.u32 s0, $0x3;
	p0 =	por p0, p1;
	_ =	swait.ge @!p1 [sflag:s7], $0x400  }
0x8d: {  	s8 =	sshll.u32 @!p0 s0, $0xA;
	s2 =	rddreg [dreg:$0x3]  }
0x8e: {  	s0 =	sand.u32 $0x1, s0;
	[sflag:s7] =	ssyncset.done @!p1 $0x0;
	s2 =	sadd.s32 @!p0 s8, s2  }
0x8f: {  	[sflag:s7] =	ssyncadd.s32 @!p1 $0xFFFFFC00;
	s7 =	sshll.u32 @!p0 s0, $0xA;
	s2 =	sshrl.u32 @!p0 s2, $0x3  }
0x90: {  	s9 =	simm.s32 @!p0 $0x0;
	s7 =	sxor.u32 @!p0 $0x400, s7;
	s8 =	sadd.s32 @!p0 s5, s2  }
0x91: {  	[tilespmem:s7], [sflag:$0x5] =	stream.linear.gather @!p0 [hbm4b:s8+s9], $0x400, $0x38;
	[tilespmem:$0x1CC00] =	vst v63  }
0x92: {  	s2 =	sadd.s32 @!p0 s6, s2;
	s7 =	sor.u32 @!p0 $0x800, s7  }
0x93: {  	[tilespmem:s7], [sflag:$0x5] =	stream.linear.gather @!p0 [hbm4b:s2+s9], $0x400, $0x38;
	[tilespmem:$0x1CC00] =	vst v63  }
0x94: {  	_ =	swait.ge [sflag:s28], $0x4000  }
0x95: {  	s0 =	sshll.u32 s0, $0xA;
	[sflag:s28] =	ssyncset.done $0x0  }
0x96: {  	s0 =	sor.u32 s21, s0;
	[sflag:s28] =	ssyncadd.s32 $0xFFFFC000  }
0x97: {  	[tilespmem:s23], [sflag:$0x1] =	stream.indirect.gather [hbm4b:s4+s22], $0x80, s0, s22, $0xb8;
	[tilespmem:$0x1CC00] =	vst v63  }
0x98: {  	_ =	swait.ge [sflag:s29], $0x4000  }
0x99: {  	[sflag:s29] =	ssyncset.done $0x0  }
0x9a: {  	s12 =	sor.u32 $0x80, s0;
	[sflag:s29] =	ssyncadd.s32 $0xFFFFC000  }
0x9b: {  	[tilespmem:s24], [sflag:$0x2] =	stream.indirect.gather [hbm4b:s4+s22], $0x80, s12, s22, $0xb8;
	[tilespmem:$0x1CC00] =	vst v63  }
0x9c: {  	_ =	swait.ge [sflag:s25], $0x4000  }
0x9d: {  	[sflag:s25] =	ssyncset.done $0x0  }
0x9e: {  	s20 =	sor.u32 $0x800, s0;
	[sflag:s25] =	ssyncadd.s32 $0xFFFFC000  }
0x9f: {  	[spmem:s1] =	stream.indirect.scatter.add.f32 [tilespmem:s23], [sflag:$0x3], $0x80, s20, s22, $0xb8;
	[tilespmem:$0x1CC00] =	vst v63  }
0xa0: {  	_ =	swait.ge [sflag:s30], $0x4000  }
0xa1: {  	[sflag:s30] =	ssyncset.done $0x0  }
0xa2: {  	s0 =	sor.u32 $0x880, s0;
	[sflag:s30] =	ssyncadd.s32 $0xFFFFC000  }
0xa3: {  	[spmem:s1] =	stream.indirect.scatter.add.f32 [tilespmem:s24], [sflag:$0x4], $0x80, s0, s22, $0xb8;
	[tilespmem:$0x1CC00] =	vst v63  }
0xa4: {  	_ =	swait.ge [sflag:s28], $0x4000  }
0xa5: {  	[sflag:s28] =	ssyncset.done $0x0  }
0xa6: {  	[sflag:s28] =	ssyncadd.s32 $0xFFFFC000  }
0xa7: {  	s31 =	sadd.s32 $0x1, s31;
	_ =	swait.ge [sflag:s29], $0x4000  }
0xa8: {  	s26 =	sshrl.u32 s11, $0x3;
	s21 =	stileid.u32;
	[sflag:s29] =	ssyncset.done $0x0  }
0xa9: {  	p0 =	sne.s32 s31, s17;
	s0 =	sshll.u32 s21, $0x6;
	[sflag:s29] =	ssyncadd.s32 $0xFFFFC000  }
.Ltmp2:
0xaa: {  	s0 =	sor.u32 $0x1C06, s0;
	[bflag:$0x0] =	sbarrier.arrive $0xFFFF;
	(pc) =	sbr.rel @p0 .LBB2_1-.Ltmp2, $4  }
0xab: {  	[hbm:s16], [sflag:s0] =	dma.local [spmem:s26], $0x2780  }
0xac: {  	_ =	swait.ge [sflag:s18], $0x2780  }
0xad: {  	[sflag:s18] =	ssyncset.done $0x0  }
0xae: {  	[sflag:s18] =	ssyncadd.s32 $0xFFFFD880  }
0xaf: {  	_ =	sfence.sel $0x180000  }
0xb0: {  	[bflag:$0x0] =	sbarrier.arrive $0xFFFF  }
0xb1: {  	_ =	strace $0x9000004D  }
0xb2: {  	s0 =	stileid.u32;
	[bflag:$0x2] =	sbarrier.arrive $0xFFFF  }
0xb3: {  	p0 =	sne.s32 s0, $0x0;
	s0 =	rddreg [dreg:$0x2]  }
0xb4: {  	s0 =	sadd.s32 @!p0 $0x100000, s0  }
0xb5: {  	[sflag:s0] =	ssyncadd.tile.s32 @!p0 $0x1;
	_ =	shalt  }
.Lfunc_end2:
_tile_overlayer_lowered:
.L_overlay_start_2:
0xb6: {  	(tag) =	ssettag $0x2  }
0xb7: {  	s0 =	rddreg [dreg:$0x0];
	s2 =	stileid.u32  }
0xb8: {  	s1 =	rddreg [dreg:$0x1];
	p0 =	sne.s32 s2, $0x0  }
0xb9: {  	s3 =	rddreg [dreg:$0x2];
	[bflag:$0x3] =	sbarrier.arrive $0xFFFF;
	s2 =	simm.s32 @!p0 $0x1C06  }
0xba: {  	[timem:s3], [sflag:s2] =	dma.local @!p0 [hbm:s0], s1  }
0xbb: {  	s0 =	simm.s32 @!p0 $0x6  }
0xbc: {  	_ =	swait.ge @!p0 [sflag:s0], s1  }
0xbd: {  	s1 =	ssub.s32 @!p0 $0x0, s1;
	[sflag:s0] =	ssyncset.done @!p0 $0x0  }
0xbe: {  	[sflag:s0] =	ssyncadd.s32 @!p0 s1  }
0xbf: {  	[bflag:$0x3] =	sbarrier.arrive $0xFFFF  }
0xc0: {  	_ =	shalt  }

// kernel: kernel.22.cloned.1.call-start
scs
__scs_entry_jumppad:
0x0: {  	(pc) =	sbr.rel $0x88, $3  }
0x1: {  	(tag) =	ssettag $0x0;
	lr =	simm.s32 $0x1  }
0x2: {  	[smem:$0x3F94] =	sst lr;
	_ =	strace $0xD0000000  }
0x3: {  	_ = 	snop  }
0x4: {  	_ = 	snop  }
0x5: {  	_ = 	snop  }
0x6: {  	_ = 	snop  }
0x7: {  	_ = 	snop  }
__scs_overlays_trampoline_lowered:
0x8: {  	[smem:$0x3FA3] =	sst s0  }
0x9: {  	[smem:$0x3FA4] =	sst s1  }
0xa: {  	[smem:$0x3FA5] =	sst s2  }
0xb: {  	[smem:$0x3FA6] =	sst s3  }
0xc: {  	[smem:$0x3FA7] =	sst s4  }
0xd: {  	[smem:$0x3FA8] =	sst s5  }
0xe: {  	[smem:$0x3FA9] =	sst s6  }
0xf: {  	[smem:$0x3FAA] =	sst s7  }
0x10: {  	[smem:$0x3FAB] =	sst s8  }
0x11: {  	[smem:$0x3FAC] =	sst s9;
	s0 =	simm.s32 @!p0 $0x0  }
0x12: {  	s1 =	sld [smem:$0x3F92];
	s0 =	simm.s32 @p0 $0x1  }
0x13: {  	[smem:$0x3FAD] =	sst s0;
	s0 =	simm.s32 @!p1 $0x0  }
0x14: {  	s2 =	sld [smem:$0x3F91];
	s0 =	simm.s32 @p1 $0x1  }
0x15: {  	[smem:$0x3FAE] =	sst s0;
	s0 =	simm.s32 @!p2 $0x0  }
0x16: {  	s3 =	sld [smem:$0x3FDB];
	s0 =	simm.s32 @p2 $0x1  }
0x17: {  	s4 =	simm.s32 $0x1BF5;
	[smem:$0x3FB0] =	sst s0  }
0x18: {  	s0 =	sld [smem:$0x3F93];
	_ =	swait.ge [sflag:s4], $0x0  }
0x19: {  	s7 =	sld [smem:$0x3F94]  }
0x1a: {  	s8 =	sadd.s32 $0xFFFFE003, lr  }
0x1b: {  	s9 =	sadd.s32 $0xFFFFFEF7, lr;
	s5 =	simm.s32 $0xFFFFFFFF;
	p2 =	slt.u32 s8, $0xFFFFF086  }
0x1c: {  	p1 =	slt.u32 s9, $0xF7A;
	s5 =	simm.s32 @!p2 $0x0  }
0x1d: {  	s5 =	simm.s32 @p1 $0x1;
	p0 =	seq.s32 s7, s2  }
0x1e: {  	s7 =	smul.u32 @!p0 $0xF7A, s2;
	p2 =	seq.s32 @!p0 s5, $0x0  }
0x1f: {  	s9 =	smul.u32 $0xF7A, s1;
	s8 =	simm.s32 @!p0 $0x1BF5;
	p2 =	por !p2, p0  }
0x20: {  	[sflag:s8] =	ssyncset.s32 @!p0 $0xFFFFF086;
	s6 =	sadd.s32 @!p0 s3, s7;
	s7 =	simm.s32 @!p0 $0x108  }
0x21: {  	s3 =	sadd.s32 s3, s9;
	s6 =	sadd.s32 @!p0 $0x88, s6;
	s7 =	simm.s32 @p2 $0x1082  }
0x22: {  	[simem:s7], [sflag:s8] =	dma.local @!p0 [hbm:s6], $0xF7A  }
0x23: {  	s9 =	sor.u32 $0xD0000000, s2;
	s6 =	simm.s32 $0x108;
	_ =	swait.ge @!p0 [sflag:s8], $0x0  }
0x24: {  	s3 =	sadd.s32 $0x88, s3;
	s6 =	simm.s32 @!p1 $0x1082;
	[sflag:s4] =	ssyncset.s32 $0xFFFFF086  }
0x25: {  	[simem:s6], [sflag:s4] =	dma.local [hbm:s3], $0xF7A  }
0x26: {  	[smem:$0x3F94] =	sst s1;
	(tag) =	ssettag s2;
	_ =	strace s9  }
0x27: {  	s1 =	sld [smem:$0x3FA4]  }
0x28: {  	s2 =	sld [smem:$0x3FA5]  }
0x29: {  	s4 =	sld [smem:$0x3FA7]  }
0x2a: {  	p0 =	seq.s32 s5, $0x0;
	s5 =	sld [smem:$0x3FA8]  }
0x2b: {  	s6 =	sld [smem:$0x3FA9]  }
0x2c: {  	s7 =	sld [smem:$0x3FAA]  }
0x2d: {  	s3 =	simm.s32 $0x108;
	s8 =	sld [smem:$0x3FAB]  }
0x2e: {  	s3 =	simm.s32 @!p0 $0x1082;
	s9 =	sld [smem:$0x3FAC]  }
0x2f: {  	lr =	sadd.s32 s0, s3;
	s0 =	sld [smem:$0x3FA3]  }
0x30: {  	s3 =	sld [smem:$0x3FA6]  }
0x31: {  	[smem:$0x3FAF] =	sst s10  }
0x32: {  	s10 =	sld [smem:$0x3FAD];
	_ =	sdelay $0x3  }
0x33: {  	p0 =	seq.s32 s10, $0x1;
	s10 =	sld [smem:$0x3FAF];
	_ =	sdelay $0x3  }
0x34: {  	[smem:$0x3FAF] =	sst s10  }
0x35: {  	s10 =	sld [smem:$0x3FAE];
	_ =	sdelay $0x3  }
0x36: {  	p1 =	seq.s32 s10, $0x1;
	s10 =	sld [smem:$0x3FAF];
	_ =	sdelay $0x3  }
0x37: {  	[smem:$0x3FAF] =	sst s10  }
0x38: {  	s10 =	sld [smem:$0x3FB0]  }
0x39: {  	_ = 	snop;
	(pc) =	sbr.ind lr, $3  }
0x3a: {  	_ = 	snop  }
0x3b: {  	_ = 	snop  }
0x3c: {  	p2 =	seq.s32 s10, $0x1;
	s10 =	sld [smem:$0x3FAF]  }
0x3d: {  	_ =	shalt  }
0x3e: {  	_ =	shalt  }
0x3f: {  	_ =	shalt  }
0x40: {  	_ =	shalt  }
0x41: {  	_ =	shalt  }
0x42: {  	_ =	shalt  }
0x43: {  	_ =	shalt  }
0x44: {  	_ =	shalt  }
0x45: {  	_ =	shalt  }
0x46: {  	_ =	shalt  }
0x47: {  	_ =	shalt  }
0x48: {  	_ =	shalt  }
0x49: {  	_ =	shalt  }
0x4a: {  	_ =	shalt  }
0x4b: {  	_ =	shalt  }
0x4c: {  	_ =	shalt  }
0x4d: {  	_ =	shalt  }
0x4e: {  	_ =	shalt  }
0x4f: {  	_ =	shalt  }
0x50: {  	_ =	shalt  }
0x51: {  	_ =	shalt  }
0x52: {  	_ =	shalt  }
0x53: {  	_ =	shalt  }
0x54: {  	_ =	shalt  }
0x55: {  	_ =	shalt  }
0x56: {  	_ =	shalt  }
0x57: {  	_ =	shalt  }
0x58: {  	_ =	shalt  }
0x59: {  	_ =	shalt  }
0x5a: {  	_ =	shalt  }
0x5b: {  	_ =	shalt  }
0x5c: {  	_ =	shalt  }
0x5d: {  	_ =	shalt  }
0x5e: {  	_ =	shalt  }
0x5f: {  	_ =	shalt  }
0x60: {  	_ =	shalt  }
0x61: {  	_ =	shalt  }
0x62: {  	_ =	shalt  }
0x63: {  	_ =	shalt  }
0x64: {  	_ =	shalt  }
0x65: {  	_ =	shalt  }
0x66: {  	_ =	shalt  }
0x67: {  	_ =	shalt  }
0x68: {  	_ =	shalt  }
0x69: {  	_ =	shalt  }
0x6a: {  	_ =	shalt  }
0x6b: {  	_ =	shalt  }
0x6c: {  	_ =	shalt  }
0x6d: {  	_ =	shalt  }
0x6e: {  	_ =	shalt  }
0x6f: {  	_ =	shalt  }
0x70: {  	_ =	shalt  }
0x71: {  	_ =	shalt  }
0x72: {  	_ =	shalt  }
0x73: {  	_ =	shalt  }
0x74: {  	_ =	shalt  }
0x75: {  	_ =	shalt  }
0x76: {  	_ =	shalt  }
0x77: {  	_ =	shalt  }
0x78: {  	_ =	shalt  }
0x79: {  	_ =	shalt  }
0x7a: {  	_ =	shalt  }
0x7b: {  	_ =	shalt  }
0x7c: {  	_ =	shalt  }
0x7d: {  	_ =	shalt  }
0x7e: {  	_ =	shalt  }
0x7f: {  	_ =	shalt  }
0x80: {  	_ =	shalt  }
0x81: {  	_ =	shalt  }
0x82: {  	_ =	shalt  }
0x83: {  	_ =	shalt  }
0x84: {  	_ =	shalt  }
0x85: {  	_ =	shalt  }
0x86: {  	_ =	shalt  }
0x87: {  	_ =	shalt  }
.Lfunc_end0:
.L_simem_size_0:
called_computation.3_lowered:
.L_overlay_start_0:
0x88: {  	s2 =	sld [smem:$0x3FD9]  }
0x89: {  	s3 =	sld [smem:$0x3FFE];
	_ =	sdelay $0x1  }
0x8a: {  	s1 =	srdreg.scid  }
0x8b: {  	s0 =	sand.u32 $0x1, s1  }
0x8c: {  	s16 =	sshll.u32 s0, $0xA;
	s2 =	sadd.s32 s3, s2  }
0x8d: {  	s2 =	sadd.s32 s2, s16  }
0x8e: {  	[smem:$0x3FBB] =	sst s2  }
0x8f: {  	_ = 	snop  }
0x90: {  	(tm) =	ssettm $0x1  }
0x91: {  	s17 =	sld [smem:$0x3FFB];
	_ =	sdelay $0x3  }
0x92: {  	_ =	strace s17  }
0x93: {  	s2 =	sld [smem:$0x3FFC];
	_ =	sdelay $0x3  }
0x94: {  	_ =	strace s2  }
0x95: {  	s2 =	sld [smem:$0x3FFD];
	_ =	sdelay $0x3  }
0x96: {  	_ =	strace s2  }
0x97: {  	_ =	strace $0x8FFFFFFF  }
0x98: {  	s18 =	sld [smem:$0x3FDB];
	_ =	sdelay $0x1  }
0x99: {  	s19 =	simm.s32 $_scs_section_size  }
0x9a: {  	s4 =	simm.s32 $_size__tile_overlayer_lowered;
	s5 =	simm.s32 $_tile_overlayer_lowered  }
0x9b: {  	s22 =	simm.s32 $0x1BFF;
	s21 =	sshll.u32 s5, $0x1;
	s2 =	sadd.s32 s19, s18  }
0x9c: {  	s6 =	simm.s32 $0x0;
	s20 =	sshll.u32 s4, $0x1;
	s4 =	sadd.s32 s21, s2  }
0x9d: {  	[timem:s6], [sflag:s22] =	dma.local [hbm:s4], s20  }
0x9e: {  	_ =	swait.ge [sflag:s22], s20  }
0x9f: {  	s3 =	ssub.s32 $0x0, s20;
	[sflag:s22] =	ssyncset.done $0x0  }
0xa0: {  	[sflag:s22] =	ssyncadd.s32 s3;
	_ =	sdelay $0x1  }
0xa1: {  	s23 =	simm.s32 $0x1B8B  }
0xa2: {  	_ =	swait.ge [sflag:s23], $0x1  }
0xa3: {  	[sflag:s23] =	ssyncset.done $0x0  }
0xa4: {  	s25 =	simm.s32 $0x1B8E;
	s24 =	sld [smem:$0x3FFE];
	[sflag:s23] =	ssyncadd.s32 $0xFFFFFFFF  }
0xa5: {  	s26 =	simm.s32 $execute0_lowered;
	[smem:$0x3FD2] =	sst s25  }
0xa6: {  	s4 =	sshll.u32 s26, $0x1;
	_ =	strace $0x8000004F;
	[dreg:$0x1] =	wrdreg $0xFFFFFFFF  }
0xa7: {  	s28 =	simm.s32 $_size_execute0_lowered;
	s2 =	sadd.s32 s2, s4;
	[dreg:$0x0] =	wrdreg $0x0  }
0xa8: {  	s4 =	sshll.u32 s28, $0x1;
	[dreg:$0x2] =	wrdreg s2  }
0xa9: {  	[dreg:$0x3] =	wrdreg s4  }
0xaa: {  	[dreg:$0x4] =	wrdreg $0xC0  }
0xab: {  	_ =	task [dreg:s6], $0x5FFFF  }
0xac: {  	[dreg:$0x1] =	wrdreg $0xFFFFFFFF  }
0xad: {  	[dreg:$0x0] =	wrdreg $0x60  }
0xae: {  	[dreg:$0x2] =	wrdreg s24  }
0xaf: {  	[dreg:$0x3] =	wrdreg $0x90000  }
0xb0: {  	[dreg:$0x4] =	wrdreg $0x9  }
0xb1: {  	_ =	task.clear_ibuf [dreg:s6], $0x5FFFF;
	_ =	strace $0x9000004F  }
0xb2: {  	s29 =	simm.s32 $0x9;
	_ =	strace $0x80000051  }
0xb3: {  	_ =	swait.ge [sflag:s29], $0x1  }
0xb4: {  	[sflag:s29] =	ssyncadd.s32 $0xFFFFFFFF  }
0xb5: {  	_ =	strace $0x90000051  }
0xb6: {  	_ =	sfence  }
0xb7: {  	s30 =	sld [smem:$0x0];
	_ =	sdelay $0x2  }
0xb8: {  	s31 =	sshll.u32 s1, $0xD;
	s1 =	sshrl.u32 s1, $0x2  }
0xb9: {  	s3 =	sand.u32 $0x4000, s31;
	s1 =	sadd.s32 s1, s30  }
0xba: {  	s0 =	sor.u32 s3, s0;
	s1 =	sshll.u32 s1, $0x11  }
0xbb: {  	s0 =	sor.u32 s1, s0  }
0xbc: {  	s0 =	sadd.s32 $0x8F2B, s0  }
0xbd: {  	[sflag:s0] =	ssyncadd.remote.s32 $0x1  }
0xbe: {  	_ =	sfence.sel $0xFFFF  }
0xbf: {  	[dreg:$0x0] =	wrdreg $0xFFFFFFFF;
	(pc) =	sbr.abs _section_cstart, $3  }
0xc0: {  	[dreg:$0x1] =	wrdreg $0xFFFFFFFF  }
0xc1: {  	_ =	task.clear_ibuf [dreg:s6], $0x2FFFF;
	_ =	strace $0x9FFFFFFF  }
0xc2: {  	(tm) =	ssettm $0x7FFFFFFF  }
0xc3: {  	_ =	shalt  }
tec
execute0_lowered:
.L_overlay_start_1:
0x0: {  	(tag) =	ssettag $0x1  }
0x1: {  	s0 =	rddreg [dreg:$0x0]  }
0x2: {  	s1 =	rddreg [dreg:$0x1]  }
0x3: {  	s3 =	simm.s32 $0x0;
	s2 =	srdreg.scid;
	s10 =	stileid.u32  }
0x4: {  	s18 =	simm.s32 $0x6;
	s19 =	simm.s32 $0x800;
	s28 =	simm.s32 $0x3  }
0x5: {  	s29 =	simm.s32 $0x4;
	s30 =	simm.s32 $0x2;
	s31 =	simm.s32 $0x0  }
0x6: {  	[smem:$0x7FF] =	sst s3;
	s2 =	sand.u32 $0x1, s2;
	s7 =	smul.u32 $0x2780, s10  }
0x7: {  	s4 =	sshll.u32 s10, $0x1;
	s5 =	sadd.s32 $0xF600, s0;
	s10 =	smul.u32 $0x4F000, s10  }
0x8: {  	_ =	strace $0x80000050;
	s8 =	smul.u32 $0x28000, s2;
	s6 =	sor.u32 s2, s4  }
0x9: {  	s4 =	sadd.s32 $0x19600, s0;
	s2 =	ssub.s32 $0x2, s2;
	s14 =	smul.u32 $0x2800, s6  }
0xa: {  	s6 =	sadd.s32 $0x5600, s0;
	s21 =	sshrl.u32 s2, $0x1;
	s12 =	sshrl.u32 s10, $0x2  }
0xb: {  	s7 =	sadd.s32 s7, s8;
	s2 =	ssub.s32 s2, s21;
	s9 =	sshrl.u32 s14, $0x3  }
0xc: {  	s0 =	sadd.s32 s7, s0;
	s16 =	sor.u32 $0x400, s14;
	s17 =	smax.u32 s2, $0x1  }
0xd: {  	s22 =	sadd.s32 s5, s9;
	s23 =	sadd.s32 s6, s9;
	[dreg:$0x3] =	wrdreg s16  }
0xe: {  	s11 =	sor.u32 $0x80, s9;
	s16 =	sadd.s32 $0x41600, s0;
	[dreg:$0x4] =	wrdreg s22  }
0xf: {  	[dreg:$0x5] =	wrdreg s23;
	s24 =	sadd.s32 s5, s11;
	s25 =	sadd.s32 s6, s11  }
0x10: {  	s11 =	sadd.s32 s12, s1;
	s22 =	simm.s32 $0x80;
	[dreg:$0x6] =	wrdreg s24  }
0x11: {  	s23 =	simm.s32 $0x1000;
	[dreg:$0x7] =	wrdreg s25;
	s26 =	sadd.s32 $0x4000, s11  }
0x12: {  	s13 =	sadd.s32 $0x8000, s11;
	s14 =	sadd.s32 $0xC000, s11;
	s15 =	sadd.s32 $0x10000, s11  }
0x13: {  	v0 =	vimm.f32 $0.0e+00;
	s24 =	simm.s32 $0x5000;
	s25 =	simm.s32 $0x1;
	[dreg:$0x8] =	wrdreg s26  }
.LBB2_1:
0x14: {  	s0 =	rddreg [dreg:$0x4]  }
0x15: {  	[tilespmem:s3], [sflag:$0x6] =	stream.linear.gather [hbm4b:s0+s3], $0x400, $0x38;
	[tilespmem:$0x1CC00] =	vst v63  }
0x16: {  	_ =	swait.ge [sflag:s18], $0x400  }
0x17: {  	[sflag:s18] =	ssyncset.done $0x0  }
0x18: {  	s12 =	rddreg [dreg:$0x5];
	[sflag:s18] =	ssyncadd.s32 $0xFFFFFC00  }
0x19: {  	[tilespmem:s19], [sflag:$0x6] =	stream.linear.gather [hbm4b:s12+s3], $0x400, $0x38;
	[tilespmem:$0x1CC00] =	vst v63  }
0x1a: {  	_ =	swait.ge [sflag:s18], $0x400  }
0x1b: {  	[sflag:s18] =	ssyncset.done $0x0  }
0x1c: {  	s2 =	simm.s32 $0x400;
	s20 =	rddreg [dreg:$0x6];
	[sflag:s18] =	ssyncadd.s32 $0xFFFFFC00  }
0x1d: {  	[tilespmem:s2], [sflag:$0x5] =	stream.linear.gather [hbm4b:s20+s3], $0x400, $0x38;
	[tilespmem:$0x1CC00] =	vst v63  }
0x1e: {  	s26 =	simm.s32 $0xC00;
	s21 =	rddreg [dreg:$0x7]  }
0x1f: {  	[tilespmem:s26], [sflag:$0x5] =	stream.linear.gather [hbm4b:s21+s3], $0x400, $0x38;
	[tilespmem:$0x1CC00] =	vst v63  }
0x20: {  	s0 =	simm.s32 $0x0;
	s2 =	simm.s32 $0x200  }
0x21: {  	[tilespmem:s23], [sflag:$0x1] =	stream.indirect.gather [hbm4b:s4+s22], $0x80, s3, s22, $0xb8;
	[tilespmem:$0x1CC00] =	vst v63  }
.LBB2_2:
0x22: {  	p0 =	sne.s32 s2, $0xFE00;
	[tilespmem:s0+$0x5070] =	vst v0  }
0x23: {  	[tilespmem:s0+$0x5000] =	vst v0  }
0x24: {  	[tilespmem:s0+$0x5010] =	vst v0  }
.Ltmp0:
0x25: {  	[tilespmem:s0+$0x5020] =	vst v0;
	(pc) =	sbr.rel @p0 .LBB2_2-.Ltmp0, $4  }
0x26: {  	[tilespmem:s0+$0x5030] =	vst v0  }
0x27: {  	[tilespmem:s0+$0x5040] =	vst v0  }
0x28: {  	[tilespmem:s0+$0x5050] =	vst v0  }
0x29: {  	[tilespmem:s0+$0x5060] =	vst v0;
	s0 =	sshra.s32 s2, $0x2;
	s2 =	sadd.s32 $0x200, s2  }
0x2a: {  	[tilespmem:s0+$0x5070] =	vst v0  }
0x2b: {  	[tilespmem:s0+$0x5000] =	vst v0  }
0x2c: {  	[tilespmem:s0+$0x5010] =	vst v0  }
0x2d: {  	[tilespmem:s0+$0x5020] =	vst v0  }
0x2e: {  	[tilespmem:s0+$0x5030] =	vst v0  }
0x2f: {  	[tilespmem:s0+$0x5040] =	vst v0  }
0x30: {  	[tilespmem:s0+$0x5050] =	vst v0  }
0x31: {  	[tilespmem:s0+$0x5060] =	vst v0  }
0x32: {  	[spmem:s11] =	stream.linear.scatter [tilespmem:s24], [sflag:$0x6], $0x4000, $0x38;
	[tilespmem:$0x1CC00] =	vst v63  }
0x33: {  	_ =	swait.ge [sflag:s18], $0x4000  }
0x34: {  	[sflag:s18] =	ssyncset.done $0x0  }
0x35: {  	s2 =	rddreg [dreg:$0x8];
	[sflag:s18] =	ssyncadd.s32 $0xFFFFC000  }
0x36: {  	[spmem:s2] =	stream.linear.scatter [tilespmem:s24], [sflag:$0x6], $0x4000, $0x38;
	[tilespmem:$0x1CC00] =	vst v63  }
0x37: {  	_ =	swait.ge [sflag:s18], $0x4000  }
0x38: {  	[sflag:s18] =	ssyncset.done $0x0  }
0x39: {  	[sflag:s18] =	ssyncadd.s32 $0xFFFFC000  }
0x3a: {  	[spmem:s13] =	stream.linear.scatter [tilespmem:s24], [sflag:$0x6], $0x4000, $0x38;
	[tilespmem:$0x1CC00] =	vst v63  }
0x3b: {  	_ =	swait.ge [sflag:s18], $0x4000  }
0x3c: {  	[sflag:s18] =	ssyncset.done $0x0  }
0x3d: {  	[sflag:s18] =	ssyncadd.s32 $0xFFFFC000  }
0x3e: {  	[spmem:s14] =	stream.linear.scatter [tilespmem:s24], [sflag:$0x6], $0x4000, $0x38;
	[tilespmem:$0x1CC00] =	vst v63  }
0x3f: {  	_ =	swait.ge [sflag:s18], $0x4000  }
0x40: {  	[sflag:s18] =	ssyncset.done $0x0  }
0x41: {  	[sflag:s18] =	ssyncadd.s32 $0xFFFFC000  }
0x42: {  	[spmem:s15] =	stream.linear.scatter [tilespmem:s24], [sflag:$0x6], $0x3C00, $0x38;
	[tilespmem:$0x1CC00] =	vst v63  }
0x43: {  	_ =	swait.ge [sflag:s18], $0x3C00  }
0x44: {  	[sflag:s18] =	ssyncset.done $0x0  }
0x45: {  	[sflag:s18] =	ssyncadd.s32 $0xFFFFC400  }
0x46: {  	[bflag:$0x0] =	sbarrier.arrive $0xFFFF  }
0x47: {  	[tilespmem:s24], [sflag:$0x2] =	stream.indirect.gather [hbm4b:s4+s22], $0x80, s22, s22, $0xb8;
	[tilespmem:$0x1CC00] =	vst v63  }
0x48: {  	_ =	swait.ge [sflag:s25], $0x4000  }
0x49: {  	[sflag:s25] =	ssyncset.done $0x0  }
0x4a: {  	s7 =	simm.s32 $0x2;
	[sflag:s25] =	ssyncadd.s32 $0xFFFFC000  }
0x4b: {  	[spmem:s1] =	stream.indirect.scatter.add.f32 [tilespmem:s23], [sflag:$0x3], $0x80, s19, s22, $0xb8;
	[tilespmem:$0x1CC00] =	vst v63  }
0x4c: {  	_ =	swait.ge [sflag:s7], $0x4000  }
0x4d: {  	s0 =	sand.u32 $0x6, s7;
	[sflag:s7] =	ssyncset.done $0x0  }
0x4e: {  	p0 =	sne.s32 s0, $0x0;
	s2 =	simm.s32 $0x880;
	[sflag:s7] =	ssyncadd.s32 $0xFFFFC000  }
0x4f: {  	[spmem:s1] =	stream.indirect.scatter.add.f32 [tilespmem:s24], [sflag:$0x4], $0x80, s2, s22, $0xb8;
	[tilespmem:$0x1CC00] =	vst v63  }
0x50: {  	s2 =	simm.s32 @!p0 $0x5  }
0x51: {  	_ =	swait.ge @!p0 [sflag:s2], $0x400  }
0x52: {  	[sflag:s2] =	ssyncset.done @!p0 $0x0  }
0x53: {  	[sflag:s2] =	ssyncadd.s32 @!p0 $0xFFFFFC00  }
0x54: {  	p1 =	por @!p0 $0x0, $0x0;
	_ =	swait.ge @!p0 [sflag:s2], $0x400  }
0x55: {  	s21 =	simm.s32 $0x0;
	p1 =	por p1, p0;
	s20 =	rddreg [dreg:$0x3]  }
0x56: {  	s21 =	sand.u32 $0x1, s21;
	[sflag:s2] =	ssyncset.done @!p0 $0x0;
	s20 =	sadd.s32 @!p1 $0x0, s20  }
0x57: {  	[sflag:s2] =	ssyncadd.s32 @!p0 $0xFFFFFC00;
	s2 =	sshll.u32 @!p1 s21, $0xA;
	s20 =	sshrl.u32 @!p1 s20, $0x3  }
0x58: {  	s7 =	simm.s32 @!p1 $0x0;
	s2 =	sxor.u32 @!p1 $0x400, s2;
	s26 =	sadd.s32 @!p1 s5, s20  }
0x59: {  	[tilespmem:s2], [sflag:$0x5] =	stream.linear.gather @!p1 [hbm4b:s26+s7], $0x400, $0x38;
	[tilespmem:$0x1CC00] =	vst v63  }
0x5a: {  	s20 =	sadd.s32 @!p1 s6, s20;
	s2 =	sor.u32 @!p1 $0x800, s2  }
0x5b: {  	[tilespmem:s2], [sflag:$0x5] =	stream.linear.gather @!p1 [hbm4b:s20+s7], $0x400, $0x38;
	[tilespmem:$0x1CC00] =	vst v63  }
0x5c: {  	_ =	swait.ge [sflag:s28], $0x4000  }
0x5d: {  	s0 =	sshll.u32 s0, $0x7;
	s8 =	sshll.u32 s21, $0xA;
	[sflag:s28] =	ssyncset.done $0x0  }
0x5e: {  	s9 =	sor.u32 s0, s8;
	[sflag:s28] =	ssyncadd.s32 $0xFFFFC000  }
0x5f: {  	[tilespmem:s23], [sflag:$0x1] =	stream.indirect.gather [hbm4b:s4+s22], $0x80, s9, s22, $0xb8;
	[tilespmem:$0x1CC00] =	vst v63  }
0x60: {  	_ =	swait.ge [sflag:s29], $0x4000  }
0x61: {  	[sflag:s29] =	ssyncset.done $0x0  }
0x62: {  	s0 =	sor.u32 $0x80, s9;
	[sflag:s29] =	ssyncadd.s32 $0xFFFFC000  }
0x63: {  	[tilespmem:s24], [sflag:$0x2] =	stream.indirect.gather [hbm4b:s4+s22], $0x80, s0, s22, $0xb8;
	[tilespmem:$0x1CC00] =	vst v63  }
0x64: {  	_ =	swait.ge [sflag:s25], $0x4000  }
0x65: {  	s10 =	sor.u32 $0x800, s9;
	s26 =	sor.u32 $0x880, s9;
	[sflag:s25] =	ssyncset.done $0x0  }
0x66: {  	s20 =	simm.s32 $0x6;
	s0 =	simm.s32 $0x4;
	[sflag:s25] =	ssyncadd.s32 $0xFFFFC000  }
0x67: {  	[spmem:s1] =	stream.indirect.scatter.add.f32 [tilespmem:s23], [sflag:$0x3], $0x80, s10, s22, $0xb8;
	[tilespmem:$0x1CC00] =	vst v63  }
0x68: {  	s2 =	simm.s32 $0x1;
	s12 =	sand.u32 $0x6, s0;
	_ =	swait.ge [sflag:s30], $0x4000  }
0x69: {  	p1 =	sne.s32 s12, $0x0;
	s21 =	sshll.u32 s12, $0x7;
	[sflag:s30] =	ssyncset.done $0x0  }
.LBB2_4:
0x6a: {  	s7 =	simm.s32 @!p1 $0x5;
	[sflag:s30] =	ssyncadd.s32 $0xFFFFC000  }
0x6b: {  	[spmem:s1] =	stream.indirect.scatter.add.f32 [tilespmem:s24], [sflag:$0x4], $0x80, s26, s22, $0xb8;
	[tilespmem:$0x1CC00] =	vst v63  }
0x6c: {  	_ =	swait.ge @!p1 [sflag:s7], $0x400  }
0x6d: {  	[sflag:s7] =	ssyncset.done @!p1 $0x0  }
0x6e: {  	[sflag:s7] =	ssyncadd.s32 @!p1 $0xFFFFFC00  }
0x6f: {  	_ =	swait.ge @!p1 [sflag:s7], $0x400  }
0x70: {  	s8 =	smov.u32 s20;
	p2 =	sgt.u32 @!p1 s2, $0x22;
	[sflag:s7] =	ssyncset.done @!p1 $0x0  }
0x71: {  	s26 =	sshrl.u32 s0, $0x3;
	[sflag:s7] =	ssyncadd.s32 @!p1 $0xFFFFFC00;
	p1 =	por p2, p1  }
0x72: {  	s0 =	smov.u32 s8;
	s8 =	rddreg [dreg:$0x3];
	s7 =	sshll.u32 @!p1 s26, $0xA  }
0x73: {  	s9 =	sand.u32 $0x1, s26;
	s7 =	sadd.s32 @!p1 s7, s8  }
0x74: {  	s26 =	sshll.u32 @!p1 s9, $0xA;
	s7 =	sshrl.u32 @!p1 s7, $0x3  }
0x75: {  	s12 =	simm.s32 @!p1 $0x0;
	s8 =	sxor.u32 @!p1 $0x400, s26;
	s10 =	sadd.s32 @!p1 s5, s7  }
0x76: {  	[tilespmem:s8], [sflag:$0x5] =	stream.linear.gather @!p1 [hbm4b:s10+s12], $0x400, $0x38;
	[tilespmem:$0x1CC00] =	vst v63  }
0x77: {  	s26 =	sor.u32 @!p1 $0x800, s8;
	s7 =	sadd.s32 @!p1 s6, s7  }
0x78: {  	[tilespmem:s26], [sflag:$0x5] =	stream.linear.gather @!p1 [hbm4b:s7+s12], $0x400, $0x38;
	[tilespmem:$0x1CC00] =	vst v63  }
0x79: {  	_ =	swait.ge [sflag:s28], $0x4000  }
0x7a: {  	s9 =	sshll.u32 s9, $0xA;
	[sflag:s28] =	ssyncset.done $0x0  }
0x7b: {  	s7 =	sor.u32 s21, s9;
	[sflag:s28] =	ssyncadd.s32 $0xFFFFC000  }
0x7c: {  	[tilespmem:s23], [sflag:$0x1] =	stream.indirect.gather [hbm4b:s4+s22], $0x80, s7, s22, $0xb8;
	[tilespmem:$0x1CC00] =	vst v63  }
0x7d: {  	_ =	swait.ge [sflag:s29], $0x4000  }
0x7e: {  	[sflag:s29] =	ssyncset.done $0x0  }
0x7f: {  	s20 =	sadd.s32 $0x2, s20;
	s10 =	sor.u32 $0x80, s7;
	[sflag:s29] =	ssyncadd.s32 $0xFFFFC000  }
0x80: {  	[tilespmem:s24], [sflag:$0x2] =	stream.indirect.gather [hbm4b:s4+s22], $0x80, s10, s22, $0xb8;
	[tilespmem:$0x1CC00] =	vst v63  }
0x81: {  	p0 =	sne.s32 s20, $0x50;
	_ =	swait.ge [sflag:s25], $0x4000  }
.Ltmp1:
0x82: {  	[sflag:s25] =	ssyncset.done $0x0;
	(pc) =	sbr.rel @p0 .LBB2_4-.Ltmp1, $4  }
0x83: {  	s2 =	sadd.s32 $0x1, s2;
	s12 =	sor.u32 $0x800, s7;
	[sflag:s25] =	ssyncadd.s32 $0xFFFFC000  }
0x84: {  	[spmem:s1] =	stream.indirect.scatter.add.f32 [tilespmem:s23], [sflag:$0x3], $0x80, s12, s22, $0xb8;
	[tilespmem:$0x1CC00] =	vst v63  }
0x85: {  	s21 =	sand.u32 $0x6, s0;
	s26 =	sor.u32 $0x880, s7;
	_ =	swait.ge [sflag:s30], $0x4000  }
0x86: {  	p1 =	sne.s32 s21, $0x0;
	s21 =	sshll.u32 s21, $0x7;
	[sflag:s30] =	ssyncset.done $0x0  }
0x87: {  	s7 =	simm.s32 @!p1 $0x5;
	[sflag:s30] =	ssyncadd.s32 $0xFFFFC000  }
0x88: {  	[spmem:s1] =	stream.indirect.scatter.add.f32 [tilespmem:s24], [sflag:$0x4], $0x80, s26, s22, $0xb8;
	[tilespmem:$0x1CC00] =	vst v63  }
0x89: {  	_ =	swait.ge @!p1 [sflag:s7], $0x400  }
0x8a: {  	[sflag:s7] =	ssyncset.done @!p1 $0x0  }
0x8b: {  	p0 =	sgt.u32 @!p1 s2, $0x22;
	[sflag:s7] =	ssyncadd.s32 @!p1 $0xFFFFFC00  }
0x8c: {  	s0 =	sshrl.u32 s0, $0x3;
	p0 =	por p0, p1;
	_ =	swait.ge @!p1 [sflag:s7], $0x400  }
0x8d: {  	s8 =	sshll.u32 @!p0 s0, $0xA;
	s2 =	rddreg [dreg:$0x3]  }
0x8e: {  	s0 =	sand.u32 $0x1, s0;
	[sflag:s7] =	ssyncset.done @!p1 $0x0;
	s2 =	sadd.s32 @!p0 s8, s2  }
0x8f: {  	[sflag:s7] =	ssyncadd.s32 @!p1 $0xFFFFFC00;
	s7 =	sshll.u32 @!p0 s0, $0xA;
	s2 =	sshrl.u32 @!p0 s2, $0x3  }
0x90: {  	s9 =	simm.s32 @!p0 $0x0;
	s7 =	sxor.u32 @!p0 $0x400, s7;
	s8 =	sadd.s32 @!p0 s5, s2  }
0x91: {  	[tilespmem:s7], [sflag:$0x5] =	stream.linear.gather @!p0 [hbm4b:s8+s9], $0x400, $0x38;
	[tilespmem:$0x1CC00] =	vst v63  }
0x92: {  	s2 =	sadd.s32 @!p0 s6, s2;
	s7 =	sor.u32 @!p0 $0x800, s7  }
0x93: {  	[tilespmem:s7], [sflag:$0x5] =	stream.linear.gather @!p0 [hbm4b:s2+s9], $0x400, $0x38;
	[tilespmem:$0x1CC00] =	vst v63  }
0x94: {  	_ =	swait.ge [sflag:s28], $0x4000  }
0x95: {  	s0 =	sshll.u32 s0, $0xA;
	[sflag:s28] =	ssyncset.done $0x0  }
0x96: {  	s0 =	sor.u32 s21, s0;
	[sflag:s28] =	ssyncadd.s32 $0xFFFFC000  }
0x97: {  	[tilespmem:s23], [sflag:$0x1] =	stream.indirect.gather [hbm4b:s4+s22], $0x80, s0, s22, $0xb8;
	[tilespmem:$0x1CC00] =	vst v63  }
0x98: {  	_ =	swait.ge [sflag:s29], $0x4000  }
0x99: {  	[sflag:s29] =	ssyncset.done $0x0  }
0x9a: {  	s12 =	sor.u32 $0x80, s0;
	[sflag:s29] =	ssyncadd.s32 $0xFFFFC000  }
0x9b: {  	[tilespmem:s24], [sflag:$0x2] =	stream.indirect.gather [hbm4b:s4+s22], $0x80, s12, s22, $0xb8;
	[tilespmem:$0x1CC00] =	vst v63  }
0x9c: {  	_ =	swait.ge [sflag:s25], $0x4000  }
0x9d: {  	[sflag:s25] =	ssyncset.done $0x0  }
0x9e: {  	s20 =	sor.u32 $0x800, s0;
	[sflag:s25] =	ssyncadd.s32 $0xFFFFC000  }
0x9f: {  	[spmem:s1] =	stream.indirect.scatter.add.f32 [tilespmem:s23], [sflag:$0x3], $0x80, s20, s22, $0xb8;
	[tilespmem:$0x1CC00] =	vst v63  }
0xa0: {  	_ =	swait.ge [sflag:s30], $0x4000  }
0xa1: {  	[sflag:s30] =	ssyncset.done $0x0  }
0xa2: {  	s0 =	sor.u32 $0x880, s0;
	[sflag:s30] =	ssyncadd.s32 $0xFFFFC000  }
0xa3: {  	[spmem:s1] =	stream.indirect.scatter.add.f32 [tilespmem:s24], [sflag:$0x4], $0x80, s0, s22, $0xb8;
	[tilespmem:$0x1CC00] =	vst v63  }
0xa4: {  	_ =	swait.ge [sflag:s28], $0x4000  }
0xa5: {  	[sflag:s28] =	ssyncset.done $0x0  }
0xa6: {  	[sflag:s28] =	ssyncadd.s32 $0xFFFFC000  }
0xa7: {  	s31 =	sadd.s32 $0x1, s31;
	_ =	swait.ge [sflag:s29], $0x4000  }
0xa8: {  	s26 =	sshrl.u32 s11, $0x3;
	s21 =	stileid.u32;
	[sflag:s29] =	ssyncset.done $0x0  }
0xa9: {  	p0 =	sne.s32 s31, s17;
	s0 =	sshll.u32 s21, $0x6;
	[sflag:s29] =	ssyncadd.s32 $0xFFFFC000  }
.Ltmp2:
0xaa: {  	s0 =	sor.u32 $0x1C06, s0;
	[bflag:$0x0] =	sbarrier.arrive $0xFFFF;
	(pc) =	sbr.rel @p0 .LBB2_1-.Ltmp2, $4  }
0xab: {  	[hbm:s16], [sflag:s0] =	dma.local [spmem:s26], $0x2780  }
0xac: {  	_ =	swait.ge [sflag:s18], $0x2780  }
0xad: {  	[sflag:s18] =	ssyncset.done $0x0  }
0xae: {  	[sflag:s18] =	ssyncadd.s32 $0xFFFFD880  }
0xaf: {  	_ =	sfence.sel $0x180000  }
0xb0: {  	[bflag:$0x0] =	sbarrier.arrive $0xFFFF  }
0xb1: {  	_ =	strace $0x90000050  }
0xb2: {  	s0 =	stileid.u32;
	[bflag:$0x2] =	sbarrier.arrive $0xFFFF  }
0xb3: {  	p0 =	sne.s32 s0, $0x0;
	s0 =	rddreg [dreg:$0x2]  }
0xb4: {  	s0 =	sadd.s32 @!p0 $0x100000, s0  }
0xb5: {  	[sflag:s0] =	ssyncadd.tile.s32 @!p0 $0x1;
	_ =	shalt  }
.Lfunc_end2:
_tile_overlayer_lowered:
.L_overlay_start_2:
0xb6: {  	(tag) =	ssettag $0x2  }
0xb7: {  	s0 =	rddreg [dreg:$0x0];
	s2 =	stileid.u32  }
0xb8: {  	s1 =	rddreg [dreg:$0x1];
	p0 =	sne.s32 s2, $0x0  }
0xb9: {  	s3 =	rddreg [dreg:$0x2];
	[bflag:$0x3] =	sbarrier.arrive $0xFFFF;
	s2 =	simm.s32 @!p0 $0x1C06  }
0xba: {  	[timem:s3], [sflag:s2] =	dma.local @!p0 [hbm:s0], s1  }
0xbb: {  	s0 =	simm.s32 @!p0 $0x6  }
0xbc: {  	_ =	swait.ge @!p0 [sflag:s0], s1  }
0xbd: {  	s1 =	ssub.s32 @!p0 $0x0, s1;
	[sflag:s0] =	ssyncset.done @!p0 $0x0  }
0xbe: {  	[sflag:s0] =	ssyncadd.s32 @!p0 s1  }
0xbf: {  	[bflag:$0x3] =	sbarrier.arrive $0xFFFF  }
0xc0: {  	_ =	shalt  }

// kernel: kernel.25.cloned.1.call-start
scs
__scs_entry_jumppad:
0x0: {  	(pc) =	sbr.rel $0x88, $3  }
0x1: {  	(tag) =	ssettag $0x0;
	lr =	simm.s32 $0x1  }
0x2: {  	[smem:$0x3F94] =	sst lr;
	_ =	strace $0xD0000000  }
0x3: {  	_ = 	snop  }
0x4: {  	_ = 	snop  }
0x5: {  	_ = 	snop  }
0x6: {  	_ = 	snop  }
0x7: {  	_ = 	snop  }
__scs_overlays_trampoline_lowered:
0x8: {  	[smem:$0x3FA3] =	sst s0  }
0x9: {  	[smem:$0x3FA4] =	sst s1  }
0xa: {  	[smem:$0x3FA5] =	sst s2  }
0xb: {  	[smem:$0x3FA6] =	sst s3  }
0xc: {  	[smem:$0x3FA7] =	sst s4  }
0xd: {  	[smem:$0x3FA8] =	sst s5  }
0xe: {  	[smem:$0x3FA9] =	sst s6  }
0xf: {  	[smem:$0x3FAA] =	sst s7  }
0x10: {  	[smem:$0x3FAB] =	sst s8  }
0x11: {  	[smem:$0x3FAC] =	sst s9;
	s0 =	simm.s32 @!p0 $0x0  }
0x12: {  	s1 =	sld [smem:$0x3F92];
	s0 =	simm.s32 @p0 $0x1  }
0x13: {  	[smem:$0x3FAD] =	sst s0;
	s0 =	simm.s32 @!p1 $0x0  }
0x14: {  	s2 =	sld [smem:$0x3F91];
	s0 =	simm.s32 @p1 $0x1  }
0x15: {  	[smem:$0x3FAE] =	sst s0;
	s0 =	simm.s32 @!p2 $0x0  }
0x16: {  	s3 =	sld [smem:$0x3FDB];
	s0 =	simm.s32 @p2 $0x1  }
0x17: {  	s4 =	simm.s32 $0x1BF5;
	[smem:$0x3FB0] =	sst s0  }
0x18: {  	s0 =	sld [smem:$0x3F93];
	_ =	swait.ge [sflag:s4], $0x0  }
0x19: {  	s7 =	sld [smem:$0x3F94]  }
0x1a: {  	s8 =	sadd.s32 $0xFFFFE003, lr  }
0x1b: {  	s9 =	sadd.s32 $0xFFFFFEF7, lr;
	s5 =	simm.s32 $0xFFFFFFFF;
	p2 =	slt.u32 s8, $0xFFFFF086  }
0x1c: {  	p1 =	slt.u32 s9, $0xF7A;
	s5 =	simm.s32 @!p2 $0x0  }
0x1d: {  	s5 =	simm.s32 @p1 $0x1;
	p0 =	seq.s32 s7, s2  }
0x1e: {  	s7 =	smul.u32 @!p0 $0xF7A, s2;
	p2 =	seq.s32 @!p0 s5, $0x0  }
0x1f: {  	s9 =	smul.u32 $0xF7A, s1;
	s8 =	simm.s32 @!p0 $0x1BF5;
	p2 =	por !p2, p0  }
0x20: {  	[sflag:s8] =	ssyncset.s32 @!p0 $0xFFFFF086;
	s6 =	sadd.s32 @!p0 s3, s7;
	s7 =	simm.s32 @!p0 $0x108  }
0x21: {  	s3 =	sadd.s32 s3, s9;
	s6 =	sadd.s32 @!p0 $0x88, s6;
	s7 =	simm.s32 @p2 $0x1082  }
0x22: {  	[simem:s7], [sflag:s8] =	dma.local @!p0 [hbm:s6], $0xF7A  }
0x23: {  	s9 =	sor.u32 $0xD0000000, s2;
	s6 =	simm.s32 $0x108;
	_ =	swait.ge @!p0 [sflag:s8], $0x0  }
0x24: {  	s3 =	sadd.s32 $0x88, s3;
	s6 =	simm.s32 @!p1 $0x1082;
	[sflag:s4] =	ssyncset.s32 $0xFFFFF086  }
0x25: {  	[simem:s6], [sflag:s4] =	dma.local [hbm:s3], $0xF7A  }
0x26: {  	[smem:$0x3F94] =	sst s1;
	(tag) =	ssettag s2;
	_ =	strace s9  }
0x27: {  	s1 =	sld [smem:$0x3FA4]  }
0x28: {  	s2 =	sld [smem:$0x3FA5]  }
0x29: {  	s4 =	sld [smem:$0x3FA7]  }
0x2a: {  	p0 =	seq.s32 s5, $0x0;
	s5 =	sld [smem:$0x3FA8]  }
0x2b: {  	s6 =	sld [smem:$0x3FA9]  }
0x2c: {  	s7 =	sld [smem:$0x3FAA]  }
0x2d: {  	s3 =	simm.s32 $0x108;
	s8 =	sld [smem:$0x3FAB]  }
0x2e: {  	s3 =	simm.s32 @!p0 $0x1082;
	s9 =	sld [smem:$0x3FAC]  }
0x2f: {  	lr =	sadd.s32 s0, s3;
	s0 =	sld [smem:$0x3FA3]  }
0x30: {  	s3 =	sld [smem:$0x3FA6]  }
0x31: {  	[smem:$0x3FAF] =	sst s10  }
0x32: {  	s10 =	sld [smem:$0x3FAD];
	_ =	sdelay $0x3  }
0x33: {  	p0 =	seq.s32 s10, $0x1;
	s10 =	sld [smem:$0x3FAF];
	_ =	sdelay $0x3  }
0x34: {  	[smem:$0x3FAF] =	sst s10  }
0x35: {  	s10 =	sld [smem:$0x3FAE];
	_ =	sdelay $0x3  }
0x36: {  	p1 =	seq.s32 s10, $0x1;
	s10 =	sld [smem:$0x3FAF];
	_ =	sdelay $0x3  }
0x37: {  	[smem:$0x3FAF] =	sst s10  }
0x38: {  	s10 =	sld [smem:$0x3FB0]  }
0x39: {  	_ = 	snop;
	(pc) =	sbr.ind lr, $3  }
0x3a: {  	_ = 	snop  }
0x3b: {  	_ = 	snop  }
0x3c: {  	p2 =	seq.s32 s10, $0x1;
	s10 =	sld [smem:$0x3FAF]  }
0x3d: {  	_ =	shalt  }
0x3e: {  	_ =	shalt  }
0x3f: {  	_ =	shalt  }
0x40: {  	_ =	shalt  }
0x41: {  	_ =	shalt  }
0x42: {  	_ =	shalt  }
0x43: {  	_ =	shalt  }
0x44: {  	_ =	shalt  }
0x45: {  	_ =	shalt  }
0x46: {  	_ =	shalt  }
0x47: {  	_ =	shalt  }
0x48: {  	_ =	shalt  }
0x49: {  	_ =	shalt  }
0x4a: {  	_ =	shalt  }
0x4b: {  	_ =	shalt  }
0x4c: {  	_ =	shalt  }
0x4d: {  	_ =	shalt  }
0x4e: {  	_ =	shalt  }
0x4f: {  	_ =	shalt  }
0x50: {  	_ =	shalt  }
0x51: {  	_ =	shalt  }
0x52: {  	_ =	shalt  }
0x53: {  	_ =	shalt  }
0x54: {  	_ =	shalt  }
0x55: {  	_ =	shalt  }
0x56: {  	_ =	shalt  }
0x57: {  	_ =	shalt  }
0x58: {  	_ =	shalt  }
0x59: {  	_ =	shalt  }
0x5a: {  	_ =	shalt  }
0x5b: {  	_ =	shalt  }
0x5c: {  	_ =	shalt  }
0x5d: {  	_ =	shalt  }
0x5e: {  	_ =	shalt  }
0x5f: {  	_ =	shalt  }
0x60: {  	_ =	shalt  }
0x61: {  	_ =	shalt  }
0x62: {  	_ =	shalt  }
0x63: {  	_ =	shalt  }
0x64: {  	_ =	shalt  }
0x65: {  	_ =	shalt  }
0x66: {  	_ =	shalt  }
0x67: {  	_ =	shalt  }
0x68: {  	_ =	shalt  }
0x69: {  	_ =	shalt  }
0x6a: {  	_ =	shalt  }
0x6b: {  	_ =	shalt  }
0x6c: {  	_ =	shalt  }
0x6d: {  	_ =	shalt  }
0x6e: {  	_ =	shalt  }
0x6f: {  	_ =	shalt  }
0x70: {  	_ =	shalt  }
0x71: {  	_ =	shalt  }
0x72: {  	_ =	shalt  }
0x73: {  	_ =	shalt  }
0x74: {  	_ =	shalt  }
0x75: {  	_ =	shalt  }
0x76: {  	_ =	shalt  }
0x77: {  	_ =	shalt  }
0x78: {  	_ =	shalt  }
0x79: {  	_ =	shalt  }
0x7a: {  	_ =	shalt  }
0x7b: {  	_ =	shalt  }
0x7c: {  	_ =	shalt  }
0x7d: {  	_ =	shalt  }
0x7e: {  	_ =	shalt  }
0x7f: {  	_ =	shalt  }
0x80: {  	_ =	shalt  }
0x81: {  	_ =	shalt  }
0x82: {  	_ =	shalt  }
0x83: {  	_ =	shalt  }
0x84: {  	_ =	shalt  }
0x85: {  	_ =	shalt  }
0x86: {  	_ =	shalt  }
0x87: {  	_ =	shalt  }
.Lfunc_end0:
.L_simem_size_0:
called_computation.4_lowered:
.L_overlay_start_0:
0x88: {  	s2 =	sld [smem:$0x3FD9]  }
0x89: {  	s3 =	sld [smem:$0x3FFE];
	_ =	sdelay $0x1  }
0x8a: {  	s1 =	srdreg.scid  }
0x8b: {  	s0 =	sand.u32 $0x1, s1  }
0x8c: {  	s16 =	sshll.u32 s0, $0xA;
	s2 =	sadd.s32 s3, s2  }
0x8d: {  	s2 =	sadd.s32 s2, s16  }
0x8e: {  	[smem:$0x3FBB] =	sst s2  }
0x8f: {  	_ = 	snop  }
0x90: {  	(tm) =	ssettm $0x1  }
0x91: {  	s17 =	sld [smem:$0x3FFB];
	_ =	sdelay $0x3  }
0x92: {  	_ =	strace s17  }
0x93: {  	s2 =	sld [smem:$0x3FFC];
	_ =	sdelay $0x3  }
0x94: {  	_ =	strace s2  }
0x95: {  	s2 =	sld [smem:$0x3FFD];
	_ =	sdelay $0x3  }
0x96: {  	_ =	strace s2  }
0x97: {  	_ =	strace $0x8FFFFFFF  }
0x98: {  	s18 =	sld [smem:$0x3FDB];
	_ =	sdelay $0x1  }
0x99: {  	s19 =	simm.s32 $_scs_section_size  }
0x9a: {  	s4 =	simm.s32 $_size__tile_overlayer_lowered;
	s5 =	simm.s32 $_tile_overlayer_lowered  }
0x9b: {  	s22 =	simm.s32 $0x1BFF;
	s21 =	sshll.u32 s5, $0x1;
	s2 =	sadd.s32 s19, s18  }
0x9c: {  	s6 =	simm.s32 $0x0;
	s20 =	sshll.u32 s4, $0x1;
	s4 =	sadd.s32 s21, s2  }
0x9d: {  	[timem:s6], [sflag:s22] =	dma.local [hbm:s4], s20  }
0x9e: {  	_ =	swait.ge [sflag:s22], s20  }
0x9f: {  	s3 =	ssub.s32 $0x0, s20;
	[sflag:s22] =	ssyncset.done $0x0  }
0xa0: {  	[sflag:s22] =	ssyncadd.s32 s3;
	_ =	sdelay $0x1  }
0xa1: {  	s23 =	simm.s32 $0x1B8B  }
0xa2: {  	_ =	swait.ge [sflag:s23], $0x1  }
0xa3: {  	[sflag:s23] =	ssyncset.done $0x0  }
0xa4: {  	s25 =	simm.s32 $0x1B8E;
	s24 =	sld [smem:$0x3FFE];
	[sflag:s23] =	ssyncadd.s32 $0xFFFFFFFF  }
0xa5: {  	s26 =	simm.s32 $execute0_lowered;
	[smem:$0x3FD2] =	sst s25  }
0xa6: {  	s4 =	sshll.u32 s26, $0x1;
	_ =	strace $0x80000052;
	[dreg:$0x1] =	wrdreg $0xFFFFFFFF  }
0xa7: {  	s28 =	simm.s32 $_size_execute0_lowered;
	s2 =	sadd.s32 s2, s4;
	[dreg:$0x0] =	wrdreg $0x0  }
0xa8: {  	s4 =	sshll.u32 s28, $0x1;
	[dreg:$0x2] =	wrdreg s2  }
0xa9: {  	[dreg:$0x3] =	wrdreg s4  }
0xaa: {  	[dreg:$0x4] =	wrdreg $0xC0  }
0xab: {  	_ =	task [dreg:s6], $0x5FFFF  }
0xac: {  	[dreg:$0x1] =	wrdreg $0xFFFFFFFF  }
0xad: {  	[dreg:$0x0] =	wrdreg $0x60  }
0xae: {  	[dreg:$0x2] =	wrdreg s24  }
0xaf: {  	[dreg:$0x3] =	wrdreg $0x90000  }
0xb0: {  	[dreg:$0x4] =	wrdreg $0x9  }
0xb1: {  	_ =	task.clear_ibuf [dreg:s6], $0x5FFFF;
	_ =	strace $0x90000052  }
0xb2: {  	s29 =	simm.s32 $0x9;
	_ =	strace $0x80000054  }
0xb3: {  	_ =	swait.ge [sflag:s29], $0x1  }
0xb4: {  	[sflag:s29] =	ssyncadd.s32 $0xFFFFFFFF  }
0xb5: {  	_ =	strace $0x90000054  }
0xb6: {  	_ =	sfence  }
0xb7: {  	s30 =	sld [smem:$0x0];
	_ =	sdelay $0x2  }
0xb8: {  	s31 =	sshll.u32 s1, $0xD;
	s1 =	sshrl.u32 s1, $0x2  }
0xb9: {  	s3 =	sand.u32 $0x4000, s31;
	s1 =	sadd.s32 s1, s30  }
0xba: {  	s0 =	sor.u32 s3, s0;
	s1 =	sshll.u32 s1, $0x11  }
0xbb: {  	s0 =	sor.u32 s1, s0  }
0xbc: {  	s0 =	sadd.s32 $0x8F2B, s0  }
0xbd: {  	[sflag:s0] =	ssyncadd.remote.s32 $0x1  }
0xbe: {  	_ =	sfence.sel $0xFFFF  }
0xbf: {  	[dreg:$0x0] =	wrdreg $0xFFFFFFFF;
	(pc) =	sbr.abs _section_cstart, $3  }
0xc0: {  	[dreg:$0x1] =	wrdreg $0xFFFFFFFF  }
0xc1: {  	_ =	task.clear_ibuf [dreg:s6], $0x2FFFF;
	_ =	strace $0x9FFFFFFF  }
0xc2: {  	(tm) =	ssettm $0x7FFFFFFF  }
0xc3: {  	_ =	shalt  }
tec
execute0_lowered:
.L_overlay_start_1:
0x0: {  	(tag) =	ssettag $0x1  }
0x1: {  	s0 =	rddreg [dreg:$0x0]  }
0x2: {  	s1 =	rddreg [dreg:$0x1]  }
0x3: {  	s3 =	simm.s32 $0x0;
	s2 =	srdreg.scid;
	s10 =	stileid.u32  }
0x4: {  	s18 =	simm.s32 $0x6;
	s19 =	simm.s32 $0x800;
	s28 =	simm.s32 $0x3  }
0x5: {  	s29 =	simm.s32 $0x4;
	s30 =	simm.s32 $0x2;
	s31 =	simm.s32 $0x0  }
0x6: {  	[smem:$0x7FF] =	sst s3;
	s2 =	sand.u32 $0x1, s2;
	s7 =	smul.u32 $0x2780, s10  }
0x7: {  	s4 =	sshll.u32 s10, $0x1;
	s5 =	sadd.s32 $0xF600, s0;
	s10 =	smul.u32 $0x4F000, s10  }
0x8: {  	_ =	strace $0x80000053;
	s8 =	smul.u32 $0x28000, s2;
	s6 =	sor.u32 s2, s4  }
0x9: {  	s4 =	sadd.s32 $0x19600, s0;
	s2 =	ssub.s32 $0x2, s2;
	s14 =	smul.u32 $0x2800, s6  }
0xa: {  	s6 =	sadd.s32 $0x5600, s0;
	s21 =	sshrl.u32 s2, $0x1;
	s12 =	sshrl.u32 s10, $0x2  }
0xb: {  	s7 =	sadd.s32 s7, s8;
	s2 =	ssub.s32 s2, s21;
	s9 =	sshrl.u32 s14, $0x3  }
0xc: {  	s0 =	sadd.s32 s7, s0;
	s16 =	sor.u32 $0x400, s14;
	s17 =	smax.u32 s2, $0x1  }
0xd: {  	s22 =	sadd.s32 s5, s9;
	s23 =	sadd.s32 s6, s9;
	[dreg:$0x3] =	wrdreg s16  }
0xe: {  	s11 =	sor.u32 $0x80, s9;
	s16 =	sadd.s32 $0x41600, s0;
	[dreg:$0x4] =	wrdreg s22  }
0xf: {  	[dreg:$0x5] =	wrdreg s23;
	s24 =	sadd.s32 s5, s11;
	s25 =	sadd.s32 s6, s11  }
0x10: {  	s11 =	sadd.s32 s12, s1;
	s22 =	simm.s32 $0x80;
	[dreg:$0x6] =	wrdreg s24  }
0x11: {  	s23 =	simm.s32 $0x1000;
	[dreg:$0x7] =	wrdreg s25;
	s26 =	sadd.s32 $0x4000, s11  }
0x12: {  	s13 =	sadd.s32 $0x8000, s11;
	s14 =	sadd.s32 $0xC000, s11;
	s15 =	sadd.s32 $0x10000, s11  }
0x13: {  	v0 =	vimm.f32 $0.0e+00;
	s24 =	simm.s32 $0x5000;
	s25 =	simm.s32 $0x1;
	[dreg:$0x8] =	wrdreg s26  }
.LBB2_1:
0x14: {  	s0 =	rddreg [dreg:$0x4]  }
0x15: {  	[tilespmem:s3], [sflag:$0x6] =	stream.linear.gather [hbm4b:s0+s3], $0x400, $0x38;
	[tilespmem:$0x1CC00] =	vst v63  }
0x16: {  	_ =	swait.ge [sflag:s18], $0x400  }
0x17: {  	[sflag:s18] =	ssyncset.done $0x0  }
0x18: {  	s12 =	rddreg [dreg:$0x5];
	[sflag:s18] =	ssyncadd.s32 $0xFFFFFC00  }
0x19: {  	[tilespmem:s19], [sflag:$0x6] =	stream.linear.gather [hbm4b:s12+s3], $0x400, $0x38;
	[tilespmem:$0x1CC00] =	vst v63  }
0x1a: {  	_ =	swait.ge [sflag:s18], $0x400  }
0x1b: {  	[sflag:s18] =	ssyncset.done $0x0  }
0x1c: {  	s2 =	simm.s32 $0x400;
	s20 =	rddreg [dreg:$0x6];
	[sflag:s18] =	ssyncadd.s32 $0xFFFFFC00  }
0x1d: {  	[tilespmem:s2], [sflag:$0x5] =	stream.linear.gather [hbm4b:s20+s3], $0x400, $0x38;
	[tilespmem:$0x1CC00] =	vst v63  }
0x1e: {  	s26 =	simm.s32 $0xC00;
	s21 =	rddreg [dreg:$0x7]  }
0x1f: {  	[tilespmem:s26], [sflag:$0x5] =	stream.linear.gather [hbm4b:s21+s3], $0x400, $0x38;
	[tilespmem:$0x1CC00] =	vst v63  }
0x20: {  	s0 =	simm.s32 $0x0;
	s2 =	simm.s32 $0x200  }
0x21: {  	[tilespmem:s23], [sflag:$0x1] =	stream.indirect.gather [hbm4b:s4+s22], $0x80, s3, s22, $0xb8;
	[tilespmem:$0x1CC00] =	vst v63  }
.LBB2_2:
0x22: {  	p0 =	sne.s32 s2, $0xFE00;
	[tilespmem:s0+$0x5070] =	vst v0  }
0x23: {  	[tilespmem:s0+$0x5000] =	vst v0  }
0x24: {  	[tilespmem:s0+$0x5010] =	vst v0  }
.Ltmp0:
0x25: {  	[tilespmem:s0+$0x5020] =	vst v0;
	(pc) =	sbr.rel @p0 .LBB2_2-.Ltmp0, $4  }
0x26: {  	[tilespmem:s0+$0x5030] =	vst v0  }
0x27: {  	[tilespmem:s0+$0x5040] =	vst v0  }
0x28: {  	[tilespmem:s0+$0x5050] =	vst v0  }
0x29: {  	[tilespmem:s0+$0x5060] =	vst v0;
	s0 =	sshra.s32 s2, $0x2;
	s2 =	sadd.s32 $0x200, s2  }
0x2a: {  	[tilespmem:s0+$0x5070] =	vst v0  }
0x2b: {  	[tilespmem:s0+$0x5000] =	vst v0  }
0x2c: {  	[tilespmem:s0+$0x5010] =	vst v0  }
0x2d: {  	[tilespmem:s0+$0x5020] =	vst v0  }
0x2e: {  	[tilespmem:s0+$0x5030] =	vst v0  }
0x2f: {  	[tilespmem:s0+$0x5040] =	vst v0  }
0x30: {  	[tilespmem:s0+$0x5050] =	vst v0  }
0x31: {  	[tilespmem:s0+$0x5060] =	vst v0  }
0x32: {  	[spmem:s11] =	stream.linear.scatter [tilespmem:s24], [sflag:$0x6], $0x4000, $0x38;
	[tilespmem:$0x1CC00] =	vst v63  }
0x33: {  	_ =	swait.ge [sflag:s18], $0x4000  }
0x34: {  	[sflag:s18] =	ssyncset.done $0x0  }
0x35: {  	s2 =	rddreg [dreg:$0x8];
	[sflag:s18] =	ssyncadd.s32 $0xFFFFC000  }
0x36: {  	[spmem:s2] =	stream.linear.scatter [tilespmem:s24], [sflag:$0x6], $0x4000, $0x38;
	[tilespmem:$0x1CC00] =	vst v63  }
0x37: {  	_ =	swait.ge [sflag:s18], $0x4000  }
0x38: {  	[sflag:s18] =	ssyncset.done $0x0  }
0x39: {  	[sflag:s18] =	ssyncadd.s32 $0xFFFFC000  }
0x3a: {  	[spmem:s13] =	stream.linear.scatter [tilespmem:s24], [sflag:$0x6], $0x4000, $0x38;
	[tilespmem:$0x1CC00] =	vst v63  }
0x3b: {  	_ =	swait.ge [sflag:s18], $0x4000  }
0x3c: {  	[sflag:s18] =	ssyncset.done $0x0  }
0x3d: {  	[sflag:s18] =	ssyncadd.s32 $0xFFFFC000  }
0x3e: {  	[spmem:s14] =	stream.linear.scatter [tilespmem:s24], [sflag:$0x6], $0x4000, $0x38;
	[tilespmem:$0x1CC00] =	vst v63  }
0x3f: {  	_ =	swait.ge [sflag:s18], $0x4000  }
0x40: {  	[sflag:s18] =	ssyncset.done $0x0  }
0x41: {  	[sflag:s18] =	ssyncadd.s32 $0xFFFFC000  }
0x42: {  	[spmem:s15] =	stream.linear.scatter [tilespmem:s24], [sflag:$0x6], $0x3C00, $0x38;
	[tilespmem:$0x1CC00] =	vst v63  }
0x43: {  	_ =	swait.ge [sflag:s18], $0x3C00  }
0x44: {  	[sflag:s18] =	ssyncset.done $0x0  }
0x45: {  	[sflag:s18] =	ssyncadd.s32 $0xFFFFC400  }
0x46: {  	[bflag:$0x0] =	sbarrier.arrive $0xFFFF  }
0x47: {  	[tilespmem:s24], [sflag:$0x2] =	stream.indirect.gather [hbm4b:s4+s22], $0x80, s22, s22, $0xb8;
	[tilespmem:$0x1CC00] =	vst v63  }
0x48: {  	_ =	swait.ge [sflag:s25], $0x4000  }
0x49: {  	[sflag:s25] =	ssyncset.done $0x0  }
0x4a: {  	s7 =	simm.s32 $0x2;
	[sflag:s25] =	ssyncadd.s32 $0xFFFFC000  }
0x4b: {  	[spmem:s1] =	stream.indirect.scatter.add.f32 [tilespmem:s23], [sflag:$0x3], $0x80, s19, s22, $0xb8;
	[tilespmem:$0x1CC00] =	vst v63  }
0x4c: {  	_ =	swait.ge [sflag:s7], $0x4000  }
0x4d: {  	s0 =	sand.u32 $0x6, s7;
	[sflag:s7] =	ssyncset.done $0x0  }
0x4e: {  	p0 =	sne.s32 s0, $0x0;
	s2 =	simm.s32 $0x880;
	[sflag:s7] =	ssyncadd.s32 $0xFFFFC000  }
0x4f: {  	[spmem:s1] =	stream.indirect.scatter.add.f32 [tilespmem:s24], [sflag:$0x4], $0x80, s2, s22, $0xb8;
	[tilespmem:$0x1CC00] =	vst v63  }
0x50: {  	s2 =	simm.s32 @!p0 $0x5  }
0x51: {  	_ =	swait.ge @!p0 [sflag:s2], $0x400  }
0x52: {  	[sflag:s2] =	ssyncset.done @!p0 $0x0  }
0x53: {  	[sflag:s2] =	ssyncadd.s32 @!p0 $0xFFFFFC00  }
0x54: {  	p1 =	por @!p0 $0x0, $0x0;
	_ =	swait.ge @!p0 [sflag:s2], $0x400  }
0x55: {  	s21 =	simm.s32 $0x0;
	p1 =	por p1, p0;
	s20 =	rddreg [dreg:$0x3]  }
0x56: {  	s21 =	sand.u32 $0x1, s21;
	[sflag:s2] =	ssyncset.done @!p0 $0x0;
	s20 =	sadd.s32 @!p1 $0x0, s20  }
0x57: {  	[sflag:s2] =	ssyncadd.s32 @!p0 $0xFFFFFC00;
	s2 =	sshll.u32 @!p1 s21, $0xA;
	s20 =	sshrl.u32 @!p1 s20, $0x3  }
0x58: {  	s7 =	simm.s32 @!p1 $0x0;
	s2 =	sxor.u32 @!p1 $0x400, s2;
	s26 =	sadd.s32 @!p1 s5, s20  }
0x59: {  	[tilespmem:s2], [sflag:$0x5] =	stream.linear.gather @!p1 [hbm4b:s26+s7], $0x400, $0x38;
	[tilespmem:$0x1CC00] =	vst v63  }
0x5a: {  	s20 =	sadd.s32 @!p1 s6, s20;
	s2 =	sor.u32 @!p1 $0x800, s2  }
0x5b: {  	[tilespmem:s2], [sflag:$0x5] =	stream.linear.gather @!p1 [hbm4b:s20+s7], $0x400, $0x38;
	[tilespmem:$0x1CC00] =	vst v63  }
0x5c: {  	_ =	swait.ge [sflag:s28], $0x4000  }
0x5d: {  	s0 =	sshll.u32 s0, $0x7;
	s8 =	sshll.u32 s21, $0xA;
	[sflag:s28] =	ssyncset.done $0x0  }
0x5e: {  	s9 =	sor.u32 s0, s8;
	[sflag:s28] =	ssyncadd.s32 $0xFFFFC000  }
0x5f: {  	[tilespmem:s23], [sflag:$0x1] =	stream.indirect.gather [hbm4b:s4+s22], $0x80, s9, s22, $0xb8;
	[tilespmem:$0x1CC00] =	vst v63  }
0x60: {  	_ =	swait.ge [sflag:s29], $0x4000  }
0x61: {  	[sflag:s29] =	ssyncset.done $0x0  }
0x62: {  	s0 =	sor.u32 $0x80, s9;
	[sflag:s29] =	ssyncadd.s32 $0xFFFFC000  }
0x63: {  	[tilespmem:s24], [sflag:$0x2] =	stream.indirect.gather [hbm4b:s4+s22], $0x80, s0, s22, $0xb8;
	[tilespmem:$0x1CC00] =	vst v63  }
0x64: {  	_ =	swait.ge [sflag:s25], $0x4000  }
0x65: {  	s10 =	sor.u32 $0x800, s9;
	s26 =	sor.u32 $0x880, s9;
	[sflag:s25] =	ssyncset.done $0x0  }
0x66: {  	s20 =	simm.s32 $0x6;
	s0 =	simm.s32 $0x4;
	[sflag:s25] =	ssyncadd.s32 $0xFFFFC000  }
0x67: {  	[spmem:s1] =	stream.indirect.scatter.add.f32 [tilespmem:s23], [sflag:$0x3], $0x80, s10, s22, $0xb8;
	[tilespmem:$0x1CC00] =	vst v63  }
0x68: {  	s2 =	simm.s32 $0x1;
	s12 =	sand.u32 $0x6, s0;
	_ =	swait.ge [sflag:s30], $0x4000  }
0x69: {  	p1 =	sne.s32 s12, $0x0;
	s21 =	sshll.u32 s12, $0x7;
	[sflag:s30] =	ssyncset.done $0x0  }
.LBB2_4:
0x6a: {  	s7 =	simm.s32 @!p1 $0x5;
	[sflag:s30] =	ssyncadd.s32 $0xFFFFC000  }
0x6b: {  	[spmem:s1] =	stream.indirect.scatter.add.f32 [tilespmem:s24], [sflag:$0x4], $0x80, s26, s22, $0xb8;
	[tilespmem:$0x1CC00] =	vst v63  }
0x6c: {  	_ =	swait.ge @!p1 [sflag:s7], $0x400  }
0x6d: {  	[sflag:s7] =	ssyncset.done @!p1 $0x0  }
0x6e: {  	[sflag:s7] =	ssyncadd.s32 @!p1 $0xFFFFFC00  }
0x6f: {  	_ =	swait.ge @!p1 [sflag:s7], $0x400  }
0x70: {  	s8 =	smov.u32 s20;
	p2 =	sgt.u32 @!p1 s2, $0x22;
	[sflag:s7] =	ssyncset.done @!p1 $0x0  }
0x71: {  	s26 =	sshrl.u32 s0, $0x3;
	[sflag:s7] =	ssyncadd.s32 @!p1 $0xFFFFFC00;
	p1 =	por p2, p1  }
0x72: {  	s0 =	smov.u32 s8;
	s8 =	rddreg [dreg:$0x3];
	s7 =	sshll.u32 @!p1 s26, $0xA  }
0x73: {  	s9 =	sand.u32 $0x1, s26;
	s7 =	sadd.s32 @!p1 s7, s8  }
0x74: {  	s26 =	sshll.u32 @!p1 s9, $0xA;
	s7 =	sshrl.u32 @!p1 s7, $0x3  }
0x75: {  	s12 =	simm.s32 @!p1 $0x0;
	s8 =	sxor.u32 @!p1 $0x400, s26;
	s10 =	sadd.s32 @!p1 s5, s7  }
0x76: {  	[tilespmem:s8], [sflag:$0x5] =	stream.linear.gather @!p1 [hbm4b:s10+s12], $0x400, $0x38;
	[tilespmem:$0x1CC00] =	vst v63  }
0x77: {  	s26 =	sor.u32 @!p1 $0x800, s8;
	s7 =	sadd.s32 @!p1 s6, s7  }
0x78: {  	[tilespmem:s26], [sflag:$0x5] =	stream.linear.gather @!p1 [hbm4b:s7+s12], $0x400, $0x38;
	[tilespmem:$0x1CC00] =	vst v63  }
0x79: {  	_ =	swait.ge [sflag:s28], $0x4000  }
0x7a: {  	s9 =	sshll.u32 s9, $0xA;
	[sflag:s28] =	ssyncset.done $0x0  }
0x7b: {  	s7 =	sor.u32 s21, s9;
	[sflag:s28] =	ssyncadd.s32 $0xFFFFC000  }
0x7c: {  	[tilespmem:s23], [sflag:$0x1] =	stream.indirect.gather [hbm4b:s4+s22], $0x80, s7, s22, $0xb8;
	[tilespmem:$0x1CC00] =	vst v63  }
0x7d: {  	_ =	swait.ge [sflag:s29], $0x4000  }
0x7e: {  	[sflag:s29] =	ssyncset.done $0x0  }
0x7f: {  	s20 =	sadd.s32 $0x2, s20;
	s10 =	sor.u32 $0x80, s7;
	[sflag:s29] =	ssyncadd.s32 $0xFFFFC000  }
0x80: {  	[tilespmem:s24], [sflag:$0x2] =	stream.indirect.gather [hbm4b:s4+s22], $0x80, s10, s22, $0xb8;
	[tilespmem:$0x1CC00] =	vst v63  }
0x81: {  	p0 =	sne.s32 s20, $0x50;
	_ =	swait.ge [sflag:s25], $0x4000  }
.Ltmp1:
0x82: {  	[sflag:s25] =	ssyncset.done $0x0;
	(pc) =	sbr.rel @p0 .LBB2_4-.Ltmp1, $4  }
0x83: {  	s2 =	sadd.s32 $0x1, s2;
	s12 =	sor.u32 $0x800, s7;
	[sflag:s25] =	ssyncadd.s32 $0xFFFFC000  }
0x84: {  	[spmem:s1] =	stream.indirect.scatter.add.f32 [tilespmem:s23], [sflag:$0x3], $0x80, s12, s22, $0xb8;
	[tilespmem:$0x1CC00] =	vst v63  }
0x85: {  	s21 =	sand.u32 $0x6, s0;
	s26 =	sor.u32 $0x880, s7;
	_ =	swait.ge [sflag:s30], $0x4000  }
0x86: {  	p1 =	sne.s32 s21, $0x0;
	s21 =	sshll.u32 s21, $0x7;
	[sflag:s30] =	ssyncset.done $0x0  }
0x87: {  	s7 =	simm.s32 @!p1 $0x5;
	[sflag:s30] =	ssyncadd.s32 $0xFFFFC000  }
0x88: {  	[spmem:s1] =	stream.indirect.scatter.add.f32 [tilespmem:s24], [sflag:$0x4], $0x80, s26, s22, $0xb8;
	[tilespmem:$0x1CC00] =	vst v63  }
0x89: {  	_ =	swait.ge @!p1 [sflag:s7], $0x400  }
0x8a: {  	[sflag:s7] =	ssyncset.done @!p1 $0x0  }
0x8b: {  	p0 =	sgt.u32 @!p1 s2, $0x22;
	[sflag:s7] =	ssyncadd.s32 @!p1 $0xFFFFFC00  }
0x8c: {  	s0 =	sshrl.u32 s0, $0x3;
	p0 =	por p0, p1;
	_ =	swait.ge @!p1 [sflag:s7], $0x400  }
0x8d: {  	s8 =	sshll.u32 @!p0 s0, $0xA;
	s2 =	rddreg [dreg:$0x3]  }
0x8e: {  	s0 =	sand.u32 $0x1, s0;
	[sflag:s7] =	ssyncset.done @!p1 $0x0;
	s2 =	sadd.s32 @!p0 s8, s2  }
0x8f: {  	[sflag:s7] =	ssyncadd.s32 @!p1 $0xFFFFFC00;
	s7 =	sshll.u32 @!p0 s0, $0xA;
	s2 =	sshrl.u32 @!p0 s2, $0x3  }
0x90: {  	s9 =	simm.s32 @!p0 $0x0;
	s7 =	sxor.u32 @!p0 $0x400, s7;
	s8 =	sadd.s32 @!p0 s5, s2  }
0x91: {  	[tilespmem:s7], [sflag:$0x5] =	stream.linear.gather @!p0 [hbm4b:s8+s9], $0x400, $0x38;
	[tilespmem:$0x1CC00] =	vst v63  }
0x92: {  	s2 =	sadd.s32 @!p0 s6, s2;
	s7 =	sor.u32 @!p0 $0x800, s7  }
0x93: {  	[tilespmem:s7], [sflag:$0x5] =	stream.linear.gather @!p0 [hbm4b:s2+s9], $0x400, $0x38;
	[tilespmem:$0x1CC00] =	vst v63  }
0x94: {  	_ =	swait.ge [sflag:s28], $0x4000  }
0x95: {  	s0 =	sshll.u32 s0, $0xA;
	[sflag:s28] =	ssyncset.done $0x0  }
0x96: {  	s0 =	sor.u32 s21, s0;
	[sflag:s28] =	ssyncadd.s32 $0xFFFFC000  }
0x97: {  	[tilespmem:s23], [sflag:$0x1] =	stream.indirect.gather [hbm4b:s4+s22], $0x80, s0, s22, $0xb8;
	[tilespmem:$0x1CC00] =	vst v63  }
0x98: {  	_ =	swait.ge [sflag:s29], $0x4000  }
0x99: {  	[sflag:s29] =	ssyncset.done $0x0  }
0x9a: {  	s12 =	sor.u32 $0x80, s0;
	[sflag:s29] =	ssyncadd.s32 $0xFFFFC000  }
0x9b: {  	[tilespmem:s24], [sflag:$0x2] =	stream.indirect.gather [hbm4b:s4+s22], $0x80, s12, s22, $0xb8;
	[tilespmem:$0x1CC00] =	vst v63  }
0x9c: {  	_ =	swait.ge [sflag:s25], $0x4000  }
0x9d: {  	[sflag:s25] =	ssyncset.done $0x0  }
0x9e: {  	s20 =	sor.u32 $0x800, s0;
	[sflag:s25] =	ssyncadd.s32 $0xFFFFC000  }
0x9f: {  	[spmem:s1] =	stream.indirect.scatter.add.f32 [tilespmem:s23], [sflag:$0x3], $0x80, s20, s22, $0xb8;
	[tilespmem:$0x1CC00] =	vst v63  }
0xa0: {  	_ =	swait.ge [sflag:s30], $0x4000  }
0xa1: {  	[sflag:s30] =	ssyncset.done $0x0  }
0xa2: {  	s0 =	sor.u32 $0x880, s0;
	[sflag:s30] =	ssyncadd.s32 $0xFFFFC000  }
0xa3: {  	[spmem:s1] =	stream.indirect.scatter.add.f32 [tilespmem:s24], [sflag:$0x4], $0x80, s0, s22, $0xb8;
	[tilespmem:$0x1CC00] =	vst v63  }
0xa4: {  	_ =	swait.ge [sflag:s28], $0x4000  }
0xa5: {  	[sflag:s28] =	ssyncset.done $0x0  }
0xa6: {  	[sflag:s28] =	ssyncadd.s32 $0xFFFFC000  }
0xa7: {  	s31 =	sadd.s32 $0x1, s31;
	_ =	swait.ge [sflag:s29], $0x4000  }
0xa8: {  	s26 =	sshrl.u32 s11, $0x3;
	s21 =	stileid.u32;
	[sflag:s29] =	ssyncset.done $0x0  }
0xa9: {  	p0 =	sne.s32 s31, s17;
	s0 =	sshll.u32 s21, $0x6;
	[sflag:s29] =	ssyncadd.s32 $0xFFFFC000  }
.Ltmp2:
0xaa: {  	s0 =	sor.u32 $0x1C06, s0;
	[bflag:$0x0] =	sbarrier.arrive $0xFFFF;
	(pc) =	sbr.rel @p0 .LBB2_1-.Ltmp2, $4  }
0xab: {  	[hbm:s16], [sflag:s0] =	dma.local [spmem:s26], $0x2780  }
0xac: {  	_ =	swait.ge [sflag:s18], $0x2780  }
0xad: {  	[sflag:s18] =	ssyncset.done $0x0  }
0xae: {  	[sflag:s18] =	ssyncadd.s32 $0xFFFFD880  }
0xaf: {  	_ =	sfence.sel $0x180000  }
0xb0: {  	[bflag:$0x0] =	sbarrier.arrive $0xFFFF  }
0xb1: {  	_ =	strace $0x90000053  }
0xb2: {  	s0 =	stileid.u32;
	[bflag:$0x2] =	sbarrier.arrive $0xFFFF  }
0xb3: {  	p0 =	sne.s32 s0, $0x0;
	s0 =	rddreg [dreg:$0x2]  }
0xb4: {  	s0 =	sadd.s32 @!p0 $0x100000, s0  }
0xb5: {  	[sflag:s0] =	ssyncadd.tile.s32 @!p0 $0x1;
	_ =	shalt  }
.Lfunc_end2:
_tile_overlayer_lowered:
.L_overlay_start_2:
0xb6: {  	(tag) =	ssettag $0x2  }
0xb7: {  	s0 =	rddreg [dreg:$0x0];
	s2 =	stileid.u32  }
0xb8: {  	s1 =	rddreg [dreg:$0x1];
	p0 =	sne.s32 s2, $0x0  }
0xb9: {  	s3 =	rddreg [dreg:$0x2];
	[bflag:$0x3] =	sbarrier.arrive $0xFFFF;
	s2 =	simm.s32 @!p0 $0x1C06  }
0xba: {  	[timem:s3], [sflag:s2] =	dma.local @!p0 [hbm:s0], s1  }
0xbb: {  	s0 =	simm.s32 @!p0 $0x6  }
0xbc: {  	_ =	swait.ge @!p0 [sflag:s0], s1  }
0xbd: {  	s1 =	ssub.s32 @!p0 $0x0, s1;
	[sflag:s0] =	ssyncset.done @!p0 $0x0  }
0xbe: {  	[sflag:s0] =	ssyncadd.s32 @!p0 s1  }
0xbf: {  	[bflag:$0x3] =	sbarrier.arrive $0xFFFF  }
0xc0: {  	_ =	shalt  }

</sc_bundles>
